<compile_context>
chip_gen: v7x
topology: tpu7x:2x2x1
jax: 0.10.2.dev20260603
libtpu: 0.0.44.dev20260713+nightly
codegen_flags: <defaults>
</compile_context>

<pallas_src>
import functools

import jax
import jax.numpy as jnp
from jax import lax
from jax.experimental import pallas as pl
from jax.experimental.pallas import tpu as pltpu
from jax.experimental.pallas import tpu_sc as plsc

_NUM_IMG = 100000
_OUT_CH = 64
_BATCH = 1024

_NC = 2
_NS = 16
_NW = _NC * _NS
_BLOC = _BATCH // _NW
_LANES = 16
_TILE = 128
_RND = 4
_NROUNDS = _BLOC // _RND
_NBANK = 3
_NBUF = _NBANK * _RND

_mesh = plsc.VectorSubcoreMesh(core_axis_name="c", subcore_axis_name="s")


@functools.partial(
    pl.kernel,
    mesh=_mesh,
    out_type=jax.ShapeDtypeStruct((_BATCH, _OUT_CH), jnp.float32),
    compiler_params=pltpu.CompilerParams(needs_layout_passes=False),
    scratch_types=[
        pltpu.VMEM((_BLOC + _LANES,), jnp.int32),
        pltpu.VMEM((_OUT_CH,), jnp.int32),
        pltpu.VMEM((_NBUF, _OUT_CH, _TILE), jnp.float32),
        pltpu.VMEM((_BLOC, _OUT_CH), jnp.float32),
        pltpu.SemaphoreType.DMA,
        pltpu.SemaphoreType.DMA,
    ],
)
def _gather_kernel(x_hbm, w_hbm, out_hbm, x_v, ch_v, blk_v, rows_v, sem, wsem):
    wid = lax.axis_index("s") * _NC + lax.axis_index("c")
    base = wid * _BLOC
    pltpu.sync_copy(x_hbm.at[pl.ds(base, _BLOC)], x_v.at[pl.ds(0, _BLOC)])

    lane = lax.iota(jnp.int32, _LANES)
    for cb in range(_OUT_CH // _LANES):
        ch_v[pl.ds(cb * _LANES, _LANES)] = lane + cb * _LANES

    def _fire(xs, slot):
        col = xs & (_TILE - 1)
        start = pl.multiple_of(xs - col, _TILE)
        pltpu.async_copy(
            w_hbm.at[ch_v, pl.ds(start, _TILE)], blk_v.at[slot], sem
        )

    def _wait(slot):
        pltpu.make_async_copy(
            w_hbm.at[pl.ds(0, _OUT_CH), pl.ds(0, _TILE)], blk_v.at[slot], sem
        ).wait()

    def _extract(b, slot, xs):
        colvec = lane * 0 + (xs & (_TILE - 1))
        for cb in range(_OUT_CH // _LANES):
            vals = plsc.load_gather(
                blk_v.at[slot], [lane + cb * _LANES, colvec]
            )
            rows_v[b, pl.ds(cb * _LANES, _LANES)] = vals

    xv0 = x_v[pl.ds(0, _LANES)]
    for j in range(_RND):
        _fire(xv0[j], j)
    for j in range(_RND):
        _fire(xv0[_RND + j], _RND + j)

    def _body(r, carry):
        b0 = r * _RND
        slot0 = lax.rem(r, _NBANK) * _RND
        nslot0 = lax.rem(r + 2, _NBANK) * _RND
        xv = x_v[pl.ds(b0, _LANES)]

        for j in range(_RND):
            _wait(slot0 + j)

        @pl.when(r < _NROUNDS - 2)
        def _refill():
            for j in range(_RND):
                _fire(xv[2 * _RND + j], nslot0 + j)

        for j in range(_RND):
            _extract(b0 + j, slot0 + j, xv[j])

        @pl.when(lax.rem(r, 2) == 1)
        def _flush():
            w0 = b0 - _RND
            pltpu.async_copy(
                rows_v.at[pl.ds(w0, 2 * _RND)],
                out_hbm.at[pl.ds(pl.multiple_of(base + w0, 8), 2 * _RND)],
                wsem,
            )
        return carry

    lax.fori_loop(0, _NROUNDS, _body, 0)

    for _ in range(_NROUNDS // 2):
        pltpu.make_async_copy(
            rows_v.at[pl.ds(0, 2 * _RND)],
            out_hbm.at[pl.ds(base, 2 * _RND)],
            wsem,
        ).wait()


def kernel(x, W):
    xi = x.astype(jnp.int32)
    y = _gather_kernel(xi, W)
    return y[:, :, None, None]

# --- scband reference (transcript-rebuilt; emitter-appended) ---
"""Pipeline reference for scband-id-encoder-model-51908974739670 (READ-ONLY COPY).

The authoritative reference and input builder live on the scoring server;
editing this copy changes nothing except your own understanding.
"""

import jax, jax.numpy as jnp
import numpy as np

NUM_IMG = 100000
OUT_CH = 64
BATCH = 1024

def setup_inputs(seed: int = 0) -> dict:
    key = jax.random.key(seed)
    k1, k2 = jax.random.split(key)
    x = jax.random.randint(k1, (BATCH,), 0, NUM_IMG, dtype=jnp.int64 if jax.config.jax_enable_x64 else jnp.int32)
    # nn.Linear(num_img, out_ch, bias=False) weight: [out_ch, num_img]
    W = jax.random.normal(k2, (OUT_CH, NUM_IMG), dtype=jnp.float32) * (1.0 / np.sqrt(NUM_IMG))
    return {"x": x, "W": W}

def reference(x, W):
    # x = x.to(torch.long); one_hot; to float
    idx = x.astype(jnp.int32)
    onehot = jax.nn.one_hot(idx, NUM_IMG, dtype=jnp.float32)
    # nn.Linear without bias: y = onehot @ W.T
    y = onehot @ W.T
    # unsqueeze(-1).unsqueeze(-1)
    y = y[..., None, None]
    return y

if __name__ == "__main__":
    import jax
    _d = setup_inputs()
    print(jax.jit(kernel)(*tuple(_d.values())))

</pallas_src>

<mosaic_0001>
#map = affine_map<(d0, d1) -> (0)>
#map1 = affine_map<(d0, d1) -> (0, 0)>
module attributes {stable_mosaic.version = 14 : i64} {
  func.func @_gather_kernel(%arg0: i32, %arg1: i32, %arg2: memref<1024xi32, #tpu.memory_space<hbm>>, %arg3: memref<64x100000xf32, #tpu.memory_space<hbm>>, %arg4: memref<1024x64xf32, #tpu.memory_space<hbm>>, %arg5: memref<48xi32, #tpu.memory_space<vmem>>, %arg6: memref<64xi32, #tpu.memory_space<vmem>>, %arg7: memref<12x64x128xf32, #tpu.memory_space<vmem>>, %arg8: memref<32x64xf32, #tpu.memory_space<vmem>>, %arg9: memref<!tpu.dma_semaphore, #tpu.memory_space<semaphore_mem>>, %arg10: memref<!tpu.dma_semaphore, #tpu.memory_space<semaphore_mem>>) attributes {dimension_semantics = [#tpu.dimension_semantics<core_parallel>, #tpu.dimension_semantics<subcore_parallel>], iteration_bounds = array<i64: 2, 16>, scalar_prefetch = 0 : i64, scratch_operands = 6 : i64, tpu.core_type = #tpu.core_type<sc_vector_subcore>, window_params = [{transform_indices = #map}, {transform_indices = #map1}, {transform_indices = #map1}]} {
    %mul3A = arith.constant 2 : i32
    %mul3A_0 = arith.muli %arg1, %mul3A : i32
    %add3A = arith.addi %mul3A_0, %arg0 : i32
    %mul3A_1 = arith.constant 32 : i32
    %mul3A_2 = arith.muli %add3A, %mul3A_1 : i32
    "tpu.region"() ({
      %run_scoped3A = tpu.sem_alloc : memref<!tpu.dma_semaphore, #tpu.memory_space<semaphore_mem>>
      %dma_start3A_165 = arith.constant 0 : i32
      %dma_start3A_166 = tpu.memref_slice %arg5[%dma_start3A_165] : memref<48xi32, #tpu.memory_space<vmem>> -> memref<32xi32, #tpu.memory_space<vmem>>
      %dma_start3A_167 = tpu.memref_slice %arg2[%mul3A_2] : memref<1024xi32, #tpu.memory_space<hbm>> -> memref<32xi32, #tpu.memory_space<hbm>>
      %dma_start3A_168 = arith.constant 0 : i32
      %dma_start3A_169 = tpu.memref_slice %arg5[%dma_start3A_168] : memref<48xi32, #tpu.memory_space<vmem>> -> memref<32xi32, #tpu.memory_space<vmem>>
      %dma_start3A_170 = tpu.memref_slice %arg2[%mul3A_2] : memref<1024xi32, #tpu.memory_space<hbm>> -> memref<32xi32, #tpu.memory_space<hbm>>
      tpu.enqueue_dma source(%dma_start3A_170 : memref<32xi32, #tpu.memory_space<hbm>>) target(%dma_start3A_169 : memref<32xi32, #tpu.memory_space<vmem>>) target_semaphore(%run_scoped3A : memref<!tpu.dma_semaphore, #tpu.memory_space<semaphore_mem>>)
      %dma_wait3A_171 = arith.constant 0 : i32
      %dma_wait3A_172 = tpu.memref_slice %arg5[%dma_wait3A_171] : memref<48xi32, #tpu.memory_space<vmem>> -> memref<32xi32, #tpu.memory_space<vmem>>
      %dma_wait3A_173 = tpu.memref_slice %arg2[%mul3A_2] : memref<1024xi32, #tpu.memory_space<hbm>> -> memref<32xi32, #tpu.memory_space<hbm>>
      %dma_wait3A_174 = arith.constant 0 : i32
      %dma_wait3A_175 = tpu.memref_slice %arg5[%dma_wait3A_174] : memref<48xi32, #tpu.memory_space<vmem>> -> memref<32xi32, #tpu.memory_space<vmem>>
      %dma_wait3A_176 = tpu.memref_slice %arg2[%mul3A_2] : memref<1024xi32, #tpu.memory_space<hbm>> -> memref<32xi32, #tpu.memory_space<hbm>>
      tpu.wait_dma2 semaphore(%run_scoped3A : memref<!tpu.dma_semaphore, #tpu.memory_space<semaphore_mem>>) src(%dma_wait3A_176 : memref<32xi32, #tpu.memory_space<hbm>>) dst(%dma_wait3A_175 : memref<32xi32, #tpu.memory_space<vmem>>)
      tpu.yield
    }) : () -> ()
    %iota3A = tpu.iota {dimensions = array<i32: 0>} : vector<16xi32>
    %add3A_3 = arith.constant 0 : i32
    %add3A_4 = vector.broadcast %add3A_3 : i32 to vector<16xi32>
    %add3A_5 = arith.addi %iota3A, %add3A_4 : vector<16xi32>
    %swap3A = arith.constant 0 : index
    %swap3A_6 = tpu.vector_load %arg6[%swap3A] {strides = array<i32>} : memref<64xi32, #tpu.memory_space<vmem>>, vector<16xi32>,
    tpu.vector_store %arg6[%swap3A], %add3A_5 {strides = array<i32>} : memref<64xi32, #tpu.memory_space<vmem>>, vector<16xi32>,
    %add3A_7 = arith.constant 16 : i32
    %add3A_8 = vector.broadcast %add3A_7 : i32 to vector<16xi32>
    %add3A_9 = arith.addi %iota3A, %add3A_8 : vector<16xi32>
    %swap3A_10 = arith.constant 16 : index
    %swap3A_11 = tpu.vector_load %arg6[%swap3A_10] {strides = array<i32>} : memref<64xi32, #tpu.memory_space<vmem>>, vector<16xi32>,
    tpu.vector_store %arg6[%swap3A_10], %add3A_9 {strides = array<i32>} : memref<64xi32, #tpu.memory_space<vmem>>, vector<16xi32>,
    %add3A_12 = arith.constant 32 : i32
    %add3A_13 = vector.broadcast %add3A_12 : i32 to vector<16xi32>
    %add3A_14 = arith.addi %iota3A, %add3A_13 : vector<16xi32>
    %swap3A_15 = arith.constant 32 : index
    %swap3A_16 = tpu.vector_load %arg6[%swap3A_15] {strides = array<i32>} : memref<64xi32, #tpu.memory_space<vmem>>, vector<16xi32>,
    tpu.vector_store %arg6[%swap3A_15], %add3A_14 {strides = array<i32>} : memref<64xi32, #tpu.memory_space<vmem>>, vector<16xi32>,
    %add3A_17 = arith.constant 48 : i32
    %add3A_18 = vector.broadcast %add3A_17 : i32 to vector<16xi32>
    %add3A_19 = arith.addi %iota3A, %add3A_18 : vector<16xi32>
    %swap3A_20 = arith.constant 48 : index
    %swap3A_21 = tpu.vector_load %arg6[%swap3A_20] {strides = array<i32>} : memref<64xi32, #tpu.memory_space<vmem>>, vector<16xi32>,
    tpu.vector_store %arg6[%swap3A_20], %add3A_19 {strides = array<i32>} : memref<64xi32, #tpu.memory_space<vmem>>, vector<16xi32>,
    %get3A = arith.constant 0 : index
    %get3A_22 = tpu.vector_load %arg5[%get3A] {strides = array<i32>} : memref<48xi32, #tpu.memory_space<vmem>>, vector<16xi32>,
    %slice3A = vector.extract_strided_slice %get3A_22 {offsets = [0], sizes = [1], strides = [1]} : vector<16xi32> to vector<1xi32>
    %squeeze3A = vector.extract %slice3A[0] : i32 from vector<1xi32>
    %and3A = arith.constant 127 : i32
    %and3A_23 = arith.andi %squeeze3A, %and3A : i32
    %sub3A = arith.subi %squeeze3A, %and3A_23 : i32
    %multiple_of3A = tpu.assume_multiple %sub3A, 128 : i32
    %dma_start3A = arith.constant 0 : i32
    %dma_start3A_24 = arith.constant 0 : i32
    %dma_start3A_25 = arith.constant 0 : i32
    %dma_start3A_26 = tpu.memref_slice %arg7[%dma_start3A, %dma_start3A_24, %dma_start3A_25] : memref<12x64x128xf32, #tpu.memory_space<vmem>> -> memref<1x64x128xf32, #tpu.memory_space<vmem>>
    %dma_start3A_27 = tpu.memref_squeeze %dma_start3A_26 : memref<1x64x128xf32, #tpu.memory_space<vmem>> -> memref<64x128xf32, #tpu.memory_space<vmem>>
    %dma_start3A_28 = arith.constant 0 : i32
    %dma_start3A_29 = tpu.memref_slice %arg3[%dma_start3A_28, %multiple_of3A] : memref<64x100000xf32, #tpu.memory_space<hbm>> -> memref<64x128xf32, #tpu.memory_space<hbm>>
    tpu.enqueue_indirect_dma source(%dma_start3A_29 : memref<64x128xf32, #tpu.memory_space<hbm>>) target(%dma_start3A_27 : memref<64x128xf32, #tpu.memory_space<vmem>>) offsets(%arg6 : memref<64xi32, #tpu.memory_space<vmem>>) semaphore(%arg9 : memref<!tpu.dma_semaphore, #tpu.memory_space<semaphore_mem>>)
    %slice3A_30 = vector.extract_strided_slice %get3A_22 {offsets = [1], sizes = [1], strides = [1]} : vector<16xi32> to vector<1xi32>
    %squeeze3A_31 = vector.extract %slice3A_30[0] : i32 from vector<1xi32>
    %and3A_32 = arith.constant 127 : i32
    %and3A_33 = arith.andi %squeeze3A_31, %and3A_32 : i32
    %sub3A_34 = arith.subi %squeeze3A_31, %and3A_33 : i32
    %multiple_of3A_35 = tpu.assume_multiple %sub3A_34, 128 : i32
    %dma_start3A_36 = arith.constant 1 : i32
    %dma_start3A_37 = arith.constant 0 : i32
    %dma_start3A_38 = arith.constant 0 : i32
    %dma_start3A_39 = tpu.memref_slice %arg7[%dma_start3A_36, %dma_start3A_37, %dma_start3A_38] : memref<12x64x128xf32, #tpu.memory_space<vmem>> -> memref<1x64x128xf32, #tpu.memory_space<vmem>>
    %dma_start3A_40 = tpu.memref_squeeze %dma_start3A_39 : memref<1x64x128xf32, #tpu.memory_space<vmem>> -> memref<64x128xf32, #tpu.memory_space<vmem>>
    %dma_start3A_41 = arith.constant 0 : i32
    %dma_start3A_42 = tpu.memref_slice %arg3[%dma_start3A_41, %multiple_of3A_35] : memref<64x100000xf32, #tpu.memory_space<hbm>> -> memref<64x128xf32, #tpu.memory_space<hbm>>
    tpu.enqueue_indirect_dma source(%dma_start3A_42 : memref<64x128xf32, #tpu.memory_space<hbm>>) target(%dma_start3A_40 : memref<64x128xf32, #tpu.memory_space<vmem>>) offsets(%arg6 : memref<64xi32, #tpu.memory_space<vmem>>) semaphore(%arg9 : memref<!tpu.dma_semaphore, #tpu.memory_space<semaphore_mem>>)
    %slice3A_43 = vector.extract_strided_slice %get3A_22 {offsets = [2], sizes = [1], strides = [1]} : vector<16xi32> to vector<1xi32>
    %squeeze3A_44 = vector.extract %slice3A_43[0] : i32 from vector<1xi32>
    %and3A_45 = arith.constant 127 : i32
    %and3A_46 = arith.andi %squeeze3A_44, %and3A_45 : i32
    %sub3A_47 = arith.subi %squeeze3A_44, %and3A_46 : i32
    %multiple_of3A_48 = tpu.assume_multiple %sub3A_47, 128 : i32
    %dma_start3A_49 = arith.constant 2 : i32
    %dma_start3A_50 = arith.constant 0 : i32
    %dma_start3A_51 = arith.constant 0 : i32
    %dma_start3A_52 = tpu.memref_slice %arg7[%dma_start3A_49, %dma_start3A_50, %dma_start3A_51] : memref<12x64x128xf32, #tpu.memory_space<vmem>> -> memref<1x64x128xf32, #tpu.memory_space<vmem>>
    %dma_start3A_53 = tpu.memref_squeeze %dma_start3A_52 : memref<1x64x128xf32, #tpu.memory_space<vmem>> -> memref<64x128xf32, #tpu.memory_space<vmem>>
    %dma_start3A_54 = arith.constant 0 : i32
    %dma_start3A_55 = tpu.memref_slice %arg3[%dma_start3A_54, %multiple_of3A_48] : memref<64x100000xf32, #tpu.memory_space<hbm>> -> memref<64x128xf32, #tpu.memory_space<hbm>>
    tpu.enqueue_indirect_dma source(%dma_start3A_55 : memref<64x128xf32, #tpu.memory_space<hbm>>) target(%dma_start3A_53 : memref<64x128xf32, #tpu.memory_space<vmem>>) offsets(%arg6 : memref<64xi32, #tpu.memory_space<vmem>>) semaphore(%arg9 : memref<!tpu.dma_semaphore, #tpu.memory_space<semaphore_mem>>)
    %slice3A_56 = vector.extract_strided_slice %get3A_22 {offsets = [3], sizes = [1], strides = [1]} : vector<16xi32> to vector<1xi32>
    %squeeze3A_57 = vector.extract %slice3A_56[0] : i32 from vector<1xi32>
    %and3A_58 = arith.constant 127 : i32
    %and3A_59 = arith.andi %squeeze3A_57, %and3A_58 : i32
    %sub3A_60 = arith.subi %squeeze3A_57, %and3A_59 : i32
    %multiple_of3A_61 = tpu.assume_multiple %sub3A_60, 128 : i32
    %dma_start3A_62 = arith.constant 3 : i32
    %dma_start3A_63 = arith.constant 0 : i32
    %dma_start3A_64 = arith.constant 0 : i32
    %dma_start3A_65 = tpu.memref_slice %arg7[%dma_start3A_62, %dma_start3A_63, %dma_start3A_64] : memref<12x64x128xf32, #tpu.memory_space<vmem>> -> memref<1x64x128xf32, #tpu.memory_space<vmem>>
    %dma_start3A_66 = tpu.memref_squeeze %dma_start3A_65 : memref<1x64x128xf32, #tpu.memory_space<vmem>> -> memref<64x128xf32, #tpu.memory_space<vmem>>
    %dma_start3A_67 = arith.constant 0 : i32
    %dma_start3A_68 = tpu.memref_slice %arg3[%dma_start3A_67, %multiple_of3A_61] : memref<64x100000xf32, #tpu.memory_space<hbm>> -> memref<64x128xf32, #tpu.memory_space<hbm>>
    tpu.enqueue_indirect_dma source(%dma_start3A_68 : memref<64x128xf32, #tpu.memory_space<hbm>>) target(%dma_start3A_66 : memref<64x128xf32, #tpu.memory_space<vmem>>) offsets(%arg6 : memref<64xi32, #tpu.memory_space<vmem>>) semaphore(%arg9 : memref<!tpu.dma_semaphore, #tpu.memory_space<semaphore_mem>>)
    %slice3A_69 = vector.extract_strided_slice %get3A_22 {offsets = [4], sizes = [1], strides = [1]} : vector<16xi32> to vector<1xi32>
    %squeeze3A_70 = vector.extract %slice3A_69[0] : i32 from vector<1xi32>
    %and3A_71 = arith.constant 127 : i32
    %and3A_72 = arith.andi %squeeze3A_70, %and3A_71 : i32
    %sub3A_73 = arith.subi %squeeze3A_70, %and3A_72 : i32
    %multiple_of3A_74 = tpu.assume_multiple %sub3A_73, 128 : i32
    %dma_start3A_75 = arith.constant 4 : i32
    %dma_start3A_76 = arith.constant 0 : i32
    %dma_start3A_77 = arith.constant 0 : i32
    %dma_start3A_78 = tpu.memref_slice %arg7[%dma_start3A_75, %dma_start3A_76, %dma_start3A_77] : memref<12x64x128xf32, #tpu.memory_space<vmem>> -> memref<1x64x128xf32, #tpu.memory_space<vmem>>
    %dma_start3A_79 = tpu.memref_squeeze %dma_start3A_78 : memref<1x64x128xf32, #tpu.memory_space<vmem>> -> memref<64x128xf32, #tpu.memory_space<vmem>>
    %dma_start3A_80 = arith.constant 0 : i32
    %dma_start3A_81 = tpu.memref_slice %arg3[%dma_start3A_80, %multiple_of3A_74] : memref<64x100000xf32, #tpu.memory_space<hbm>> -> memref<64x128xf32, #tpu.memory_space<hbm>>
    tpu.enqueue_indirect_dma source(%dma_start3A_81 : memref<64x128xf32, #tpu.memory_space<hbm>>) target(%dma_start3A_79 : memref<64x128xf32, #tpu.memory_space<vmem>>) offsets(%arg6 : memref<64xi32, #tpu.memory_space<vmem>>) semaphore(%arg9 : memref<!tpu.dma_semaphore, #tpu.memory_space<semaphore_mem>>)
    %slice3A_82 = vector.extract_strided_slice %get3A_22 {offsets = [5], sizes = [1], strides = [1]} : vector<16xi32> to vector<1xi32>
    %squeeze3A_83 = vector.extract %slice3A_82[0] : i32 from vector<1xi32>
    %and3A_84 = arith.constant 127 : i32
    %and3A_85 = arith.andi %squeeze3A_83, %and3A_84 : i32
    %sub3A_86 = arith.subi %squeeze3A_83, %and3A_85 : i32
    %multiple_of3A_87 = tpu.assume_multiple %sub3A_86, 128 : i32
    %dma_start3A_88 = arith.constant 5 : i32
    %dma_start3A_89 = arith.constant 0 : i32
    %dma_start3A_90 = arith.constant 0 : i32
    %dma_start3A_91 = tpu.memref_slice %arg7[%dma_start3A_88, %dma_start3A_89, %dma_start3A_90] : memref<12x64x128xf32, #tpu.memory_space<vmem>> -> memref<1x64x128xf32, #tpu.memory_space<vmem>>
    %dma_start3A_92 = tpu.memref_squeeze %dma_start3A_91 : memref<1x64x128xf32, #tpu.memory_space<vmem>> -> memref<64x128xf32, #tpu.memory_space<vmem>>
    %dma_start3A_93 = arith.constant 0 : i32
    %dma_start3A_94 = tpu.memref_slice %arg3[%dma_start3A_93, %multiple_of3A_87] : memref<64x100000xf32, #tpu.memory_space<hbm>> -> memref<64x128xf32, #tpu.memory_space<hbm>>
    tpu.enqueue_indirect_dma source(%dma_start3A_94 : memref<64x128xf32, #tpu.memory_space<hbm>>) target(%dma_start3A_92 : memref<64x128xf32, #tpu.memory_space<vmem>>) offsets(%arg6 : memref<64xi32, #tpu.memory_space<vmem>>) semaphore(%arg9 : memref<!tpu.dma_semaphore, #tpu.memory_space<semaphore_mem>>)
    %slice3A_95 = vector.extract_strided_slice %get3A_22 {offsets = [6], sizes = [1], strides = [1]} : vector<16xi32> to vector<1xi32>
    %squeeze3A_96 = vector.extract %slice3A_95[0] : i32 from vector<1xi32>
    %and3A_97 = arith.constant 127 : i32
    %and3A_98 = arith.andi %squeeze3A_96, %and3A_97 : i32
    %sub3A_99 = arith.subi %squeeze3A_96, %and3A_98 : i32
    %multiple_of3A_100 = tpu.assume_multiple %sub3A_99, 128 : i32
    %dma_start3A_101 = arith.constant 6 : i32
    %dma_start3A_102 = arith.constant 0 : i32
    %dma_start3A_103 = arith.constant 0 : i32
    %dma_start3A_104 = tpu.memref_slice %arg7[%dma_start3A_101, %dma_start3A_102, %dma_start3A_103] : memref<12x64x128xf32, #tpu.memory_space<vmem>> -> memref<1x64x128xf32, #tpu.memory_space<vmem>>
    %dma_start3A_105 = tpu.memref_squeeze %dma_start3A_104 : memref<1x64x128xf32, #tpu.memory_space<vmem>> -> memref<64x128xf32, #tpu.memory_space<vmem>>
    %dma_start3A_106 = arith.constant 0 : i32
    %dma_start3A_107 = tpu.memref_slice %arg3[%dma_start3A_106, %multiple_of3A_100] : memref<64x100000xf32, #tpu.memory_space<hbm>> -> memref<64x128xf32, #tpu.memory_space<hbm>>
    tpu.enqueue_indirect_dma source(%dma_start3A_107 : memref<64x128xf32, #tpu.memory_space<hbm>>) target(%dma_start3A_105 : memref<64x128xf32, #tpu.memory_space<vmem>>) offsets(%arg6 : memref<64xi32, #tpu.memory_space<vmem>>) semaphore(%arg9 : memref<!tpu.dma_semaphore, #tpu.memory_space<semaphore_mem>>)
    %slice3A_108 = vector.extract_strided_slice %get3A_22 {offsets = [7], sizes = [1], strides = [1]} : vector<16xi32> to vector<1xi32>
    %squeeze3A_109 = vector.extract %slice3A_108[0] : i32 from vector<1xi32>
    %and3A_110 = arith.constant 127 : i32
    %and3A_111 = arith.andi %squeeze3A_109, %and3A_110 : i32
    %sub3A_112 = arith.subi %squeeze3A_109, %and3A_111 : i32
    %multiple_of3A_113 = tpu.assume_multiple %sub3A_112, 128 : i32
    %dma_start3A_114 = arith.constant 7 : i32
    %dma_start3A_115 = arith.constant 0 : i32
    %dma_start3A_116 = arith.constant 0 : i32
    %dma_start3A_117 = tpu.memref_slice %arg7[%dma_start3A_114, %dma_start3A_115, %dma_start3A_116] : memref<12x64x128xf32, #tpu.memory_space<vmem>> -> memref<1x64x128xf32, #tpu.memory_space<vmem>>
    %dma_start3A_118 = tpu.memref_squeeze %dma_start3A_117 : memref<1x64x128xf32, #tpu.memory_space<vmem>> -> memref<64x128xf32, #tpu.memory_space<vmem>>
    %dma_start3A_119 = arith.constant 0 : i32
    %dma_start3A_120 = tpu.memref_slice %arg3[%dma_start3A_119, %multiple_of3A_113] : memref<64x100000xf32, #tpu.memory_space<hbm>> -> memref<64x128xf32, #tpu.memory_space<hbm>>
    tpu.enqueue_indirect_dma source(%dma_start3A_120 : memref<64x128xf32, #tpu.memory_space<hbm>>) target(%dma_start3A_118 : memref<64x128xf32, #tpu.memory_space<vmem>>) offsets(%arg6 : memref<64xi32, #tpu.memory_space<vmem>>) semaphore(%arg9 : memref<!tpu.dma_semaphore, #tpu.memory_space<semaphore_mem>>)
    %scan3A = arith.constant 0 : i32
    %scan3A_121 = arith.constant 0 : i32
    %scan3A_122 = arith.constant 8 : i32
    %scan3A_123 = arith.addi %scan3A_121, %scan3A_122 : i32
    %scan3A_124 = arith.constant 1 : i32
    scf.for %scan3A_165 = %scan3A_121 to %scan3A_123 step %scan3A_124  : i32 {
      %mul3A_166 = arith.constant 4 : i32
      %mul3A_167 = arith.muli %scan3A_165, %mul3A_166 : i32
      %rem3A = arith.constant 3 : i32
      %rem3A_168 = arith.remsi %scan3A_165, %rem3A : i32
      %mul3A_169 = arith.constant 4 : i32
      %mul3A_170 = arith.muli %rem3A_168, %mul3A_169 : i32
      %add3A_171 = arith.constant 2 : i32
      %add3A_172 = arith.addi %scan3A_165, %add3A_171 : i32
      %rem3A_173 = arith.constant 3 : i32
      %rem3A_174 = arith.remsi %add3A_172, %rem3A_173 : i32
      %mul3A_175 = arith.constant 4 : i32
      %mul3A_176 = arith.muli %rem3A_174, %mul3A_175 : i32
      %get3A_177 = arith.index_cast %mul3A_167 : i32 to index
      %get3A_178 = tpu.vector_load %arg5[%get3A_177] {strides = array<i32>} : memref<48xi32, #tpu.memory_space<vmem>>, vector<16xi32>,
      %add3A_179 = arith.constant 0 : i32
      %add3A_180 = arith.addi %mul3A_170, %add3A_179 : i32
      %dma_wait3A_181 = arith.constant 0 : i32
      %dma_wait3A_182 = arith.constant 0 : i32
      %dma_wait3A_183 = tpu.memref_slice %arg7[%add3A_180, %dma_wait3A_181, %dma_wait3A_182] : memref<12x64x128xf32, #tpu.memory_space<vmem>> -> memref<1x64x128xf32, #tpu.memory_space<vmem>>
      %dma_wait3A_184 = tpu.memref_squeeze %dma_wait3A_183 : memref<1x64x128xf32, #tpu.memory_space<vmem>> -> memref<64x128xf32, #tpu.memory_space<vmem>>
      %dma_wait3A_185 = arith.constant 0 : i32
      %dma_wait3A_186 = arith.constant 0 : i32
      %dma_wait3A_187 = tpu.memref_slice %arg3[%dma_wait3A_185, %dma_wait3A_186] : memref<64x100000xf32, #tpu.memory_space<hbm>> -> memref<64x128xf32, #tpu.memory_space<hbm>>
      %dma_wait3A_188 = arith.constant 0 : i32
      %dma_wait3A_189 = arith.constant 0 : i32
      %dma_wait3A_190 = tpu.memref_slice %arg7[%add3A_180, %dma_wait3A_188, %dma_wait3A_189] : memref<12x64x128xf32, #tpu.memory_space<vmem>> -> memref<1x64x128xf32, #tpu.memory_space<vmem>>
      %dma_wait3A_191 = tpu.memref_squeeze %dma_wait3A_190 : memref<1x64x128xf32, #tpu.memory_space<vmem>> -> memref<64x128xf32, #tpu.memory_space<vmem>>
      %dma_wait3A_192 = arith.constant 0 : i32
      %dma_wait3A_193 = arith.constant 0 : i32
      %dma_wait3A_194 = tpu.memref_slice %arg3[%dma_wait3A_192, %dma_wait3A_193] : memref<64x100000xf32, #tpu.memory_space<hbm>> -> memref<64x128xf32, #tpu.memory_space<hbm>>
      tpu.wait_dma2 semaphore(%arg9 : memref<!tpu.dma_semaphore, #tpu.memory_space<semaphore_mem>>) src(%dma_wait3A_194 : memref<64x128xf32, #tpu.memory_space<hbm>>) dst(%dma_wait3A_191 : memref<64x128xf32, #tpu.memory_space<vmem>>)
      %add3A_195 = arith.constant 1 : i32
      %add3A_196 = arith.addi %mul3A_170, %add3A_195 : i32
      %dma_wait3A_197 = arith.constant 0 : i32
      %dma_wait3A_198 = arith.constant 0 : i32
      %dma_wait3A_199 = tpu.memref_slice %arg7[%add3A_196, %dma_wait3A_197, %dma_wait3A_198] : memref<12x64x128xf32, #tpu.memory_space<vmem>> -> memref<1x64x128xf32, #tpu.memory_space<vmem>>
      %dma_wait3A_200 = tpu.memref_squeeze %dma_wait3A_199 : memref<1x64x128xf32, #tpu.memory_space<vmem>> -> memref<64x128xf32, #tpu.memory_space<vmem>>
      %dma_wait3A_201 = arith.constant 0 : i32
      %dma_wait3A_202 = arith.constant 0 : i32
      %dma_wait3A_203 = tpu.memref_slice %arg3[%dma_wait3A_201, %dma_wait3A_202] : memref<64x100000xf32, #tpu.memory_space<hbm>> -> memref<64x128xf32, #tpu.memory_space<hbm>>
      %dma_wait3A_204 = arith.constant 0 : i32
      %dma_wait3A_205 = arith.constant 0 : i32
      %dma_wait3A_206 = tpu.memref_slice %arg7[%add3A_196, %dma_wait3A_204, %dma_wait3A_205] : memref<12x64x128xf32, #tpu.memory_space<vmem>> -> memref<1x64x128xf32, #tpu.memory_space<vmem>>
      %dma_wait3A_207 = tpu.memref_squeeze %dma_wait3A_206 : memref<1x64x128xf32, #tpu.memory_space<vmem>> -> memref<64x128xf32, #tpu.memory_space<vmem>>
      %dma_wait3A_208 = arith.constant 0 : i32
      %dma_wait3A_209 = arith.constant 0 : i32
      %dma_wait3A_210 = tpu.memref_slice %arg3[%dma_wait3A_208, %dma_wait3A_209] : memref<64x100000xf32, #tpu.memory_space<hbm>> -> memref<64x128xf32, #tpu.memory_space<hbm>>
      tpu.wait_dma2 semaphore(%arg9 : memref<!tpu.dma_semaphore, #tpu.memory_space<semaphore_mem>>) src(%dma_wait3A_210 : memref<64x128xf32, #tpu.memory_space<hbm>>) dst(%dma_wait3A_207 : memref<64x128xf32, #tpu.memory_space<vmem>>)
      %add3A_211 = arith.constant 2 : i32
      %add3A_212 = arith.addi %mul3A_170, %add3A_211 : i32
      %dma_wait3A_213 = arith.constant 0 : i32
      %dma_wait3A_214 = arith.constant 0 : i32
      %dma_wait3A_215 = tpu.memref_slice %arg7[%add3A_212, %dma_wait3A_213, %dma_wait3A_214] : memref<12x64x128xf32, #tpu.memory_space<vmem>> -> memref<1x64x128xf32, #tpu.memory_space<vmem>>
      %dma_wait3A_216 = tpu.memref_squeeze %dma_wait3A_215 : memref<1x64x128xf32, #tpu.memory_space<vmem>> -> memref<64x128xf32, #tpu.memory_space<vmem>>
      %dma_wait3A_217 = arith.constant 0 : i32
      %dma_wait3A_218 = arith.constant 0 : i32
      %dma_wait3A_219 = tpu.memref_slice %arg3[%dma_wait3A_217, %dma_wait3A_218] : memref<64x100000xf32, #tpu.memory_space<hbm>> -> memref<64x128xf32, #tpu.memory_space<hbm>>
      %dma_wait3A_220 = arith.constant 0 : i32
      %dma_wait3A_221 = arith.constant 0 : i32
      %dma_wait3A_222 = tpu.memref_slice %arg7[%add3A_212, %dma_wait3A_220, %dma_wait3A_221] : memref<12x64x128xf32, #tpu.memory_space<vmem>> -> memref<1x64x128xf32, #tpu.memory_space<vmem>>
      %dma_wait3A_223 = tpu.memref_squeeze %dma_wait3A_222 : memref<1x64x128xf32, #tpu.memory_space<vmem>> -> memref<64x128xf32, #tpu.memory_space<vmem>>
      %dma_wait3A_224 = arith.constant 0 : i32
      %dma_wait3A_225 = arith.constant 0 : i32
      %dma_wait3A_226 = tpu.memref_slice %arg3[%dma_wait3A_224, %dma_wait3A_225] : memref<64x100000xf32, #tpu.memory_space<hbm>> -> memref<64x128xf32, #tpu.memory_space<hbm>>
      tpu.wait_dma2 semaphore(%arg9 : memref<!tpu.dma_semaphore, #tpu.memory_space<semaphore_mem>>) src(%dma_wait3A_226 : memref<64x128xf32, #tpu.memory_space<hbm>>) dst(%dma_wait3A_223 : memref<64x128xf32, #tpu.memory_space<vmem>>)
      %add3A_227 = arith.constant 3 : i32
      %add3A_228 = arith.addi %mul3A_170, %add3A_227 : i32
      %dma_wait3A_229 = arith.constant 0 : i32
      %dma_wait3A_230 = arith.constant 0 : i32
      %dma_wait3A_231 = tpu.memref_slice %arg7[%add3A_228, %dma_wait3A_229, %dma_wait3A_230] : memref<12x64x128xf32, #tpu.memory_space<vmem>> -> memref<1x64x128xf32, #tpu.memory_space<vmem>>
      %dma_wait3A_232 = tpu.memref_squeeze %dma_wait3A_231 : memref<1x64x128xf32, #tpu.memory_space<vmem>> -> memref<64x128xf32, #tpu.memory_space<vmem>>
      %dma_wait3A_233 = arith.constant 0 : i32
      %dma_wait3A_234 = arith.constant 0 : i32
      %dma_wait3A_235 = tpu.memref_slice %arg3[%dma_wait3A_233, %dma_wait3A_234] : memref<64x100000xf32, #tpu.memory_space<hbm>> -> memref<64x128xf32, #tpu.memory_space<hbm>>
      %dma_wait3A_236 = arith.constant 0 : i32
      %dma_wait3A_237 = arith.constant 0 : i32
      %dma_wait3A_238 = tpu.memref_slice %arg7[%add3A_228, %dma_wait3A_236, %dma_wait3A_237] : memref<12x64x128xf32, #tpu.memory_space<vmem>> -> memref<1x64x128xf32, #tpu.memory_space<vmem>>
      %dma_wait3A_239 = tpu.memref_squeeze %dma_wait3A_238 : memref<1x64x128xf32, #tpu.memory_space<vmem>> -> memref<64x128xf32, #tpu.memory_space<vmem>>
      %dma_wait3A_240 = arith.constant 0 : i32
      %dma_wait3A_241 = arith.constant 0 : i32
      %dma_wait3A_242 = tpu.memref_slice %arg3[%dma_wait3A_240, %dma_wait3A_241] : memref<64x100000xf32, #tpu.memory_space<hbm>> -> memref<64x128xf32, #tpu.memory_space<hbm>>
      tpu.wait_dma2 semaphore(%arg9 : memref<!tpu.dma_semaphore, #tpu.memory_space<semaphore_mem>>) src(%dma_wait3A_242 : memref<64x128xf32, #tpu.memory_space<hbm>>) dst(%dma_wait3A_239 : memref<64x128xf32, #tpu.memory_space<vmem>>)
      %lt3A = arith.constant 6 : i32
      %lt3A_243 = arith.cmpi slt, %scan3A_165, %lt3A : i32
      %convert_element_type3A = arith.extui %lt3A_243 : i1 to i32
      %cond3A = arith.constant 0 : i32
      %cond3A_244 = arith.cmpi ne, %convert_element_type3A, %cond3A : i32
      scf.if %cond3A_244 {
        %slice3A_478 = vector.extract_strided_slice %get3A_178 {offsets = [8], sizes = [1], strides = [1]} : vector<16xi32> to vector<1xi32>
        %squeeze3A_479 = vector.extract %slice3A_478[0] : i32 from vector<1xi32>
        %add3A_480 = arith.constant 0 : i32
        %add3A_481 = arith.addi %mul3A_176, %add3A_480 : i32
        %and3A_482 = arith.constant 127 : i32
        %and3A_483 = arith.andi %squeeze3A_479, %and3A_482 : i32
        %sub3A_484 = arith.subi %squeeze3A_479, %and3A_483 : i32
        %multiple_of3A_485 = tpu.assume_multiple %sub3A_484, 128 : i32
        %dma_start3A_486 = arith.constant 0 : i32
        %dma_start3A_487 = arith.constant 0 : i32
        %dma_start3A_488 = tpu.memref_slice %arg7[%add3A_481, %dma_start3A_486, %dma_start3A_487] : memref<12x64x128xf32, #tpu.memory_space<vmem>> -> memref<1x64x128xf32, #tpu.memory_space<vmem>>
        %dma_start3A_489 = tpu.memref_squeeze %dma_start3A_488 : memref<1x64x128xf32, #tpu.memory_space<vmem>> -> memref<64x128xf32, #tpu.memory_space<vmem>>
        %dma_start3A_490 = arith.constant 0 : i32
        %dma_start3A_491 = tpu.memref_slice %arg3[%dma_start3A_490, %multiple_of3A_485] : memref<64x100000xf32, #tpu.memory_space<hbm>> -> memref<64x128xf32, #tpu.memory_space<hbm>>
        tpu.enqueue_indirect_dma source(%dma_start3A_491 : memref<64x128xf32, #tpu.memory_space<hbm>>) target(%dma_start3A_489 : memref<64x128xf32, #tpu.memory_space<vmem>>) offsets(%arg6 : memref<64xi32, #tpu.memory_space<vmem>>) semaphore(%arg9 : memref<!tpu.dma_semaphore, #tpu.memory_space<semaphore_mem>>)
        %slice3A_492 = vector.extract_strided_slice %get3A_178 {offsets = [9], sizes = [1], strides = [1]} : vector<16xi32> to vector<1xi32>
        %squeeze3A_493 = vector.extract %slice3A_492[0] : i32 from vector<1xi32>
        %add3A_494 = arith.constant 1 : i32
        %add3A_495 = arith.addi %mul3A_176, %add3A_494 : i32
        %and3A_496 = arith.constant 127 : i32
        %and3A_497 = arith.andi %squeeze3A_493, %and3A_496 : i32
        %sub3A_498 = arith.subi %squeeze3A_493, %and3A_497 : i32
        %multiple_of3A_499 = tpu.assume_multiple %sub3A_498, 128 : i32
        %dma_start3A_500 = arith.constant 0 : i32
        %dma_start3A_501 = arith.constant 0 : i32
        %dma_start3A_502 = tpu.memref_slice %arg7[%add3A_495, %dma_start3A_500, %dma_start3A_501] : memref<12x64x128xf32, #tpu.memory_space<vmem>> -> memref<1x64x128xf32, #tpu.memory_space<vmem>>
        %dma_start3A_503 = tpu.memref_squeeze %dma_start3A_502 : memref<1x64x128xf32, #tpu.memory_space<vmem>> -> memref<64x128xf32, #tpu.memory_space<vmem>>
        %dma_start3A_504 = arith.constant 0 : i32
        %dma_start3A_505 = tpu.memref_slice %arg3[%dma_start3A_504, %multiple_of3A_499] : memref<64x100000xf32, #tpu.memory_space<hbm>> -> memref<64x128xf32, #tpu.memory_space<hbm>>
        tpu.enqueue_indirect_dma source(%dma_start3A_505 : memref<64x128xf32, #tpu.memory_space<hbm>>) target(%dma_start3A_503 : memref<64x128xf32, #tpu.memory_space<vmem>>) offsets(%arg6 : memref<64xi32, #tpu.memory_space<vmem>>) semaphore(%arg9 : memref<!tpu.dma_semaphore, #tpu.memory_space<semaphore_mem>>)
        %slice3A_506 = vector.extract_strided_slice %get3A_178 {offsets = [10], sizes = [1], strides = [1]} : vector<16xi32> to vector<1xi32>
        %squeeze3A_507 = vector.extract %slice3A_506[0] : i32 from vector<1xi32>
        %add3A_508 = arith.constant 2 : i32
        %add3A_509 = arith.addi %mul3A_176, %add3A_508 : i32
        %and3A_510 = arith.constant 127 : i32
        %and3A_511 = arith.andi %squeeze3A_507, %and3A_510 : i32
        %sub3A_512 = arith.subi %squeeze3A_507, %and3A_511 : i32
        %multiple_of3A_513 = tpu.assume_multiple %sub3A_512, 128 : i32
        %dma_start3A_514 = arith.constant 0 : i32
        %dma_start3A_515 = arith.constant 0 : i32
        %dma_start3A_516 = tpu.memref_slice %arg7[%add3A_509, %dma_start3A_514, %dma_start3A_515] : memref<12x64x128xf32, #tpu.memory_space<vmem>> -> memref<1x64x128xf32, #tpu.memory_space<vmem>>
        %dma_start3A_517 = tpu.memref_squeeze %dma_start3A_516 : memref<1x64x128xf32, #tpu.memory_space<vmem>> -> memref<64x128xf32, #tpu.memory_space<vmem>>
        %dma_start3A_518 = arith.constant 0 : i32
        %dma_start3A_519 = tpu.memref_slice %arg3[%dma_start3A_518, %multiple_of3A_513] : memref<64x100000xf32, #tpu.memory_space<hbm>> -> memref<64x128xf32, #tpu.memory_space<hbm>>
        tpu.enqueue_indirect_dma source(%dma_start3A_519 : memref<64x128xf32, #tpu.memory_space<hbm>>) target(%dma_start3A_517 : memref<64x128xf32, #tpu.memory_space<vmem>>) offsets(%arg6 : memref<64xi32, #tpu.memory_space<vmem>>) semaphore(%arg9 : memref<!tpu.dma_semaphore, #tpu.memory_space<semaphore_mem>>)
        %slice3A_520 = vector.extract_strided_slice %get3A_178 {offsets = [11], sizes = [1], strides = [1]} : vector<16xi32> to vector<1xi32>
        %squeeze3A_521 = vector.extract %slice3A_520[0] : i32 from vector<1xi32>
        %add3A_522 = arith.constant 3 : i32
        %add3A_523 = arith.addi %mul3A_176, %add3A_522 : i32
        %and3A_524 = arith.constant 127 : i32
        %and3A_525 = arith.andi %squeeze3A_521, %and3A_524 : i32
        %sub3A_526 = arith.subi %squeeze3A_521, %and3A_525 : i32
        %multiple_of3A_527 = tpu.assume_multiple %sub3A_526, 128 : i32
        %dma_start3A_528 = arith.constant 0 : i32
        %dma_start3A_529 = arith.constant 0 : i32
        %dma_start3A_530 = tpu.memref_slice %arg7[%add3A_523, %dma_start3A_528, %dma_start3A_529] : memref<12x64x128xf32, #tpu.memory_space<vmem>> -> memref<1x64x128xf32, #tpu.memory_space<vmem>>
        %dma_start3A_531 = tpu.memref_squeeze %dma_start3A_530 : memref<1x64x128xf32, #tpu.memory_space<vmem>> -> memref<64x128xf32, #tpu.memory_space<vmem>>
        %dma_start3A_532 = arith.constant 0 : i32
        %dma_start3A_533 = tpu.memref_slice %arg3[%dma_start3A_532, %multiple_of3A_527] : memref<64x100000xf32, #tpu.memory_space<hbm>> -> memref<64x128xf32, #tpu.memory_space<hbm>>
        tpu.enqueue_indirect_dma source(%dma_start3A_533 : memref<64x128xf32, #tpu.memory_space<hbm>>) target(%dma_start3A_531 : memref<64x128xf32, #tpu.memory_space<vmem>>) offsets(%arg6 : memref<64xi32, #tpu.memory_space<vmem>>) semaphore(%arg9 : memref<!tpu.dma_semaphore, #tpu.memory_space<semaphore_mem>>)
      } else {
      }
      %add3A_245 = arith.constant 0 : i32
      %add3A_246 = arith.addi %mul3A_167, %add3A_245 : i32
      %add3A_247 = arith.constant 0 : i32
      %add3A_248 = arith.addi %mul3A_170, %add3A_247 : i32
      %slice3A_249 = vector.extract_strided_slice %get3A_178 {offsets = [0], sizes = [1], strides = [1]} : vector<16xi32> to vector<1xi32>
      %squeeze3A_250 = vector.extract %slice3A_249[0] : i32 from vector<1xi32>
      %mul3A_251 = arith.constant 0 : i32
      %mul3A_252 = vector.broadcast %mul3A_251 : i32 to vector<16xi32>
      %mul3A_253 = arith.muli %iota3A, %mul3A_252 : vector<16xi32>
      %and3A_254 = arith.constant 127 : i32
      %and3A_255 = arith.andi %squeeze3A_250, %and3A_254 : i32
      %add3A_256 = vector.broadcast %and3A_255 : i32 to vector<16xi32>
      %add3A_257 = arith.addi %mul3A_253, %add3A_256 : vector<16xi32>
      %add3A_258 = arith.constant 0 : i32
      %add3A_259 = vector.broadcast %add3A_258 : i32 to vector<16xi32>
      %add3A_260 = arith.addi %iota3A, %add3A_259 : vector<16xi32>
      %gather3A = arith.constant 0 : i32
      %gather3A_261 = arith.constant 0 : i32
      %gather3A_262 = tpu.memref_slice %arg7[%add3A_248, %gather3A, %gather3A_261] : memref<12x64x128xf32, #tpu.memory_space<vmem>> -> memref<1x64x128xf32, #tpu.memory_space<vmem>>
      %gather3A_263 = tpu.memref_squeeze %gather3A_262 : memref<1x64x128xf32, #tpu.memory_space<vmem>> -> memref<64x128xf32, #tpu.memory_space<vmem>>
      %gather3A_264 = tpu.vector_load_idx %gather3A_263[%add3A_260, %add3A_257] : memref<64x128xf32, #tpu.memory_space<vmem>>[vector<16xi32>, vector<16xi32>], vector<16xf32>,
      %swap3A_265 = arith.index_cast %add3A_246 : i32 to index
      %swap3A_266 = arith.constant 0 : index
      %swap3A_267 = tpu.vector_load %arg8[%swap3A_265, %swap3A_266] {strides = array<i32>} : memref<32x64xf32, #tpu.memory_space<vmem>>, vector<16xf32>,
      tpu.vector_store %arg8[%swap3A_265, %swap3A_266], %gather3A_264 {strides = array<i32>} : memref<32x64xf32, #tpu.memory_space<vmem>>, vector<16xf32>,
      %add3A_268 = arith.constant 16 : i32
      %add3A_269 = vector.broadcast %add3A_268 : i32 to vector<16xi32>
      %add3A_270 = arith.addi %iota3A, %add3A_269 : vector<16xi32>
      %gather3A_271 = arith.constant 0 : i32
      %gather3A_272 = arith.constant 0 : i32
      %gather3A_273 = tpu.memref_slice %arg7[%add3A_248, %gather3A_271, %gather3A_272] : memref<12x64x128xf32, #tpu.memory_space<vmem>> -> memref<1x64x128xf32, #tpu.memory_space<vmem>>
      %gather3A_274 = tpu.memref_squeeze %gather3A_273 : memref<1x64x128xf32, #tpu.memory_space<vmem>> -> memref<64x128xf32, #tpu.memory_space<vmem>>
      %gather3A_275 = tpu.vector_load_idx %gather3A_274[%add3A_270, %add3A_257] : memref<64x128xf32, #tpu.memory_space<vmem>>[vector<16xi32>, vector<16xi32>], vector<16xf32>,
      %swap3A_276 = arith.index_cast %add3A_246 : i32 to index
      %swap3A_277 = arith.constant 16 : index
      %swap3A_278 = tpu.vector_load %arg8[%swap3A_276, %swap3A_277] {strides = array<i32>} : memref<32x64xf32, #tpu.memory_space<vmem>>, vector<16xf32>,
      tpu.vector_store %arg8[%swap3A_276, %swap3A_277], %gather3A_275 {strides = array<i32>} : memref<32x64xf32, #tpu.memory_space<vmem>>, vector<16xf32>,
      %add3A_279 = arith.constant 32 : i32
      %add3A_280 = vector.broadcast %add3A_279 : i32 to vector<16xi32>
      %add3A_281 = arith.addi %iota3A, %add3A_280 : vector<16xi32>
      %gather3A_282 = arith.constant 0 : i32
      %gather3A_283 = arith.constant 0 : i32
      %gather3A_284 = tpu.memref_slice %arg7[%add3A_248, %gather3A_282, %gather3A_283] : memref<12x64x128xf32, #tpu.memory_space<vmem>> -> memref<1x64x128xf32, #tpu.memory_space<vmem>>
      %gather3A_285 = tpu.memref_squeeze %gather3A_284 : memref<1x64x128xf32, #tpu.memory_space<vmem>> -> memref<64x128xf32, #tpu.memory_space<vmem>>
      %gather3A_286 = tpu.vector_load_idx %gather3A_285[%add3A_281, %add3A_257] : memref<64x128xf32, #tpu.memory_space<vmem>>[vector<16xi32>, vector<16xi32>], vector<16xf32>,
      %swap3A_287 = arith.index_cast %add3A_246 : i32 to index
      %swap3A_288 = arith.constant 32 : index
      %swap3A_289 = tpu.vector_load %arg8[%swap3A_287, %swap3A_288] {strides = array<i32>} : memref<32x64xf32, #tpu.memory_space<vmem>>, vector<16xf32>,
      tpu.vector_store %arg8[%swap3A_287, %swap3A_288], %gather3A_286 {strides = array<i32>} : memref<32x64xf32, #tpu.memory_space<vmem>>, vector<16xf32>,
      %add3A_290 = arith.constant 48 : i32
      %add3A_291 = vector.broadcast %add3A_290 : i32 to vector<16xi32>
      %add3A_292 = arith.addi %iota3A, %add3A_291 : vector<16xi32>
      %gather3A_293 = arith.constant 0 : i32
      %gather3A_294 = arith.constant 0 : i32
      %gather3A_295 = tpu.memref_slice %arg7[%add3A_248, %gather3A_293, %gather3A_294] : memref<12x64x128xf32, #tpu.memory_space<vmem>> -> memref<1x64x128xf32, #tpu.memory_space<vmem>>
      %gather3A_296 = tpu.memref_squeeze %gather3A_295 : memref<1x64x128xf32, #tpu.memory_space<vmem>> -> memref<64x128xf32, #tpu.memory_space<vmem>>
      %gather3A_297 = tpu.vector_load_idx %gather3A_296[%add3A_292, %add3A_257] : memref<64x128xf32, #tpu.memory_space<vmem>>[vector<16xi32>, vector<16xi32>], vector<16xf32>,
      %swap3A_298 = arith.index_cast %add3A_246 : i32 to index
      %swap3A_299 = arith.constant 48 : index
      %swap3A_300 = tpu.vector_load %arg8[%swap3A_298, %swap3A_299] {strides = array<i32>} : memref<32x64xf32, #tpu.memory_space<vmem>>, vector<16xf32>,
      tpu.vector_store %arg8[%swap3A_298, %swap3A_299], %gather3A_297 {strides = array<i32>} : memref<32x64xf32, #tpu.memory_space<vmem>>, vector<16xf32>,
      %add3A_301 = arith.constant 1 : i32
      %add3A_302 = arith.addi %mul3A_167, %add3A_301 : i32
      %add3A_303 = arith.constant 1 : i32
      %add3A_304 = arith.addi %mul3A_170, %add3A_303 : i32
      %slice3A_305 = vector.extract_strided_slice %get3A_178 {offsets = [1], sizes = [1], strides = [1]} : vector<16xi32> to vector<1xi32>
      %squeeze3A_306 = vector.extract %slice3A_305[0] : i32 from vector<1xi32>
      %mul3A_307 = arith.constant 0 : i32
      %mul3A_308 = vector.broadcast %mul3A_307 : i32 to vector<16xi32>
      %mul3A_309 = arith.muli %iota3A, %mul3A_308 : vector<16xi32>
      %and3A_310 = arith.constant 127 : i32
      %and3A_311 = arith.andi %squeeze3A_306, %and3A_310 : i32
      %add3A_312 = vector.broadcast %and3A_311 : i32 to vector<16xi32>
      %add3A_313 = arith.addi %mul3A_309, %add3A_312 : vector<16xi32>
      %add3A_314 = arith.constant 0 : i32
      %add3A_315 = vector.broadcast %add3A_314 : i32 to vector<16xi32>
      %add3A_316 = arith.addi %iota3A, %add3A_315 : vector<16xi32>
      %gather3A_317 = arith.constant 0 : i32
      %gather3A_318 = arith.constant 0 : i32
      %gather3A_319 = tpu.memref_slice %arg7[%add3A_304, %gather3A_317, %gather3A_318] : memref<12x64x128xf32, #tpu.memory_space<vmem>> -> memref<1x64x128xf32, #tpu.memory_space<vmem>>
      %gather3A_320 = tpu.memref_squeeze %gather3A_319 : memref<1x64x128xf32, #tpu.memory_space<vmem>> -> memref<64x128xf32, #tpu.memory_space<vmem>>
      %gather3A_321 = tpu.vector_load_idx %gather3A_320[%add3A_316, %add3A_313] : memref<64x128xf32, #tpu.memory_space<vmem>>[vector<16xi32>, vector<16xi32>], vector<16xf32>,
      %swap3A_322 = arith.index_cast %add3A_302 : i32 to index
      %swap3A_323 = arith.constant 0 : index
      %swap3A_324 = tpu.vector_load %arg8[%swap3A_322, %swap3A_323] {strides = array<i32>} : memref<32x64xf32, #tpu.memory_space<vmem>>, vector<16xf32>,
      tpu.vector_store %arg8[%swap3A_322, %swap3A_323], %gather3A_321 {strides = array<i32>} : memref<32x64xf32, #tpu.memory_space<vmem>>, vector<16xf32>,
      %add3A_325 = arith.constant 16 : i32
      %add3A_326 = vector.broadcast %add3A_325 : i32 to vector<16xi32>
      %add3A_327 = arith.addi %iota3A, %add3A_326 : vector<16xi32>
      %gather3A_328 = arith.constant 0 : i32
      %gather3A_329 = arith.constant 0 : i32
      %gather3A_330 = tpu.memref_slice %arg7[%add3A_304, %gather3A_328, %gather3A_329] : memref<12x64x128xf32, #tpu.memory_space<vmem>> -> memref<1x64x128xf32, #tpu.memory_space<vmem>>
      %gather3A_331 = tpu.memref_squeeze %gather3A_330 : memref<1x64x128xf32, #tpu.memory_space<vmem>> -> memref<64x128xf32, #tpu.memory_space<vmem>>
      %gather3A_332 = tpu.vector_load_idx %gather3A_331[%add3A_327, %add3A_313] : memref<64x128xf32, #tpu.memory_space<vmem>>[vector<16xi32>, vector<16xi32>], vector<16xf32>,
      %swap3A_333 = arith.index_cast %add3A_302 : i32 to index
      %swap3A_334 = arith.constant 16 : index
      %swap3A_335 = tpu.vector_load %arg8[%swap3A_333, %swap3A_334] {strides = array<i32>} : memref<32x64xf32, #tpu.memory_space<vmem>>, vector<16xf32>,
      tpu.vector_store %arg8[%swap3A_333, %swap3A_334], %gather3A_332 {strides = array<i32>} : memref<32x64xf32, #tpu.memory_space<vmem>>, vector<16xf32>,
      %add3A_336 = arith.constant 32 : i32
      %add3A_337 = vector.broadcast %add3A_336 : i32 to vector<16xi32>
      %add3A_338 = arith.addi %iota3A, %add3A_337 : vector<16xi32>
      %gather3A_339 = arith.constant 0 : i32
      %gather3A_340 = arith.constant 0 : i32
      %gather3A_341 = tpu.memref_slice %arg7[%add3A_304, %gather3A_339, %gather3A_340] : memref<12x64x128xf32, #tpu.memory_space<vmem>> -> memref<1x64x128xf32, #tpu.memory_space<vmem>>
      %gather3A_342 = tpu.memref_squeeze %gather3A_341 : memref<1x64x128xf32, #tpu.memory_space<vmem>> -> memref<64x128xf32, #tpu.memory_space<vmem>>
      %gather3A_343 = tpu.vector_load_idx %gather3A_342[%add3A_338, %add3A_313] : memref<64x128xf32, #tpu.memory_space<vmem>>[vector<16xi32>, vector<16xi32>], vector<16xf32>,
      %swap3A_344 = arith.index_cast %add3A_302 : i32 to index
      %swap3A_345 = arith.constant 32 : index
      %swap3A_346 = tpu.vector_load %arg8[%swap3A_344, %swap3A_345] {strides = array<i32>} : memref<32x64xf32, #tpu.memory_space<vmem>>, vector<16xf32>,
      tpu.vector_store %arg8[%swap3A_344, %swap3A_345], %gather3A_343 {strides = array<i32>} : memref<32x64xf32, #tpu.memory_space<vmem>>, vector<16xf32>,
      %add3A_347 = arith.constant 48 : i32
      %add3A_348 = vector.broadcast %add3A_347 : i32 to vector<16xi32>
      %add3A_349 = arith.addi %iota3A, %add3A_348 : vector<16xi32>
      %gather3A_350 = arith.constant 0 : i32
      %gather3A_351 = arith.constant 0 : i32
      %gather3A_352 = tpu.memref_slice %arg7[%add3A_304, %gather3A_350, %gather3A_351] : memref<12x64x128xf32, #tpu.memory_space<vmem>> -> memref<1x64x128xf32, #tpu.memory_space<vmem>>
      %gather3A_353 = tpu.memref_squeeze %gather3A_352 : memref<1x64x128xf32, #tpu.memory_space<vmem>> -> memref<64x128xf32, #tpu.memory_space<vmem>>
      %gather3A_354 = tpu.vector_load_idx %gather3A_353[%add3A_349, %add3A_313] : memref<64x128xf32, #tpu.memory_space<vmem>>[vector<16xi32>, vector<16xi32>], vector<16xf32>,
      %swap3A_355 = arith.index_cast %add3A_302 : i32 to index
      %swap3A_356 = arith.constant 48 : index
      %swap3A_357 = tpu.vector_load %arg8[%swap3A_355, %swap3A_356] {strides = array<i32>} : memref<32x64xf32, #tpu.memory_space<vmem>>, vector<16xf32>,
      tpu.vector_store %arg8[%swap3A_355, %swap3A_356], %gather3A_354 {strides = array<i32>} : memref<32x64xf32, #tpu.memory_space<vmem>>, vector<16xf32>,
      %add3A_358 = arith.constant 2 : i32
      %add3A_359 = arith.addi %mul3A_167, %add3A_358 : i32
      %add3A_360 = arith.constant 2 : i32
      %add3A_361 = arith.addi %mul3A_170, %add3A_360 : i32
      %slice3A_362 = vector.extract_strided_slice %get3A_178 {offsets = [2], sizes = [1], strides = [1]} : vector<16xi32> to vector<1xi32>
      %squeeze3A_363 = vector.extract %slice3A_362[0] : i32 from vector<1xi32>
      %mul3A_364 = arith.constant 0 : i32
      %mul3A_365 = vector.broadcast %mul3A_364 : i32 to vector<16xi32>
      %mul3A_366 = arith.muli %iota3A, %mul3A_365 : vector<16xi32>
      %and3A_367 = arith.constant 127 : i32
      %and3A_368 = arith.andi %squeeze3A_363, %and3A_367 : i32
      %add3A_369 = vector.broadcast %and3A_368 : i32 to vector<16xi32>
      %add3A_370 = arith.addi %mul3A_366, %add3A_369 : vector<16xi32>
      %add3A_371 = arith.constant 0 : i32
      %add3A_372 = vector.broadcast %add3A_371 : i32 to vector<16xi32>
      %add3A_373 = arith.addi %iota3A, %add3A_372 : vector<16xi32>
      %gather3A_374 = arith.constant 0 : i32
      %gather3A_375 = arith.constant 0 : i32
      %gather3A_376 = tpu.memref_slice %arg7[%add3A_361, %gather3A_374, %gather3A_375] : memref<12x64x128xf32, #tpu.memory_space<vmem>> -> memref<1x64x128xf32, #tpu.memory_space<vmem>>
      %gather3A_377 = tpu.memref_squeeze %gather3A_376 : memref<1x64x128xf32, #tpu.memory_space<vmem>> -> memref<64x128xf32, #tpu.memory_space<vmem>>
      %gather3A_378 = tpu.vector_load_idx %gather3A_377[%add3A_373, %add3A_370] : memref<64x128xf32, #tpu.memory_space<vmem>>[vector<16xi32>, vector<16xi32>], vector<16xf32>,
      %swap3A_379 = arith.index_cast %add3A_359 : i32 to index
      %swap3A_380 = arith.constant 0 : index
      %swap3A_381 = tpu.vector_load %arg8[%swap3A_379, %swap3A_380] {strides = array<i32>} : memref<32x64xf32, #tpu.memory_space<vmem>>, vector<16xf32>,
      tpu.vector_store %arg8[%swap3A_379, %swap3A_380], %gather3A_378 {strides = array<i32>} : memref<32x64xf32, #tpu.memory_space<vmem>>, vector<16xf32>,
      %add3A_382 = arith.constant 16 : i32
      %add3A_383 = vector.broadcast %add3A_382 : i32 to vector<16xi32>
      %add3A_384 = arith.addi %iota3A, %add3A_383 : vector<16xi32>
      %gather3A_385 = arith.constant 0 : i32
      %gather3A_386 = arith.constant 0 : i32
      %gather3A_387 = tpu.memref_slice %arg7[%add3A_361, %gather3A_385, %gather3A_386] : memref<12x64x128xf32, #tpu.memory_space<vmem>> -> memref<1x64x128xf32, #tpu.memory_space<vmem>>
      %gather3A_388 = tpu.memref_squeeze %gather3A_387 : memref<1x64x128xf32, #tpu.memory_space<vmem>> -> memref<64x128xf32, #tpu.memory_space<vmem>>
      %gather3A_389 = tpu.vector_load_idx %gather3A_388[%add3A_384, %add3A_370] : memref<64x128xf32, #tpu.memory_space<vmem>>[vector<16xi32>, vector<16xi32>], vector<16xf32>,
      %swap3A_390 = arith.index_cast %add3A_359 : i32 to index
      %swap3A_391 = arith.constant 16 : index
      %swap3A_392 = tpu.vector_load %arg8[%swap3A_390, %swap3A_391] {strides = array<i32>} : memref<32x64xf32, #tpu.memory_space<vmem>>, vector<16xf32>,
      tpu.vector_store %arg8[%swap3A_390, %swap3A_391], %gather3A_389 {strides = array<i32>} : memref<32x64xf32, #tpu.memory_space<vmem>>, vector<16xf32>,
      %add3A_393 = arith.constant 32 : i32
      %add3A_394 = vector.broadcast %add3A_393 : i32 to vector<16xi32>
      %add3A_395 = arith.addi %iota3A, %add3A_394 : vector<16xi32>
      %gather3A_396 = arith.constant 0 : i32
      %gather3A_397 = arith.constant 0 : i32
      %gather3A_398 = tpu.memref_slice %arg7[%add3A_361, %gather3A_396, %gather3A_397] : memref<12x64x128xf32, #tpu.memory_space<vmem>> -> memref<1x64x128xf32, #tpu.memory_space<vmem>>
      %gather3A_399 = tpu.memref_squeeze %gather3A_398 : memref<1x64x128xf32, #tpu.memory_space<vmem>> -> memref<64x128xf32, #tpu.memory_space<vmem>>
      %gather3A_400 = tpu.vector_load_idx %gather3A_399[%add3A_395, %add3A_370] : memref<64x128xf32, #tpu.memory_space<vmem>>[vector<16xi32>, vector<16xi32>], vector<16xf32>,
      %swap3A_401 = arith.index_cast %add3A_359 : i32 to index
      %swap3A_402 = arith.constant 32 : index
      %swap3A_403 = tpu.vector_load %arg8[%swap3A_401, %swap3A_402] {strides = array<i32>} : memref<32x64xf32, #tpu.memory_space<vmem>>, vector<16xf32>,
      tpu.vector_store %arg8[%swap3A_401, %swap3A_402], %gather3A_400 {strides = array<i32>} : memref<32x64xf32, #tpu.memory_space<vmem>>, vector<16xf32>,
      %add3A_404 = arith.constant 48 : i32
      %add3A_405 = vector.broadcast %add3A_404 : i32 to vector<16xi32>
      %add3A_406 = arith.addi %iota3A, %add3A_405 : vector<16xi32>
      %gather3A_407 = arith.constant 0 : i32
      %gather3A_408 = arith.constant 0 : i32
      %gather3A_409 = tpu.memref_slice %arg7[%add3A_361, %gather3A_407, %gather3A_408] : memref<12x64x128xf32, #tpu.memory_space<vmem>> -> memref<1x64x128xf32, #tpu.memory_space<vmem>>
      %gather3A_410 = tpu.memref_squeeze %gather3A_409 : memref<1x64x128xf32, #tpu.memory_space<vmem>> -> memref<64x128xf32, #tpu.memory_space<vmem>>
      %gather3A_411 = tpu.vector_load_idx %gather3A_410[%add3A_406, %add3A_370] : memref<64x128xf32, #tpu.memory_space<vmem>>[vector<16xi32>, vector<16xi32>], vector<16xf32>,
      %swap3A_412 = arith.index_cast %add3A_359 : i32 to index
      %swap3A_413 = arith.constant 48 : index
      %swap3A_414 = tpu.vector_load %arg8[%swap3A_412, %swap3A_413] {strides = array<i32>} : memref<32x64xf32, #tpu.memory_space<vmem>>, vector<16xf32>,
      tpu.vector_store %arg8[%swap3A_412, %swap3A_413], %gather3A_411 {strides = array<i32>} : memref<32x64xf32, #tpu.memory_space<vmem>>, vector<16xf32>,
      %add3A_415 = arith.constant 3 : i32
      %add3A_416 = arith.addi %mul3A_167, %add3A_415 : i32
      %add3A_417 = arith.constant 3 : i32
      %add3A_418 = arith.addi %mul3A_170, %add3A_417 : i32
      %slice3A_419 = vector.extract_strided_slice %get3A_178 {offsets = [3], sizes = [1], strides = [1]} : vector<16xi32> to vector<1xi32>
      %squeeze3A_420 = vector.extract %slice3A_419[0] : i32 from vector<1xi32>
      %mul3A_421 = arith.constant 0 : i32
      %mul3A_422 = vector.broadcast %mul3A_421 : i32 to vector<16xi32>
      %mul3A_423 = arith.muli %iota3A, %mul3A_422 : vector<16xi32>
      %and3A_424 = arith.constant 127 : i32
      %and3A_425 = arith.andi %squeeze3A_420, %and3A_424 : i32
      %add3A_426 = vector.broadcast %and3A_425 : i32 to vector<16xi32>
      %add3A_427 = arith.addi %mul3A_423, %add3A_426 : vector<16xi32>
      %add3A_428 = arith.constant 0 : i32
      %add3A_429 = vector.broadcast %add3A_428 : i32 to vector<16xi32>
      %add3A_430 = arith.addi %iota3A, %add3A_429 : vector<16xi32>
      %gather3A_431 = arith.constant 0 : i32
      %gather3A_432 = arith.constant 0 : i32
      %gather3A_433 = tpu.memref_slice %arg7[%add3A_418, %gather3A_431, %gather3A_432] : memref<12x64x128xf32, #tpu.memory_space<vmem>> -> memref<1x64x128xf32, #tpu.memory_space<vmem>>
      %gather3A_434 = tpu.memref_squeeze %gather3A_433 : memref<1x64x128xf32, #tpu.memory_space<vmem>> -> memref<64x128xf32, #tpu.memory_space<vmem>>
      %gather3A_435 = tpu.vector_load_idx %gather3A_434[%add3A_430, %add3A_427] : memref<64x128xf32, #tpu.memory_space<vmem>>[vector<16xi32>, vector<16xi32>], vector<16xf32>,
      %swap3A_436 = arith.index_cast %add3A_416 : i32 to index
      %swap3A_437 = arith.constant 0 : index
      %swap3A_438 = tpu.vector_load %arg8[%swap3A_436, %swap3A_437] {strides = array<i32>} : memref<32x64xf32, #tpu.memory_space<vmem>>, vector<16xf32>,
      tpu.vector_store %arg8[%swap3A_436, %swap3A_437], %gather3A_435 {strides = array<i32>} : memref<32x64xf32, #tpu.memory_space<vmem>>, vector<16xf32>,
      %add3A_439 = arith.constant 16 : i32
      %add3A_440 = vector.broadcast %add3A_439 : i32 to vector<16xi32>
      %add3A_441 = arith.addi %iota3A, %add3A_440 : vector<16xi32>
      %gather3A_442 = arith.constant 0 : i32
      %gather3A_443 = arith.constant 0 : i32
      %gather3A_444 = tpu.memref_slice %arg7[%add3A_418, %gather3A_442, %gather3A_443] : memref<12x64x128xf32, #tpu.memory_space<vmem>> -> memref<1x64x128xf32, #tpu.memory_space<vmem>>
      %gather3A_445 = tpu.memref_squeeze %gather3A_444 : memref<1x64x128xf32, #tpu.memory_space<vmem>> -> memref<64x128xf32, #tpu.memory_space<vmem>>
      %gather3A_446 = tpu.vector_load_idx %gather3A_445[%add3A_441, %add3A_427] : memref<64x128xf32, #tpu.memory_space<vmem>>[vector<16xi32>, vector<16xi32>], vector<16xf32>,
      %swap3A_447 = arith.index_cast %add3A_416 : i32 to index
      %swap3A_448 = arith.constant 16 : index
      %swap3A_449 = tpu.vector_load %arg8[%swap3A_447, %swap3A_448] {strides = array<i32>} : memref<32x64xf32, #tpu.memory_space<vmem>>, vector<16xf32>,
      tpu.vector_store %arg8[%swap3A_447, %swap3A_448], %gather3A_446 {strides = array<i32>} : memref<32x64xf32, #tpu.memory_space<vmem>>, vector<16xf32>,
      %add3A_450 = arith.constant 32 : i32
      %add3A_451 = vector.broadcast %add3A_450 : i32 to vector<16xi32>
      %add3A_452 = arith.addi %iota3A, %add3A_451 : vector<16xi32>
      %gather3A_453 = arith.constant 0 : i32
      %gather3A_454 = arith.constant 0 : i32
      %gather3A_455 = tpu.memref_slice %arg7[%add3A_418, %gather3A_453, %gather3A_454] : memref<12x64x128xf32, #tpu.memory_space<vmem>> -> memref<1x64x128xf32, #tpu.memory_space<vmem>>
      %gather3A_456 = tpu.memref_squeeze %gather3A_455 : memref<1x64x128xf32, #tpu.memory_space<vmem>> -> memref<64x128xf32, #tpu.memory_space<vmem>>
      %gather3A_457 = tpu.vector_load_idx %gather3A_456[%add3A_452, %add3A_427] : memref<64x128xf32, #tpu.memory_space<vmem>>[vector<16xi32>, vector<16xi32>], vector<16xf32>,
      %swap3A_458 = arith.index_cast %add3A_416 : i32 to index
      %swap3A_459 = arith.constant 32 : index
      %swap3A_460 = tpu.vector_load %arg8[%swap3A_458, %swap3A_459] {strides = array<i32>} : memref<32x64xf32, #tpu.memory_space<vmem>>, vector<16xf32>,
      tpu.vector_store %arg8[%swap3A_458, %swap3A_459], %gather3A_457 {strides = array<i32>} : memref<32x64xf32, #tpu.memory_space<vmem>>, vector<16xf32>,
      %add3A_461 = arith.constant 48 : i32
      %add3A_462 = vector.broadcast %add3A_461 : i32 to vector<16xi32>
      %add3A_463 = arith.addi %iota3A, %add3A_462 : vector<16xi32>
      %gather3A_464 = arith.constant 0 : i32
      %gather3A_465 = arith.constant 0 : i32
      %gather3A_466 = tpu.memref_slice %arg7[%add3A_418, %gather3A_464, %gather3A_465] : memref<12x64x128xf32, #tpu.memory_space<vmem>> -> memref<1x64x128xf32, #tpu.memory_space<vmem>>
      %gather3A_467 = tpu.memref_squeeze %gather3A_466 : memref<1x64x128xf32, #tpu.memory_space<vmem>> -> memref<64x128xf32, #tpu.memory_space<vmem>>
      %gather3A_468 = tpu.vector_load_idx %gather3A_467[%add3A_463, %add3A_427] : memref<64x128xf32, #tpu.memory_space<vmem>>[vector<16xi32>, vector<16xi32>], vector<16xf32>,
      %swap3A_469 = arith.index_cast %add3A_416 : i32 to index
      %swap3A_470 = arith.constant 48 : index
      %swap3A_471 = tpu.vector_load %arg8[%swap3A_469, %swap3A_470] {strides = array<i32>} : memref<32x64xf32, #tpu.memory_space<vmem>>, vector<16xf32>,
      tpu.vector_store %arg8[%swap3A_469, %swap3A_470], %gather3A_468 {strides = array<i32>} : memref<32x64xf32, #tpu.memory_space<vmem>>, vector<16xf32>,
      %rem3A_472 = arith.constant 2 : i32
      %rem3A_473 = arith.remsi %scan3A_165, %rem3A_472 : i32
      %eq3A = arith.constant 1 : i32
      %eq3A_474 = arith.cmpi eq, %rem3A_473, %eq3A : i32
      %convert_element_type3A_475 = arith.extui %eq3A_474 : i1 to i32
      %cond3A_476 = arith.constant 0 : i32
      %cond3A_477 = arith.cmpi ne, %convert_element_type3A_475, %cond3A_476 : i32
      scf.if %cond3A_477 {
        %sub3A_478 = arith.constant 4 : i32
        %sub3A_479 = arith.subi %mul3A_167, %sub3A_478 : i32
        %add3A_480 = arith.addi %mul3A_2, %sub3A_479 : i32
        %multiple_of3A_481 = tpu.assume_multiple %add3A_480, 8 : i32
        %dma_start3A_482 = arith.constant 0 : i32
        %dma_start3A_483 = tpu.memref_slice %arg8[%sub3A_479, %dma_start3A_482] : memref<32x64xf32, #tpu.memory_space<vmem>> -> memref<8x64xf32, #tpu.memory_space<vmem>>
        %dma_start3A_484 = arith.constant 0 : i32
        %dma_start3A_485 = tpu.memref_slice %arg4[%multiple_of3A_481, %dma_start3A_484] : memref<1024x64xf32, #tpu.memory_space<hbm>> -> memref<8x64xf32, #tpu.memory_space<hbm>>
        %dma_start3A_486 = arith.constant 0 : i32
        %dma_start3A_487 = tpu.memref_slice %arg4[%multiple_of3A_481, %dma_start3A_486] : memref<1024x64xf32, #tpu.memory_space<hbm>> -> memref<8x64xf32, #tpu.memory_space<hbm>>
        %dma_start3A_488 = arith.constant 0 : i32
        %dma_start3A_489 = tpu.memref_slice %arg8[%sub3A_479, %dma_start3A_488] : memref<32x64xf32, #tpu.memory_space<vmem>> -> memref<8x64xf32, #tpu.memory_space<vmem>>
        tpu.enqueue_dma source(%dma_start3A_489 : memref<8x64xf32, #tpu.memory_space<vmem>>) target(%dma_start3A_487 : memref<8x64xf32, #tpu.memory_space<hbm>>) target_semaphore(%arg10 : memref<!tpu.dma_semaphore, #tpu.memory_space<semaphore_mem>>)
      } else {
      }
    }
    %scan3A_125 = arith.constant 8 : i32
    %dma_wait3A = arith.constant 0 : i32
    %dma_wait3A_126 = arith.constant 0 : i32
    %dma_wait3A_127 = tpu.memref_slice %arg8[%dma_wait3A, %dma_wait3A_126] : memref<32x64xf32, #tpu.memory_space<vmem>> -> memref<8x64xf32, #tpu.memory_space<vmem>>
    %dma_wait3A_128 = arith.constant 0 : i32
    %dma_wait3A_129 = tpu.memref_slice %arg4[%mul3A_2, %dma_wait3A_128] : memref<1024x64xf32, #tpu.memory_space<hbm>> -> memref<8x64xf32, #tpu.memory_space<hbm>>
    %dma_wait3A_130 = arith.constant 0 : i32
    %dma_wait3A_131 = tpu.memref_slice %arg4[%mul3A_2, %dma_wait3A_130] : memref<1024x64xf32, #tpu.memory_space<hbm>> -> memref<8x64xf32, #tpu.memory_space<hbm>>
    %dma_wait3A_132 = arith.constant 0 : i32
    %dma_wait3A_133 = arith.constant 0 : i32
    %dma_wait3A_134 = tpu.memref_slice %arg8[%dma_wait3A_132, %dma_wait3A_133] : memref<32x64xf32, #tpu.memory_space<vmem>> -> memref<8x64xf32, #tpu.memory_space<vmem>>
    tpu.wait_dma2 semaphore(%arg10 : memref<!tpu.dma_semaphore, #tpu.memory_space<semaphore_mem>>) src(%dma_wait3A_134 : memref<8x64xf32, #tpu.memory_space<vmem>>) dst(%dma_wait3A_131 : memref<8x64xf32, #tpu.memory_space<hbm>>)
    %dma_wait3A_135 = arith.constant 0 : i32
    %dma_wait3A_136 = arith.constant 0 : i32
    %dma_wait3A_137 = tpu.memref_slice %arg8[%dma_wait3A_135, %dma_wait3A_136] : memref<32x64xf32, #tpu.memory_space<vmem>> -> memref<8x64xf32, #tpu.memory_space<vmem>>
    %dma_wait3A_138 = arith.constant 0 : i32
    %dma_wait3A_139 = tpu.memref_slice %arg4[%mul3A_2, %dma_wait3A_138] : memref<1024x64xf32, #tpu.memory_space<hbm>> -> memref<8x64xf32, #tpu.memory_space<hbm>>
    %dma_wait3A_140 = arith.constant 0 : i32
    %dma_wait3A_141 = tpu.memref_slice %arg4[%mul3A_2, %dma_wait3A_140] : memref<1024x64xf32, #tpu.memory_space<hbm>> -> memref<8x64xf32, #tpu.memory_space<hbm>>
    %dma_wait3A_142 = arith.constant 0 : i32
    %dma_wait3A_143 = arith.constant 0 : i32
    %dma_wait3A_144 = tpu.memref_slice %arg8[%dma_wait3A_142, %dma_wait3A_143] : memref<32x64xf32, #tpu.memory_space<vmem>> -> memref<8x64xf32, #tpu.memory_space<vmem>>
    tpu.wait_dma2 semaphore(%arg10 : memref<!tpu.dma_semaphore, #tpu.memory_space<semaphore_mem>>) src(%dma_wait3A_144 : memref<8x64xf32, #tpu.memory_space<vmem>>) dst(%dma_wait3A_141 : memref<8x64xf32, #tpu.memory_space<hbm>>)
    %dma_wait3A_145 = arith.constant 0 : i32
    %dma_wait3A_146 = arith.constant 0 : i32
    %dma_wait3A_147 = tpu.memref_slice %arg8[%dma_wait3A_145, %dma_wait3A_146] : memref<32x64xf32, #tpu.memory_space<vmem>> -> memref<8x64xf32, #tpu.memory_space<vmem>>
    %dma_wait3A_148 = arith.constant 0 : i32
    %dma_wait3A_149 = tpu.memref_slice %arg4[%mul3A_2, %dma_wait3A_148] : memref<1024x64xf32, #tpu.memory_space<hbm>> -> memref<8x64xf32, #tpu.memory_space<hbm>>
    %dma_wait3A_150 = arith.constant 0 : i32
    %dma_wait3A_151 = tpu.memref_slice %arg4[%mul3A_2, %dma_wait3A_150] : memref<1024x64xf32, #tpu.memory_space<hbm>> -> memref<8x64xf32, #tpu.memory_space<hbm>>
    %dma_wait3A_152 = arith.constant 0 : i32
    %dma_wait3A_153 = arith.constant 0 : i32
    %dma_wait3A_154 = tpu.memref_slice %arg8[%dma_wait3A_152, %dma_wait3A_153] : memref<32x64xf32, #tpu.memory_space<vmem>> -> memref<8x64xf32, #tpu.memory_space<vmem>>
    tpu.wait_dma2 semaphore(%arg10 : memref<!tpu.dma_semaphore, #tpu.memory_space<semaphore_mem>>) src(%dma_wait3A_154 : memref<8x64xf32, #tpu.memory_space<vmem>>) dst(%dma_wait3A_151 : memref<8x64xf32, #tpu.memory_space<hbm>>)
    %dma_wait3A_155 = arith.constant 0 : i32
    %dma_wait3A_156 = arith.constant 0 : i32
    %dma_wait3A_157 = tpu.memref_slice %arg8[%dma_wait3A_155, %dma_wait3A_156] : memref<32x64xf32, #tpu.memory_space<vmem>> -> memref<8x64xf32, #tpu.memory_space<vmem>>
    %dma_wait3A_158 = arith.constant 0 : i32
    %dma_wait3A_159 = tpu.memref_slice %arg4[%mul3A_2, %dma_wait3A_158] : memref<1024x64xf32, #tpu.memory_space<hbm>> -> memref<8x64xf32, #tpu.memory_space<hbm>>
    %dma_wait3A_160 = arith.constant 0 : i32
    %dma_wait3A_161 = tpu.memref_slice %arg4[%mul3A_2, %dma_wait3A_160] : memref<1024x64xf32, #tpu.memory_space<hbm>> -> memref<8x64xf32, #tpu.memory_space<hbm>>
    %dma_wait3A_162 = arith.constant 0 : i32
    %dma_wait3A_163 = arith.constant 0 : i32
    %dma_wait3A_164 = tpu.memref_slice %arg8[%dma_wait3A_162, %dma_wait3A_163] : memref<32x64xf32, #tpu.memory_space<vmem>> -> memref<8x64xf32, #tpu.memory_space<vmem>>
    tpu.wait_dma2 semaphore(%arg10 : memref<!tpu.dma_semaphore, #tpu.memory_space<semaphore_mem>>) src(%dma_wait3A_164 : memref<8x64xf32, #tpu.memory_space<vmem>>) dst(%dma_wait3A_161 : memref<8x64xf32, #tpu.memory_space<hbm>>)
    return
  }
}

</mosaic_0001>

<sc_bundles>
// kernel: kernel.3.cloned.1.call-start
scs
__scs_entry_jumppad:
0x0: {  	(pc) =	sbr.rel $0x88, $3  }
0x1: {  	(tag) =	ssettag $0x0;
	lr =	simm.s32 $0x1  }
0x2: {  	[smem:$0x3F9F] =	sst lr;
	_ =	strace $0xD0000000  }
0x3: {  	_ = 	snop  }
0x4: {  	_ = 	snop  }
0x5: {  	_ = 	snop  }
0x6: {  	_ = 	snop  }
0x7: {  	_ = 	snop  }
__scs_overlays_trampoline_lowered:
0x8: {  	[smem:$0x3FAE] =	sst s0  }
0x9: {  	[smem:$0x3FAF] =	sst s1  }
0xa: {  	[smem:$0x3FB0] =	sst s2  }
0xb: {  	[smem:$0x3FB1] =	sst s3  }
0xc: {  	[smem:$0x3FB2] =	sst s4  }
0xd: {  	[smem:$0x3FB3] =	sst s5  }
0xe: {  	[smem:$0x3FB4] =	sst s6  }
0xf: {  	[smem:$0x3FB5] =	sst s7  }
0x10: {  	[smem:$0x3FB6] =	sst s8  }
0x11: {  	[smem:$0x3FB7] =	sst s9;
	s0 =	simm.s32 @!p0 $0x0  }
0x12: {  	s1 =	sld [smem:$0x3F9D];
	s0 =	simm.s32 @p0 $0x1  }
0x13: {  	[smem:$0x3FB8] =	sst s0;
	s0 =	simm.s32 @!p1 $0x0  }
0x14: {  	s2 =	sld [smem:$0x3F9C];
	s0 =	simm.s32 @p1 $0x1  }
0x15: {  	[smem:$0x3FB9] =	sst s0;
	s0 =	simm.s32 @!p2 $0x0  }
0x16: {  	s3 =	sld [smem:$0x3FDB];
	s0 =	simm.s32 @p2 $0x1  }
0x17: {  	s4 =	simm.s32 $0x1BF5;
	[smem:$0x3FBB] =	sst s0  }
0x18: {  	s0 =	sld [smem:$0x3F9E];
	_ =	swait.ge [sflag:s4], $0x0  }
0x19: {  	s7 =	sld [smem:$0x3F9F]  }
0x1a: {  	s8 =	sadd.s32 $0xFFFFE003, lr  }
0x1b: {  	s9 =	sadd.s32 $0xFFFFFEF7, lr;
	s5 =	simm.s32 $0xFFFFFFFF;
	p2 =	slt.u32 s8, $0xFFFFF086  }
0x1c: {  	p1 =	slt.u32 s9, $0xF7A;
	s5 =	simm.s32 @!p2 $0x0  }
0x1d: {  	s5 =	simm.s32 @p1 $0x1;
	p0 =	seq.s32 s7, s2  }
0x1e: {  	s7 =	smul.u32 @!p0 $0xF7A, s2;
	p2 =	seq.s32 @!p0 s5, $0x0  }
0x1f: {  	s9 =	smul.u32 $0xF7A, s1;
	s8 =	simm.s32 @!p0 $0x1BF5;
	p2 =	por !p2, p0  }
0x20: {  	[sflag:s8] =	ssyncset.s32 @!p0 $0xFFFFF086;
	s6 =	sadd.s32 @!p0 s3, s7;
	s7 =	simm.s32 @!p0 $0x108  }
0x21: {  	s3 =	sadd.s32 s3, s9;
	s6 =	sadd.s32 @!p0 $0x88, s6;
	s7 =	simm.s32 @p2 $0x1082  }
0x22: {  	[simem:s7], [sflag:s8] =	dma.local @!p0 [hbm:s6], $0xF7A  }
0x23: {  	s9 =	sor.u32 $0xD0000000, s2;
	s6 =	simm.s32 $0x108;
	_ =	swait.ge @!p0 [sflag:s8], $0x0  }
0x24: {  	s3 =	sadd.s32 $0x88, s3;
	s6 =	simm.s32 @!p1 $0x1082;
	[sflag:s4] =	ssyncset.s32 $0xFFFFF086  }
0x25: {  	[simem:s6], [sflag:s4] =	dma.local [hbm:s3], $0xF7A  }
0x26: {  	[smem:$0x3F9F] =	sst s1;
	(tag) =	ssettag s2;
	_ =	strace s9  }
0x27: {  	s1 =	sld [smem:$0x3FAF]  }
0x28: {  	s2 =	sld [smem:$0x3FB0]  }
0x29: {  	s4 =	sld [smem:$0x3FB2]  }
0x2a: {  	p0 =	seq.s32 s5, $0x0;
	s5 =	sld [smem:$0x3FB3]  }
0x2b: {  	s6 =	sld [smem:$0x3FB4]  }
0x2c: {  	s7 =	sld [smem:$0x3FB5]  }
0x2d: {  	s3 =	simm.s32 $0x108;
	s8 =	sld [smem:$0x3FB6]  }
0x2e: {  	s3 =	simm.s32 @!p0 $0x1082;
	s9 =	sld [smem:$0x3FB7]  }
0x2f: {  	lr =	sadd.s32 s0, s3;
	s0 =	sld [smem:$0x3FAE]  }
0x30: {  	s3 =	sld [smem:$0x3FB1]  }
0x31: {  	[smem:$0x3FBA] =	sst s10  }
0x32: {  	s10 =	sld [smem:$0x3FB8];
	_ =	sdelay $0x3  }
0x33: {  	p0 =	seq.s32 s10, $0x1;
	s10 =	sld [smem:$0x3FBA];
	_ =	sdelay $0x3  }
0x34: {  	[smem:$0x3FBA] =	sst s10  }
0x35: {  	s10 =	sld [smem:$0x3FB9];
	_ =	sdelay $0x3  }
0x36: {  	p1 =	seq.s32 s10, $0x1;
	s10 =	sld [smem:$0x3FBA];
	_ =	sdelay $0x3  }
0x37: {  	[smem:$0x3FBA] =	sst s10  }
0x38: {  	s10 =	sld [smem:$0x3FBB]  }
0x39: {  	_ = 	snop;
	(pc) =	sbr.ind lr, $3  }
0x3a: {  	_ = 	snop  }
0x3b: {  	_ = 	snop  }
0x3c: {  	p2 =	seq.s32 s10, $0x1;
	s10 =	sld [smem:$0x3FBA]  }
0x3d: {  	_ =	shalt  }
0x3e: {  	_ =	shalt  }
0x3f: {  	_ =	shalt  }
0x40: {  	_ =	shalt  }
0x41: {  	_ =	shalt  }
0x42: {  	_ =	shalt  }
0x43: {  	_ =	shalt  }
0x44: {  	_ =	shalt  }
0x45: {  	_ =	shalt  }
0x46: {  	_ =	shalt  }
0x47: {  	_ =	shalt  }
0x48: {  	_ =	shalt  }
0x49: {  	_ =	shalt  }
0x4a: {  	_ =	shalt  }
0x4b: {  	_ =	shalt  }
0x4c: {  	_ =	shalt  }
0x4d: {  	_ =	shalt  }
0x4e: {  	_ =	shalt  }
0x4f: {  	_ =	shalt  }
0x50: {  	_ =	shalt  }
0x51: {  	_ =	shalt  }
0x52: {  	_ =	shalt  }
0x53: {  	_ =	shalt  }
0x54: {  	_ =	shalt  }
0x55: {  	_ =	shalt  }
0x56: {  	_ =	shalt  }
0x57: {  	_ =	shalt  }
0x58: {  	_ =	shalt  }
0x59: {  	_ =	shalt  }
0x5a: {  	_ =	shalt  }
0x5b: {  	_ =	shalt  }
0x5c: {  	_ =	shalt  }
0x5d: {  	_ =	shalt  }
0x5e: {  	_ =	shalt  }
0x5f: {  	_ =	shalt  }
0x60: {  	_ =	shalt  }
0x61: {  	_ =	shalt  }
0x62: {  	_ =	shalt  }
0x63: {  	_ =	shalt  }
0x64: {  	_ =	shalt  }
0x65: {  	_ =	shalt  }
0x66: {  	_ =	shalt  }
0x67: {  	_ =	shalt  }
0x68: {  	_ =	shalt  }
0x69: {  	_ =	shalt  }
0x6a: {  	_ =	shalt  }
0x6b: {  	_ =	shalt  }
0x6c: {  	_ =	shalt  }
0x6d: {  	_ =	shalt  }
0x6e: {  	_ =	shalt  }
0x6f: {  	_ =	shalt  }
0x70: {  	_ =	shalt  }
0x71: {  	_ =	shalt  }
0x72: {  	_ =	shalt  }
0x73: {  	_ =	shalt  }
0x74: {  	_ =	shalt  }
0x75: {  	_ =	shalt  }
0x76: {  	_ =	shalt  }
0x77: {  	_ =	shalt  }
0x78: {  	_ =	shalt  }
0x79: {  	_ =	shalt  }
0x7a: {  	_ =	shalt  }
0x7b: {  	_ =	shalt  }
0x7c: {  	_ =	shalt  }
0x7d: {  	_ =	shalt  }
0x7e: {  	_ =	shalt  }
0x7f: {  	_ =	shalt  }
0x80: {  	_ =	shalt  }
0x81: {  	_ =	shalt  }
0x82: {  	_ =	shalt  }
0x83: {  	_ =	shalt  }
0x84: {  	_ =	shalt  }
0x85: {  	_ =	shalt  }
0x86: {  	_ =	shalt  }
0x87: {  	_ =	shalt  }
.Lfunc_end0:
.L_simem_size_0:
called_computation_lowered:
.L_overlay_start_0:
0x88: {  	s2 =	sld [smem:$0x3FD9]  }
0x89: {  	s3 =	sld [smem:$0x3FFE];
	_ =	sdelay $0x1  }
0x8a: {  	s1 =	srdreg.scid  }
0x8b: {  	s0 =	sand.u32 $0x1, s1  }
0x8c: {  	s17 =	sshll.u32 s0, $0xA;
	s2 =	sadd.s32 s3, s2  }
0x8d: {  	s2 =	sadd.s32 s2, s17  }
0x8e: {  	[smem:$0x3FC6] =	sst s2  }
0x8f: {  	_ = 	snop  }
0x90: {  	s2 =	sld [smem:$0x3FC9]  }
0x91: {  	s18 =	sld [smem:$0x3FC8];
	(tm) =	ssettm $0x1  }
0x92: {  	s4 =	sld [smem:$0x3FFB];
	_ =	sdelay $0x3  }
0x93: {  	_ =	strace s4  }
0x94: {  	s4 =	sld [smem:$0x3FFC];
	_ =	sdelay $0x3  }
0x95: {  	_ =	strace s4  }
0x96: {  	s4 =	sld [smem:$0x3FFD];
	_ =	sdelay $0x3  }
0x97: {  	_ =	strace s4  }
0x98: {  	_ =	strace $0x8FFFFFFF  }
0x99: {  	s19 =	sld [smem:$0x3FDB];
	_ =	sdelay $0x1  }
0x9a: {  	s5 =	simm.s32 $_scs_section_size  }
0x9b: {  	s6 =	simm.s32 $_size__tile_overlayer_lowered;
	s7 =	simm.s32 $_tile_overlayer_lowered  }
0x9c: {  	s22 =	simm.s32 $0x1BFF;
	s21 =	sshll.u32 s7, $0x1;
	s4 =	sadd.s32 s5, s19  }
0x9d: {  	s8 =	simm.s32 $0x0;
	s20 =	sshll.u32 s6, $0x1;
	s6 =	sadd.s32 s21, s4  }
0x9e: {  	[timem:s8], [sflag:s22] =	dma.local [hbm:s6], s20  }
0x9f: {  	_ =	swait.ge [sflag:s22], s20  }
0xa0: {  	s5 =	ssub.s32 $0x0, s20;
	[sflag:s22] =	ssyncset.done $0x0  }
0xa1: {  	[sflag:s22] =	ssyncadd.s32 s5;
	_ =	sdelay $0x1  }
0xa2: {  	s23 =	simm.s32 $0x1B8B  }
0xa3: {  	_ =	swait.ge [sflag:s23], $0x1  }
0xa4: {  	[sflag:s23] =	ssyncset.done $0x0  }
0xa5: {  	s25 =	simm.s32 $0x1B8E;
	s24 =	sld [smem:$0x3FFE];
	[sflag:s23] =	ssyncadd.s32 $0xFFFFFFFF  }
0xa6: {  	s26 =	simm.s32 $execute0_lowered;
	[smem:$0x3FD2] =	sst s25  }
0xa7: {  	s6 =	sshll.u32 s26, $0x1;
	_ =	strace $0x80000046;
	[dreg:$0x1] =	wrdreg $0xFFFFFFFF  }
0xa8: {  	s28 =	simm.s32 $_size_execute0_lowered;
	s4 =	sadd.s32 s4, s6;
	[dreg:$0x0] =	wrdreg $0x0  }
0xa9: {  	s6 =	sshll.u32 s28, $0x1;
	[dreg:$0x2] =	wrdreg s4  }
0xaa: {  	[dreg:$0x3] =	wrdreg s6  }
0xab: {  	[dreg:$0x4] =	wrdreg $0xC0  }
0xac: {  	_ =	task [dreg:s8], $0x5FFFF  }
0xad: {  	[dreg:$0x1] =	wrdreg $0xFFFFFFFF  }
0xae: {  	[dreg:$0x0] =	wrdreg $0x60  }
0xaf: {  	[dreg:$0x2] =	wrdreg s2  }
0xb0: {  	[dreg:$0x3] =	wrdreg s18  }
0xb1: {  	[dreg:$0x4] =	wrdreg s24  }
0xb2: {  	[dreg:$0x5] =	wrdreg $0x9  }
0xb3: {  	_ =	task.clear_ibuf [dreg:s8], $0x6FFFF;
	_ =	strace $0x90000046  }
0xb4: {  	s29 =	simm.s32 $0x9;
	_ =	strace $0x80000048  }
0xb5: {  	_ =	swait.ge [sflag:s29], $0x1  }
0xb6: {  	[sflag:s29] =	ssyncadd.s32 $0xFFFFFFFF  }
0xb7: {  	_ =	strace $0x90000048  }
0xb8: {  	_ =	sfence  }
0xb9: {  	s30 =	sld [smem:$0x0];
	_ =	sdelay $0x2  }
0xba: {  	s31 =	sshll.u32 s1, $0xD;
	s1 =	sshrl.u32 s1, $0x2  }
0xbb: {  	s3 =	sand.u32 $0x4000, s31;
	s1 =	sadd.s32 s1, s30  }
0xbc: {  	s0 =	sor.u32 s3, s0;
	s1 =	sshll.u32 s1, $0x11  }
0xbd: {  	s0 =	sor.u32 s1, s0  }
0xbe: {  	s0 =	sadd.s32 $0x8F2B, s0  }
0xbf: {  	[sflag:s0] =	ssyncadd.remote.s32 $0x1  }
0xc0: {  	_ =	sfence.sel $0xFFFF  }
0xc1: {  	[dreg:$0x0] =	wrdreg $0xFFFFFFFF;
	(pc) =	sbr.abs _section_cstart, $3  }
0xc2: {  	[dreg:$0x1] =	wrdreg $0xFFFFFFFF  }
0xc3: {  	_ =	task.clear_ibuf [dreg:s8], $0x2FFFF;
	_ =	strace $0x9FFFFFFF  }
0xc4: {  	(tm) =	ssettm $0x7FFFFFFF  }
0xc5: {  	_ =	shalt  }
tec
execute0_lowered:
.L_overlay_start_1:
0x0: {  	(tag) =	ssettag $0x1  }
0x1: {  	v0 =	vimm.s32 $0x76543210  }
0x2: {  	v0 =	vunpack.c.l.s4.s8 v0  }
0x3: {  	vm0 =	vcmask $0x1F00;
	v6 =	vimm.s32 $0x1  }
0x4: {  	v7 =	vimm.s32 $0x2;
	v8 =	vimm.s32 $0x3;
	v0 =	vunpack.c.0.s8.s32 v0  }
0x5: {  	v12 =	vimm.s32 $0x4;
	v14 =	vimm.s32 $0x5;
	v15 =	vimm.s32 $0x6  }
0x6: {  	v16 =	vimm.s32 $0x7;
	v0 =	vnsel vm0, $0x1877, v0;
	vm0 =	vcmask $0x2320  }
0x7: {  	v17 =	vimm.s32 $0x8;
	v0 =	vsel vm0, $0x1870, v0;
	vm0 =	vcmask $0x2724  }
0x8: {  	v22 =	vimm.s32 $0x9;
	v0 =	vsel vm0, $0x1871, v0;
	vm0 =	vcmask $0x2B28  }
0x9: {  	v24 =	vimm.s32 $0xA;
	v0 =	vsel vm0, $0x1872, v0;
	vm0 =	vcmask $0x2F2C  }
0xa: {  	v25 =	vimm.s32 $0xB;
	v0 =	vsel vm0, $0x1873, v0;
	vm0 =	vcmask $0x3330  }
0xb: {  	s0 =	rddreg [dreg:$0x0];
	v26 =	vimm.s32 $0xC;
	v1 =	vsel vm0, $0x1874, v0;
	vm0 =	vcmask $0x3734  }
0xc: {  	s2 =	rddreg [dreg:$0x1];
	v27 =	vimm.s32 $0xD;
	v2 =	vsel vm0, $0x1875, v1;
	vm0 =	vcmask $0x3B38  }
0xd: {  	s1 =	rddreg [dreg:$0x2];
	s3 =	simm.s32 $0x0;
	v28 =	vimm.s32 $0xE;
	v31 =	vsel vm0, $0x1876, v2;
	v2 =	vimm.s32 $0x0  }
0xe: {  	s6 =	stileid.u32;
	s5 =	srdreg.scid;
	s31 =	simm.s32 $0xF400;
	v29 =	vimm.s32 $0xF;
	v9 =	vperm.xlane v31, v2;
	v10 =	vperm.xlane v31, v6  }
0xf: {  	s9 =	simm.s32 $0xFB80;
	s10 =	simm.s32 $0xF500;
	s11 =	simm.s32 $0xFA80;
	v0 =	vlaneseq.u32;
	v11 =	vperm.xlane v31, v7;
	v13 =	vperm.xlane v31, v8  }
0x10: {  	s12 =	simm.s32 $0xF580;
	s13 =	simm.s32 $0xF600;
	s14 =	simm.s32 $0xF900;
	v1 =	vor.u32 $0x10, v0;
	v18 =	vperm.xlane v31, v12;
	v19 =	vperm.xlane v31, v14  }
0x11: {  	s15 =	simm.s32 $0xF880;
	s16 =	simm.s32 $0xF680;
	s17 =	simm.s32 $0xF700;
	v3 =	vor.u32 $0x20, v0;
	v20 =	vperm.xlane v31, v15;
	v21 =	vperm.xlane v31, v16  }
0x12: {  	s18 =	simm.s32 $0xF780;
	s19 =	simm.s32 $0xF800;
	s20 =	simm.s32 $0x1;
	v4 =	vor.u32 $0x30, v0;
	v23 =	vperm.xlane v31, v17;
	v30 =	vperm.xlane v31, v22  }
0x13: {  	s21 =	simm.s32 $0x2;
	s22 =	simm.s32 $0x0;
	[smem:$0x7FF] =	sst s3;
	v5 =	vmul.u32 $0x8, v0;
	v32 =	vperm.xlane v31, v24;
	v33 =	vperm.xlane v31, v25  }
0x14: {  	s4 =	sshll.u32 s6, $0xA;
	s30 =	sand.u32 $0x1, s5;
	s6 =	sshll.u32 s6, $0x6;
	vm0 =	vmmov $0x1;
	v34 =	vperm.xlane v31, v26;
	v35 =	vperm.xlane v31, v27  }
0x15: {  	_ =	strace $0x80000047;
	s1 =	sadd.s32 s4, s1;
	s5 =	ssub.s32 $0x2, s30;
	v36 =	vperm.xlane v31, v28;
	v37 =	vperm.xlane v31, v29;
	v9 =	vadd.s32 v5, v9  }
.Ltmp0:
0x16: {  	s7 =	sshll.u32 s30, $0x5;
	s4 =	sshll.u32 s30, $0x9;
	v10 =	vadd.s32 v5, v10;
	v11 =	vadd.s32 v5, v11;
	v13 =	vadd.s32 v5, v13;
	(pc) =	sbr.rel .LBB2_1-.Ltmp0, $4  }
0x17: {  	s8 =	sshrl.u32 s5, $0x1;
	s6 =	sor.u32 s7, s6;
	s1 =	sadd.s32 s4, s1;
	v18 =	vadd.s32 v5, v18;
	v19 =	vadd.s32 v5, v19;
	v20 =	vadd.s32 v5, v20  }
0x18: {  	s7 =	simm.s32 $0x3;
	s5 =	ssub.s32 s5, s8;
	s6 =	sshrl.u32 s6, $0x3;
	v21 =	vadd.s32 v5, v21;
	v23 =	vadd.s32 v5, v23;
	v30 =	vadd.s32 v5, v30  }
0x19: {  	s25 =	sadd.s32 $0x3C0, s1;
	s1 =	simm.s32 $0xFC00;
	s8 =	simm.s32 $0xF480;
	v31 =	vadd.s32 v5, v32;
	v32 =	vadd.s32 v5, v33;
	v33 =	vadd.s32 v5, v34  }
0x1a: {  	s4 =	sadd.s32 s0, s6;
	s5 =	smax.u32 s5, $0x1;
	s0 =	simm.s32 $0xFC80;
	v34 =	vadd.s32 v5, v35;
	v35 =	vadd.s32 v5, v36;
	v36 =	vadd.s32 v5, v37  }
.LBB2_5:
0x1b: {  	_ =	swait.ge [sflag:s21], $0x400  }
0x1c: {  	[sflag:s21] =	ssyncset.done $0x0  }
0x1d: {  	[sflag:s21] =	ssyncadd.s32 $0xFFFFFC00  }
0x1e: {  	_ =	swait.ge [sflag:s21], $0x400  }
0x1f: {  	[sflag:s21] =	ssyncset.done $0x0  }
0x20: {  	s22 =	sadd.s32 $0x1, s22;
	[sflag:s21] =	ssyncadd.s32 $0xFFFFFC00  }
0x21: {  	p0 =	sne.s32 s22, s5;
	_ =	swait.ge [sflag:s21], $0x400  }
.Ltmp1:
0x22: {  	[sflag:s21] =	ssyncset.done $0x0;
	(pc) =	sbr.rel @!p0 .LBB2_6-.Ltmp1, $4  }
0x23: {  	[sflag:s21] =	ssyncadd.s32 $0xFFFFFC00  }
0x24: {  	_ =	swait.ge [sflag:s21], $0x400  }
0x25: {  	[sflag:s21] =	ssyncset.done $0x0  }
0x26: {  	[sflag:s21] =	ssyncadd.s32 $0xFFFFFC00  }
.LBB2_1:
0x27: {  	[tilespmem:s3], [sflag:$0x3] =	stream.linear.gather [hbm4b:s4+s3], $0x20, $0x38;
	[tilespmem:$0x19100] =	vst v63  }
0x28: {  	_ =	swait.ge [sflag:s7], $0x20  }
0x29: {  	[sflag:s7] =	ssyncset.done $0x0  }
0x2a: {  	[sflag:s7] =	ssyncadd.s32 $0xFFFFFFE0  }
0x2b: {  	v37 =	vld [tilespmem:$0x0];
	_ =	sdelay $0x4  }
0x2c: {  	(v2sf) =	vpush v37, $0x0;
	_ =	sdelay $0xd  }
0x2d: {  	[tilespmem:$0x80] =	vst v0  }
0x2e: {  	[tilespmem:$0x90] =	vst v1;
	s6 =	spop (v2sf)  }
0x2f: {  	[tilespmem:$0xA0] =	vst v3;
	s6 =	sand.u32 $0xFFFFF80, s6  }
0x30: {  	s23 =	simm.s32 $0x100;
	[tilespmem:$0xB0] =	vst v4;
	s6 =	sadd.s32 s2, s6  }
0x31: {  	[tilespmem:s23], [sflag:$0x1] =	stream.indirect_vreg.gather [hbm4b:s6+s3], $0x80, v9, vm0, $0xb8;
	[tilespmem:$0x19100] =	vst v63  }
0x32: {  	s28 =	simm.s32 $0x180  }
0x33: {  	[tilespmem:s28], [sflag:$0x1] =	stream.indirect_vreg.gather [hbm4b:s6+s3], $0x80, v10, vm0, $0xb8;
	[tilespmem:$0x19100] =	vst v63  }
0x34: {  	s29 =	simm.s32 $0x200  }
0x35: {  	[tilespmem:s29], [sflag:$0x1] =	stream.indirect_vreg.gather [hbm4b:s6+s3], $0x80, v11, vm0, $0xb8;
	[tilespmem:$0x19100] =	vst v63  }
0x36: {  	s30 =	simm.s32 $0x280  }
0x37: {  	[tilespmem:s30], [sflag:$0x1] =	stream.indirect_vreg.gather [hbm4b:s6+s3], $0x80, v13, vm0, $0xb8;
	[tilespmem:$0x19100] =	vst v63  }
0x38: {  	s24 =	simm.s32 $0x300  }
0x39: {  	[tilespmem:s24], [sflag:$0x1] =	stream.indirect_vreg.gather [hbm4b:s6+s3], $0x80, v18, vm0, $0xb8;
	[tilespmem:$0x19100] =	vst v63  }
0x3a: {  	s26 =	simm.s32 $0x380  }
0x3b: {  	[tilespmem:s26], [sflag:$0x1] =	stream.indirect_vreg.gather [hbm4b:s6+s3], $0x80, v19, vm0, $0xb8;
	[tilespmem:$0x19100] =	vst v63  }
0x3c: {  	s28 =	simm.s32 $0x400  }
0x3d: {  	[tilespmem:s28], [sflag:$0x1] =	stream.indirect_vreg.gather [hbm4b:s6+s3], $0x80, v20, vm0, $0xb8;
	[tilespmem:$0x19100] =	vst v63  }
0x3e: {  	s29 =	simm.s32 $0x480  }
0x3f: {  	[tilespmem:s29], [sflag:$0x1] =	stream.indirect_vreg.gather [hbm4b:s6+s3], $0x80, v21, vm0, $0xb8;
	[tilespmem:$0x19100] =	vst v63  }
0x40: {  	s30 =	simm.s32 $0x500  }
0x41: {  	[tilespmem:s30], [sflag:$0x1] =	stream.indirect_vreg.gather [hbm4b:s6+s3], $0x80, v23, vm0, $0xb8;
	[tilespmem:$0x19100] =	vst v63  }
0x42: {  	s24 =	simm.s32 $0x580  }
0x43: {  	[tilespmem:s24], [sflag:$0x1] =	stream.indirect_vreg.gather [hbm4b:s6+s3], $0x80, v30, vm0, $0xb8;
	[tilespmem:$0x19100] =	vst v63  }
0x44: {  	s26 =	simm.s32 $0x600  }
0x45: {  	[tilespmem:s26], [sflag:$0x1] =	stream.indirect_vreg.gather [hbm4b:s6+s3], $0x80, v31, vm0, $0xb8;
	[tilespmem:$0x19100] =	vst v63  }
0x46: {  	s28 =	simm.s32 $0x680  }
0x47: {  	[tilespmem:s28], [sflag:$0x1] =	stream.indirect_vreg.gather [hbm4b:s6+s3], $0x80, v32, vm0, $0xb8;
	[tilespmem:$0x19100] =	vst v63  }
0x48: {  	s29 =	simm.s32 $0x700  }
0x49: {  	[tilespmem:s29], [sflag:$0x1] =	stream.indirect_vreg.gather [hbm4b:s6+s3], $0x80, v33, vm0, $0xb8;
	[tilespmem:$0x19100] =	vst v63  }
0x4a: {  	s30 =	simm.s32 $0x780  }
0x4b: {  	[tilespmem:s30], [sflag:$0x1] =	stream.indirect_vreg.gather [hbm4b:s6+s3], $0x80, v34, vm0, $0xb8;
	[tilespmem:$0x19100] =	vst v63  }
0x4c: {  	s24 =	simm.s32 $0x800  }
0x4d: {  	[tilespmem:s24], [sflag:$0x1] =	stream.indirect_vreg.gather [hbm4b:s6+s3], $0x80, v35, vm0, $0xb8;
	[tilespmem:$0x19100] =	vst v63  }
0x4e: {  	s26 =	simm.s32 $0x880  }
0x4f: {  	[tilespmem:s26], [sflag:$0x1] =	stream.indirect_vreg.gather [hbm4b:s6+s3], $0x80, v36, vm0, $0xb8;
	[tilespmem:$0x19100] =	vst v63  }
0x50: {  	v38 =	vld [tilespmem:$0x90];
	_ =	sdelay $0x4  }
0x51: {  	v39 =	vshrl.u32 v38, $0x3  }
0x52: {  	v39 =	vmul.u32 $0x1870, v39  }
0x53: {  	v38 =	vand.u32 $0x7, v38  }
0x54: {  	v38 =	vor.u32 v38, v39  }
0x55: {  	v39 =	vperm.xlane v38, v2;
	_ =	sdelay $0x1  }
0x56: {  	v40 =	vperm.xlane v38, v6;
	v39 =	vadd.s32 v5, v39;
	_ =	sdelay $0x1  }
0x57: {  	v41 =	vperm.xlane v38, v7;
	v40 =	vadd.s32 v5, v40;
	_ =	sdelay $0x1  }
0x58: {  	s28 =	simm.s32 $0x900;
	v42 =	vperm.xlane v38, v8;
	v41 =	vadd.s32 v5, v41  }
0x59: {  	[tilespmem:s28], [sflag:$0x1] =	stream.indirect_vreg.gather [hbm4b:s6+s3], $0x80, v39, vm0, $0xb8;
	[tilespmem:$0x19100] =	vst v63  }
0x5a: {  	s29 =	simm.s32 $0x980;
	v45 =	vperm.xlane v38, v12;
	v63 =	vadd.s32 v5, v42  }
0x5b: {  	[tilespmem:s29], [sflag:$0x1] =	stream.indirect_vreg.gather [hbm4b:s6+s3], $0x80, v40, vm0, $0xb8;
	[tilespmem:$0x19100] =	vst v63  }
0x5c: {  	s30 =	simm.s32 $0xA00;
	v47 =	vperm.xlane v38, v14;
	v46 =	vadd.s32 v5, v45  }
0x5d: {  	[tilespmem:s30], [sflag:$0x1] =	stream.indirect_vreg.gather [hbm4b:s6+s3], $0x80, v41, vm0, $0xb8;
	[tilespmem:$0x19100] =	vst v63  }
0x5e: {  	s24 =	simm.s32 $0xA80;
	v49 =	vperm.xlane v38, v15;
	v48 =	vadd.s32 v5, v47  }
0x5f: {  	[tilespmem:s24], [sflag:$0x1] =	stream.indirect_vreg.gather [hbm4b:s6+s3], $0x80, v63, vm0, $0xb8;
	[tilespmem:$0x19100] =	vst v63  }
0x60: {  	s26 =	simm.s32 $0xB00;
	v51 =	vperm.xlane v38, v16;
	v50 =	vadd.s32 v5, v49  }
0x61: {  	[tilespmem:s26], [sflag:$0x1] =	stream.indirect_vreg.gather [hbm4b:s6+s3], $0x80, v46, vm0, $0xb8;
	[tilespmem:$0x19100] =	vst v63  }
0x62: {  	v53 =	vperm.xlane v38, v17;
	v52 =	vadd.s32 v5, v51;
	s28 =	simm.s32 $0xB80  }
0x63: {  	[tilespmem:s28], [sflag:$0x1] =	stream.indirect_vreg.gather [hbm4b:s6+s3], $0x80, v48, vm0, $0xb8;
	[tilespmem:$0x19100] =	vst v63  }
0x64: {  	v55 =	vperm.xlane v38, v22;
	v54 =	vadd.s32 v5, v53;
	s29 =	simm.s32 $0xC00  }
0x65: {  	[tilespmem:s29], [sflag:$0x1] =	stream.indirect_vreg.gather [hbm4b:s6+s3], $0x80, v50, vm0, $0xb8;
	[tilespmem:$0x19100] =	vst v63  }
0x66: {  	v57 =	vperm.xlane v38, v24;
	v56 =	vadd.s32 v5, v55;
	s30 =	simm.s32 $0xC80  }
0x67: {  	[tilespmem:s30], [sflag:$0x1] =	stream.indirect_vreg.gather [hbm4b:s6+s3], $0x80, v52, vm0, $0xb8;
	[tilespmem:$0x19100] =	vst v63  }
0x68: {  	v59 =	vperm.xlane v38, v25;
	v58 =	vadd.s32 v5, v57;
	s24 =	simm.s32 $0xD00  }
0x69: {  	[tilespmem:s24], [sflag:$0x1] =	stream.indirect_vreg.gather [hbm4b:s6+s3], $0x80, v54, vm0, $0xb8;
	[tilespmem:$0x19100] =	vst v63  }
0x6a: {  	v61 =	vperm.xlane v38, v26;
	v60 =	vadd.s32 v5, v59;
	s26 =	simm.s32 $0xD80  }
0x6b: {  	[tilespmem:s26], [sflag:$0x1] =	stream.indirect_vreg.gather [hbm4b:s6+s3], $0x80, v56, vm0, $0xb8;
	[tilespmem:$0x19100] =	vst v63  }
0x6c: {  	v62 =	vadd.s32 v5, v61;
	v63 =	vperm.xlane v38, v27;
	s28 =	simm.s32 $0xE00  }
0x6d: {  	[tilespmem:s28], [sflag:$0x1] =	stream.indirect_vreg.gather [hbm4b:s6+s3], $0x80, v58, vm0, $0xb8;
	[tilespmem:$0x19100] =	vst v63  }
0x6e: {  	v45 =	vadd.s32 v5, v63;
	v46 =	vperm.xlane v38, v28;
	s29 =	simm.s32 $0xE80  }
0x6f: {  	[tilespmem:s29], [sflag:$0x1] =	stream.indirect_vreg.gather [hbm4b:s6+s3], $0x80, v60, vm0, $0xb8;
	[tilespmem:$0x19100] =	vst v63  }
0x70: {  	v38 =	vperm.xlane v38, v29;
	v47 =	vadd.s32 v5, v46;
	s30 =	simm.s32 $0xF00  }
0x71: {  	[tilespmem:s30], [sflag:$0x1] =	stream.indirect_vreg.gather [hbm4b:s6+s3], $0x80, v62, vm0, $0xb8;
	[tilespmem:$0x19100] =	vst v63  }
0x72: {  	v38 =	vadd.s32 v5, v38;
	s24 =	simm.s32 $0xF80  }
0x73: {  	[tilespmem:s24], [sflag:$0x1] =	stream.indirect_vreg.gather [hbm4b:s6+s3], $0x80, v45, vm0, $0xb8;
	[tilespmem:$0x19100] =	vst v63  }
0x74: {  	s26 =	simm.s32 $0x1000  }
0x75: {  	[tilespmem:s26], [sflag:$0x1] =	stream.indirect_vreg.gather [hbm4b:s6+s3], $0x80, v47, vm0, $0xb8;
	[tilespmem:$0x19100] =	vst v63  }
0x76: {  	s28 =	simm.s32 $0x1080  }
0x77: {  	[tilespmem:s28], [sflag:$0x1] =	stream.indirect_vreg.gather [hbm4b:s6+s3], $0x80, v38, vm0, $0xb8;
	[tilespmem:$0x19100] =	vst v63  }
0x78: {  	v38 =	vld [tilespmem:$0xA0];
	_ =	sdelay $0x4  }
0x79: {  	v48 =	vshrl.u32 v38, $0x3  }
0x7a: {  	v39 =	vmul.u32 $0x1870, v48  }
0x7b: {  	v38 =	vand.u32 $0x7, v38  }
0x7c: {  	v38 =	vor.u32 v38, v39  }
0x7d: {  	v39 =	vperm.xlane v38, v2;
	_ =	sdelay $0x1  }
0x7e: {  	v49 =	vperm.xlane v38, v6;
	v39 =	vadd.s32 v5, v39;
	_ =	sdelay $0x1  }
0x7f: {  	v50 =	vperm.xlane v38, v7;
	v40 =	vadd.s32 v5, v49;
	_ =	sdelay $0x1  }
0x80: {  	s29 =	simm.s32 $0x1100;
	v51 =	vperm.xlane v38, v8;
	v41 =	vadd.s32 v5, v50  }
0x81: {  	[tilespmem:s29], [sflag:$0x1] =	stream.indirect_vreg.gather [hbm4b:s6+s3], $0x80, v39, vm0, $0xb8;
	[tilespmem:$0x19100] =	vst v63  }
0x82: {  	s30 =	simm.s32 $0x1180;
	v53 =	vperm.xlane v38, v12;
	v52 =	vadd.s32 v5, v51  }
0x83: {  	[tilespmem:s30], [sflag:$0x1] =	stream.indirect_vreg.gather [hbm4b:s6+s3], $0x80, v40, vm0, $0xb8;
	[tilespmem:$0x19100] =	vst v63  }
0x84: {  	s24 =	simm.s32 $0x1200;
	v55 =	vperm.xlane v38, v14;
	v54 =	vadd.s32 v5, v53  }
0x85: {  	[tilespmem:s24], [sflag:$0x1] =	stream.indirect_vreg.gather [hbm4b:s6+s3], $0x80, v41, vm0, $0xb8;
	[tilespmem:$0x19100] =	vst v63  }
0x86: {  	s26 =	simm.s32 $0x1280;
	v57 =	vperm.xlane v38, v15;
	v56 =	vadd.s32 v5, v55  }
0x87: {  	[tilespmem:s26], [sflag:$0x1] =	stream.indirect_vreg.gather [hbm4b:s6+s3], $0x80, v52, vm0, $0xb8;
	[tilespmem:$0x19100] =	vst v63  }
0x88: {  	s28 =	simm.s32 $0x1300;
	v59 =	vperm.xlane v38, v16;
	v58 =	vadd.s32 v5, v57  }
0x89: {  	[tilespmem:s28], [sflag:$0x1] =	stream.indirect_vreg.gather [hbm4b:s6+s3], $0x80, v54, vm0, $0xb8;
	[tilespmem:$0x19100] =	vst v63  }
0x8a: {  	v61 =	vperm.xlane v38, v17;
	v60 =	vadd.s32 v5, v59;
	s29 =	simm.s32 $0x1380  }
0x8b: {  	[tilespmem:s29], [sflag:$0x1] =	stream.indirect_vreg.gather [hbm4b:s6+s3], $0x80, v56, vm0, $0xb8;
	[tilespmem:$0x19100] =	vst v63  }
0x8c: {  	v63 =	vperm.xlane v38, v22;
	v62 =	vadd.s32 v5, v61;
	s30 =	simm.s32 $0x1400  }
0x8d: {  	[tilespmem:s30], [sflag:$0x1] =	stream.indirect_vreg.gather [hbm4b:s6+s3], $0x80, v58, vm0, $0xb8;
	[tilespmem:$0x19100] =	vst v63  }
0x8e: {  	v46 =	vperm.xlane v38, v24;
	v45 =	vadd.s32 v5, v63;
	s24 =	simm.s32 $0x1480  }
0x8f: {  	[tilespmem:s24], [sflag:$0x1] =	stream.indirect_vreg.gather [hbm4b:s6+s3], $0x80, v60, vm0, $0xb8;
	[tilespmem:$0x19100] =	vst v63  }
0x90: {  	v48 =	vperm.xlane v38, v25;
	v47 =	vadd.s32 v5, v46;
	s26 =	simm.s32 $0x1500  }
0x91: {  	[tilespmem:s26], [sflag:$0x1] =	stream.indirect_vreg.gather [hbm4b:s6+s3], $0x80, v62, vm0, $0xb8;
	[tilespmem:$0x19100] =	vst v63  }
0x92: {  	v49 =	vadd.s32 v5, v48;
	v50 =	vperm.xlane v38, v26;
	s28 =	simm.s32 $0x1580  }
0x93: {  	[tilespmem:s28], [sflag:$0x1] =	stream.indirect_vreg.gather [hbm4b:s6+s3], $0x80, v45, vm0, $0xb8;
	[tilespmem:$0x19100] =	vst v63  }
0x94: {  	v51 =	vadd.s32 v5, v50;
	v52 =	vperm.xlane v38, v27;
	s29 =	simm.s32 $0x1600  }
0x95: {  	[tilespmem:s29], [sflag:$0x1] =	stream.indirect_vreg.gather [hbm4b:s6+s3], $0x80, v47, vm0, $0xb8;
	[tilespmem:$0x19100] =	vst v63  }
0x96: {  	v53 =	vadd.s32 v5, v52;
	v54 =	vperm.xlane v38, v28;
	s30 =	simm.s32 $0x1680  }
0x97: {  	[tilespmem:s30], [sflag:$0x1] =	stream.indirect_vreg.gather [hbm4b:s6+s3], $0x80, v49, vm0, $0xb8;
	[tilespmem:$0x19100] =	vst v63  }
0x98: {  	v38 =	vperm.xlane v38, v29;
	v55 =	vadd.s32 v5, v54;
	s24 =	simm.s32 $0x1700  }
0x99: {  	[tilespmem:s24], [sflag:$0x1] =	stream.indirect_vreg.gather [hbm4b:s6+s3], $0x80, v51, vm0, $0xb8;
	[tilespmem:$0x19100] =	vst v63  }
0x9a: {  	v38 =	vadd.s32 v5, v38;
	s26 =	simm.s32 $0x1780  }
0x9b: {  	[tilespmem:s26], [sflag:$0x1] =	stream.indirect_vreg.gather [hbm4b:s6+s3], $0x80, v53, vm0, $0xb8;
	[tilespmem:$0x19100] =	vst v63  }
0x9c: {  	s28 =	simm.s32 $0x1800  }
0x9d: {  	[tilespmem:s28], [sflag:$0x1] =	stream.indirect_vreg.gather [hbm4b:s6+s3], $0x80, v55, vm0, $0xb8;
	[tilespmem:$0x19100] =	vst v63  }
0x9e: {  	s29 =	simm.s32 $0x1880  }
0x9f: {  	[tilespmem:s29], [sflag:$0x1] =	stream.indirect_vreg.gather [hbm4b:s6+s3], $0x80, v38, vm0, $0xb8;
	[tilespmem:$0x19100] =	vst v63  }
0xa0: {  	v38 =	vld [tilespmem:$0xB0];
	_ =	sdelay $0x4  }
0xa1: {  	v56 =	vshrl.u32 v38, $0x3  }
0xa2: {  	v39 =	vmul.u32 $0x1870, v56  }
0xa3: {  	v38 =	vand.u32 $0x7, v38  }
0xa4: {  	v38 =	vor.u32 v38, v39  }
0xa5: {  	v39 =	vperm.xlane v38, v2;
	_ =	sdelay $0x1  }
0xa6: {  	v57 =	vperm.xlane v38, v6;
	v39 =	vadd.s32 v5, v39;
	_ =	sdelay $0x1  }
0xa7: {  	v58 =	vperm.xlane v38, v7;
	v40 =	vadd.s32 v5, v57;
	_ =	sdelay $0x1  }
0xa8: {  	s30 =	simm.s32 $0x1900;
	v59 =	vperm.xlane v38, v8;
	v41 =	vadd.s32 v5, v58  }
0xa9: {  	[tilespmem:s30], [sflag:$0x1] =	stream.indirect_vreg.gather [hbm4b:s6+s3], $0x80, v39, vm0, $0xb8;
	[tilespmem:$0x19100] =	vst v63  }
0xaa: {  	s24 =	simm.s32 $0x1980;
	v61 =	vperm.xlane v38, v12;
	v60 =	vadd.s32 v5, v59  }
0xab: {  	[tilespmem:s24], [sflag:$0x1] =	stream.indirect_vreg.gather [hbm4b:s6+s3], $0x80, v40, vm0, $0xb8;
	[tilespmem:$0x19100] =	vst v63  }
0xac: {  	s26 =	simm.s32 $0x1A00;
	v63 =	vperm.xlane v38, v14;
	v62 =	vadd.s32 v5, v61  }
0xad: {  	[tilespmem:s26], [sflag:$0x1] =	stream.indirect_vreg.gather [hbm4b:s6+s3], $0x80, v41, vm0, $0xb8;
	[tilespmem:$0x19100] =	vst v63  }
0xae: {  	s28 =	simm.s32 $0x1A80;
	v46 =	vperm.xlane v38, v15;
	v45 =	vadd.s32 v5, v63  }
0xaf: {  	[tilespmem:s28], [sflag:$0x1] =	stream.indirect_vreg.gather [hbm4b:s6+s3], $0x80, v60, vm0, $0xb8;
	[tilespmem:$0x19100] =	vst v63  }
0xb0: {  	s29 =	simm.s32 $0x1B00;
	v48 =	vperm.xlane v38, v16;
	v47 =	vadd.s32 v5, v46  }
0xb1: {  	[tilespmem:s29], [sflag:$0x1] =	stream.indirect_vreg.gather [hbm4b:s6+s3], $0x80, v62, vm0, $0xb8;
	[tilespmem:$0x19100] =	vst v63  }
0xb2: {  	v50 =	vperm.xlane v38, v17;
	v49 =	vadd.s32 v5, v48;
	s30 =	simm.s32 $0x1B80  }
0xb3: {  	[tilespmem:s30], [sflag:$0x1] =	stream.indirect_vreg.gather [hbm4b:s6+s3], $0x80, v45, vm0, $0xb8;
	[tilespmem:$0x19100] =	vst v63  }
0xb4: {  	v52 =	vperm.xlane v38, v22;
	v51 =	vadd.s32 v5, v50;
	s24 =	simm.s32 $0x1C00  }
0xb5: {  	[tilespmem:s24], [sflag:$0x1] =	stream.indirect_vreg.gather [hbm4b:s6+s3], $0x80, v47, vm0, $0xb8;
	[tilespmem:$0x19100] =	vst v63  }
0xb6: {  	v54 =	vperm.xlane v38, v24;
	v53 =	vadd.s32 v5, v52;
	s26 =	simm.s32 $0x1C80  }
0xb7: {  	[tilespmem:s26], [sflag:$0x1] =	stream.indirect_vreg.gather [hbm4b:s6+s3], $0x80, v49, vm0, $0xb8;
	[tilespmem:$0x19100] =	vst v63  }
0xb8: {  	v56 =	vperm.xlane v38, v25;
	v55 =	vadd.s32 v5, v54;
	s28 =	simm.s32 $0x1D00  }
0xb9: {  	[tilespmem:s28], [sflag:$0x1] =	stream.indirect_vreg.gather [hbm4b:s6+s3], $0x80, v51, vm0, $0xb8;
	[tilespmem:$0x19100] =	vst v63  }
0xba: {  	v57 =	vadd.s32 v5, v56;
	v58 =	vperm.xlane v38, v26;
	s29 =	simm.s32 $0x1D80  }
0xbb: {  	[tilespmem:s29], [sflag:$0x1] =	stream.indirect_vreg.gather [hbm4b:s6+s3], $0x80, v53, vm0, $0xb8;
	[tilespmem:$0x19100] =	vst v63  }
0xbc: {  	v59 =	vadd.s32 v5, v58;
	v60 =	vperm.xlane v38, v27;
	s30 =	simm.s32 $0x1E00  }
0xbd: {  	[tilespmem:s30], [sflag:$0x1] =	stream.indirect_vreg.gather [hbm4b:s6+s3], $0x80, v55, vm0, $0xb8;
	[tilespmem:$0x19100] =	vst v63  }
0xbe: {  	v61 =	vadd.s32 v5, v60;
	v62 =	vperm.xlane v38, v28;
	s24 =	simm.s32 $0x1E80  }
0xbf: {  	[tilespmem:s24], [sflag:$0x1] =	stream.indirect_vreg.gather [hbm4b:s6+s3], $0x80, v57, vm0, $0xb8;
	[tilespmem:$0x19100] =	vst v63  }
0xc0: {  	v38 =	vperm.xlane v38, v29;
	v63 =	vadd.s32 v5, v62;
	s26 =	simm.s32 $0x1F00  }
0xc1: {  	[tilespmem:s26], [sflag:$0x1] =	stream.indirect_vreg.gather [hbm4b:s6+s3], $0x80, v59, vm0, $0xb8;
	[tilespmem:$0x19100] =	vst v63  }
0xc2: {  	v38 =	vadd.s32 v5, v38;
	s28 =	simm.s32 $0x1F80  }
0xc3: {  	[tilespmem:s28], [sflag:$0x1] =	stream.indirect_vreg.gather [hbm4b:s6+s3], $0x80, v61, vm0, $0xb8;
	[tilespmem:$0x19100] =	vst v63  }
0xc4: {  	s29 =	simm.s32 $0x2000  }
0xc5: {  	[tilespmem:s29], [sflag:$0x1] =	stream.indirect_vreg.gather [hbm4b:s6+s3], $0x80, v63, vm0, $0xb8;
	[tilespmem:$0x19100] =	vst v63  }
0xc6: {  	(v2sf) =	vpush v37, $0x1;
	s30 =	simm.s32 $0x2080  }
0xc7: {  	[tilespmem:s30], [sflag:$0x1] =	stream.indirect_vreg.gather [hbm4b:s6+s3], $0x80, v38, vm0, $0xb8;
	[tilespmem:$0x19100] =	vst v63  }
0xc8: {  	v38 =	vld [tilespmem:$0x80];
	_ =	sdelay $0x4  }
0xc9: {  	v43 =	vshrl.u32 v38, $0x3  }
0xca: {  	v39 =	vmul.u32 $0x1870, v43  }
0xcb: {  	v38 =	vand.u32 $0x7, v38  }
0xcc: {  	v38 =	vor.u32 v38, v39  }
0xcd: {  	v39 =	vperm.xlane v38, v2;
	_ =	sdelay $0x1  }
0xce: {  	v44 =	vperm.xlane v38, v6;
	v39 =	vadd.s32 v5, v39;
	_ =	sdelay $0x1  }
0xcf: {  	s24 =	spop (v2sf);
	v45 =	vperm.xlane v38, v7;
	v40 =	vadd.s32 v5, v44  }
0xd0: {  	s6 =	sand.u32 $0xFFFFF80, s24  }
0xd1: {  	s26 =	simm.s32 $0x2100;
	s6 =	sadd.s32 s2, s6;
	v46 =	vperm.xlane v38, v8;
	v41 =	vadd.s32 v5, v45  }
0xd2: {  	[tilespmem:s26], [sflag:$0x1] =	stream.indirect_vreg.gather [hbm4b:s6+s3], $0x80, v39, vm0, $0xb8;
	[tilespmem:$0x19100] =	vst v63  }
0xd3: {  	s28 =	simm.s32 $0x2180;
	v48 =	vperm.xlane v38, v12;
	v47 =	vadd.s32 v5, v46  }
0xd4: {  	[tilespmem:s28], [sflag:$0x1] =	stream.indirect_vreg.gather [hbm4b:s6+s3], $0x80, v40, vm0, $0xb8;
	[tilespmem:$0x19100] =	vst v63  }
0xd5: {  	s29 =	simm.s32 $0x2200;
	v50 =	vperm.xlane v38, v14;
	v49 =	vadd.s32 v5, v48  }
0xd6: {  	[tilespmem:s29], [sflag:$0x1] =	stream.indirect_vreg.gather [hbm4b:s6+s3], $0x80, v41, vm0, $0xb8;
	[tilespmem:$0x19100] =	vst v63  }
0xd7: {  	s30 =	simm.s32 $0x2280;
	v52 =	vperm.xlane v38, v15;
	v51 =	vadd.s32 v5, v50  }
0xd8: {  	[tilespmem:s30], [sflag:$0x1] =	stream.indirect_vreg.gather [hbm4b:s6+s3], $0x80, v47, vm0, $0xb8;
	[tilespmem:$0x19100] =	vst v63  }
0xd9: {  	s24 =	simm.s32 $0x2300;
	v54 =	vperm.xlane v38, v16;
	v53 =	vadd.s32 v5, v52  }
0xda: {  	[tilespmem:s24], [sflag:$0x1] =	stream.indirect_vreg.gather [hbm4b:s6+s3], $0x80, v49, vm0, $0xb8;
	[tilespmem:$0x19100] =	vst v63  }
0xdb: {  	v56 =	vperm.xlane v38, v17;
	v55 =	vadd.s32 v5, v54;
	s26 =	simm.s32 $0x2380  }
0xdc: {  	[tilespmem:s26], [sflag:$0x1] =	stream.indirect_vreg.gather [hbm4b:s6+s3], $0x80, v51, vm0, $0xb8;
	[tilespmem:$0x19100] =	vst v63  }
0xdd: {  	v58 =	vperm.xlane v38, v22;
	v57 =	vadd.s32 v5, v56;
	s28 =	simm.s32 $0x2400  }
0xde: {  	[tilespmem:s28], [sflag:$0x1] =	stream.indirect_vreg.gather [hbm4b:s6+s3], $0x80, v53, vm0, $0xb8;
	[tilespmem:$0x19100] =	vst v63  }
0xdf: {  	v60 =	vperm.xlane v38, v24;
	v59 =	vadd.s32 v5, v58;
	s29 =	simm.s32 $0x2480  }
0xe0: {  	[tilespmem:s29], [sflag:$0x1] =	stream.indirect_vreg.gather [hbm4b:s6+s3], $0x80, v55, vm0, $0xb8;
	[tilespmem:$0x19100] =	vst v63  }
0xe1: {  	v62 =	vperm.xlane v38, v25;
	v61 =	vadd.s32 v5, v60;
	s30 =	simm.s32 $0x2500  }
0xe2: {  	[tilespmem:s30], [sflag:$0x1] =	stream.indirect_vreg.gather [hbm4b:s6+s3], $0x80, v57, vm0, $0xb8;
	[tilespmem:$0x19100] =	vst v63  }
0xe3: {  	v63 =	vadd.s32 v5, v62;
	v45 =	vperm.xlane v38, v26;
	s24 =	simm.s32 $0x2580  }
0xe4: {  	[tilespmem:s24], [sflag:$0x1] =	stream.indirect_vreg.gather [hbm4b:s6+s3], $0x80, v59, vm0, $0xb8;
	[tilespmem:$0x19100] =	vst v63  }
0xe5: {  	v46 =	vadd.s32 v5, v45;
	v47 =	vperm.xlane v38, v27;
	s26 =	simm.s32 $0x2600  }
0xe6: {  	[tilespmem:s26], [sflag:$0x1] =	stream.indirect_vreg.gather [hbm4b:s6+s3], $0x80, v61, vm0, $0xb8;
	[tilespmem:$0x19100] =	vst v63  }
0xe7: {  	v48 =	vadd.s32 v5, v47;
	v49 =	vperm.xlane v38, v28;
	s28 =	simm.s32 $0x2680  }
0xe8: {  	[tilespmem:s28], [sflag:$0x1] =	stream.indirect_vreg.gather [hbm4b:s6+s3], $0x80, v63, vm0, $0xb8;
	[tilespmem:$0x19100] =	vst v63  }
0xe9: {  	v38 =	vperm.xlane v38, v29;
	v50 =	vadd.s32 v5, v49;
	s29 =	simm.s32 $0x2700  }
0xea: {  	[tilespmem:s29], [sflag:$0x1] =	stream.indirect_vreg.gather [hbm4b:s6+s3], $0x80, v46, vm0, $0xb8;
	[tilespmem:$0x19100] =	vst v63  }
0xeb: {  	v38 =	vadd.s32 v5, v38;
	s30 =	simm.s32 $0x2780  }
0xec: {  	[tilespmem:s30], [sflag:$0x1] =	stream.indirect_vreg.gather [hbm4b:s6+s3], $0x80, v48, vm0, $0xb8;
	[tilespmem:$0x19100] =	vst v63  }
0xed: {  	s24 =	simm.s32 $0x2800  }
0xee: {  	[tilespmem:s24], [sflag:$0x1] =	stream.indirect_vreg.gather [hbm4b:s6+s3], $0x80, v50, vm0, $0xb8;
	[tilespmem:$0x19100] =	vst v63  }
0xef: {  	s26 =	simm.s32 $0x2880  }
0xf0: {  	[tilespmem:s26], [sflag:$0x1] =	stream.indirect_vreg.gather [hbm4b:s6+s3], $0x80, v38, vm0, $0xb8;
	[tilespmem:$0x19100] =	vst v63  }
0xf1: {  	v38 =	vld [tilespmem:$0x90];
	_ =	sdelay $0x4  }
0xf2: {  	v51 =	vshrl.u32 v38, $0x3  }
0xf3: {  	v39 =	vmul.u32 $0x1870, v51  }
0xf4: {  	v38 =	vand.u32 $0x7, v38  }
0xf5: {  	v38 =	vor.u32 v38, v39  }
0xf6: {  	v39 =	vperm.xlane v38, v2;
	_ =	sdelay $0x1  }
0xf7: {  	v52 =	vperm.xlane v38, v6;
	v39 =	vadd.s32 v5, v39;
	_ =	sdelay $0x1  }
0xf8: {  	v53 =	vperm.xlane v38, v7;
	v40 =	vadd.s32 v5, v52;
	_ =	sdelay $0x1  }
0xf9: {  	s28 =	simm.s32 $0x2900;
	v54 =	vperm.xlane v38, v8;
	v41 =	vadd.s32 v5, v53  }
0xfa: {  	[tilespmem:s28], [sflag:$0x1] =	stream.indirect_vreg.gather [hbm4b:s6+s3], $0x80, v39, vm0, $0xb8;
	[tilespmem:$0x19100] =	vst v63  }
0xfb: {  	s29 =	simm.s32 $0x2980;
	v56 =	vperm.xlane v38, v12;
	v55 =	vadd.s32 v5, v54  }
0xfc: {  	[tilespmem:s29], [sflag:$0x1] =	stream.indirect_vreg.gather [hbm4b:s6+s3], $0x80, v40, vm0, $0xb8;
	[tilespmem:$0x19100] =	vst v63  }
0xfd: {  	s30 =	simm.s32 $0x2A00;
	v58 =	vperm.xlane v38, v14;
	v57 =	vadd.s32 v5, v56  }
0xfe: {  	[tilespmem:s30], [sflag:$0x1] =	stream.indirect_vreg.gather [hbm4b:s6+s3], $0x80, v41, vm0, $0xb8;
	[tilespmem:$0x19100] =	vst v63  }
0xff: {  	s24 =	simm.s32 $0x2A80;
	v60 =	vperm.xlane v38, v15;
	v59 =	vadd.s32 v5, v58  }
0x100: {  	[tilespmem:s24], [sflag:$0x1] =	stream.indirect_vreg.gather [hbm4b:s6+s3], $0x80, v55, vm0, $0xb8;
	[tilespmem:$0x19100] =	vst v63  }
0x101: {  	s26 =	simm.s32 $0x2B00;
	v62 =	vperm.xlane v38, v16;
	v61 =	vadd.s32 v5, v60  }
0x102: {  	[tilespmem:s26], [sflag:$0x1] =	stream.indirect_vreg.gather [hbm4b:s6+s3], $0x80, v57, vm0, $0xb8;
	[tilespmem:$0x19100] =	vst v63  }
0x103: {  	v45 =	vperm.xlane v38, v17;
	v63 =	vadd.s32 v5, v62;
	s28 =	simm.s32 $0x2B80  }
0x104: {  	[tilespmem:s28], [sflag:$0x1] =	stream.indirect_vreg.gather [hbm4b:s6+s3], $0x80, v59, vm0, $0xb8;
	[tilespmem:$0x19100] =	vst v63  }
0x105: {  	v47 =	vperm.xlane v38, v22;
	v46 =	vadd.s32 v5, v45;
	s29 =	simm.s32 $0x2C00  }
0x106: {  	[tilespmem:s29], [sflag:$0x1] =	stream.indirect_vreg.gather [hbm4b:s6+s3], $0x80, v61, vm0, $0xb8;
	[tilespmem:$0x19100] =	vst v63  }
0x107: {  	v49 =	vperm.xlane v38, v24;
	v48 =	vadd.s32 v5, v47;
	s30 =	simm.s32 $0x2C80  }
0x108: {  	[tilespmem:s30], [sflag:$0x1] =	stream.indirect_vreg.gather [hbm4b:s6+s3], $0x80, v63, vm0, $0xb8;
	[tilespmem:$0x19100] =	vst v63  }
0x109: {  	v51 =	vperm.xlane v38, v25;
	v50 =	vadd.s32 v5, v49;
	s24 =	simm.s32 $0x2D00  }
0x10a: {  	[tilespmem:s24], [sflag:$0x1] =	stream.indirect_vreg.gather [hbm4b:s6+s3], $0x80, v46, vm0, $0xb8;
	[tilespmem:$0x19100] =	vst v63  }
0x10b: {  	v52 =	vadd.s32 v5, v51;
	v53 =	vperm.xlane v38, v26;
	s26 =	simm.s32 $0x2D80  }
0x10c: {  	[tilespmem:s26], [sflag:$0x1] =	stream.indirect_vreg.gather [hbm4b:s6+s3], $0x80, v48, vm0, $0xb8;
	[tilespmem:$0x19100] =	vst v63  }
0x10d: {  	v54 =	vadd.s32 v5, v53;
	v55 =	vperm.xlane v38, v27;
	s28 =	simm.s32 $0x2E00  }
0x10e: {  	[tilespmem:s28], [sflag:$0x1] =	stream.indirect_vreg.gather [hbm4b:s6+s3], $0x80, v50, vm0, $0xb8;
	[tilespmem:$0x19100] =	vst v63  }
0x10f: {  	v56 =	vadd.s32 v5, v55;
	v57 =	vperm.xlane v38, v28;
	s29 =	simm.s32 $0x2E80  }
0x110: {  	[tilespmem:s29], [sflag:$0x1] =	stream.indirect_vreg.gather [hbm4b:s6+s3], $0x80, v52, vm0, $0xb8;
	[tilespmem:$0x19100] =	vst v63  }
0x111: {  	v38 =	vperm.xlane v38, v29;
	v58 =	vadd.s32 v5, v57;
	s30 =	simm.s32 $0x2F00  }
0x112: {  	[tilespmem:s30], [sflag:$0x1] =	stream.indirect_vreg.gather [hbm4b:s6+s3], $0x80, v54, vm0, $0xb8;
	[tilespmem:$0x19100] =	vst v63  }
0x113: {  	v38 =	vadd.s32 v5, v38;
	s24 =	simm.s32 $0x2F80  }
0x114: {  	[tilespmem:s24], [sflag:$0x1] =	stream.indirect_vreg.gather [hbm4b:s6+s3], $0x80, v56, vm0, $0xb8;
	[tilespmem:$0x19100] =	vst v63  }
0x115: {  	s26 =	simm.s32 $0x3000  }
0x116: {  	[tilespmem:s26], [sflag:$0x1] =	stream.indirect_vreg.gather [hbm4b:s6+s3], $0x80, v58, vm0, $0xb8;
	[tilespmem:$0x19100] =	vst v63  }
0x117: {  	s28 =	simm.s32 $0x3080  }
0x118: {  	[tilespmem:s28], [sflag:$0x1] =	stream.indirect_vreg.gather [hbm4b:s6+s3], $0x80, v38, vm0, $0xb8;
	[tilespmem:$0x19100] =	vst v63  }
0x119: {  	v38 =	vld [tilespmem:$0xA0];
	_ =	sdelay $0x4  }
0x11a: {  	v59 =	vshrl.u32 v38, $0x3  }
0x11b: {  	v39 =	vmul.u32 $0x1870, v59  }
0x11c: {  	v38 =	vand.u32 $0x7, v38  }
0x11d: {  	v38 =	vor.u32 v38, v39  }
0x11e: {  	v39 =	vperm.xlane v38, v2;
	_ =	sdelay $0x1  }
0x11f: {  	v60 =	vperm.xlane v38, v6;
	v39 =	vadd.s32 v5, v39;
	_ =	sdelay $0x1  }
0x120: {  	v61 =	vperm.xlane v38, v7;
	v40 =	vadd.s32 v5, v60;
	_ =	sdelay $0x1  }
0x121: {  	s29 =	simm.s32 $0x3100;
	v62 =	vperm.xlane v38, v8;
	v41 =	vadd.s32 v5, v61  }
0x122: {  	[tilespmem:s29], [sflag:$0x1] =	stream.indirect_vreg.gather [hbm4b:s6+s3], $0x80, v39, vm0, $0xb8;
	[tilespmem:$0x19100] =	vst v63  }
0x123: {  	s30 =	simm.s32 $0x3180;
	v45 =	vperm.xlane v38, v12;
	v63 =	vadd.s32 v5, v62  }
0x124: {  	[tilespmem:s30], [sflag:$0x1] =	stream.indirect_vreg.gather [hbm4b:s6+s3], $0x80, v40, vm0, $0xb8;
	[tilespmem:$0x19100] =	vst v63  }
0x125: {  	s24 =	simm.s32 $0x3200;
	v47 =	vperm.xlane v38, v14;
	v46 =	vadd.s32 v5, v45  }
0x126: {  	[tilespmem:s24], [sflag:$0x1] =	stream.indirect_vreg.gather [hbm4b:s6+s3], $0x80, v41, vm0, $0xb8;
	[tilespmem:$0x19100] =	vst v63  }
0x127: {  	s26 =	simm.s32 $0x3280;
	v49 =	vperm.xlane v38, v15;
	v48 =	vadd.s32 v5, v47  }
0x128: {  	[tilespmem:s26], [sflag:$0x1] =	stream.indirect_vreg.gather [hbm4b:s6+s3], $0x80, v63, vm0, $0xb8;
	[tilespmem:$0x19100] =	vst v63  }
0x129: {  	s28 =	simm.s32 $0x3300;
	v51 =	vperm.xlane v38, v16;
	v50 =	vadd.s32 v5, v49  }
0x12a: {  	[tilespmem:s28], [sflag:$0x1] =	stream.indirect_vreg.gather [hbm4b:s6+s3], $0x80, v46, vm0, $0xb8;
	[tilespmem:$0x19100] =	vst v63  }
0x12b: {  	v53 =	vperm.xlane v38, v17;
	v52 =	vadd.s32 v5, v51;
	s29 =	simm.s32 $0x3380  }
0x12c: {  	[tilespmem:s29], [sflag:$0x1] =	stream.indirect_vreg.gather [hbm4b:s6+s3], $0x80, v48, vm0, $0xb8;
	[tilespmem:$0x19100] =	vst v63  }
0x12d: {  	v55 =	vperm.xlane v38, v22;
	v54 =	vadd.s32 v5, v53;
	s30 =	simm.s32 $0x3400  }
0x12e: {  	[tilespmem:s30], [sflag:$0x1] =	stream.indirect_vreg.gather [hbm4b:s6+s3], $0x80, v50, vm0, $0xb8;
	[tilespmem:$0x19100] =	vst v63  }
0x12f: {  	v57 =	vperm.xlane v38, v24;
	v56 =	vadd.s32 v5, v55;
	s24 =	simm.s32 $0x3480  }
0x130: {  	[tilespmem:s24], [sflag:$0x1] =	stream.indirect_vreg.gather [hbm4b:s6+s3], $0x80, v52, vm0, $0xb8;
	[tilespmem:$0x19100] =	vst v63  }
0x131: {  	v59 =	vperm.xlane v38, v25;
	v58 =	vadd.s32 v5, v57;
	s26 =	simm.s32 $0x3500  }
0x132: {  	[tilespmem:s26], [sflag:$0x1] =	stream.indirect_vreg.gather [hbm4b:s6+s3], $0x80, v54, vm0, $0xb8;
	[tilespmem:$0x19100] =	vst v63  }
0x133: {  	v60 =	vadd.s32 v5, v59;
	v61 =	vperm.xlane v38, v26;
	s28 =	simm.s32 $0x3580  }
0x134: {  	[tilespmem:s28], [sflag:$0x1] =	stream.indirect_vreg.gather [hbm4b:s6+s3], $0x80, v56, vm0, $0xb8;
	[tilespmem:$0x19100] =	vst v63  }
0x135: {  	v62 =	vadd.s32 v5, v61;
	v63 =	vperm.xlane v38, v27;
	s29 =	simm.s32 $0x3600  }
0x136: {  	[tilespmem:s29], [sflag:$0x1] =	stream.indirect_vreg.gather [hbm4b:s6+s3], $0x80, v58, vm0, $0xb8;
	[tilespmem:$0x19100] =	vst v63  }
0x137: {  	v45 =	vadd.s32 v5, v63;
	v46 =	vperm.xlane v38, v28;
	s30 =	simm.s32 $0x3680  }
0x138: {  	[tilespmem:s30], [sflag:$0x1] =	stream.indirect_vreg.gather [hbm4b:s6+s3], $0x80, v60, vm0, $0xb8;
	[tilespmem:$0x19100] =	vst v63  }
0x139: {  	v38 =	vperm.xlane v38, v29;
	v47 =	vadd.s32 v5, v46;
	s24 =	simm.s32 $0x3700  }
0x13a: {  	[tilespmem:s24], [sflag:$0x1] =	stream.indirect_vreg.gather [hbm4b:s6+s3], $0x80, v62, vm0, $0xb8;
	[tilespmem:$0x19100] =	vst v63  }
0x13b: {  	v38 =	vadd.s32 v5, v38;
	s26 =	simm.s32 $0x3780  }
0x13c: {  	[tilespmem:s26], [sflag:$0x1] =	stream.indirect_vreg.gather [hbm4b:s6+s3], $0x80, v45, vm0, $0xb8;
	[tilespmem:$0x19100] =	vst v63  }
0x13d: {  	s28 =	simm.s32 $0x3800  }
0x13e: {  	[tilespmem:s28], [sflag:$0x1] =	stream.indirect_vreg.gather [hbm4b:s6+s3], $0x80, v47, vm0, $0xb8;
	[tilespmem:$0x19100] =	vst v63  }
0x13f: {  	s29 =	simm.s32 $0x3880  }
0x140: {  	[tilespmem:s29], [sflag:$0x1] =	stream.indirect_vreg.gather [hbm4b:s6+s3], $0x80, v38, vm0, $0xb8;
	[tilespmem:$0x19100] =	vst v63  }
0x141: {  	v38 =	vld [tilespmem:$0xB0];
	_ =	sdelay $0x4  }
0x142: {  	v48 =	vshrl.u32 v38, $0x3  }
0x143: {  	v39 =	vmul.u32 $0x1870, v48  }
0x144: {  	v38 =	vand.u32 $0x7, v38  }
0x145: {  	v38 =	vor.u32 v38, v39  }
0x146: {  	v39 =	vperm.xlane v38, v2;
	_ =	sdelay $0x1  }
0x147: {  	v49 =	vperm.xlane v38, v6;
	v39 =	vadd.s32 v5, v39;
	_ =	sdelay $0x1  }
0x148: {  	v50 =	vperm.xlane v38, v7;
	v40 =	vadd.s32 v5, v49;
	_ =	sdelay $0x1  }
0x149: {  	s30 =	simm.s32 $0x3900;
	v51 =	vperm.xlane v38, v8;
	v41 =	vadd.s32 v5, v50  }
0x14a: {  	[tilespmem:s30], [sflag:$0x1] =	stream.indirect_vreg.gather [hbm4b:s6+s3], $0x80, v39, vm0, $0xb8;
	[tilespmem:$0x19100] =	vst v63  }
0x14b: {  	s24 =	simm.s32 $0x3980;
	v53 =	vperm.xlane v38, v12;
	v52 =	vadd.s32 v5, v51  }
0x14c: {  	[tilespmem:s24], [sflag:$0x1] =	stream.indirect_vreg.gather [hbm4b:s6+s3], $0x80, v40, vm0, $0xb8;
	[tilespmem:$0x19100] =	vst v63  }
0x14d: {  	s26 =	simm.s32 $0x3A00;
	v55 =	vperm.xlane v38, v14;
	v54 =	vadd.s32 v5, v53  }
0x14e: {  	[tilespmem:s26], [sflag:$0x1] =	stream.indirect_vreg.gather [hbm4b:s6+s3], $0x80, v41, vm0, $0xb8;
	[tilespmem:$0x19100] =	vst v63  }
0x14f: {  	s28 =	simm.s32 $0x3A80;
	v57 =	vperm.xlane v38, v15;
	v56 =	vadd.s32 v5, v55  }
0x150: {  	[tilespmem:s28], [sflag:$0x1] =	stream.indirect_vreg.gather [hbm4b:s6+s3], $0x80, v52, vm0, $0xb8;
	[tilespmem:$0x19100] =	vst v63  }
0x151: {  	s29 =	simm.s32 $0x3B00;
	v59 =	vperm.xlane v38, v16;
	v58 =	vadd.s32 v5, v57  }
0x152: {  	[tilespmem:s29], [sflag:$0x1] =	stream.indirect_vreg.gather [hbm4b:s6+s3], $0x80, v54, vm0, $0xb8;
	[tilespmem:$0x19100] =	vst v63  }
0x153: {  	v61 =	vperm.xlane v38, v17;
	v60 =	vadd.s32 v5, v59;
	s30 =	simm.s32 $0x3B80  }
0x154: {  	[tilespmem:s30], [sflag:$0x1] =	stream.indirect_vreg.gather [hbm4b:s6+s3], $0x80, v56, vm0, $0xb8;
	[tilespmem:$0x19100] =	vst v63  }
0x155: {  	v63 =	vperm.xlane v38, v22;
	v62 =	vadd.s32 v5, v61;
	s24 =	simm.s32 $0x3C00  }
0x156: {  	[tilespmem:s24], [sflag:$0x1] =	stream.indirect_vreg.gather [hbm4b:s6+s3], $0x80, v58, vm0, $0xb8;
	[tilespmem:$0x19100] =	vst v63  }
0x157: {  	v46 =	vperm.xlane v38, v24;
	v45 =	vadd.s32 v5, v63;
	s26 =	simm.s32 $0x3C80  }
0x158: {  	[tilespmem:s26], [sflag:$0x1] =	stream.indirect_vreg.gather [hbm4b:s6+s3], $0x80, v60, vm0, $0xb8;
	[tilespmem:$0x19100] =	vst v63  }
0x159: {  	v48 =	vperm.xlane v38, v25;
	v47 =	vadd.s32 v5, v46;
	s28 =	simm.s32 $0x3D00  }
0x15a: {  	[tilespmem:s28], [sflag:$0x1] =	stream.indirect_vreg.gather [hbm4b:s6+s3], $0x80, v62, vm0, $0xb8;
	[tilespmem:$0x19100] =	vst v63  }
0x15b: {  	v49 =	vadd.s32 v5, v48;
	v50 =	vperm.xlane v38, v26;
	s29 =	simm.s32 $0x3D80  }
0x15c: {  	[tilespmem:s29], [sflag:$0x1] =	stream.indirect_vreg.gather [hbm4b:s6+s3], $0x80, v45, vm0, $0xb8;
	[tilespmem:$0x19100] =	vst v63  }
0x15d: {  	v51 =	vadd.s32 v5, v50;
	v52 =	vperm.xlane v38, v27;
	s30 =	simm.s32 $0x3E00  }
0x15e: {  	[tilespmem:s30], [sflag:$0x1] =	stream.indirect_vreg.gather [hbm4b:s6+s3], $0x80, v47, vm0, $0xb8;
	[tilespmem:$0x19100] =	vst v63  }
0x15f: {  	v53 =	vadd.s32 v5, v52;
	v54 =	vperm.xlane v38, v28;
	s24 =	simm.s32 $0x3E80  }
0x160: {  	[tilespmem:s24], [sflag:$0x1] =	stream.indirect_vreg.gather [hbm4b:s6+s3], $0x80, v49, vm0, $0xb8;
	[tilespmem:$0x19100] =	vst v63  }
0x161: {  	v38 =	vperm.xlane v38, v29;
	v55 =	vadd.s32 v5, v54;
	s26 =	simm.s32 $0x3F00  }
0x162: {  	[tilespmem:s26], [sflag:$0x1] =	stream.indirect_vreg.gather [hbm4b:s6+s3], $0x80, v51, vm0, $0xb8;
	[tilespmem:$0x19100] =	vst v63  }
0x163: {  	v38 =	vadd.s32 v5, v38;
	s28 =	simm.s32 $0x3F80  }
0x164: {  	[tilespmem:s28], [sflag:$0x1] =	stream.indirect_vreg.gather [hbm4b:s6+s3], $0x80, v53, vm0, $0xb8;
	[tilespmem:$0x19100] =	vst v63  }
0x165: {  	s29 =	simm.s32 $0x4000  }
0x166: {  	[tilespmem:s29], [sflag:$0x1] =	stream.indirect_vreg.gather [hbm4b:s6+s3], $0x80, v55, vm0, $0xb8;
	[tilespmem:$0x19100] =	vst v63  }
0x167: {  	(v2sf) =	vpush v37, $0x2;
	s30 =	simm.s32 $0x4080  }
0x168: {  	[tilespmem:s30], [sflag:$0x1] =	stream.indirect_vreg.gather [hbm4b:s6+s3], $0x80, v38, vm0, $0xb8;
	[tilespmem:$0x19100] =	vst v63  }
0x169: {  	v38 =	vld [tilespmem:$0x80];
	_ =	sdelay $0x4  }
0x16a: {  	v56 =	vshrl.u32 v38, $0x3  }
0x16b: {  	v39 =	vmul.u32 $0x1870, v56  }
0x16c: {  	v38 =	vand.u32 $0x7, v38  }
0x16d: {  	v38 =	vor.u32 v38, v39  }
0x16e: {  	v39 =	vperm.xlane v38, v2;
	_ =	sdelay $0x1  }
0x16f: {  	v57 =	vperm.xlane v38, v6;
	v39 =	vadd.s32 v5, v39;
	_ =	sdelay $0x1  }
0x170: {  	s24 =	spop (v2sf);
	v58 =	vperm.xlane v38, v7;
	v40 =	vadd.s32 v5, v57  }
0x171: {  	s6 =	sand.u32 $0xFFFFF80, s24  }
0x172: {  	s26 =	simm.s32 $0x4100;
	s6 =	sadd.s32 s2, s6;
	v59 =	vperm.xlane v38, v8;
	v41 =	vadd.s32 v5, v58  }
0x173: {  	[tilespmem:s26], [sflag:$0x1] =	stream.indirect_vreg.gather [hbm4b:s6+s3], $0x80, v39, vm0, $0xb8;
	[tilespmem:$0x19100] =	vst v63  }
0x174: {  	s28 =	simm.s32 $0x4180;
	v61 =	vperm.xlane v38, v12;
	v60 =	vadd.s32 v5, v59  }
0x175: {  	[tilespmem:s28], [sflag:$0x1] =	stream.indirect_vreg.gather [hbm4b:s6+s3], $0x80, v40, vm0, $0xb8;
	[tilespmem:$0x19100] =	vst v63  }
0x176: {  	s29 =	simm.s32 $0x4200;
	v63 =	vperm.xlane v38, v14;
	v62 =	vadd.s32 v5, v61  }
0x177: {  	[tilespmem:s29], [sflag:$0x1] =	stream.indirect_vreg.gather [hbm4b:s6+s3], $0x80, v41, vm0, $0xb8;
	[tilespmem:$0x19100] =	vst v63  }
0x178: {  	s30 =	simm.s32 $0x4280;
	v46 =	vperm.xlane v38, v15;
	v45 =	vadd.s32 v5, v63  }
0x179: {  	[tilespmem:s30], [sflag:$0x1] =	stream.indirect_vreg.gather [hbm4b:s6+s3], $0x80, v60, vm0, $0xb8;
	[tilespmem:$0x19100] =	vst v63  }
0x17a: {  	s24 =	simm.s32 $0x4300;
	v48 =	vperm.xlane v38, v16;
	v47 =	vadd.s32 v5, v46  }
0x17b: {  	[tilespmem:s24], [sflag:$0x1] =	stream.indirect_vreg.gather [hbm4b:s6+s3], $0x80, v62, vm0, $0xb8;
	[tilespmem:$0x19100] =	vst v63  }
0x17c: {  	v50 =	vperm.xlane v38, v17;
	v49 =	vadd.s32 v5, v48;
	s26 =	simm.s32 $0x4380  }
0x17d: {  	[tilespmem:s26], [sflag:$0x1] =	stream.indirect_vreg.gather [hbm4b:s6+s3], $0x80, v45, vm0, $0xb8;
	[tilespmem:$0x19100] =	vst v63  }
0x17e: {  	v52 =	vperm.xlane v38, v22;
	v51 =	vadd.s32 v5, v50;
	s28 =	simm.s32 $0x4400  }
0x17f: {  	[tilespmem:s28], [sflag:$0x1] =	stream.indirect_vreg.gather [hbm4b:s6+s3], $0x80, v47, vm0, $0xb8;
	[tilespmem:$0x19100] =	vst v63  }
0x180: {  	v54 =	vperm.xlane v38, v24;
	v53 =	vadd.s32 v5, v52;
	s29 =	simm.s32 $0x4480  }
0x181: {  	[tilespmem:s29], [sflag:$0x1] =	stream.indirect_vreg.gather [hbm4b:s6+s3], $0x80, v49, vm0, $0xb8;
	[tilespmem:$0x19100] =	vst v63  }
0x182: {  	v56 =	vperm.xlane v38, v25;
	v55 =	vadd.s32 v5, v54;
	s30 =	simm.s32 $0x4500  }
0x183: {  	[tilespmem:s30], [sflag:$0x1] =	stream.indirect_vreg.gather [hbm4b:s6+s3], $0x80, v51, vm0, $0xb8;
	[tilespmem:$0x19100] =	vst v63  }
0x184: {  	v57 =	vadd.s32 v5, v56;
	v58 =	vperm.xlane v38, v26;
	s24 =	simm.s32 $0x4580  }
0x185: {  	[tilespmem:s24], [sflag:$0x1] =	stream.indirect_vreg.gather [hbm4b:s6+s3], $0x80, v53, vm0, $0xb8;
	[tilespmem:$0x19100] =	vst v63  }
0x186: {  	v59 =	vadd.s32 v5, v58;
	v60 =	vperm.xlane v38, v27;
	s26 =	simm.s32 $0x4600  }
0x187: {  	[tilespmem:s26], [sflag:$0x1] =	stream.indirect_vreg.gather [hbm4b:s6+s3], $0x80, v55, vm0, $0xb8;
	[tilespmem:$0x19100] =	vst v63  }
0x188: {  	v61 =	vadd.s32 v5, v60;
	v62 =	vperm.xlane v38, v28;
	s28 =	simm.s32 $0x4680  }
0x189: {  	[tilespmem:s28], [sflag:$0x1] =	stream.indirect_vreg.gather [hbm4b:s6+s3], $0x80, v57, vm0, $0xb8;
	[tilespmem:$0x19100] =	vst v63  }
0x18a: {  	v38 =	vperm.xlane v38, v29;
	v63 =	vadd.s32 v5, v62;
	s29 =	simm.s32 $0x4700  }
0x18b: {  	[tilespmem:s29], [sflag:$0x1] =	stream.indirect_vreg.gather [hbm4b:s6+s3], $0x80, v59, vm0, $0xb8;
	[tilespmem:$0x19100] =	vst v63  }
0x18c: {  	v38 =	vadd.s32 v5, v38;
	s30 =	simm.s32 $0x4780  }
0x18d: {  	[tilespmem:s30], [sflag:$0x1] =	stream.indirect_vreg.gather [hbm4b:s6+s3], $0x80, v61, vm0, $0xb8;
	[tilespmem:$0x19100] =	vst v63  }
0x18e: {  	s24 =	simm.s32 $0x4800  }
0x18f: {  	[tilespmem:s24], [sflag:$0x1] =	stream.indirect_vreg.gather [hbm4b:s6+s3], $0x80, v63, vm0, $0xb8;
	[tilespmem:$0x19100] =	vst v63  }
0x190: {  	s26 =	simm.s32 $0x4880  }
0x191: {  	[tilespmem:s26], [sflag:$0x1] =	stream.indirect_vreg.gather [hbm4b:s6+s3], $0x80, v38, vm0, $0xb8;
	[tilespmem:$0x19100] =	vst v63  }
0x192: {  	v38 =	vld [tilespmem:$0x90];
	_ =	sdelay $0x4  }
0x193: {  	v43 =	vshrl.u32 v38, $0x3  }
0x194: {  	v39 =	vmul.u32 $0x1870, v43  }
0x195: {  	v38 =	vand.u32 $0x7, v38  }
0x196: {  	v38 =	vor.u32 v38, v39  }
0x197: {  	v39 =	vperm.xlane v38, v2;
	_ =	sdelay $0x1  }
0x198: {  	v44 =	vperm.xlane v38, v6;
	v39 =	vadd.s32 v5, v39;
	_ =	sdelay $0x1  }
0x199: {  	v45 =	vperm.xlane v38, v7;
	v40 =	vadd.s32 v5, v44;
	_ =	sdelay $0x1  }
0x19a: {  	s28 =	simm.s32 $0x4900;
	v46 =	vperm.xlane v38, v8;
	v41 =	vadd.s32 v5, v45  }
0x19b: {  	[tilespmem:s28], [sflag:$0x1] =	stream.indirect_vreg.gather [hbm4b:s6+s3], $0x80, v39, vm0, $0xb8;
	[tilespmem:$0x19100] =	vst v63  }
0x19c: {  	s29 =	simm.s32 $0x4980;
	v48 =	vperm.xlane v38, v12;
	v47 =	vadd.s32 v5, v46  }
0x19d: {  	[tilespmem:s29], [sflag:$0x1] =	stream.indirect_vreg.gather [hbm4b:s6+s3], $0x80, v40, vm0, $0xb8;
	[tilespmem:$0x19100] =	vst v63  }
0x19e: {  	s30 =	simm.s32 $0x4A00;
	v50 =	vperm.xlane v38, v14;
	v49 =	vadd.s32 v5, v48  }
0x19f: {  	[tilespmem:s30], [sflag:$0x1] =	stream.indirect_vreg.gather [hbm4b:s6+s3], $0x80, v41, vm0, $0xb8;
	[tilespmem:$0x19100] =	vst v63  }
0x1a0: {  	s24 =	simm.s32 $0x4A80;
	v52 =	vperm.xlane v38, v15;
	v51 =	vadd.s32 v5, v50  }
0x1a1: {  	[tilespmem:s24], [sflag:$0x1] =	stream.indirect_vreg.gather [hbm4b:s6+s3], $0x80, v47, vm0, $0xb8;
	[tilespmem:$0x19100] =	vst v63  }
0x1a2: {  	s26 =	simm.s32 $0x4B00;
	v54 =	vperm.xlane v38, v16;
	v53 =	vadd.s32 v5, v52  }
0x1a3: {  	[tilespmem:s26], [sflag:$0x1] =	stream.indirect_vreg.gather [hbm4b:s6+s3], $0x80, v49, vm0, $0xb8;
	[tilespmem:$0x19100] =	vst v63  }
0x1a4: {  	v56 =	vperm.xlane v38, v17;
	v55 =	vadd.s32 v5, v54;
	s28 =	simm.s32 $0x4B80  }
0x1a5: {  	[tilespmem:s28], [sflag:$0x1] =	stream.indirect_vreg.gather [hbm4b:s6+s3], $0x80, v51, vm0, $0xb8;
	[tilespmem:$0x19100] =	vst v63  }
0x1a6: {  	v58 =	vperm.xlane v38, v22;
	v57 =	vadd.s32 v5, v56;
	s29 =	simm.s32 $0x4C00  }
0x1a7: {  	[tilespmem:s29], [sflag:$0x1] =	stream.indirect_vreg.gather [hbm4b:s6+s3], $0x80, v53, vm0, $0xb8;
	[tilespmem:$0x19100] =	vst v63  }
0x1a8: {  	v60 =	vperm.xlane v38, v24;
	v59 =	vadd.s32 v5, v58;
	s30 =	simm.s32 $0x4C80  }
0x1a9: {  	[tilespmem:s30], [sflag:$0x1] =	stream.indirect_vreg.gather [hbm4b:s6+s3], $0x80, v55, vm0, $0xb8;
	[tilespmem:$0x19100] =	vst v63  }
0x1aa: {  	v62 =	vperm.xlane v38, v25;
	v61 =	vadd.s32 v5, v60;
	s24 =	simm.s32 $0x4D00  }
0x1ab: {  	[tilespmem:s24], [sflag:$0x1] =	stream.indirect_vreg.gather [hbm4b:s6+s3], $0x80, v57, vm0, $0xb8;
	[tilespmem:$0x19100] =	vst v63  }
0x1ac: {  	v63 =	vadd.s32 v5, v62;
	v45 =	vperm.xlane v38, v26;
	s26 =	simm.s32 $0x4D80  }
0x1ad: {  	[tilespmem:s26], [sflag:$0x1] =	stream.indirect_vreg.gather [hbm4b:s6+s3], $0x80, v59, vm0, $0xb8;
	[tilespmem:$0x19100] =	vst v63  }
0x1ae: {  	v46 =	vadd.s32 v5, v45;
	v47 =	vperm.xlane v38, v27;
	s28 =	simm.s32 $0x4E00  }
0x1af: {  	[tilespmem:s28], [sflag:$0x1] =	stream.indirect_vreg.gather [hbm4b:s6+s3], $0x80, v61, vm0, $0xb8;
	[tilespmem:$0x19100] =	vst v63  }
0x1b0: {  	v48 =	vadd.s32 v5, v47;
	v49 =	vperm.xlane v38, v28;
	s29 =	simm.s32 $0x4E80  }
0x1b1: {  	[tilespmem:s29], [sflag:$0x1] =	stream.indirect_vreg.gather [hbm4b:s6+s3], $0x80, v63, vm0, $0xb8;
	[tilespmem:$0x19100] =	vst v63  }
0x1b2: {  	v38 =	vperm.xlane v38, v29;
	v50 =	vadd.s32 v5, v49;
	s30 =	simm.s32 $0x4F00  }
0x1b3: {  	[tilespmem:s30], [sflag:$0x1] =	stream.indirect_vreg.gather [hbm4b:s6+s3], $0x80, v46, vm0, $0xb8;
	[tilespmem:$0x19100] =	vst v63  }
0x1b4: {  	v38 =	vadd.s32 v5, v38;
	s24 =	simm.s32 $0x4F80  }
0x1b5: {  	[tilespmem:s24], [sflag:$0x1] =	stream.indirect_vreg.gather [hbm4b:s6+s3], $0x80, v48, vm0, $0xb8;
	[tilespmem:$0x19100] =	vst v63  }
0x1b6: {  	s26 =	simm.s32 $0x5000  }
0x1b7: {  	[tilespmem:s26], [sflag:$0x1] =	stream.indirect_vreg.gather [hbm4b:s6+s3], $0x80, v50, vm0, $0xb8;
	[tilespmem:$0x19100] =	vst v63  }
0x1b8: {  	s28 =	simm.s32 $0x5080  }
0x1b9: {  	[tilespmem:s28], [sflag:$0x1] =	stream.indirect_vreg.gather [hbm4b:s6+s3], $0x80, v38, vm0, $0xb8;
	[tilespmem:$0x19100] =	vst v63  }
0x1ba: {  	v38 =	vld [tilespmem:$0xA0];
	_ =	sdelay $0x4  }
0x1bb: {  	v51 =	vshrl.u32 v38, $0x3  }
0x1bc: {  	v39 =	vmul.u32 $0x1870, v51  }
0x1bd: {  	v38 =	vand.u32 $0x7, v38  }
0x1be: {  	v38 =	vor.u32 v38, v39  }
0x1bf: {  	v39 =	vperm.xlane v38, v2;
	_ =	sdelay $0x1  }
0x1c0: {  	v52 =	vperm.xlane v38, v6;
	v39 =	vadd.s32 v5, v39;
	_ =	sdelay $0x1  }
0x1c1: {  	v53 =	vperm.xlane v38, v7;
	v40 =	vadd.s32 v5, v52;
	_ =	sdelay $0x1  }
0x1c2: {  	s29 =	simm.s32 $0x5100;
	v54 =	vperm.xlane v38, v8;
	v41 =	vadd.s32 v5, v53  }
0x1c3: {  	[tilespmem:s29], [sflag:$0x1] =	stream.indirect_vreg.gather [hbm4b:s6+s3], $0x80, v39, vm0, $0xb8;
	[tilespmem:$0x19100] =	vst v63  }
0x1c4: {  	s30 =	simm.s32 $0x5180;
	v56 =	vperm.xlane v38, v12;
	v55 =	vadd.s32 v5, v54  }
0x1c5: {  	[tilespmem:s30], [sflag:$0x1] =	stream.indirect_vreg.gather [hbm4b:s6+s3], $0x80, v40, vm0, $0xb8;
	[tilespmem:$0x19100] =	vst v63  }
0x1c6: {  	s24 =	simm.s32 $0x5200;
	v58 =	vperm.xlane v38, v14;
	v57 =	vadd.s32 v5, v56  }
0x1c7: {  	[tilespmem:s24], [sflag:$0x1] =	stream.indirect_vreg.gather [hbm4b:s6+s3], $0x80, v41, vm0, $0xb8;
	[tilespmem:$0x19100] =	vst v63  }
0x1c8: {  	s26 =	simm.s32 $0x5280;
	v60 =	vperm.xlane v38, v15;
	v59 =	vadd.s32 v5, v58  }
0x1c9: {  	[tilespmem:s26], [sflag:$0x1] =	stream.indirect_vreg.gather [hbm4b:s6+s3], $0x80, v55, vm0, $0xb8;
	[tilespmem:$0x19100] =	vst v63  }
0x1ca: {  	s28 =	simm.s32 $0x5300;
	v62 =	vperm.xlane v38, v16;
	v61 =	vadd.s32 v5, v60  }
0x1cb: {  	[tilespmem:s28], [sflag:$0x1] =	stream.indirect_vreg.gather [hbm4b:s6+s3], $0x80, v57, vm0, $0xb8;
	[tilespmem:$0x19100] =	vst v63  }
0x1cc: {  	v45 =	vperm.xlane v38, v17;
	v63 =	vadd.s32 v5, v62;
	s29 =	simm.s32 $0x5380  }
0x1cd: {  	[tilespmem:s29], [sflag:$0x1] =	stream.indirect_vreg.gather [hbm4b:s6+s3], $0x80, v59, vm0, $0xb8;
	[tilespmem:$0x19100] =	vst v63  }
0x1ce: {  	v47 =	vperm.xlane v38, v22;
	v46 =	vadd.s32 v5, v45;
	s30 =	simm.s32 $0x5400  }
0x1cf: {  	[tilespmem:s30], [sflag:$0x1] =	stream.indirect_vreg.gather [hbm4b:s6+s3], $0x80, v61, vm0, $0xb8;
	[tilespmem:$0x19100] =	vst v63  }
0x1d0: {  	v49 =	vperm.xlane v38, v24;
	v48 =	vadd.s32 v5, v47;
	s24 =	simm.s32 $0x5480  }
0x1d1: {  	[tilespmem:s24], [sflag:$0x1] =	stream.indirect_vreg.gather [hbm4b:s6+s3], $0x80, v63, vm0, $0xb8;
	[tilespmem:$0x19100] =	vst v63  }
0x1d2: {  	v51 =	vperm.xlane v38, v25;
	v50 =	vadd.s32 v5, v49;
	s26 =	simm.s32 $0x5500  }
0x1d3: {  	[tilespmem:s26], [sflag:$0x1] =	stream.indirect_vreg.gather [hbm4b:s6+s3], $0x80, v46, vm0, $0xb8;
	[tilespmem:$0x19100] =	vst v63  }
0x1d4: {  	v52 =	vadd.s32 v5, v51;
	v53 =	vperm.xlane v38, v26;
	s28 =	simm.s32 $0x5580  }
0x1d5: {  	[tilespmem:s28], [sflag:$0x1] =	stream.indirect_vreg.gather [hbm4b:s6+s3], $0x80, v48, vm0, $0xb8;
	[tilespmem:$0x19100] =	vst v63  }
0x1d6: {  	v54 =	vadd.s32 v5, v53;
	v55 =	vperm.xlane v38, v27;
	s29 =	simm.s32 $0x5600  }
0x1d7: {  	[tilespmem:s29], [sflag:$0x1] =	stream.indirect_vreg.gather [hbm4b:s6+s3], $0x80, v50, vm0, $0xb8;
	[tilespmem:$0x19100] =	vst v63  }
0x1d8: {  	v56 =	vadd.s32 v5, v55;
	v57 =	vperm.xlane v38, v28;
	s30 =	simm.s32 $0x5680  }
0x1d9: {  	[tilespmem:s30], [sflag:$0x1] =	stream.indirect_vreg.gather [hbm4b:s6+s3], $0x80, v52, vm0, $0xb8;
	[tilespmem:$0x19100] =	vst v63  }
0x1da: {  	v38 =	vperm.xlane v38, v29;
	v58 =	vadd.s32 v5, v57;
	s24 =	simm.s32 $0x5700  }
0x1db: {  	[tilespmem:s24], [sflag:$0x1] =	stream.indirect_vreg.gather [hbm4b:s6+s3], $0x80, v54, vm0, $0xb8;
	[tilespmem:$0x19100] =	vst v63  }
0x1dc: {  	v38 =	vadd.s32 v5, v38;
	s26 =	simm.s32 $0x5780  }
0x1dd: {  	[tilespmem:s26], [sflag:$0x1] =	stream.indirect_vreg.gather [hbm4b:s6+s3], $0x80, v56, vm0, $0xb8;
	[tilespmem:$0x19100] =	vst v63  }
0x1de: {  	s28 =	simm.s32 $0x5800  }
0x1df: {  	[tilespmem:s28], [sflag:$0x1] =	stream.indirect_vreg.gather [hbm4b:s6+s3], $0x80, v58, vm0, $0xb8;
	[tilespmem:$0x19100] =	vst v63  }
0x1e0: {  	s29 =	simm.s32 $0x5880  }
0x1e1: {  	[tilespmem:s29], [sflag:$0x1] =	stream.indirect_vreg.gather [hbm4b:s6+s3], $0x80, v38, vm0, $0xb8;
	[tilespmem:$0x19100] =	vst v63  }
0x1e2: {  	v38 =	vld [tilespmem:$0xB0];
	_ =	sdelay $0x4  }
0x1e3: {  	v59 =	vshrl.u32 v38, $0x3  }
0x1e4: {  	v39 =	vmul.u32 $0x1870, v59  }
0x1e5: {  	v38 =	vand.u32 $0x7, v38  }
0x1e6: {  	v38 =	vor.u32 v38, v39  }
0x1e7: {  	v39 =	vperm.xlane v38, v2;
	_ =	sdelay $0x1  }
0x1e8: {  	v60 =	vperm.xlane v38, v6;
	v39 =	vadd.s32 v5, v39;
	_ =	sdelay $0x1  }
0x1e9: {  	v61 =	vperm.xlane v38, v7;
	v40 =	vadd.s32 v5, v60;
	_ =	sdelay $0x1  }
0x1ea: {  	s30 =	simm.s32 $0x5900;
	v62 =	vperm.xlane v38, v8;
	v41 =	vadd.s32 v5, v61  }
0x1eb: {  	[tilespmem:s30], [sflag:$0x1] =	stream.indirect_vreg.gather [hbm4b:s6+s3], $0x80, v39, vm0, $0xb8;
	[tilespmem:$0x19100] =	vst v63  }
0x1ec: {  	s24 =	simm.s32 $0x5980;
	v45 =	vperm.xlane v38, v12;
	v63 =	vadd.s32 v5, v62  }
0x1ed: {  	[tilespmem:s24], [sflag:$0x1] =	stream.indirect_vreg.gather [hbm4b:s6+s3], $0x80, v40, vm0, $0xb8;
	[tilespmem:$0x19100] =	vst v63  }
0x1ee: {  	s26 =	simm.s32 $0x5A00;
	v47 =	vperm.xlane v38, v14;
	v46 =	vadd.s32 v5, v45  }
0x1ef: {  	[tilespmem:s26], [sflag:$0x1] =	stream.indirect_vreg.gather [hbm4b:s6+s3], $0x80, v41, vm0, $0xb8;
	[tilespmem:$0x19100] =	vst v63  }
0x1f0: {  	s28 =	simm.s32 $0x5A80;
	v49 =	vperm.xlane v38, v15;
	v48 =	vadd.s32 v5, v47  }
0x1f1: {  	[tilespmem:s28], [sflag:$0x1] =	stream.indirect_vreg.gather [hbm4b:s6+s3], $0x80, v63, vm0, $0xb8;
	[tilespmem:$0x19100] =	vst v63  }
0x1f2: {  	s29 =	simm.s32 $0x5B00;
	v51 =	vperm.xlane v38, v16;
	v50 =	vadd.s32 v5, v49  }
0x1f3: {  	[tilespmem:s29], [sflag:$0x1] =	stream.indirect_vreg.gather [hbm4b:s6+s3], $0x80, v46, vm0, $0xb8;
	[tilespmem:$0x19100] =	vst v63  }
0x1f4: {  	v53 =	vperm.xlane v38, v17;
	v52 =	vadd.s32 v5, v51;
	s30 =	simm.s32 $0x5B80  }
0x1f5: {  	[tilespmem:s30], [sflag:$0x1] =	stream.indirect_vreg.gather [hbm4b:s6+s3], $0x80, v48, vm0, $0xb8;
	[tilespmem:$0x19100] =	vst v63  }
0x1f6: {  	v55 =	vperm.xlane v38, v22;
	v54 =	vadd.s32 v5, v53;
	s24 =	simm.s32 $0x5C00  }
0x1f7: {  	[tilespmem:s24], [sflag:$0x1] =	stream.indirect_vreg.gather [hbm4b:s6+s3], $0x80, v50, vm0, $0xb8;
	[tilespmem:$0x19100] =	vst v63  }
0x1f8: {  	v57 =	vperm.xlane v38, v24;
	v56 =	vadd.s32 v5, v55;
	s26 =	simm.s32 $0x5C80  }
0x1f9: {  	[tilespmem:s26], [sflag:$0x1] =	stream.indirect_vreg.gather [hbm4b:s6+s3], $0x80, v52, vm0, $0xb8;
	[tilespmem:$0x19100] =	vst v63  }
0x1fa: {  	v59 =	vperm.xlane v38, v25;
	v58 =	vadd.s32 v5, v57;
	s28 =	simm.s32 $0x5D00  }
0x1fb: {  	[tilespmem:s28], [sflag:$0x1] =	stream.indirect_vreg.gather [hbm4b:s6+s3], $0x80, v54, vm0, $0xb8;
	[tilespmem:$0x19100] =	vst v63  }
0x1fc: {  	v60 =	vadd.s32 v5, v59;
	v61 =	vperm.xlane v38, v26;
	s29 =	simm.s32 $0x5D80  }
0x1fd: {  	[tilespmem:s29], [sflag:$0x1] =	stream.indirect_vreg.gather [hbm4b:s6+s3], $0x80, v56, vm0, $0xb8;
	[tilespmem:$0x19100] =	vst v63  }
0x1fe: {  	v62 =	vadd.s32 v5, v61;
	v63 =	vperm.xlane v38, v27;
	s30 =	simm.s32 $0x5E00  }
0x1ff: {  	[tilespmem:s30], [sflag:$0x1] =	stream.indirect_vreg.gather [hbm4b:s6+s3], $0x80, v58, vm0, $0xb8;
	[tilespmem:$0x19100] =	vst v63  }
0x200: {  	v45 =	vadd.s32 v5, v63;
	v46 =	vperm.xlane v38, v28;
	s24 =	simm.s32 $0x5E80  }
0x201: {  	[tilespmem:s24], [sflag:$0x1] =	stream.indirect_vreg.gather [hbm4b:s6+s3], $0x80, v60, vm0, $0xb8;
	[tilespmem:$0x19100] =	vst v63  }
0x202: {  	v38 =	vperm.xlane v38, v29;
	v47 =	vadd.s32 v5, v46;
	s26 =	simm.s32 $0x5F00  }
0x203: {  	[tilespmem:s26], [sflag:$0x1] =	stream.indirect_vreg.gather [hbm4b:s6+s3], $0x80, v62, vm0, $0xb8;
	[tilespmem:$0x19100] =	vst v63  }
0x204: {  	v38 =	vadd.s32 v5, v38;
	s28 =	simm.s32 $0x5F80  }
0x205: {  	[tilespmem:s28], [sflag:$0x1] =	stream.indirect_vreg.gather [hbm4b:s6+s3], $0x80, v45, vm0, $0xb8;
	[tilespmem:$0x19100] =	vst v63  }
0x206: {  	s29 =	simm.s32 $0x6000  }
0x207: {  	[tilespmem:s29], [sflag:$0x1] =	stream.indirect_vreg.gather [hbm4b:s6+s3], $0x80, v47, vm0, $0xb8;
	[tilespmem:$0x19100] =	vst v63  }
0x208: {  	(v2sf) =	vpush v37, $0x3;
	s30 =	simm.s32 $0x6080  }
0x209: {  	[tilespmem:s30], [sflag:$0x1] =	stream.indirect_vreg.gather [hbm4b:s6+s3], $0x80, v38, vm0, $0xb8;
	[tilespmem:$0x19100] =	vst v63  }
0x20a: {  	v38 =	vld [tilespmem:$0x80];
	_ =	sdelay $0x4  }
0x20b: {  	v48 =	vshrl.u32 v38, $0x3  }
0x20c: {  	v39 =	vmul.u32 $0x1870, v48  }
0x20d: {  	v38 =	vand.u32 $0x7, v38  }
0x20e: {  	v38 =	vor.u32 v38, v39  }
0x20f: {  	v39 =	vperm.xlane v38, v2;
	_ =	sdelay $0x1  }
0x210: {  	v49 =	vperm.xlane v38, v6;
	v39 =	vadd.s32 v5, v39;
	_ =	sdelay $0x1  }
0x211: {  	s24 =	spop (v2sf);
	v50 =	vperm.xlane v38, v7;
	v40 =	vadd.s32 v5, v49  }
0x212: {  	s6 =	sand.u32 $0xFFFFF80, s24  }
0x213: {  	s26 =	simm.s32 $0x6100;
	s6 =	sadd.s32 s2, s6;
	v51 =	vperm.xlane v38, v8;
	v41 =	vadd.s32 v5, v50  }
0x214: {  	[tilespmem:s26], [sflag:$0x1] =	stream.indirect_vreg.gather [hbm4b:s6+s3], $0x80, v39, vm0, $0xb8;
	[tilespmem:$0x19100] =	vst v63  }
0x215: {  	s28 =	simm.s32 $0x6180;
	v53 =	vperm.xlane v38, v12;
	v52 =	vadd.s32 v5, v51  }
0x216: {  	[tilespmem:s28], [sflag:$0x1] =	stream.indirect_vreg.gather [hbm4b:s6+s3], $0x80, v40, vm0, $0xb8;
	[tilespmem:$0x19100] =	vst v63  }
0x217: {  	s29 =	simm.s32 $0x6200;
	v55 =	vperm.xlane v38, v14;
	v54 =	vadd.s32 v5, v53  }
0x218: {  	[tilespmem:s29], [sflag:$0x1] =	stream.indirect_vreg.gather [hbm4b:s6+s3], $0x80, v41, vm0, $0xb8;
	[tilespmem:$0x19100] =	vst v63  }
0x219: {  	s30 =	simm.s32 $0x6280;
	v57 =	vperm.xlane v38, v15;
	v56 =	vadd.s32 v5, v55  }
0x21a: {  	[tilespmem:s30], [sflag:$0x1] =	stream.indirect_vreg.gather [hbm4b:s6+s3], $0x80, v52, vm0, $0xb8;
	[tilespmem:$0x19100] =	vst v63  }
0x21b: {  	s24 =	simm.s32 $0x6300;
	v59 =	vperm.xlane v38, v16;
	v58 =	vadd.s32 v5, v57  }
0x21c: {  	[tilespmem:s24], [sflag:$0x1] =	stream.indirect_vreg.gather [hbm4b:s6+s3], $0x80, v54, vm0, $0xb8;
	[tilespmem:$0x19100] =	vst v63  }
0x21d: {  	v61 =	vperm.xlane v38, v17;
	v60 =	vadd.s32 v5, v59;
	s26 =	simm.s32 $0x6380  }
0x21e: {  	[tilespmem:s26], [sflag:$0x1] =	stream.indirect_vreg.gather [hbm4b:s6+s3], $0x80, v56, vm0, $0xb8;
	[tilespmem:$0x19100] =	vst v63  }
0x21f: {  	v63 =	vperm.xlane v38, v22;
	v62 =	vadd.s32 v5, v61;
	s28 =	simm.s32 $0x6400  }
0x220: {  	[tilespmem:s28], [sflag:$0x1] =	stream.indirect_vreg.gather [hbm4b:s6+s3], $0x80, v58, vm0, $0xb8;
	[tilespmem:$0x19100] =	vst v63  }
0x221: {  	v46 =	vperm.xlane v38, v24;
	v45 =	vadd.s32 v5, v63;
	s29 =	simm.s32 $0x6480  }
0x222: {  	[tilespmem:s29], [sflag:$0x1] =	stream.indirect_vreg.gather [hbm4b:s6+s3], $0x80, v60, vm0, $0xb8;
	[tilespmem:$0x19100] =	vst v63  }
0x223: {  	v48 =	vperm.xlane v38, v25;
	v47 =	vadd.s32 v5, v46;
	s30 =	simm.s32 $0x6500  }
0x224: {  	[tilespmem:s30], [sflag:$0x1] =	stream.indirect_vreg.gather [hbm4b:s6+s3], $0x80, v62, vm0, $0xb8;
	[tilespmem:$0x19100] =	vst v63  }
0x225: {  	v49 =	vadd.s32 v5, v48;
	v50 =	vperm.xlane v38, v26;
	s24 =	simm.s32 $0x6580  }
0x226: {  	[tilespmem:s24], [sflag:$0x1] =	stream.indirect_vreg.gather [hbm4b:s6+s3], $0x80, v45, vm0, $0xb8;
	[tilespmem:$0x19100] =	vst v63  }
0x227: {  	v51 =	vadd.s32 v5, v50;
	v52 =	vperm.xlane v38, v27;
	s26 =	simm.s32 $0x6600  }
0x228: {  	[tilespmem:s26], [sflag:$0x1] =	stream.indirect_vreg.gather [hbm4b:s6+s3], $0x80, v47, vm0, $0xb8;
	[tilespmem:$0x19100] =	vst v63  }
0x229: {  	v53 =	vadd.s32 v5, v52;
	v54 =	vperm.xlane v38, v28;
	s28 =	simm.s32 $0x6680  }
0x22a: {  	[tilespmem:s28], [sflag:$0x1] =	stream.indirect_vreg.gather [hbm4b:s6+s3], $0x80, v49, vm0, $0xb8;
	[tilespmem:$0x19100] =	vst v63  }
0x22b: {  	v38 =	vperm.xlane v38, v29;
	v55 =	vadd.s32 v5, v54;
	s29 =	simm.s32 $0x6700  }
0x22c: {  	[tilespmem:s29], [sflag:$0x1] =	stream.indirect_vreg.gather [hbm4b:s6+s3], $0x80, v51, vm0, $0xb8;
	[tilespmem:$0x19100] =	vst v63  }
0x22d: {  	v38 =	vadd.s32 v5, v38;
	s30 =	simm.s32 $0x6780  }
0x22e: {  	[tilespmem:s30], [sflag:$0x1] =	stream.indirect_vreg.gather [hbm4b:s6+s3], $0x80, v53, vm0, $0xb8;
	[tilespmem:$0x19100] =	vst v63  }
0x22f: {  	s24 =	simm.s32 $0x6800  }
0x230: {  	[tilespmem:s24], [sflag:$0x1] =	stream.indirect_vreg.gather [hbm4b:s6+s3], $0x80, v55, vm0, $0xb8;
	[tilespmem:$0x19100] =	vst v63  }
0x231: {  	s26 =	simm.s32 $0x6880  }
0x232: {  	[tilespmem:s26], [sflag:$0x1] =	stream.indirect_vreg.gather [hbm4b:s6+s3], $0x80, v38, vm0, $0xb8;
	[tilespmem:$0x19100] =	vst v63  }
0x233: {  	v38 =	vld [tilespmem:$0x90];
	_ =	sdelay $0x4  }
0x234: {  	v56 =	vshrl.u32 v38, $0x3  }
0x235: {  	v39 =	vmul.u32 $0x1870, v56  }
0x236: {  	v38 =	vand.u32 $0x7, v38  }
0x237: {  	v38 =	vor.u32 v38, v39  }
0x238: {  	v39 =	vperm.xlane v38, v2;
	_ =	sdelay $0x1  }
0x239: {  	v57 =	vperm.xlane v38, v6;
	v39 =	vadd.s32 v5, v39;
	_ =	sdelay $0x1  }
0x23a: {  	v58 =	vperm.xlane v38, v7;
	v40 =	vadd.s32 v5, v57;
	_ =	sdelay $0x1  }
0x23b: {  	s28 =	simm.s32 $0x6900;
	v59 =	vperm.xlane v38, v8;
	v41 =	vadd.s32 v5, v58  }
0x23c: {  	[tilespmem:s28], [sflag:$0x1] =	stream.indirect_vreg.gather [hbm4b:s6+s3], $0x80, v39, vm0, $0xb8;
	[tilespmem:$0x19100] =	vst v63  }
0x23d: {  	s29 =	simm.s32 $0x6980;
	v61 =	vperm.xlane v38, v12;
	v60 =	vadd.s32 v5, v59  }
0x23e: {  	[tilespmem:s29], [sflag:$0x1] =	stream.indirect_vreg.gather [hbm4b:s6+s3], $0x80, v40, vm0, $0xb8;
	[tilespmem:$0x19100] =	vst v63  }
0x23f: {  	s30 =	simm.s32 $0x6A00;
	v63 =	vperm.xlane v38, v14;
	v62 =	vadd.s32 v5, v61  }
0x240: {  	[tilespmem:s30], [sflag:$0x1] =	stream.indirect_vreg.gather [hbm4b:s6+s3], $0x80, v41, vm0, $0xb8;
	[tilespmem:$0x19100] =	vst v63  }
0x241: {  	s24 =	simm.s32 $0x6A80;
	v46 =	vperm.xlane v38, v15;
	v45 =	vadd.s32 v5, v63  }
0x242: {  	[tilespmem:s24], [sflag:$0x1] =	stream.indirect_vreg.gather [hbm4b:s6+s3], $0x80, v60, vm0, $0xb8;
	[tilespmem:$0x19100] =	vst v63  }
0x243: {  	s26 =	simm.s32 $0x6B00;
	v48 =	vperm.xlane v38, v16;
	v47 =	vadd.s32 v5, v46  }
0x244: {  	[tilespmem:s26], [sflag:$0x1] =	stream.indirect_vreg.gather [hbm4b:s6+s3], $0x80, v62, vm0, $0xb8;
	[tilespmem:$0x19100] =	vst v63  }
0x245: {  	v50 =	vperm.xlane v38, v17;
	v49 =	vadd.s32 v5, v48;
	s28 =	simm.s32 $0x6B80  }
0x246: {  	[tilespmem:s28], [sflag:$0x1] =	stream.indirect_vreg.gather [hbm4b:s6+s3], $0x80, v45, vm0, $0xb8;
	[tilespmem:$0x19100] =	vst v63  }
0x247: {  	v52 =	vperm.xlane v38, v22;
	v51 =	vadd.s32 v5, v50;
	s29 =	simm.s32 $0x6C00  }
0x248: {  	[tilespmem:s29], [sflag:$0x1] =	stream.indirect_vreg.gather [hbm4b:s6+s3], $0x80, v47, vm0, $0xb8;
	[tilespmem:$0x19100] =	vst v63  }
0x249: {  	v54 =	vperm.xlane v38, v24;
	v53 =	vadd.s32 v5, v52;
	s30 =	simm.s32 $0x6C80  }
0x24a: {  	[tilespmem:s30], [sflag:$0x1] =	stream.indirect_vreg.gather [hbm4b:s6+s3], $0x80, v49, vm0, $0xb8;
	[tilespmem:$0x19100] =	vst v63  }
0x24b: {  	v56 =	vperm.xlane v38, v25;
	v55 =	vadd.s32 v5, v54;
	s24 =	simm.s32 $0x6D00  }
0x24c: {  	[tilespmem:s24], [sflag:$0x1] =	stream.indirect_vreg.gather [hbm4b:s6+s3], $0x80, v51, vm0, $0xb8;
	[tilespmem:$0x19100] =	vst v63  }
0x24d: {  	v57 =	vadd.s32 v5, v56;
	v58 =	vperm.xlane v38, v26;
	s26 =	simm.s32 $0x6D80  }
0x24e: {  	[tilespmem:s26], [sflag:$0x1] =	stream.indirect_vreg.gather [hbm4b:s6+s3], $0x80, v53, vm0, $0xb8;
	[tilespmem:$0x19100] =	vst v63  }
0x24f: {  	v59 =	vadd.s32 v5, v58;
	v60 =	vperm.xlane v38, v27;
	s28 =	simm.s32 $0x6E00  }
0x250: {  	[tilespmem:s28], [sflag:$0x1] =	stream.indirect_vreg.gather [hbm4b:s6+s3], $0x80, v55, vm0, $0xb8;
	[tilespmem:$0x19100] =	vst v63  }
0x251: {  	v61 =	vadd.s32 v5, v60;
	v62 =	vperm.xlane v38, v28;
	s29 =	simm.s32 $0x6E80  }
0x252: {  	[tilespmem:s29], [sflag:$0x1] =	stream.indirect_vreg.gather [hbm4b:s6+s3], $0x80, v57, vm0, $0xb8;
	[tilespmem:$0x19100] =	vst v63  }
0x253: {  	v38 =	vperm.xlane v38, v29;
	v63 =	vadd.s32 v5, v62;
	s30 =	simm.s32 $0x6F00  }
0x254: {  	[tilespmem:s30], [sflag:$0x1] =	stream.indirect_vreg.gather [hbm4b:s6+s3], $0x80, v59, vm0, $0xb8;
	[tilespmem:$0x19100] =	vst v63  }
0x255: {  	v38 =	vadd.s32 v5, v38;
	s24 =	simm.s32 $0x6F80  }
0x256: {  	[tilespmem:s24], [sflag:$0x1] =	stream.indirect_vreg.gather [hbm4b:s6+s3], $0x80, v61, vm0, $0xb8;
	[tilespmem:$0x19100] =	vst v63  }
0x257: {  	s26 =	simm.s32 $0x7000  }
0x258: {  	[tilespmem:s26], [sflag:$0x1] =	stream.indirect_vreg.gather [hbm4b:s6+s3], $0x80, v63, vm0, $0xb8;
	[tilespmem:$0x19100] =	vst v63  }
0x259: {  	s28 =	simm.s32 $0x7080  }
0x25a: {  	[tilespmem:s28], [sflag:$0x1] =	stream.indirect_vreg.gather [hbm4b:s6+s3], $0x80, v38, vm0, $0xb8;
	[tilespmem:$0x19100] =	vst v63  }
0x25b: {  	v38 =	vld [tilespmem:$0xA0];
	_ =	sdelay $0x4  }
0x25c: {  	v43 =	vshrl.u32 v38, $0x3  }
0x25d: {  	v39 =	vmul.u32 $0x1870, v43  }
0x25e: {  	v38 =	vand.u32 $0x7, v38  }
0x25f: {  	v38 =	vor.u32 v38, v39  }
0x260: {  	v39 =	vperm.xlane v38, v2;
	_ =	sdelay $0x1  }
0x261: {  	v44 =	vperm.xlane v38, v6;
	v39 =	vadd.s32 v5, v39;
	_ =	sdelay $0x1  }
0x262: {  	v45 =	vperm.xlane v38, v7;
	v40 =	vadd.s32 v5, v44;
	_ =	sdelay $0x1  }
0x263: {  	s29 =	simm.s32 $0x7100;
	v46 =	vperm.xlane v38, v8;
	v41 =	vadd.s32 v5, v45  }
0x264: {  	[tilespmem:s29], [sflag:$0x1] =	stream.indirect_vreg.gather [hbm4b:s6+s3], $0x80, v39, vm0, $0xb8;
	[tilespmem:$0x19100] =	vst v63  }
0x265: {  	s30 =	simm.s32 $0x7180;
	v48 =	vperm.xlane v38, v12;
	v47 =	vadd.s32 v5, v46  }
0x266: {  	[tilespmem:s30], [sflag:$0x1] =	stream.indirect_vreg.gather [hbm4b:s6+s3], $0x80, v40, vm0, $0xb8;
	[tilespmem:$0x19100] =	vst v63  }
0x267: {  	s24 =	simm.s32 $0x7200;
	v50 =	vperm.xlane v38, v14;
	v49 =	vadd.s32 v5, v48  }
0x268: {  	[tilespmem:s24], [sflag:$0x1] =	stream.indirect_vreg.gather [hbm4b:s6+s3], $0x80, v41, vm0, $0xb8;
	[tilespmem:$0x19100] =	vst v63  }
0x269: {  	s26 =	simm.s32 $0x7280;
	v52 =	vperm.xlane v38, v15;
	v51 =	vadd.s32 v5, v50  }
0x26a: {  	[tilespmem:s26], [sflag:$0x1] =	stream.indirect_vreg.gather [hbm4b:s6+s3], $0x80, v47, vm0, $0xb8;
	[tilespmem:$0x19100] =	vst v63  }
0x26b: {  	s28 =	simm.s32 $0x7300;
	v54 =	vperm.xlane v38, v16;
	v53 =	vadd.s32 v5, v52  }
0x26c: {  	[tilespmem:s28], [sflag:$0x1] =	stream.indirect_vreg.gather [hbm4b:s6+s3], $0x80, v49, vm0, $0xb8;
	[tilespmem:$0x19100] =	vst v63  }
0x26d: {  	v56 =	vperm.xlane v38, v17;
	v55 =	vadd.s32 v5, v54;
	s29 =	simm.s32 $0x7380  }
0x26e: {  	[tilespmem:s29], [sflag:$0x1] =	stream.indirect_vreg.gather [hbm4b:s6+s3], $0x80, v51, vm0, $0xb8;
	[tilespmem:$0x19100] =	vst v63  }
0x26f: {  	v58 =	vperm.xlane v38, v22;
	v57 =	vadd.s32 v5, v56;
	s30 =	simm.s32 $0x7400  }
0x270: {  	[tilespmem:s30], [sflag:$0x1] =	stream.indirect_vreg.gather [hbm4b:s6+s3], $0x80, v53, vm0, $0xb8;
	[tilespmem:$0x19100] =	vst v63  }
0x271: {  	v60 =	vperm.xlane v38, v24;
	v59 =	vadd.s32 v5, v58;
	s24 =	simm.s32 $0x7480  }
0x272: {  	[tilespmem:s24], [sflag:$0x1] =	stream.indirect_vreg.gather [hbm4b:s6+s3], $0x80, v55, vm0, $0xb8;
	[tilespmem:$0x19100] =	vst v63  }
0x273: {  	v62 =	vperm.xlane v38, v25;
	v61 =	vadd.s32 v5, v60;
	s26 =	simm.s32 $0x7500  }
0x274: {  	[tilespmem:s26], [sflag:$0x1] =	stream.indirect_vreg.gather [hbm4b:s6+s3], $0x80, v57, vm0, $0xb8;
	[tilespmem:$0x19100] =	vst v63  }
0x275: {  	v63 =	vadd.s32 v5, v62;
	v45 =	vperm.xlane v38, v26;
	s28 =	simm.s32 $0x7580  }
0x276: {  	[tilespmem:s28], [sflag:$0x1] =	stream.indirect_vreg.gather [hbm4b:s6+s3], $0x80, v59, vm0, $0xb8;
	[tilespmem:$0x19100] =	vst v63  }
0x277: {  	v46 =	vadd.s32 v5, v45;
	v47 =	vperm.xlane v38, v27;
	s29 =	simm.s32 $0x7600  }
0x278: {  	[tilespmem:s29], [sflag:$0x1] =	stream.indirect_vreg.gather [hbm4b:s6+s3], $0x80, v61, vm0, $0xb8;
	[tilespmem:$0x19100] =	vst v63  }
0x279: {  	v48 =	vadd.s32 v5, v47;
	v49 =	vperm.xlane v38, v28;
	s30 =	simm.s32 $0x7680  }
0x27a: {  	[tilespmem:s30], [sflag:$0x1] =	stream.indirect_vreg.gather [hbm4b:s6+s3], $0x80, v63, vm0, $0xb8;
	[tilespmem:$0x19100] =	vst v63  }
0x27b: {  	v38 =	vperm.xlane v38, v29;
	v50 =	vadd.s32 v5, v49;
	s24 =	simm.s32 $0x7700  }
0x27c: {  	[tilespmem:s24], [sflag:$0x1] =	stream.indirect_vreg.gather [hbm4b:s6+s3], $0x80, v46, vm0, $0xb8;
	[tilespmem:$0x19100] =	vst v63  }
0x27d: {  	v38 =	vadd.s32 v5, v38;
	s26 =	simm.s32 $0x7780  }
0x27e: {  	[tilespmem:s26], [sflag:$0x1] =	stream.indirect_vreg.gather [hbm4b:s6+s3], $0x80, v48, vm0, $0xb8;
	[tilespmem:$0x19100] =	vst v63  }
0x27f: {  	s28 =	simm.s32 $0x7800  }
0x280: {  	[tilespmem:s28], [sflag:$0x1] =	stream.indirect_vreg.gather [hbm4b:s6+s3], $0x80, v50, vm0, $0xb8;
	[tilespmem:$0x19100] =	vst v63  }
0x281: {  	s29 =	simm.s32 $0x7880  }
0x282: {  	[tilespmem:s29], [sflag:$0x1] =	stream.indirect_vreg.gather [hbm4b:s6+s3], $0x80, v38, vm0, $0xb8;
	[tilespmem:$0x19100] =	vst v63  }
0x283: {  	v38 =	vld [tilespmem:$0xB0];
	_ =	sdelay $0x4  }
0x284: {  	v51 =	vshrl.u32 v38, $0x3  }
0x285: {  	v39 =	vmul.u32 $0x1870, v51  }
0x286: {  	v38 =	vand.u32 $0x7, v38  }
0x287: {  	v38 =	vor.u32 v38, v39  }
0x288: {  	v39 =	vperm.xlane v38, v2;
	_ =	sdelay $0x1  }
0x289: {  	v52 =	vperm.xlane v38, v6;
	v39 =	vadd.s32 v5, v39;
	_ =	sdelay $0x1  }
0x28a: {  	v53 =	vperm.xlane v38, v7;
	v40 =	vadd.s32 v5, v52;
	_ =	sdelay $0x1  }
0x28b: {  	s30 =	simm.s32 $0x7900;
	v54 =	vperm.xlane v38, v8;
	v41 =	vadd.s32 v5, v53  }
0x28c: {  	[tilespmem:s30], [sflag:$0x1] =	stream.indirect_vreg.gather [hbm4b:s6+s3], $0x80, v39, vm0, $0xb8;
	[tilespmem:$0x19100] =	vst v63  }
0x28d: {  	s24 =	simm.s32 $0x7980;
	v56 =	vperm.xlane v38, v12;
	v55 =	vadd.s32 v5, v54  }
0x28e: {  	[tilespmem:s24], [sflag:$0x1] =	stream.indirect_vreg.gather [hbm4b:s6+s3], $0x80, v40, vm0, $0xb8;
	[tilespmem:$0x19100] =	vst v63  }
0x28f: {  	s26 =	simm.s32 $0x7A00;
	v58 =	vperm.xlane v38, v14;
	v57 =	vadd.s32 v5, v56  }
0x290: {  	[tilespmem:s26], [sflag:$0x1] =	stream.indirect_vreg.gather [hbm4b:s6+s3], $0x80, v41, vm0, $0xb8;
	[tilespmem:$0x19100] =	vst v63  }
0x291: {  	s28 =	simm.s32 $0x7A80;
	v60 =	vperm.xlane v38, v15;
	v59 =	vadd.s32 v5, v58  }
0x292: {  	[tilespmem:s28], [sflag:$0x1] =	stream.indirect_vreg.gather [hbm4b:s6+s3], $0x80, v55, vm0, $0xb8;
	[tilespmem:$0x19100] =	vst v63  }
0x293: {  	s29 =	simm.s32 $0x7B00;
	v62 =	vperm.xlane v38, v16;
	v61 =	vadd.s32 v5, v60  }
0x294: {  	[tilespmem:s29], [sflag:$0x1] =	stream.indirect_vreg.gather [hbm4b:s6+s3], $0x80, v57, vm0, $0xb8;
	[tilespmem:$0x19100] =	vst v63  }
0x295: {  	v45 =	vperm.xlane v38, v17;
	v63 =	vadd.s32 v5, v62;
	s30 =	simm.s32 $0x7B80  }
0x296: {  	[tilespmem:s30], [sflag:$0x1] =	stream.indirect_vreg.gather [hbm4b:s6+s3], $0x80, v59, vm0, $0xb8;
	[tilespmem:$0x19100] =	vst v63  }
0x297: {  	v47 =	vperm.xlane v38, v22;
	v46 =	vadd.s32 v5, v45;
	s24 =	simm.s32 $0x7C00  }
0x298: {  	[tilespmem:s24], [sflag:$0x1] =	stream.indirect_vreg.gather [hbm4b:s6+s3], $0x80, v61, vm0, $0xb8;
	[tilespmem:$0x19100] =	vst v63  }
0x299: {  	v49 =	vperm.xlane v38, v24;
	v48 =	vadd.s32 v5, v47;
	s26 =	simm.s32 $0x7C80  }
0x29a: {  	[tilespmem:s26], [sflag:$0x1] =	stream.indirect_vreg.gather [hbm4b:s6+s3], $0x80, v63, vm0, $0xb8;
	[tilespmem:$0x19100] =	vst v63  }
0x29b: {  	v51 =	vperm.xlane v38, v25;
	v50 =	vadd.s32 v5, v49;
	s28 =	simm.s32 $0x7D00  }
0x29c: {  	[tilespmem:s28], [sflag:$0x1] =	stream.indirect_vreg.gather [hbm4b:s6+s3], $0x80, v46, vm0, $0xb8;
	[tilespmem:$0x19100] =	vst v63  }
0x29d: {  	v52 =	vadd.s32 v5, v51;
	v53 =	vperm.xlane v38, v26;
	s29 =	simm.s32 $0x7D80  }
0x29e: {  	[tilespmem:s29], [sflag:$0x1] =	stream.indirect_vreg.gather [hbm4b:s6+s3], $0x80, v48, vm0, $0xb8;
	[tilespmem:$0x19100] =	vst v63  }
0x29f: {  	v54 =	vadd.s32 v5, v53;
	v55 =	vperm.xlane v38, v27;
	s30 =	simm.s32 $0x7E00  }
0x2a0: {  	[tilespmem:s30], [sflag:$0x1] =	stream.indirect_vreg.gather [hbm4b:s6+s3], $0x80, v50, vm0, $0xb8;
	[tilespmem:$0x19100] =	vst v63  }
0x2a1: {  	v56 =	vadd.s32 v5, v55;
	v57 =	vperm.xlane v38, v28;
	s24 =	simm.s32 $0x7E80  }
0x2a2: {  	[tilespmem:s24], [sflag:$0x1] =	stream.indirect_vreg.gather [hbm4b:s6+s3], $0x80, v52, vm0, $0xb8;
	[tilespmem:$0x19100] =	vst v63  }
0x2a3: {  	v38 =	vperm.xlane v38, v29;
	v58 =	vadd.s32 v5, v57;
	s26 =	simm.s32 $0x7F00  }
0x2a4: {  	[tilespmem:s26], [sflag:$0x1] =	stream.indirect_vreg.gather [hbm4b:s6+s3], $0x80, v54, vm0, $0xb8;
	[tilespmem:$0x19100] =	vst v63  }
0x2a5: {  	v38 =	vadd.s32 v5, v38;
	s28 =	simm.s32 $0x7F80  }
0x2a6: {  	[tilespmem:s28], [sflag:$0x1] =	stream.indirect_vreg.gather [hbm4b:s6+s3], $0x80, v56, vm0, $0xb8;
	[tilespmem:$0x19100] =	vst v63  }
0x2a7: {  	s29 =	simm.s32 $0x8000  }
0x2a8: {  	[tilespmem:s29], [sflag:$0x1] =	stream.indirect_vreg.gather [hbm4b:s6+s3], $0x80, v58, vm0, $0xb8;
	[tilespmem:$0x19100] =	vst v63  }
0x2a9: {  	(v2sf) =	vpush v37, $0x4;
	s30 =	simm.s32 $0x8080  }
0x2aa: {  	[tilespmem:s30], [sflag:$0x1] =	stream.indirect_vreg.gather [hbm4b:s6+s3], $0x80, v38, vm0, $0xb8;
	[tilespmem:$0x19100] =	vst v63  }
0x2ab: {  	v38 =	vld [tilespmem:$0x80];
	_ =	sdelay $0x4  }
0x2ac: {  	v59 =	vshrl.u32 v38, $0x3  }
0x2ad: {  	v39 =	vmul.u32 $0x1870, v59  }
0x2ae: {  	v38 =	vand.u32 $0x7, v38  }
0x2af: {  	v38 =	vor.u32 v38, v39  }
0x2b0: {  	v39 =	vperm.xlane v38, v2;
	_ =	sdelay $0x1  }
0x2b1: {  	v60 =	vperm.xlane v38, v6;
	v39 =	vadd.s32 v5, v39;
	_ =	sdelay $0x1  }
0x2b2: {  	s24 =	spop (v2sf);
	v61 =	vperm.xlane v38, v7;
	v40 =	vadd.s32 v5, v60  }
0x2b3: {  	s6 =	sand.u32 $0xFFFFF80, s24  }
0x2b4: {  	s26 =	simm.s32 $0x8100;
	s6 =	sadd.s32 s2, s6;
	v62 =	vperm.xlane v38, v8;
	v41 =	vadd.s32 v5, v61  }
0x2b5: {  	[tilespmem:s26], [sflag:$0x1] =	stream.indirect_vreg.gather [hbm4b:s6+s3], $0x80, v39, vm0, $0xb8;
	[tilespmem:$0x19100] =	vst v63  }
0x2b6: {  	s28 =	simm.s32 $0x8180;
	v45 =	vperm.xlane v38, v12;
	v63 =	vadd.s32 v5, v62  }
0x2b7: {  	[tilespmem:s28], [sflag:$0x1] =	stream.indirect_vreg.gather [hbm4b:s6+s3], $0x80, v40, vm0, $0xb8;
	[tilespmem:$0x19100] =	vst v63  }
0x2b8: {  	s29 =	simm.s32 $0x8200;
	v47 =	vperm.xlane v38, v14;
	v46 =	vadd.s32 v5, v45  }
0x2b9: {  	[tilespmem:s29], [sflag:$0x1] =	stream.indirect_vreg.gather [hbm4b:s6+s3], $0x80, v41, vm0, $0xb8;
	[tilespmem:$0x19100] =	vst v63  }
0x2ba: {  	s30 =	simm.s32 $0x8280;
	v49 =	vperm.xlane v38, v15;
	v48 =	vadd.s32 v5, v47  }
0x2bb: {  	[tilespmem:s30], [sflag:$0x1] =	stream.indirect_vreg.gather [hbm4b:s6+s3], $0x80, v63, vm0, $0xb8;
	[tilespmem:$0x19100] =	vst v63  }
0x2bc: {  	s24 =	simm.s32 $0x8300;
	v51 =	vperm.xlane v38, v16;
	v50 =	vadd.s32 v5, v49  }
0x2bd: {  	[tilespmem:s24], [sflag:$0x1] =	stream.indirect_vreg.gather [hbm4b:s6+s3], $0x80, v46, vm0, $0xb8;
	[tilespmem:$0x19100] =	vst v63  }
0x2be: {  	v53 =	vperm.xlane v38, v17;
	v52 =	vadd.s32 v5, v51;
	s26 =	simm.s32 $0x8380  }
0x2bf: {  	[tilespmem:s26], [sflag:$0x1] =	stream.indirect_vreg.gather [hbm4b:s6+s3], $0x80, v48, vm0, $0xb8;
	[tilespmem:$0x19100] =	vst v63  }
0x2c0: {  	v55 =	vperm.xlane v38, v22;
	v54 =	vadd.s32 v5, v53;
	s28 =	simm.s32 $0x8400  }
0x2c1: {  	[tilespmem:s28], [sflag:$0x1] =	stream.indirect_vreg.gather [hbm4b:s6+s3], $0x80, v50, vm0, $0xb8;
	[tilespmem:$0x19100] =	vst v63  }
0x2c2: {  	v57 =	vperm.xlane v38, v24;
	v56 =	vadd.s32 v5, v55;
	s29 =	simm.s32 $0x8480  }
0x2c3: {  	[tilespmem:s29], [sflag:$0x1] =	stream.indirect_vreg.gather [hbm4b:s6+s3], $0x80, v52, vm0, $0xb8;
	[tilespmem:$0x19100] =	vst v63  }
0x2c4: {  	v59 =	vperm.xlane v38, v25;
	v58 =	vadd.s32 v5, v57;
	s30 =	simm.s32 $0x8500  }
0x2c5: {  	[tilespmem:s30], [sflag:$0x1] =	stream.indirect_vreg.gather [hbm4b:s6+s3], $0x80, v54, vm0, $0xb8;
	[tilespmem:$0x19100] =	vst v63  }
0x2c6: {  	v60 =	vadd.s32 v5, v59;
	v61 =	vperm.xlane v38, v26;
	s24 =	simm.s32 $0x8580  }
0x2c7: {  	[tilespmem:s24], [sflag:$0x1] =	stream.indirect_vreg.gather [hbm4b:s6+s3], $0x80, v56, vm0, $0xb8;
	[tilespmem:$0x19100] =	vst v63  }
0x2c8: {  	v62 =	vadd.s32 v5, v61;
	v63 =	vperm.xlane v38, v27;
	s26 =	simm.s32 $0x8600  }
0x2c9: {  	[tilespmem:s26], [sflag:$0x1] =	stream.indirect_vreg.gather [hbm4b:s6+s3], $0x80, v58, vm0, $0xb8;
	[tilespmem:$0x19100] =	vst v63  }
0x2ca: {  	v45 =	vadd.s32 v5, v63;
	v46 =	vperm.xlane v38, v28;
	s28 =	simm.s32 $0x8680  }
0x2cb: {  	[tilespmem:s28], [sflag:$0x1] =	stream.indirect_vreg.gather [hbm4b:s6+s3], $0x80, v60, vm0, $0xb8;
	[tilespmem:$0x19100] =	vst v63  }
0x2cc: {  	v38 =	vperm.xlane v38, v29;
	v47 =	vadd.s32 v5, v46;
	s29 =	simm.s32 $0x8700  }
0x2cd: {  	[tilespmem:s29], [sflag:$0x1] =	stream.indirect_vreg.gather [hbm4b:s6+s3], $0x80, v62, vm0, $0xb8;
	[tilespmem:$0x19100] =	vst v63  }
0x2ce: {  	v38 =	vadd.s32 v5, v38;
	s30 =	simm.s32 $0x8780  }
0x2cf: {  	[tilespmem:s30], [sflag:$0x1] =	stream.indirect_vreg.gather [hbm4b:s6+s3], $0x80, v45, vm0, $0xb8;
	[tilespmem:$0x19100] =	vst v63  }
0x2d0: {  	s24 =	simm.s32 $0x8800  }
0x2d1: {  	[tilespmem:s24], [sflag:$0x1] =	stream.indirect_vreg.gather [hbm4b:s6+s3], $0x80, v47, vm0, $0xb8;
	[tilespmem:$0x19100] =	vst v63  }
0x2d2: {  	s26 =	simm.s32 $0x8880  }
0x2d3: {  	[tilespmem:s26], [sflag:$0x1] =	stream.indirect_vreg.gather [hbm4b:s6+s3], $0x80, v38, vm0, $0xb8;
	[tilespmem:$0x19100] =	vst v63  }
0x2d4: {  	v38 =	vld [tilespmem:$0x90];
	_ =	sdelay $0x4  }
0x2d5: {  	v48 =	vshrl.u32 v38, $0x3  }
0x2d6: {  	v39 =	vmul.u32 $0x1870, v48  }
0x2d7: {  	v38 =	vand.u32 $0x7, v38  }
0x2d8: {  	v38 =	vor.u32 v38, v39  }
0x2d9: {  	v39 =	vperm.xlane v38, v2;
	_ =	sdelay $0x1  }
0x2da: {  	v49 =	vperm.xlane v38, v6;
	v39 =	vadd.s32 v5, v39;
	_ =	sdelay $0x1  }
0x2db: {  	v50 =	vperm.xlane v38, v7;
	v40 =	vadd.s32 v5, v49;
	_ =	sdelay $0x1  }
0x2dc: {  	s28 =	simm.s32 $0x8900;
	v51 =	vperm.xlane v38, v8;
	v41 =	vadd.s32 v5, v50  }
0x2dd: {  	[tilespmem:s28], [sflag:$0x1] =	stream.indirect_vreg.gather [hbm4b:s6+s3], $0x80, v39, vm0, $0xb8;
	[tilespmem:$0x19100] =	vst v63  }
0x2de: {  	s29 =	simm.s32 $0x8980;
	v53 =	vperm.xlane v38, v12;
	v52 =	vadd.s32 v5, v51  }
0x2df: {  	[tilespmem:s29], [sflag:$0x1] =	stream.indirect_vreg.gather [hbm4b:s6+s3], $0x80, v40, vm0, $0xb8;
	[tilespmem:$0x19100] =	vst v63  }
0x2e0: {  	s30 =	simm.s32 $0x8A00;
	v55 =	vperm.xlane v38, v14;
	v54 =	vadd.s32 v5, v53  }
0x2e1: {  	[tilespmem:s30], [sflag:$0x1] =	stream.indirect_vreg.gather [hbm4b:s6+s3], $0x80, v41, vm0, $0xb8;
	[tilespmem:$0x19100] =	vst v63  }
0x2e2: {  	s24 =	simm.s32 $0x8A80;
	v57 =	vperm.xlane v38, v15;
	v56 =	vadd.s32 v5, v55  }
0x2e3: {  	[tilespmem:s24], [sflag:$0x1] =	stream.indirect_vreg.gather [hbm4b:s6+s3], $0x80, v52, vm0, $0xb8;
	[tilespmem:$0x19100] =	vst v63  }
0x2e4: {  	s26 =	simm.s32 $0x8B00;
	v59 =	vperm.xlane v38, v16;
	v58 =	vadd.s32 v5, v57  }
0x2e5: {  	[tilespmem:s26], [sflag:$0x1] =	stream.indirect_vreg.gather [hbm4b:s6+s3], $0x80, v54, vm0, $0xb8;
	[tilespmem:$0x19100] =	vst v63  }
0x2e6: {  	v61 =	vperm.xlane v38, v17;
	v60 =	vadd.s32 v5, v59;
	s28 =	simm.s32 $0x8B80  }
0x2e7: {  	[tilespmem:s28], [sflag:$0x1] =	stream.indirect_vreg.gather [hbm4b:s6+s3], $0x80, v56, vm0, $0xb8;
	[tilespmem:$0x19100] =	vst v63  }
0x2e8: {  	v63 =	vperm.xlane v38, v22;
	v62 =	vadd.s32 v5, v61;
	s29 =	simm.s32 $0x8C00  }
0x2e9: {  	[tilespmem:s29], [sflag:$0x1] =	stream.indirect_vreg.gather [hbm4b:s6+s3], $0x80, v58, vm0, $0xb8;
	[tilespmem:$0x19100] =	vst v63  }
0x2ea: {  	v46 =	vperm.xlane v38, v24;
	v45 =	vadd.s32 v5, v63;
	s30 =	simm.s32 $0x8C80  }
0x2eb: {  	[tilespmem:s30], [sflag:$0x1] =	stream.indirect_vreg.gather [hbm4b:s6+s3], $0x80, v60, vm0, $0xb8;
	[tilespmem:$0x19100] =	vst v63  }
0x2ec: {  	v48 =	vperm.xlane v38, v25;
	v47 =	vadd.s32 v5, v46;
	s24 =	simm.s32 $0x8D00  }
0x2ed: {  	[tilespmem:s24], [sflag:$0x1] =	stream.indirect_vreg.gather [hbm4b:s6+s3], $0x80, v62, vm0, $0xb8;
	[tilespmem:$0x19100] =	vst v63  }
0x2ee: {  	v49 =	vadd.s32 v5, v48;
	v50 =	vperm.xlane v38, v26;
	s26 =	simm.s32 $0x8D80  }
0x2ef: {  	[tilespmem:s26], [sflag:$0x1] =	stream.indirect_vreg.gather [hbm4b:s6+s3], $0x80, v45, vm0, $0xb8;
	[tilespmem:$0x19100] =	vst v63  }
0x2f0: {  	v51 =	vadd.s32 v5, v50;
	v52 =	vperm.xlane v38, v27;
	s28 =	simm.s32 $0x8E00  }
0x2f1: {  	[tilespmem:s28], [sflag:$0x1] =	stream.indirect_vreg.gather [hbm4b:s6+s3], $0x80, v47, vm0, $0xb8;
	[tilespmem:$0x19100] =	vst v63  }
0x2f2: {  	v53 =	vadd.s32 v5, v52;
	v54 =	vperm.xlane v38, v28;
	s29 =	simm.s32 $0x8E80  }
0x2f3: {  	[tilespmem:s29], [sflag:$0x1] =	stream.indirect_vreg.gather [hbm4b:s6+s3], $0x80, v49, vm0, $0xb8;
	[tilespmem:$0x19100] =	vst v63  }
0x2f4: {  	v38 =	vperm.xlane v38, v29;
	v55 =	vadd.s32 v5, v54;
	s30 =	simm.s32 $0x8F00  }
0x2f5: {  	[tilespmem:s30], [sflag:$0x1] =	stream.indirect_vreg.gather [hbm4b:s6+s3], $0x80, v51, vm0, $0xb8;
	[tilespmem:$0x19100] =	vst v63  }
0x2f6: {  	v38 =	vadd.s32 v5, v38;
	s24 =	simm.s32 $0x8F80  }
0x2f7: {  	[tilespmem:s24], [sflag:$0x1] =	stream.indirect_vreg.gather [hbm4b:s6+s3], $0x80, v53, vm0, $0xb8;
	[tilespmem:$0x19100] =	vst v63  }
0x2f8: {  	s26 =	simm.s32 $0x9000  }
0x2f9: {  	[tilespmem:s26], [sflag:$0x1] =	stream.indirect_vreg.gather [hbm4b:s6+s3], $0x80, v55, vm0, $0xb8;
	[tilespmem:$0x19100] =	vst v63  }
0x2fa: {  	s28 =	simm.s32 $0x9080  }
0x2fb: {  	[tilespmem:s28], [sflag:$0x1] =	stream.indirect_vreg.gather [hbm4b:s6+s3], $0x80, v38, vm0, $0xb8;
	[tilespmem:$0x19100] =	vst v63  }
0x2fc: {  	v38 =	vld [tilespmem:$0xA0];
	_ =	sdelay $0x4  }
0x2fd: {  	v56 =	vshrl.u32 v38, $0x3  }
0x2fe: {  	v39 =	vmul.u32 $0x1870, v56  }
0x2ff: {  	v38 =	vand.u32 $0x7, v38  }
0x300: {  	v38 =	vor.u32 v38, v39  }
0x301: {  	v39 =	vperm.xlane v38, v2;
	_ =	sdelay $0x1  }
0x302: {  	v57 =	vperm.xlane v38, v6;
	v39 =	vadd.s32 v5, v39;
	_ =	sdelay $0x1  }
0x303: {  	v58 =	vperm.xlane v38, v7;
	v40 =	vadd.s32 v5, v57;
	_ =	sdelay $0x1  }
0x304: {  	s29 =	simm.s32 $0x9100;
	v59 =	vperm.xlane v38, v8;
	v41 =	vadd.s32 v5, v58  }
0x305: {  	[tilespmem:s29], [sflag:$0x1] =	stream.indirect_vreg.gather [hbm4b:s6+s3], $0x80, v39, vm0, $0xb8;
	[tilespmem:$0x19100] =	vst v63  }
0x306: {  	s30 =	simm.s32 $0x9180;
	v61 =	vperm.xlane v38, v12;
	v60 =	vadd.s32 v5, v59  }
0x307: {  	[tilespmem:s30], [sflag:$0x1] =	stream.indirect_vreg.gather [hbm4b:s6+s3], $0x80, v40, vm0, $0xb8;
	[tilespmem:$0x19100] =	vst v63  }
0x308: {  	s24 =	simm.s32 $0x9200;
	v63 =	vperm.xlane v38, v14;
	v62 =	vadd.s32 v5, v61  }
0x309: {  	[tilespmem:s24], [sflag:$0x1] =	stream.indirect_vreg.gather [hbm4b:s6+s3], $0x80, v41, vm0, $0xb8;
	[tilespmem:$0x19100] =	vst v63  }
0x30a: {  	s26 =	simm.s32 $0x9280;
	v46 =	vperm.xlane v38, v15;
	v45 =	vadd.s32 v5, v63  }
0x30b: {  	[tilespmem:s26], [sflag:$0x1] =	stream.indirect_vreg.gather [hbm4b:s6+s3], $0x80, v60, vm0, $0xb8;
	[tilespmem:$0x19100] =	vst v63  }
0x30c: {  	s28 =	simm.s32 $0x9300;
	v48 =	vperm.xlane v38, v16;
	v47 =	vadd.s32 v5, v46  }
0x30d: {  	[tilespmem:s28], [sflag:$0x1] =	stream.indirect_vreg.gather [hbm4b:s6+s3], $0x80, v62, vm0, $0xb8;
	[tilespmem:$0x19100] =	vst v63  }
0x30e: {  	v50 =	vperm.xlane v38, v17;
	v49 =	vadd.s32 v5, v48;
	s29 =	simm.s32 $0x9380  }
0x30f: {  	[tilespmem:s29], [sflag:$0x1] =	stream.indirect_vreg.gather [hbm4b:s6+s3], $0x80, v45, vm0, $0xb8;
	[tilespmem:$0x19100] =	vst v63  }
0x310: {  	v52 =	vperm.xlane v38, v22;
	v51 =	vadd.s32 v5, v50;
	s30 =	simm.s32 $0x9400  }
0x311: {  	[tilespmem:s30], [sflag:$0x1] =	stream.indirect_vreg.gather [hbm4b:s6+s3], $0x80, v47, vm0, $0xb8;
	[tilespmem:$0x19100] =	vst v63  }
0x312: {  	v54 =	vperm.xlane v38, v24;
	v53 =	vadd.s32 v5, v52;
	s24 =	simm.s32 $0x9480  }
0x313: {  	[tilespmem:s24], [sflag:$0x1] =	stream.indirect_vreg.gather [hbm4b:s6+s3], $0x80, v49, vm0, $0xb8;
	[tilespmem:$0x19100] =	vst v63  }
0x314: {  	v56 =	vperm.xlane v38, v25;
	v55 =	vadd.s32 v5, v54;
	s26 =	simm.s32 $0x9500  }
0x315: {  	[tilespmem:s26], [sflag:$0x1] =	stream.indirect_vreg.gather [hbm4b:s6+s3], $0x80, v51, vm0, $0xb8;
	[tilespmem:$0x19100] =	vst v63  }
0x316: {  	v57 =	vadd.s32 v5, v56;
	v58 =	vperm.xlane v38, v26;
	s28 =	simm.s32 $0x9580  }
0x317: {  	[tilespmem:s28], [sflag:$0x1] =	stream.indirect_vreg.gather [hbm4b:s6+s3], $0x80, v53, vm0, $0xb8;
	[tilespmem:$0x19100] =	vst v63  }
0x318: {  	v59 =	vadd.s32 v5, v58;
	v60 =	vperm.xlane v38, v27;
	s29 =	simm.s32 $0x9600  }
0x319: {  	[tilespmem:s29], [sflag:$0x1] =	stream.indirect_vreg.gather [hbm4b:s6+s3], $0x80, v55, vm0, $0xb8;
	[tilespmem:$0x19100] =	vst v63  }
0x31a: {  	v61 =	vadd.s32 v5, v60;
	v62 =	vperm.xlane v38, v28;
	s30 =	simm.s32 $0x9680  }
0x31b: {  	[tilespmem:s30], [sflag:$0x1] =	stream.indirect_vreg.gather [hbm4b:s6+s3], $0x80, v57, vm0, $0xb8;
	[tilespmem:$0x19100] =	vst v63  }
0x31c: {  	v38 =	vperm.xlane v38, v29;
	v63 =	vadd.s32 v5, v62;
	s24 =	simm.s32 $0x9700  }
0x31d: {  	[tilespmem:s24], [sflag:$0x1] =	stream.indirect_vreg.gather [hbm4b:s6+s3], $0x80, v59, vm0, $0xb8;
	[tilespmem:$0x19100] =	vst v63  }
0x31e: {  	v38 =	vadd.s32 v5, v38;
	s26 =	simm.s32 $0x9780  }
0x31f: {  	[tilespmem:s26], [sflag:$0x1] =	stream.indirect_vreg.gather [hbm4b:s6+s3], $0x80, v61, vm0, $0xb8;
	[tilespmem:$0x19100] =	vst v63  }
0x320: {  	s28 =	simm.s32 $0x9800  }
0x321: {  	[tilespmem:s28], [sflag:$0x1] =	stream.indirect_vreg.gather [hbm4b:s6+s3], $0x80, v63, vm0, $0xb8;
	[tilespmem:$0x19100] =	vst v63  }
0x322: {  	s29 =	simm.s32 $0x9880  }
0x323: {  	[tilespmem:s29], [sflag:$0x1] =	stream.indirect_vreg.gather [hbm4b:s6+s3], $0x80, v38, vm0, $0xb8;
	[tilespmem:$0x19100] =	vst v63  }
0x324: {  	v38 =	vld [tilespmem:$0xB0];
	_ =	sdelay $0x4  }
0x325: {  	v43 =	vshrl.u32 v38, $0x3  }
0x326: {  	v39 =	vmul.u32 $0x1870, v43  }
0x327: {  	v38 =	vand.u32 $0x7, v38  }
0x328: {  	v38 =	vor.u32 v38, v39  }
0x329: {  	v39 =	vperm.xlane v38, v2;
	_ =	sdelay $0x1  }
0x32a: {  	v44 =	vperm.xlane v38, v6;
	v39 =	vadd.s32 v5, v39;
	_ =	sdelay $0x1  }
0x32b: {  	v45 =	vperm.xlane v38, v7;
	v40 =	vadd.s32 v5, v44;
	_ =	sdelay $0x1  }
0x32c: {  	s30 =	simm.s32 $0x9900;
	v46 =	vperm.xlane v38, v8;
	v41 =	vadd.s32 v5, v45  }
0x32d: {  	[tilespmem:s30], [sflag:$0x1] =	stream.indirect_vreg.gather [hbm4b:s6+s3], $0x80, v39, vm0, $0xb8;
	[tilespmem:$0x19100] =	vst v63  }
0x32e: {  	s24 =	simm.s32 $0x9980;
	v48 =	vperm.xlane v38, v12;
	v47 =	vadd.s32 v5, v46  }
0x32f: {  	[tilespmem:s24], [sflag:$0x1] =	stream.indirect_vreg.gather [hbm4b:s6+s3], $0x80, v40, vm0, $0xb8;
	[tilespmem:$0x19100] =	vst v63  }
0x330: {  	s26 =	simm.s32 $0x9A00;
	v50 =	vperm.xlane v38, v14;
	v49 =	vadd.s32 v5, v48  }
0x331: {  	[tilespmem:s26], [sflag:$0x1] =	stream.indirect_vreg.gather [hbm4b:s6+s3], $0x80, v41, vm0, $0xb8;
	[tilespmem:$0x19100] =	vst v63  }
0x332: {  	s28 =	simm.s32 $0x9A80;
	v52 =	vperm.xlane v38, v15;
	v51 =	vadd.s32 v5, v50  }
0x333: {  	[tilespmem:s28], [sflag:$0x1] =	stream.indirect_vreg.gather [hbm4b:s6+s3], $0x80, v47, vm0, $0xb8;
	[tilespmem:$0x19100] =	vst v63  }
0x334: {  	s29 =	simm.s32 $0x9B00;
	v54 =	vperm.xlane v38, v16;
	v53 =	vadd.s32 v5, v52  }
0x335: {  	[tilespmem:s29], [sflag:$0x1] =	stream.indirect_vreg.gather [hbm4b:s6+s3], $0x80, v49, vm0, $0xb8;
	[tilespmem:$0x19100] =	vst v63  }
0x336: {  	v56 =	vperm.xlane v38, v17;
	v55 =	vadd.s32 v5, v54;
	s30 =	simm.s32 $0x9B80  }
0x337: {  	[tilespmem:s30], [sflag:$0x1] =	stream.indirect_vreg.gather [hbm4b:s6+s3], $0x80, v51, vm0, $0xb8;
	[tilespmem:$0x19100] =	vst v63  }
0x338: {  	v58 =	vperm.xlane v38, v22;
	v57 =	vadd.s32 v5, v56;
	s24 =	simm.s32 $0x9C00  }
0x339: {  	[tilespmem:s24], [sflag:$0x1] =	stream.indirect_vreg.gather [hbm4b:s6+s3], $0x80, v53, vm0, $0xb8;
	[tilespmem:$0x19100] =	vst v63  }
0x33a: {  	v60 =	vperm.xlane v38, v24;
	v59 =	vadd.s32 v5, v58;
	s26 =	simm.s32 $0x9C80  }
0x33b: {  	[tilespmem:s26], [sflag:$0x1] =	stream.indirect_vreg.gather [hbm4b:s6+s3], $0x80, v55, vm0, $0xb8;
	[tilespmem:$0x19100] =	vst v63  }
0x33c: {  	v62 =	vperm.xlane v38, v25;
	v61 =	vadd.s32 v5, v60;
	s28 =	simm.s32 $0x9D00  }
0x33d: {  	[tilespmem:s28], [sflag:$0x1] =	stream.indirect_vreg.gather [hbm4b:s6+s3], $0x80, v57, vm0, $0xb8;
	[tilespmem:$0x19100] =	vst v63  }
0x33e: {  	v63 =	vadd.s32 v5, v62;
	v45 =	vperm.xlane v38, v26;
	s29 =	simm.s32 $0x9D80  }
0x33f: {  	[tilespmem:s29], [sflag:$0x1] =	stream.indirect_vreg.gather [hbm4b:s6+s3], $0x80, v59, vm0, $0xb8;
	[tilespmem:$0x19100] =	vst v63  }
0x340: {  	v46 =	vadd.s32 v5, v45;
	v47 =	vperm.xlane v38, v27;
	s30 =	simm.s32 $0x9E00  }
0x341: {  	[tilespmem:s30], [sflag:$0x1] =	stream.indirect_vreg.gather [hbm4b:s6+s3], $0x80, v61, vm0, $0xb8;
	[tilespmem:$0x19100] =	vst v63  }
0x342: {  	v48 =	vadd.s32 v5, v47;
	v49 =	vperm.xlane v38, v28;
	s24 =	simm.s32 $0x9E80  }
0x343: {  	[tilespmem:s24], [sflag:$0x1] =	stream.indirect_vreg.gather [hbm4b:s6+s3], $0x80, v63, vm0, $0xb8;
	[tilespmem:$0x19100] =	vst v63  }
0x344: {  	v38 =	vperm.xlane v38, v29;
	v50 =	vadd.s32 v5, v49;
	s26 =	simm.s32 $0x9F00  }
0x345: {  	[tilespmem:s26], [sflag:$0x1] =	stream.indirect_vreg.gather [hbm4b:s6+s3], $0x80, v46, vm0, $0xb8;
	[tilespmem:$0x19100] =	vst v63  }
0x346: {  	v38 =	vadd.s32 v5, v38;
	s28 =	simm.s32 $0x9F80  }
0x347: {  	[tilespmem:s28], [sflag:$0x1] =	stream.indirect_vreg.gather [hbm4b:s6+s3], $0x80, v48, vm0, $0xb8;
	[tilespmem:$0x19100] =	vst v63  }
0x348: {  	s29 =	simm.s32 $0xA000  }
0x349: {  	[tilespmem:s29], [sflag:$0x1] =	stream.indirect_vreg.gather [hbm4b:s6+s3], $0x80, v50, vm0, $0xb8;
	[tilespmem:$0x19100] =	vst v63  }
0x34a: {  	(v2sf) =	vpush v37, $0x5;
	s30 =	simm.s32 $0xA080  }
0x34b: {  	[tilespmem:s30], [sflag:$0x1] =	stream.indirect_vreg.gather [hbm4b:s6+s3], $0x80, v38, vm0, $0xb8;
	[tilespmem:$0x19100] =	vst v63  }
0x34c: {  	v38 =	vld [tilespmem:$0x80];
	_ =	sdelay $0x4  }
0x34d: {  	v51 =	vshrl.u32 v38, $0x3  }
0x34e: {  	v39 =	vmul.u32 $0x1870, v51  }
0x34f: {  	v38 =	vand.u32 $0x7, v38  }
0x350: {  	v38 =	vor.u32 v38, v39  }
0x351: {  	v39 =	vperm.xlane v38, v2;
	_ =	sdelay $0x1  }
0x352: {  	v52 =	vperm.xlane v38, v6;
	v39 =	vadd.s32 v5, v39;
	_ =	sdelay $0x1  }
0x353: {  	s24 =	spop (v2sf);
	v53 =	vperm.xlane v38, v7;
	v40 =	vadd.s32 v5, v52  }
0x354: {  	s6 =	sand.u32 $0xFFFFF80, s24  }
0x355: {  	s26 =	simm.s32 $0xA100;
	s6 =	sadd.s32 s2, s6;
	v54 =	vperm.xlane v38, v8;
	v41 =	vadd.s32 v5, v53  }
0x356: {  	[tilespmem:s26], [sflag:$0x1] =	stream.indirect_vreg.gather [hbm4b:s6+s3], $0x80, v39, vm0, $0xb8;
	[tilespmem:$0x19100] =	vst v63  }
0x357: {  	s28 =	simm.s32 $0xA180;
	v56 =	vperm.xlane v38, v12;
	v55 =	vadd.s32 v5, v54  }
0x358: {  	[tilespmem:s28], [sflag:$0x1] =	stream.indirect_vreg.gather [hbm4b:s6+s3], $0x80, v40, vm0, $0xb8;
	[tilespmem:$0x19100] =	vst v63  }
0x359: {  	s29 =	simm.s32 $0xA200;
	v58 =	vperm.xlane v38, v14;
	v57 =	vadd.s32 v5, v56  }
0x35a: {  	[tilespmem:s29], [sflag:$0x1] =	stream.indirect_vreg.gather [hbm4b:s6+s3], $0x80, v41, vm0, $0xb8;
	[tilespmem:$0x19100] =	vst v63  }
0x35b: {  	s30 =	simm.s32 $0xA280;
	v60 =	vperm.xlane v38, v15;
	v59 =	vadd.s32 v5, v58  }
0x35c: {  	[tilespmem:s30], [sflag:$0x1] =	stream.indirect_vreg.gather [hbm4b:s6+s3], $0x80, v55, vm0, $0xb8;
	[tilespmem:$0x19100] =	vst v63  }
0x35d: {  	s24 =	simm.s32 $0xA300;
	v62 =	vperm.xlane v38, v16;
	v61 =	vadd.s32 v5, v60  }
0x35e: {  	[tilespmem:s24], [sflag:$0x1] =	stream.indirect_vreg.gather [hbm4b:s6+s3], $0x80, v57, vm0, $0xb8;
	[tilespmem:$0x19100] =	vst v63  }
0x35f: {  	v45 =	vperm.xlane v38, v17;
	v63 =	vadd.s32 v5, v62;
	s26 =	simm.s32 $0xA380  }
0x360: {  	[tilespmem:s26], [sflag:$0x1] =	stream.indirect_vreg.gather [hbm4b:s6+s3], $0x80, v59, vm0, $0xb8;
	[tilespmem:$0x19100] =	vst v63  }
0x361: {  	v47 =	vperm.xlane v38, v22;
	v46 =	vadd.s32 v5, v45;
	s28 =	simm.s32 $0xA400  }
0x362: {  	[tilespmem:s28], [sflag:$0x1] =	stream.indirect_vreg.gather [hbm4b:s6+s3], $0x80, v61, vm0, $0xb8;
	[tilespmem:$0x19100] =	vst v63  }
0x363: {  	v49 =	vperm.xlane v38, v24;
	v48 =	vadd.s32 v5, v47;
	s29 =	simm.s32 $0xA480  }
0x364: {  	[tilespmem:s29], [sflag:$0x1] =	stream.indirect_vreg.gather [hbm4b:s6+s3], $0x80, v63, vm0, $0xb8;
	[tilespmem:$0x19100] =	vst v63  }
0x365: {  	v51 =	vperm.xlane v38, v25;
	v50 =	vadd.s32 v5, v49;
	s30 =	simm.s32 $0xA500  }
0x366: {  	[tilespmem:s30], [sflag:$0x1] =	stream.indirect_vreg.gather [hbm4b:s6+s3], $0x80, v46, vm0, $0xb8;
	[tilespmem:$0x19100] =	vst v63  }
0x367: {  	v52 =	vadd.s32 v5, v51;
	v53 =	vperm.xlane v38, v26;
	s24 =	simm.s32 $0xA580  }
0x368: {  	[tilespmem:s24], [sflag:$0x1] =	stream.indirect_vreg.gather [hbm4b:s6+s3], $0x80, v48, vm0, $0xb8;
	[tilespmem:$0x19100] =	vst v63  }
0x369: {  	v54 =	vadd.s32 v5, v53;
	v55 =	vperm.xlane v38, v27;
	s26 =	simm.s32 $0xA600  }
0x36a: {  	[tilespmem:s26], [sflag:$0x1] =	stream.indirect_vreg.gather [hbm4b:s6+s3], $0x80, v50, vm0, $0xb8;
	[tilespmem:$0x19100] =	vst v63  }
0x36b: {  	v56 =	vadd.s32 v5, v55;
	v57 =	vperm.xlane v38, v28;
	s28 =	simm.s32 $0xA680  }
0x36c: {  	[tilespmem:s28], [sflag:$0x1] =	stream.indirect_vreg.gather [hbm4b:s6+s3], $0x80, v52, vm0, $0xb8;
	[tilespmem:$0x19100] =	vst v63  }
0x36d: {  	v38 =	vperm.xlane v38, v29;
	v58 =	vadd.s32 v5, v57;
	s29 =	simm.s32 $0xA700  }
0x36e: {  	[tilespmem:s29], [sflag:$0x1] =	stream.indirect_vreg.gather [hbm4b:s6+s3], $0x80, v54, vm0, $0xb8;
	[tilespmem:$0x19100] =	vst v63  }
0x36f: {  	v38 =	vadd.s32 v5, v38;
	s30 =	simm.s32 $0xA780  }
0x370: {  	[tilespmem:s30], [sflag:$0x1] =	stream.indirect_vreg.gather [hbm4b:s6+s3], $0x80, v56, vm0, $0xb8;
	[tilespmem:$0x19100] =	vst v63  }
0x371: {  	s24 =	simm.s32 $0xA800  }
0x372: {  	[tilespmem:s24], [sflag:$0x1] =	stream.indirect_vreg.gather [hbm4b:s6+s3], $0x80, v58, vm0, $0xb8;
	[tilespmem:$0x19100] =	vst v63  }
0x373: {  	s26 =	simm.s32 $0xA880  }
0x374: {  	[tilespmem:s26], [sflag:$0x1] =	stream.indirect_vreg.gather [hbm4b:s6+s3], $0x80, v38, vm0, $0xb8;
	[tilespmem:$0x19100] =	vst v63  }
0x375: {  	v38 =	vld [tilespmem:$0x90];
	_ =	sdelay $0x4  }
0x376: {  	v59 =	vshrl.u32 v38, $0x3  }
0x377: {  	v39 =	vmul.u32 $0x1870, v59  }
0x378: {  	v38 =	vand.u32 $0x7, v38  }
0x379: {  	v38 =	vor.u32 v38, v39  }
0x37a: {  	v39 =	vperm.xlane v38, v2;
	_ =	sdelay $0x1  }
0x37b: {  	v60 =	vperm.xlane v38, v6;
	v39 =	vadd.s32 v5, v39;
	_ =	sdelay $0x1  }
0x37c: {  	v61 =	vperm.xlane v38, v7;
	v40 =	vadd.s32 v5, v60;
	_ =	sdelay $0x1  }
0x37d: {  	s28 =	simm.s32 $0xA900;
	v62 =	vperm.xlane v38, v8;
	v41 =	vadd.s32 v5, v61  }
0x37e: {  	[tilespmem:s28], [sflag:$0x1] =	stream.indirect_vreg.gather [hbm4b:s6+s3], $0x80, v39, vm0, $0xb8;
	[tilespmem:$0x19100] =	vst v63  }
0x37f: {  	s29 =	simm.s32 $0xA980;
	v45 =	vperm.xlane v38, v12;
	v63 =	vadd.s32 v5, v62  }
0x380: {  	[tilespmem:s29], [sflag:$0x1] =	stream.indirect_vreg.gather [hbm4b:s6+s3], $0x80, v40, vm0, $0xb8;
	[tilespmem:$0x19100] =	vst v63  }
0x381: {  	s30 =	simm.s32 $0xAA00;
	v47 =	vperm.xlane v38, v14;
	v46 =	vadd.s32 v5, v45  }
0x382: {  	[tilespmem:s30], [sflag:$0x1] =	stream.indirect_vreg.gather [hbm4b:s6+s3], $0x80, v41, vm0, $0xb8;
	[tilespmem:$0x19100] =	vst v63  }
0x383: {  	s24 =	simm.s32 $0xAA80;
	v49 =	vperm.xlane v38, v15;
	v48 =	vadd.s32 v5, v47  }
0x384: {  	[tilespmem:s24], [sflag:$0x1] =	stream.indirect_vreg.gather [hbm4b:s6+s3], $0x80, v63, vm0, $0xb8;
	[tilespmem:$0x19100] =	vst v63  }
0x385: {  	s26 =	simm.s32 $0xAB00;
	v51 =	vperm.xlane v38, v16;
	v50 =	vadd.s32 v5, v49  }
0x386: {  	[tilespmem:s26], [sflag:$0x1] =	stream.indirect_vreg.gather [hbm4b:s6+s3], $0x80, v46, vm0, $0xb8;
	[tilespmem:$0x19100] =	vst v63  }
0x387: {  	v53 =	vperm.xlane v38, v17;
	v52 =	vadd.s32 v5, v51;
	s28 =	simm.s32 $0xAB80  }
0x388: {  	[tilespmem:s28], [sflag:$0x1] =	stream.indirect_vreg.gather [hbm4b:s6+s3], $0x80, v48, vm0, $0xb8;
	[tilespmem:$0x19100] =	vst v63  }
0x389: {  	v55 =	vperm.xlane v38, v22;
	v54 =	vadd.s32 v5, v53;
	s29 =	simm.s32 $0xAC00  }
0x38a: {  	[tilespmem:s29], [sflag:$0x1] =	stream.indirect_vreg.gather [hbm4b:s6+s3], $0x80, v50, vm0, $0xb8;
	[tilespmem:$0x19100] =	vst v63  }
0x38b: {  	v57 =	vperm.xlane v38, v24;
	v56 =	vadd.s32 v5, v55;
	s30 =	simm.s32 $0xAC80  }
0x38c: {  	[tilespmem:s30], [sflag:$0x1] =	stream.indirect_vreg.gather [hbm4b:s6+s3], $0x80, v52, vm0, $0xb8;
	[tilespmem:$0x19100] =	vst v63  }
0x38d: {  	v59 =	vperm.xlane v38, v25;
	v58 =	vadd.s32 v5, v57;
	s24 =	simm.s32 $0xAD00  }
0x38e: {  	[tilespmem:s24], [sflag:$0x1] =	stream.indirect_vreg.gather [hbm4b:s6+s3], $0x80, v54, vm0, $0xb8;
	[tilespmem:$0x19100] =	vst v63  }
0x38f: {  	v60 =	vadd.s32 v5, v59;
	v61 =	vperm.xlane v38, v26;
	s26 =	simm.s32 $0xAD80  }
0x390: {  	[tilespmem:s26], [sflag:$0x1] =	stream.indirect_vreg.gather [hbm4b:s6+s3], $0x80, v56, vm0, $0xb8;
	[tilespmem:$0x19100] =	vst v63  }
0x391: {  	v62 =	vadd.s32 v5, v61;
	v63 =	vperm.xlane v38, v27;
	s28 =	simm.s32 $0xAE00  }
0x392: {  	[tilespmem:s28], [sflag:$0x1] =	stream.indirect_vreg.gather [hbm4b:s6+s3], $0x80, v58, vm0, $0xb8;
	[tilespmem:$0x19100] =	vst v63  }
0x393: {  	v45 =	vadd.s32 v5, v63;
	v46 =	vperm.xlane v38, v28;
	s29 =	simm.s32 $0xAE80  }
0x394: {  	[tilespmem:s29], [sflag:$0x1] =	stream.indirect_vreg.gather [hbm4b:s6+s3], $0x80, v60, vm0, $0xb8;
	[tilespmem:$0x19100] =	vst v63  }
0x395: {  	v38 =	vperm.xlane v38, v29;
	v47 =	vadd.s32 v5, v46;
	s30 =	simm.s32 $0xAF00  }
0x396: {  	[tilespmem:s30], [sflag:$0x1] =	stream.indirect_vreg.gather [hbm4b:s6+s3], $0x80, v62, vm0, $0xb8;
	[tilespmem:$0x19100] =	vst v63  }
0x397: {  	v38 =	vadd.s32 v5, v38;
	s24 =	simm.s32 $0xAF80  }
0x398: {  	[tilespmem:s24], [sflag:$0x1] =	stream.indirect_vreg.gather [hbm4b:s6+s3], $0x80, v45, vm0, $0xb8;
	[tilespmem:$0x19100] =	vst v63  }
0x399: {  	s26 =	simm.s32 $0xB000  }
0x39a: {  	[tilespmem:s26], [sflag:$0x1] =	stream.indirect_vreg.gather [hbm4b:s6+s3], $0x80, v47, vm0, $0xb8;
	[tilespmem:$0x19100] =	vst v63  }
0x39b: {  	s28 =	simm.s32 $0xB080  }
0x39c: {  	[tilespmem:s28], [sflag:$0x1] =	stream.indirect_vreg.gather [hbm4b:s6+s3], $0x80, v38, vm0, $0xb8;
	[tilespmem:$0x19100] =	vst v63  }
0x39d: {  	v38 =	vld [tilespmem:$0xA0];
	_ =	sdelay $0x4  }
0x39e: {  	v48 =	vshrl.u32 v38, $0x3  }
0x39f: {  	v39 =	vmul.u32 $0x1870, v48  }
0x3a0: {  	v38 =	vand.u32 $0x7, v38  }
0x3a1: {  	v38 =	vor.u32 v38, v39  }
0x3a2: {  	v39 =	vperm.xlane v38, v2;
	_ =	sdelay $0x1  }
0x3a3: {  	v49 =	vperm.xlane v38, v6;
	v39 =	vadd.s32 v5, v39;
	_ =	sdelay $0x1  }
0x3a4: {  	v50 =	vperm.xlane v38, v7;
	v40 =	vadd.s32 v5, v49;
	_ =	sdelay $0x1  }
0x3a5: {  	s29 =	simm.s32 $0xB100;
	v51 =	vperm.xlane v38, v8;
	v41 =	vadd.s32 v5, v50  }
0x3a6: {  	[tilespmem:s29], [sflag:$0x1] =	stream.indirect_vreg.gather [hbm4b:s6+s3], $0x80, v39, vm0, $0xb8;
	[tilespmem:$0x19100] =	vst v63  }
0x3a7: {  	s30 =	simm.s32 $0xB180;
	v53 =	vperm.xlane v38, v12;
	v52 =	vadd.s32 v5, v51  }
0x3a8: {  	[tilespmem:s30], [sflag:$0x1] =	stream.indirect_vreg.gather [hbm4b:s6+s3], $0x80, v40, vm0, $0xb8;
	[tilespmem:$0x19100] =	vst v63  }
0x3a9: {  	s24 =	simm.s32 $0xB200;
	v55 =	vperm.xlane v38, v14;
	v54 =	vadd.s32 v5, v53  }
0x3aa: {  	[tilespmem:s24], [sflag:$0x1] =	stream.indirect_vreg.gather [hbm4b:s6+s3], $0x80, v41, vm0, $0xb8;
	[tilespmem:$0x19100] =	vst v63  }
0x3ab: {  	s26 =	simm.s32 $0xB280;
	v57 =	vperm.xlane v38, v15;
	v56 =	vadd.s32 v5, v55  }
0x3ac: {  	[tilespmem:s26], [sflag:$0x1] =	stream.indirect_vreg.gather [hbm4b:s6+s3], $0x80, v52, vm0, $0xb8;
	[tilespmem:$0x19100] =	vst v63  }
0x3ad: {  	s28 =	simm.s32 $0xB300;
	v59 =	vperm.xlane v38, v16;
	v58 =	vadd.s32 v5, v57  }
0x3ae: {  	[tilespmem:s28], [sflag:$0x1] =	stream.indirect_vreg.gather [hbm4b:s6+s3], $0x80, v54, vm0, $0xb8;
	[tilespmem:$0x19100] =	vst v63  }
0x3af: {  	v61 =	vperm.xlane v38, v17;
	v60 =	vadd.s32 v5, v59;
	s29 =	simm.s32 $0xB380  }
0x3b0: {  	[tilespmem:s29], [sflag:$0x1] =	stream.indirect_vreg.gather [hbm4b:s6+s3], $0x80, v56, vm0, $0xb8;
	[tilespmem:$0x19100] =	vst v63  }
0x3b1: {  	v63 =	vperm.xlane v38, v22;
	v62 =	vadd.s32 v5, v61;
	s30 =	simm.s32 $0xB400  }
0x3b2: {  	[tilespmem:s30], [sflag:$0x1] =	stream.indirect_vreg.gather [hbm4b:s6+s3], $0x80, v58, vm0, $0xb8;
	[tilespmem:$0x19100] =	vst v63  }
0x3b3: {  	v46 =	vperm.xlane v38, v24;
	v45 =	vadd.s32 v5, v63;
	s24 =	simm.s32 $0xB480  }
0x3b4: {  	[tilespmem:s24], [sflag:$0x1] =	stream.indirect_vreg.gather [hbm4b:s6+s3], $0x80, v60, vm0, $0xb8;
	[tilespmem:$0x19100] =	vst v63  }
0x3b5: {  	v48 =	vperm.xlane v38, v25;
	v47 =	vadd.s32 v5, v46;
	s26 =	simm.s32 $0xB500  }
0x3b6: {  	[tilespmem:s26], [sflag:$0x1] =	stream.indirect_vreg.gather [hbm4b:s6+s3], $0x80, v62, vm0, $0xb8;
	[tilespmem:$0x19100] =	vst v63  }
0x3b7: {  	v49 =	vadd.s32 v5, v48;
	v50 =	vperm.xlane v38, v26;
	s28 =	simm.s32 $0xB580  }
0x3b8: {  	[tilespmem:s28], [sflag:$0x1] =	stream.indirect_vreg.gather [hbm4b:s6+s3], $0x80, v45, vm0, $0xb8;
	[tilespmem:$0x19100] =	vst v63  }
0x3b9: {  	v51 =	vadd.s32 v5, v50;
	v52 =	vperm.xlane v38, v27;
	s29 =	simm.s32 $0xB600  }
0x3ba: {  	[tilespmem:s29], [sflag:$0x1] =	stream.indirect_vreg.gather [hbm4b:s6+s3], $0x80, v47, vm0, $0xb8;
	[tilespmem:$0x19100] =	vst v63  }
0x3bb: {  	v53 =	vadd.s32 v5, v52;
	v54 =	vperm.xlane v38, v28;
	s30 =	simm.s32 $0xB680  }
0x3bc: {  	[tilespmem:s30], [sflag:$0x1] =	stream.indirect_vreg.gather [hbm4b:s6+s3], $0x80, v49, vm0, $0xb8;
	[tilespmem:$0x19100] =	vst v63  }
0x3bd: {  	v38 =	vperm.xlane v38, v29;
	v55 =	vadd.s32 v5, v54;
	s24 =	simm.s32 $0xB700  }
0x3be: {  	[tilespmem:s24], [sflag:$0x1] =	stream.indirect_vreg.gather [hbm4b:s6+s3], $0x80, v51, vm0, $0xb8;
	[tilespmem:$0x19100] =	vst v63  }
0x3bf: {  	v38 =	vadd.s32 v5, v38;
	s26 =	simm.s32 $0xB780  }
0x3c0: {  	[tilespmem:s26], [sflag:$0x1] =	stream.indirect_vreg.gather [hbm4b:s6+s3], $0x80, v53, vm0, $0xb8;
	[tilespmem:$0x19100] =	vst v63  }
0x3c1: {  	s28 =	simm.s32 $0xB800  }
0x3c2: {  	[tilespmem:s28], [sflag:$0x1] =	stream.indirect_vreg.gather [hbm4b:s6+s3], $0x80, v55, vm0, $0xb8;
	[tilespmem:$0x19100] =	vst v63  }
0x3c3: {  	s29 =	simm.s32 $0xB880  }
0x3c4: {  	[tilespmem:s29], [sflag:$0x1] =	stream.indirect_vreg.gather [hbm4b:s6+s3], $0x80, v38, vm0, $0xb8;
	[tilespmem:$0x19100] =	vst v63  }
0x3c5: {  	v38 =	vld [tilespmem:$0xB0];
	_ =	sdelay $0x4  }
0x3c6: {  	v56 =	vshrl.u32 v38, $0x3  }
0x3c7: {  	v39 =	vmul.u32 $0x1870, v56  }
0x3c8: {  	v38 =	vand.u32 $0x7, v38  }
0x3c9: {  	v38 =	vor.u32 v38, v39  }
0x3ca: {  	v39 =	vperm.xlane v38, v2;
	_ =	sdelay $0x1  }
0x3cb: {  	v57 =	vperm.xlane v38, v6;
	v39 =	vadd.s32 v5, v39;
	_ =	sdelay $0x1  }
0x3cc: {  	v58 =	vperm.xlane v38, v7;
	v40 =	vadd.s32 v5, v57;
	_ =	sdelay $0x1  }
0x3cd: {  	s30 =	simm.s32 $0xB900;
	v59 =	vperm.xlane v38, v8;
	v41 =	vadd.s32 v5, v58  }
0x3ce: {  	[tilespmem:s30], [sflag:$0x1] =	stream.indirect_vreg.gather [hbm4b:s6+s3], $0x80, v39, vm0, $0xb8;
	[tilespmem:$0x19100] =	vst v63  }
0x3cf: {  	s24 =	simm.s32 $0xB980;
	v61 =	vperm.xlane v38, v12;
	v60 =	vadd.s32 v5, v59  }
0x3d0: {  	[tilespmem:s24], [sflag:$0x1] =	stream.indirect_vreg.gather [hbm4b:s6+s3], $0x80, v40, vm0, $0xb8;
	[tilespmem:$0x19100] =	vst v63  }
0x3d1: {  	s26 =	simm.s32 $0xBA00;
	v63 =	vperm.xlane v38, v14;
	v62 =	vadd.s32 v5, v61  }
0x3d2: {  	[tilespmem:s26], [sflag:$0x1] =	stream.indirect_vreg.gather [hbm4b:s6+s3], $0x80, v41, vm0, $0xb8;
	[tilespmem:$0x19100] =	vst v63  }
0x3d3: {  	s28 =	simm.s32 $0xBA80;
	v46 =	vperm.xlane v38, v15;
	v45 =	vadd.s32 v5, v63  }
0x3d4: {  	[tilespmem:s28], [sflag:$0x1] =	stream.indirect_vreg.gather [hbm4b:s6+s3], $0x80, v60, vm0, $0xb8;
	[tilespmem:$0x19100] =	vst v63  }
0x3d5: {  	s29 =	simm.s32 $0xBB00;
	v48 =	vperm.xlane v38, v16;
	v47 =	vadd.s32 v5, v46  }
0x3d6: {  	[tilespmem:s29], [sflag:$0x1] =	stream.indirect_vreg.gather [hbm4b:s6+s3], $0x80, v62, vm0, $0xb8;
	[tilespmem:$0x19100] =	vst v63  }
0x3d7: {  	v50 =	vperm.xlane v38, v17;
	v49 =	vadd.s32 v5, v48;
	s30 =	simm.s32 $0xBB80  }
0x3d8: {  	[tilespmem:s30], [sflag:$0x1] =	stream.indirect_vreg.gather [hbm4b:s6+s3], $0x80, v45, vm0, $0xb8;
	[tilespmem:$0x19100] =	vst v63  }
0x3d9: {  	v52 =	vperm.xlane v38, v22;
	v51 =	vadd.s32 v5, v50;
	s24 =	simm.s32 $0xBC00  }
0x3da: {  	[tilespmem:s24], [sflag:$0x1] =	stream.indirect_vreg.gather [hbm4b:s6+s3], $0x80, v47, vm0, $0xb8;
	[tilespmem:$0x19100] =	vst v63  }
0x3db: {  	v54 =	vperm.xlane v38, v24;
	v53 =	vadd.s32 v5, v52;
	s26 =	simm.s32 $0xBC80  }
0x3dc: {  	[tilespmem:s26], [sflag:$0x1] =	stream.indirect_vreg.gather [hbm4b:s6+s3], $0x80, v49, vm0, $0xb8;
	[tilespmem:$0x19100] =	vst v63  }
0x3dd: {  	v56 =	vperm.xlane v38, v25;
	v55 =	vadd.s32 v5, v54;
	s28 =	simm.s32 $0xBD00  }
0x3de: {  	[tilespmem:s28], [sflag:$0x1] =	stream.indirect_vreg.gather [hbm4b:s6+s3], $0x80, v51, vm0, $0xb8;
	[tilespmem:$0x19100] =	vst v63  }
0x3df: {  	v57 =	vadd.s32 v5, v56;
	v58 =	vperm.xlane v38, v26;
	s29 =	simm.s32 $0xBD80  }
0x3e0: {  	[tilespmem:s29], [sflag:$0x1] =	stream.indirect_vreg.gather [hbm4b:s6+s3], $0x80, v53, vm0, $0xb8;
	[tilespmem:$0x19100] =	vst v63  }
0x3e1: {  	v59 =	vadd.s32 v5, v58;
	v60 =	vperm.xlane v38, v27;
	s30 =	simm.s32 $0xBE00  }
0x3e2: {  	[tilespmem:s30], [sflag:$0x1] =	stream.indirect_vreg.gather [hbm4b:s6+s3], $0x80, v55, vm0, $0xb8;
	[tilespmem:$0x19100] =	vst v63  }
0x3e3: {  	v61 =	vadd.s32 v5, v60;
	v62 =	vperm.xlane v38, v28;
	s24 =	simm.s32 $0xBE80  }
0x3e4: {  	[tilespmem:s24], [sflag:$0x1] =	stream.indirect_vreg.gather [hbm4b:s6+s3], $0x80, v57, vm0, $0xb8;
	[tilespmem:$0x19100] =	vst v63  }
0x3e5: {  	v38 =	vperm.xlane v38, v29;
	v63 =	vadd.s32 v5, v62;
	s26 =	simm.s32 $0xBF00  }
0x3e6: {  	[tilespmem:s26], [sflag:$0x1] =	stream.indirect_vreg.gather [hbm4b:s6+s3], $0x80, v59, vm0, $0xb8;
	[tilespmem:$0x19100] =	vst v63  }
0x3e7: {  	v38 =	vadd.s32 v5, v38;
	s28 =	simm.s32 $0xBF80  }
0x3e8: {  	[tilespmem:s28], [sflag:$0x1] =	stream.indirect_vreg.gather [hbm4b:s6+s3], $0x80, v61, vm0, $0xb8;
	[tilespmem:$0x19100] =	vst v63  }
0x3e9: {  	s29 =	simm.s32 $0xC000  }
0x3ea: {  	[tilespmem:s29], [sflag:$0x1] =	stream.indirect_vreg.gather [hbm4b:s6+s3], $0x80, v63, vm0, $0xb8;
	[tilespmem:$0x19100] =	vst v63  }
0x3eb: {  	(v2sf) =	vpush v37, $0x6;
	s30 =	simm.s32 $0xC080  }
0x3ec: {  	[tilespmem:s30], [sflag:$0x1] =	stream.indirect_vreg.gather [hbm4b:s6+s3], $0x80, v38, vm0, $0xb8;
	[tilespmem:$0x19100] =	vst v63  }
0x3ed: {  	v38 =	vld [tilespmem:$0x80];
	_ =	sdelay $0x4  }
0x3ee: {  	v43 =	vshrl.u32 v38, $0x3  }
0x3ef: {  	v39 =	vmul.u32 $0x1870, v43  }
0x3f0: {  	v38 =	vand.u32 $0x7, v38  }
0x3f1: {  	v38 =	vor.u32 v38, v39  }
0x3f2: {  	v39 =	vperm.xlane v38, v2;
	_ =	sdelay $0x1  }
0x3f3: {  	v44 =	vperm.xlane v38, v6;
	v39 =	vadd.s32 v5, v39;
	_ =	sdelay $0x1  }
0x3f4: {  	s24 =	spop (v2sf);
	v45 =	vperm.xlane v38, v7;
	v40 =	vadd.s32 v5, v44  }
0x3f5: {  	s6 =	sand.u32 $0xFFFFF80, s24  }
0x3f6: {  	s26 =	simm.s32 $0xC100;
	s6 =	sadd.s32 s2, s6;
	v46 =	vperm.xlane v38, v8;
	v41 =	vadd.s32 v5, v45  }
0x3f7: {  	[tilespmem:s26], [sflag:$0x1] =	stream.indirect_vreg.gather [hbm4b:s6+s3], $0x80, v39, vm0, $0xb8;
	[tilespmem:$0x19100] =	vst v63  }
0x3f8: {  	s28 =	simm.s32 $0xC180;
	v48 =	vperm.xlane v38, v12;
	v47 =	vadd.s32 v5, v46  }
0x3f9: {  	[tilespmem:s28], [sflag:$0x1] =	stream.indirect_vreg.gather [hbm4b:s6+s3], $0x80, v40, vm0, $0xb8;
	[tilespmem:$0x19100] =	vst v63  }
0x3fa: {  	s29 =	simm.s32 $0xC200;
	v50 =	vperm.xlane v38, v14;
	v49 =	vadd.s32 v5, v48  }
0x3fb: {  	[tilespmem:s29], [sflag:$0x1] =	stream.indirect_vreg.gather [hbm4b:s6+s3], $0x80, v41, vm0, $0xb8;
	[tilespmem:$0x19100] =	vst v63  }
0x3fc: {  	s30 =	simm.s32 $0xC280;
	v52 =	vperm.xlane v38, v15;
	v51 =	vadd.s32 v5, v50  }
0x3fd: {  	[tilespmem:s30], [sflag:$0x1] =	stream.indirect_vreg.gather [hbm4b:s6+s3], $0x80, v47, vm0, $0xb8;
	[tilespmem:$0x19100] =	vst v63  }
0x3fe: {  	s24 =	simm.s32 $0xC300;
	v54 =	vperm.xlane v38, v16;
	v53 =	vadd.s32 v5, v52  }
0x3ff: {  	[tilespmem:s24], [sflag:$0x1] =	stream.indirect_vreg.gather [hbm4b:s6+s3], $0x80, v49, vm0, $0xb8;
	[tilespmem:$0x19100] =	vst v63  }
0x400: {  	v56 =	vperm.xlane v38, v17;
	v55 =	vadd.s32 v5, v54;
	s26 =	simm.s32 $0xC380  }
0x401: {  	[tilespmem:s26], [sflag:$0x1] =	stream.indirect_vreg.gather [hbm4b:s6+s3], $0x80, v51, vm0, $0xb8;
	[tilespmem:$0x19100] =	vst v63  }
0x402: {  	v58 =	vperm.xlane v38, v22;
	v57 =	vadd.s32 v5, v56;
	s28 =	simm.s32 $0xC400  }
0x403: {  	[tilespmem:s28], [sflag:$0x1] =	stream.indirect_vreg.gather [hbm4b:s6+s3], $0x80, v53, vm0, $0xb8;
	[tilespmem:$0x19100] =	vst v63  }
0x404: {  	v60 =	vperm.xlane v38, v24;
	v59 =	vadd.s32 v5, v58;
	s29 =	simm.s32 $0xC480  }
0x405: {  	[tilespmem:s29], [sflag:$0x1] =	stream.indirect_vreg.gather [hbm4b:s6+s3], $0x80, v55, vm0, $0xb8;
	[tilespmem:$0x19100] =	vst v63  }
0x406: {  	v62 =	vperm.xlane v38, v25;
	v61 =	vadd.s32 v5, v60;
	s30 =	simm.s32 $0xC500  }
0x407: {  	[tilespmem:s30], [sflag:$0x1] =	stream.indirect_vreg.gather [hbm4b:s6+s3], $0x80, v57, vm0, $0xb8;
	[tilespmem:$0x19100] =	vst v63  }
0x408: {  	v63 =	vadd.s32 v5, v62;
	v45 =	vperm.xlane v38, v26;
	s24 =	simm.s32 $0xC580  }
0x409: {  	[tilespmem:s24], [sflag:$0x1] =	stream.indirect_vreg.gather [hbm4b:s6+s3], $0x80, v59, vm0, $0xb8;
	[tilespmem:$0x19100] =	vst v63  }
0x40a: {  	v46 =	vadd.s32 v5, v45;
	v47 =	vperm.xlane v38, v27;
	s26 =	simm.s32 $0xC600  }
0x40b: {  	[tilespmem:s26], [sflag:$0x1] =	stream.indirect_vreg.gather [hbm4b:s6+s3], $0x80, v61, vm0, $0xb8;
	[tilespmem:$0x19100] =	vst v63  }
0x40c: {  	v48 =	vadd.s32 v5, v47;
	v49 =	vperm.xlane v38, v28;
	s28 =	simm.s32 $0xC680  }
0x40d: {  	[tilespmem:s28], [sflag:$0x1] =	stream.indirect_vreg.gather [hbm4b:s6+s3], $0x80, v63, vm0, $0xb8;
	[tilespmem:$0x19100] =	vst v63  }
0x40e: {  	v38 =	vperm.xlane v38, v29;
	v50 =	vadd.s32 v5, v49;
	s29 =	simm.s32 $0xC700  }
0x40f: {  	[tilespmem:s29], [sflag:$0x1] =	stream.indirect_vreg.gather [hbm4b:s6+s3], $0x80, v46, vm0, $0xb8;
	[tilespmem:$0x19100] =	vst v63  }
0x410: {  	v38 =	vadd.s32 v5, v38;
	s30 =	simm.s32 $0xC780  }
0x411: {  	[tilespmem:s30], [sflag:$0x1] =	stream.indirect_vreg.gather [hbm4b:s6+s3], $0x80, v48, vm0, $0xb8;
	[tilespmem:$0x19100] =	vst v63  }
0x412: {  	s24 =	simm.s32 $0xC800  }
0x413: {  	[tilespmem:s24], [sflag:$0x1] =	stream.indirect_vreg.gather [hbm4b:s6+s3], $0x80, v50, vm0, $0xb8;
	[tilespmem:$0x19100] =	vst v63  }
0x414: {  	s26 =	simm.s32 $0xC880  }
0x415: {  	[tilespmem:s26], [sflag:$0x1] =	stream.indirect_vreg.gather [hbm4b:s6+s3], $0x80, v38, vm0, $0xb8;
	[tilespmem:$0x19100] =	vst v63  }
0x416: {  	v38 =	vld [tilespmem:$0x90];
	_ =	sdelay $0x4  }
0x417: {  	v51 =	vshrl.u32 v38, $0x3  }
0x418: {  	v39 =	vmul.u32 $0x1870, v51  }
0x419: {  	v38 =	vand.u32 $0x7, v38  }
0x41a: {  	v38 =	vor.u32 v38, v39  }
0x41b: {  	v39 =	vperm.xlane v38, v2;
	_ =	sdelay $0x1  }
0x41c: {  	v52 =	vperm.xlane v38, v6;
	v39 =	vadd.s32 v5, v39;
	_ =	sdelay $0x1  }
0x41d: {  	v53 =	vperm.xlane v38, v7;
	v40 =	vadd.s32 v5, v52;
	_ =	sdelay $0x1  }
0x41e: {  	s28 =	simm.s32 $0xC900;
	v54 =	vperm.xlane v38, v8;
	v41 =	vadd.s32 v5, v53  }
0x41f: {  	[tilespmem:s28], [sflag:$0x1] =	stream.indirect_vreg.gather [hbm4b:s6+s3], $0x80, v39, vm0, $0xb8;
	[tilespmem:$0x19100] =	vst v63  }
0x420: {  	s29 =	simm.s32 $0xC980;
	v56 =	vperm.xlane v38, v12;
	v55 =	vadd.s32 v5, v54  }
0x421: {  	[tilespmem:s29], [sflag:$0x1] =	stream.indirect_vreg.gather [hbm4b:s6+s3], $0x80, v40, vm0, $0xb8;
	[tilespmem:$0x19100] =	vst v63  }
0x422: {  	s30 =	simm.s32 $0xCA00;
	v58 =	vperm.xlane v38, v14;
	v57 =	vadd.s32 v5, v56  }
0x423: {  	[tilespmem:s30], [sflag:$0x1] =	stream.indirect_vreg.gather [hbm4b:s6+s3], $0x80, v41, vm0, $0xb8;
	[tilespmem:$0x19100] =	vst v63  }
0x424: {  	s24 =	simm.s32 $0xCA80;
	v60 =	vperm.xlane v38, v15;
	v59 =	vadd.s32 v5, v58  }
0x425: {  	[tilespmem:s24], [sflag:$0x1] =	stream.indirect_vreg.gather [hbm4b:s6+s3], $0x80, v55, vm0, $0xb8;
	[tilespmem:$0x19100] =	vst v63  }
0x426: {  	s26 =	simm.s32 $0xCB00;
	v62 =	vperm.xlane v38, v16;
	v61 =	vadd.s32 v5, v60  }
0x427: {  	[tilespmem:s26], [sflag:$0x1] =	stream.indirect_vreg.gather [hbm4b:s6+s3], $0x80, v57, vm0, $0xb8;
	[tilespmem:$0x19100] =	vst v63  }
0x428: {  	v45 =	vperm.xlane v38, v17;
	v63 =	vadd.s32 v5, v62;
	s28 =	simm.s32 $0xCB80  }
0x429: {  	[tilespmem:s28], [sflag:$0x1] =	stream.indirect_vreg.gather [hbm4b:s6+s3], $0x80, v59, vm0, $0xb8;
	[tilespmem:$0x19100] =	vst v63  }
0x42a: {  	v47 =	vperm.xlane v38, v22;
	v46 =	vadd.s32 v5, v45;
	s29 =	simm.s32 $0xCC00  }
0x42b: {  	[tilespmem:s29], [sflag:$0x1] =	stream.indirect_vreg.gather [hbm4b:s6+s3], $0x80, v61, vm0, $0xb8;
	[tilespmem:$0x19100] =	vst v63  }
0x42c: {  	v49 =	vperm.xlane v38, v24;
	v48 =	vadd.s32 v5, v47;
	s30 =	simm.s32 $0xCC80  }
0x42d: {  	[tilespmem:s30], [sflag:$0x1] =	stream.indirect_vreg.gather [hbm4b:s6+s3], $0x80, v63, vm0, $0xb8;
	[tilespmem:$0x19100] =	vst v63  }
0x42e: {  	v51 =	vperm.xlane v38, v25;
	v50 =	vadd.s32 v5, v49;
	s24 =	simm.s32 $0xCD00  }
0x42f: {  	[tilespmem:s24], [sflag:$0x1] =	stream.indirect_vreg.gather [hbm4b:s6+s3], $0x80, v46, vm0, $0xb8;
	[tilespmem:$0x19100] =	vst v63  }
0x430: {  	v52 =	vadd.s32 v5, v51;
	v53 =	vperm.xlane v38, v26;
	s26 =	simm.s32 $0xCD80  }
0x431: {  	[tilespmem:s26], [sflag:$0x1] =	stream.indirect_vreg.gather [hbm4b:s6+s3], $0x80, v48, vm0, $0xb8;
	[tilespmem:$0x19100] =	vst v63  }
0x432: {  	v54 =	vadd.s32 v5, v53;
	v55 =	vperm.xlane v38, v27;
	s28 =	simm.s32 $0xCE00  }
0x433: {  	[tilespmem:s28], [sflag:$0x1] =	stream.indirect_vreg.gather [hbm4b:s6+s3], $0x80, v50, vm0, $0xb8;
	[tilespmem:$0x19100] =	vst v63  }
0x434: {  	v56 =	vadd.s32 v5, v55;
	v57 =	vperm.xlane v38, v28;
	s29 =	simm.s32 $0xCE80  }
0x435: {  	[tilespmem:s29], [sflag:$0x1] =	stream.indirect_vreg.gather [hbm4b:s6+s3], $0x80, v52, vm0, $0xb8;
	[tilespmem:$0x19100] =	vst v63  }
0x436: {  	v38 =	vperm.xlane v38, v29;
	v58 =	vadd.s32 v5, v57;
	s30 =	simm.s32 $0xCF00  }
0x437: {  	[tilespmem:s30], [sflag:$0x1] =	stream.indirect_vreg.gather [hbm4b:s6+s3], $0x80, v54, vm0, $0xb8;
	[tilespmem:$0x19100] =	vst v63  }
0x438: {  	v38 =	vadd.s32 v5, v38;
	s24 =	simm.s32 $0xCF80  }
0x439: {  	[tilespmem:s24], [sflag:$0x1] =	stream.indirect_vreg.gather [hbm4b:s6+s3], $0x80, v56, vm0, $0xb8;
	[tilespmem:$0x19100] =	vst v63  }
0x43a: {  	s26 =	simm.s32 $0xD000  }
0x43b: {  	[tilespmem:s26], [sflag:$0x1] =	stream.indirect_vreg.gather [hbm4b:s6+s3], $0x80, v58, vm0, $0xb8;
	[tilespmem:$0x19100] =	vst v63  }
0x43c: {  	s28 =	simm.s32 $0xD080  }
0x43d: {  	[tilespmem:s28], [sflag:$0x1] =	stream.indirect_vreg.gather [hbm4b:s6+s3], $0x80, v38, vm0, $0xb8;
	[tilespmem:$0x19100] =	vst v63  }
0x43e: {  	v38 =	vld [tilespmem:$0xA0];
	_ =	sdelay $0x4  }
0x43f: {  	v59 =	vshrl.u32 v38, $0x3  }
0x440: {  	v39 =	vmul.u32 $0x1870, v59  }
0x441: {  	v38 =	vand.u32 $0x7, v38  }
0x442: {  	v38 =	vor.u32 v38, v39  }
0x443: {  	v39 =	vperm.xlane v38, v2;
	_ =	sdelay $0x1  }
0x444: {  	v60 =	vperm.xlane v38, v6;
	v39 =	vadd.s32 v5, v39;
	_ =	sdelay $0x1  }
0x445: {  	v61 =	vperm.xlane v38, v7;
	v40 =	vadd.s32 v5, v60;
	_ =	sdelay $0x1  }
0x446: {  	s29 =	simm.s32 $0xD100;
	v62 =	vperm.xlane v38, v8;
	v41 =	vadd.s32 v5, v61  }
0x447: {  	[tilespmem:s29], [sflag:$0x1] =	stream.indirect_vreg.gather [hbm4b:s6+s3], $0x80, v39, vm0, $0xb8;
	[tilespmem:$0x19100] =	vst v63  }
0x448: {  	s30 =	simm.s32 $0xD180;
	v45 =	vperm.xlane v38, v12;
	v63 =	vadd.s32 v5, v62  }
0x449: {  	[tilespmem:s30], [sflag:$0x1] =	stream.indirect_vreg.gather [hbm4b:s6+s3], $0x80, v40, vm0, $0xb8;
	[tilespmem:$0x19100] =	vst v63  }
0x44a: {  	s24 =	simm.s32 $0xD200;
	v47 =	vperm.xlane v38, v14;
	v46 =	vadd.s32 v5, v45  }
0x44b: {  	[tilespmem:s24], [sflag:$0x1] =	stream.indirect_vreg.gather [hbm4b:s6+s3], $0x80, v41, vm0, $0xb8;
	[tilespmem:$0x19100] =	vst v63  }
0x44c: {  	s26 =	simm.s32 $0xD280;
	v49 =	vperm.xlane v38, v15;
	v48 =	vadd.s32 v5, v47  }
0x44d: {  	[tilespmem:s26], [sflag:$0x1] =	stream.indirect_vreg.gather [hbm4b:s6+s3], $0x80, v63, vm0, $0xb8;
	[tilespmem:$0x19100] =	vst v63  }
0x44e: {  	s28 =	simm.s32 $0xD300;
	v51 =	vperm.xlane v38, v16;
	v50 =	vadd.s32 v5, v49  }
0x44f: {  	[tilespmem:s28], [sflag:$0x1] =	stream.indirect_vreg.gather [hbm4b:s6+s3], $0x80, v46, vm0, $0xb8;
	[tilespmem:$0x19100] =	vst v63  }
0x450: {  	v53 =	vperm.xlane v38, v17;
	v52 =	vadd.s32 v5, v51;
	s29 =	simm.s32 $0xD380  }
0x451: {  	[tilespmem:s29], [sflag:$0x1] =	stream.indirect_vreg.gather [hbm4b:s6+s3], $0x80, v48, vm0, $0xb8;
	[tilespmem:$0x19100] =	vst v63  }
0x452: {  	v55 =	vperm.xlane v38, v22;
	v54 =	vadd.s32 v5, v53;
	s30 =	simm.s32 $0xD400  }
0x453: {  	[tilespmem:s30], [sflag:$0x1] =	stream.indirect_vreg.gather [hbm4b:s6+s3], $0x80, v50, vm0, $0xb8;
	[tilespmem:$0x19100] =	vst v63  }
0x454: {  	v57 =	vperm.xlane v38, v24;
	v56 =	vadd.s32 v5, v55;
	s24 =	simm.s32 $0xD480  }
0x455: {  	[tilespmem:s24], [sflag:$0x1] =	stream.indirect_vreg.gather [hbm4b:s6+s3], $0x80, v52, vm0, $0xb8;
	[tilespmem:$0x19100] =	vst v63  }
0x456: {  	v59 =	vperm.xlane v38, v25;
	v58 =	vadd.s32 v5, v57;
	s26 =	simm.s32 $0xD500  }
0x457: {  	[tilespmem:s26], [sflag:$0x1] =	stream.indirect_vreg.gather [hbm4b:s6+s3], $0x80, v54, vm0, $0xb8;
	[tilespmem:$0x19100] =	vst v63  }
0x458: {  	v60 =	vadd.s32 v5, v59;
	v61 =	vperm.xlane v38, v26;
	s28 =	simm.s32 $0xD580  }
0x459: {  	[tilespmem:s28], [sflag:$0x1] =	stream.indirect_vreg.gather [hbm4b:s6+s3], $0x80, v56, vm0, $0xb8;
	[tilespmem:$0x19100] =	vst v63  }
0x45a: {  	v62 =	vadd.s32 v5, v61;
	v63 =	vperm.xlane v38, v27;
	s29 =	simm.s32 $0xD600  }
0x45b: {  	[tilespmem:s29], [sflag:$0x1] =	stream.indirect_vreg.gather [hbm4b:s6+s3], $0x80, v58, vm0, $0xb8;
	[tilespmem:$0x19100] =	vst v63  }
0x45c: {  	v45 =	vadd.s32 v5, v63;
	v46 =	vperm.xlane v38, v28;
	s30 =	simm.s32 $0xD680  }
0x45d: {  	[tilespmem:s30], [sflag:$0x1] =	stream.indirect_vreg.gather [hbm4b:s6+s3], $0x80, v60, vm0, $0xb8;
	[tilespmem:$0x19100] =	vst v63  }
0x45e: {  	v38 =	vperm.xlane v38, v29;
	v47 =	vadd.s32 v5, v46;
	s24 =	simm.s32 $0xD700  }
0x45f: {  	[tilespmem:s24], [sflag:$0x1] =	stream.indirect_vreg.gather [hbm4b:s6+s3], $0x80, v62, vm0, $0xb8;
	[tilespmem:$0x19100] =	vst v63  }
0x460: {  	v38 =	vadd.s32 v5, v38;
	s26 =	simm.s32 $0xD780  }
0x461: {  	[tilespmem:s26], [sflag:$0x1] =	stream.indirect_vreg.gather [hbm4b:s6+s3], $0x80, v45, vm0, $0xb8;
	[tilespmem:$0x19100] =	vst v63  }
0x462: {  	s28 =	simm.s32 $0xD800  }
0x463: {  	[tilespmem:s28], [sflag:$0x1] =	stream.indirect_vreg.gather [hbm4b:s6+s3], $0x80, v47, vm0, $0xb8;
	[tilespmem:$0x19100] =	vst v63  }
0x464: {  	s29 =	simm.s32 $0xD880  }
0x465: {  	[tilespmem:s29], [sflag:$0x1] =	stream.indirect_vreg.gather [hbm4b:s6+s3], $0x80, v38, vm0, $0xb8;
	[tilespmem:$0x19100] =	vst v63  }
0x466: {  	v38 =	vld [tilespmem:$0xB0];
	_ =	sdelay $0x4  }
0x467: {  	v48 =	vshrl.u32 v38, $0x3  }
0x468: {  	v39 =	vmul.u32 $0x1870, v48  }
0x469: {  	v38 =	vand.u32 $0x7, v38  }
0x46a: {  	v38 =	vor.u32 v38, v39  }
0x46b: {  	v39 =	vperm.xlane v38, v2;
	_ =	sdelay $0x1  }
0x46c: {  	v49 =	vperm.xlane v38, v6;
	v39 =	vadd.s32 v5, v39;
	_ =	sdelay $0x1  }
0x46d: {  	v50 =	vperm.xlane v38, v7;
	v40 =	vadd.s32 v5, v49;
	_ =	sdelay $0x1  }
0x46e: {  	s30 =	simm.s32 $0xD900;
	v51 =	vperm.xlane v38, v8;
	v41 =	vadd.s32 v5, v50  }
0x46f: {  	[tilespmem:s30], [sflag:$0x1] =	stream.indirect_vreg.gather [hbm4b:s6+s3], $0x80, v39, vm0, $0xb8;
	[tilespmem:$0x19100] =	vst v63  }
0x470: {  	s24 =	simm.s32 $0xD980;
	v53 =	vperm.xlane v38, v12;
	v52 =	vadd.s32 v5, v51  }
0x471: {  	[tilespmem:s24], [sflag:$0x1] =	stream.indirect_vreg.gather [hbm4b:s6+s3], $0x80, v40, vm0, $0xb8;
	[tilespmem:$0x19100] =	vst v63  }
0x472: {  	s26 =	simm.s32 $0xDA00;
	v55 =	vperm.xlane v38, v14;
	v54 =	vadd.s32 v5, v53  }
0x473: {  	[tilespmem:s26], [sflag:$0x1] =	stream.indirect_vreg.gather [hbm4b:s6+s3], $0x80, v41, vm0, $0xb8;
	[tilespmem:$0x19100] =	vst v63  }
0x474: {  	s28 =	simm.s32 $0xDA80;
	v57 =	vperm.xlane v38, v15;
	v56 =	vadd.s32 v5, v55  }
0x475: {  	[tilespmem:s28], [sflag:$0x1] =	stream.indirect_vreg.gather [hbm4b:s6+s3], $0x80, v52, vm0, $0xb8;
	[tilespmem:$0x19100] =	vst v63  }
0x476: {  	s29 =	simm.s32 $0xDB00;
	v59 =	vperm.xlane v38, v16;
	v58 =	vadd.s32 v5, v57  }
0x477: {  	[tilespmem:s29], [sflag:$0x1] =	stream.indirect_vreg.gather [hbm4b:s6+s3], $0x80, v54, vm0, $0xb8;
	[tilespmem:$0x19100] =	vst v63  }
0x478: {  	v61 =	vperm.xlane v38, v17;
	v60 =	vadd.s32 v5, v59;
	s30 =	simm.s32 $0xDB80  }
0x479: {  	[tilespmem:s30], [sflag:$0x1] =	stream.indirect_vreg.gather [hbm4b:s6+s3], $0x80, v56, vm0, $0xb8;
	[tilespmem:$0x19100] =	vst v63  }
0x47a: {  	v63 =	vperm.xlane v38, v22;
	v62 =	vadd.s32 v5, v61;
	s24 =	simm.s32 $0xDC00  }
0x47b: {  	[tilespmem:s24], [sflag:$0x1] =	stream.indirect_vreg.gather [hbm4b:s6+s3], $0x80, v58, vm0, $0xb8;
	[tilespmem:$0x19100] =	vst v63  }
0x47c: {  	v46 =	vperm.xlane v38, v24;
	v45 =	vadd.s32 v5, v63;
	s26 =	simm.s32 $0xDC80  }
0x47d: {  	[tilespmem:s26], [sflag:$0x1] =	stream.indirect_vreg.gather [hbm4b:s6+s3], $0x80, v60, vm0, $0xb8;
	[tilespmem:$0x19100] =	vst v63  }
0x47e: {  	v48 =	vperm.xlane v38, v25;
	v47 =	vadd.s32 v5, v46;
	s28 =	simm.s32 $0xDD00  }
0x47f: {  	[tilespmem:s28], [sflag:$0x1] =	stream.indirect_vreg.gather [hbm4b:s6+s3], $0x80, v62, vm0, $0xb8;
	[tilespmem:$0x19100] =	vst v63  }
0x480: {  	v49 =	vadd.s32 v5, v48;
	v50 =	vperm.xlane v38, v26;
	s29 =	simm.s32 $0xDD80  }
0x481: {  	[tilespmem:s29], [sflag:$0x1] =	stream.indirect_vreg.gather [hbm4b:s6+s3], $0x80, v45, vm0, $0xb8;
	[tilespmem:$0x19100] =	vst v63  }
0x482: {  	v51 =	vadd.s32 v5, v50;
	v52 =	vperm.xlane v38, v27;
	s30 =	simm.s32 $0xDE00  }
0x483: {  	[tilespmem:s30], [sflag:$0x1] =	stream.indirect_vreg.gather [hbm4b:s6+s3], $0x80, v47, vm0, $0xb8;
	[tilespmem:$0x19100] =	vst v63  }
0x484: {  	v53 =	vadd.s32 v5, v52;
	v54 =	vperm.xlane v38, v28;
	s24 =	simm.s32 $0xDE80  }
0x485: {  	[tilespmem:s24], [sflag:$0x1] =	stream.indirect_vreg.gather [hbm4b:s6+s3], $0x80, v49, vm0, $0xb8;
	[tilespmem:$0x19100] =	vst v63  }
0x486: {  	v38 =	vperm.xlane v38, v29;
	v55 =	vadd.s32 v5, v54;
	s26 =	simm.s32 $0xDF00  }
0x487: {  	[tilespmem:s26], [sflag:$0x1] =	stream.indirect_vreg.gather [hbm4b:s6+s3], $0x80, v51, vm0, $0xb8;
	[tilespmem:$0x19100] =	vst v63  }
0x488: {  	v38 =	vadd.s32 v5, v38;
	s28 =	simm.s32 $0xDF80  }
0x489: {  	[tilespmem:s28], [sflag:$0x1] =	stream.indirect_vreg.gather [hbm4b:s6+s3], $0x80, v53, vm0, $0xb8;
	[tilespmem:$0x19100] =	vst v63  }
0x48a: {  	s29 =	simm.s32 $0xE000  }
0x48b: {  	[tilespmem:s29], [sflag:$0x1] =	stream.indirect_vreg.gather [hbm4b:s6+s3], $0x80, v55, vm0, $0xb8;
	[tilespmem:$0x19100] =	vst v63  }
0x48c: {  	(v2sf) =	vpush v37, $0x7;
	s30 =	simm.s32 $0xE080  }
0x48d: {  	[tilespmem:s30], [sflag:$0x1] =	stream.indirect_vreg.gather [hbm4b:s6+s3], $0x80, v38, vm0, $0xb8;
	[tilespmem:$0x19100] =	vst v63  }
0x48e: {  	v56 =	vld [tilespmem:$0x80];
	_ =	sdelay $0x4  }
0x48f: {  	v57 =	vshrl.u32 v56, $0x3  }
0x490: {  	v38 =	vmul.u32 $0x1870, v57  }
0x491: {  	v37 =	vand.u32 $0x7, v56  }
0x492: {  	v37 =	vor.u32 v37, v38  }
0x493: {  	v38 =	vperm.xlane v37, v2;
	_ =	sdelay $0x1  }
0x494: {  	v58 =	vperm.xlane v37, v6;
	v38 =	vadd.s32 v5, v38;
	_ =	sdelay $0x1  }
0x495: {  	s24 =	spop (v2sf);
	v59 =	vperm.xlane v37, v7;
	v39 =	vadd.s32 v5, v58  }
0x496: {  	s6 =	sand.u32 $0xFFFFF80, s24  }
0x497: {  	s26 =	simm.s32 $0xE100;
	s6 =	sadd.s32 s2, s6;
	v60 =	vperm.xlane v37, v8;
	v40 =	vadd.s32 v5, v59  }
0x498: {  	[tilespmem:s26], [sflag:$0x1] =	stream.indirect_vreg.gather [hbm4b:s6+s3], $0x80, v38, vm0, $0xb8;
	[tilespmem:$0x19100] =	vst v63  }
0x499: {  	s28 =	simm.s32 $0xE180;
	v62 =	vperm.xlane v37, v12;
	v61 =	vadd.s32 v5, v60  }
0x49a: {  	[tilespmem:s28], [sflag:$0x1] =	stream.indirect_vreg.gather [hbm4b:s6+s3], $0x80, v39, vm0, $0xb8;
	[tilespmem:$0x19100] =	vst v63  }
0x49b: {  	s29 =	simm.s32 $0xE200;
	v44 =	vperm.xlane v37, v14;
	v63 =	vadd.s32 v5, v62  }
0x49c: {  	[tilespmem:s29], [sflag:$0x1] =	stream.indirect_vreg.gather [hbm4b:s6+s3], $0x80, v40, vm0, $0xb8;
	[tilespmem:$0x19100] =	vst v63  }
0x49d: {  	s30 =	simm.s32 $0xE280;
	v46 =	vperm.xlane v37, v15;
	v45 =	vadd.s32 v5, v44  }
0x49e: {  	[tilespmem:s30], [sflag:$0x1] =	stream.indirect_vreg.gather [hbm4b:s6+s3], $0x80, v61, vm0, $0xb8;
	[tilespmem:$0x19100] =	vst v63  }
0x49f: {  	s24 =	simm.s32 $0xE300;
	v48 =	vperm.xlane v37, v16;
	v47 =	vadd.s32 v5, v46  }
0x4a0: {  	[tilespmem:s24], [sflag:$0x1] =	stream.indirect_vreg.gather [hbm4b:s6+s3], $0x80, v63, vm0, $0xb8;
	[tilespmem:$0x19100] =	vst v63  }
0x4a1: {  	v50 =	vperm.xlane v37, v17;
	v49 =	vadd.s32 v5, v48;
	s26 =	simm.s32 $0xE380  }
0x4a2: {  	[tilespmem:s26], [sflag:$0x1] =	stream.indirect_vreg.gather [hbm4b:s6+s3], $0x80, v45, vm0, $0xb8;
	[tilespmem:$0x19100] =	vst v63  }
0x4a3: {  	v52 =	vperm.xlane v37, v22;
	v51 =	vadd.s32 v5, v50;
	s28 =	simm.s32 $0xE400  }
0x4a4: {  	[tilespmem:s28], [sflag:$0x1] =	stream.indirect_vreg.gather [hbm4b:s6+s3], $0x80, v47, vm0, $0xb8;
	[tilespmem:$0x19100] =	vst v63  }
0x4a5: {  	v54 =	vperm.xlane v37, v24;
	v53 =	vadd.s32 v5, v52;
	s29 =	simm.s32 $0xE480  }
0x4a6: {  	[tilespmem:s29], [sflag:$0x1] =	stream.indirect_vreg.gather [hbm4b:s6+s3], $0x80, v49, vm0, $0xb8;
	[tilespmem:$0x19100] =	vst v63  }
0x4a7: {  	v56 =	vperm.xlane v37, v25;
	v55 =	vadd.s32 v5, v54;
	s30 =	simm.s32 $0xE500  }
0x4a8: {  	[tilespmem:s30], [sflag:$0x1] =	stream.indirect_vreg.gather [hbm4b:s6+s3], $0x80, v51, vm0, $0xb8;
	[tilespmem:$0x19100] =	vst v63  }
0x4a9: {  	v57 =	vadd.s32 v5, v56;
	v58 =	vperm.xlane v37, v26;
	s24 =	simm.s32 $0xE580  }
0x4aa: {  	[tilespmem:s24], [sflag:$0x1] =	stream.indirect_vreg.gather [hbm4b:s6+s3], $0x80, v53, vm0, $0xb8;
	[tilespmem:$0x19100] =	vst v63  }
0x4ab: {  	v60 =	vperm.xlane v37, v27;
	v59 =	vadd.s32 v5, v58;
	s26 =	simm.s32 $0xE600  }
0x4ac: {  	[tilespmem:s26], [sflag:$0x1] =	stream.indirect_vreg.gather [hbm4b:s6+s3], $0x80, v55, vm0, $0xb8;
	[tilespmem:$0x19100] =	vst v63  }
0x4ad: {  	v62 =	vperm.xlane v37, v28;
	v61 =	vadd.s32 v5, v60;
	s28 =	simm.s32 $0xE680  }
0x4ae: {  	[tilespmem:s28], [sflag:$0x1] =	stream.indirect_vreg.gather [hbm4b:s6+s3], $0x80, v57, vm0, $0xb8;
	[tilespmem:$0x19100] =	vst v63  }
0x4af: {  	v37 =	vperm.xlane v37, v29;
	v63 =	vadd.s32 v5, v62;
	s29 =	simm.s32 $0xE700  }
0x4b0: {  	[tilespmem:s29], [sflag:$0x1] =	stream.indirect_vreg.gather [hbm4b:s6+s3], $0x80, v59, vm0, $0xb8;
	[tilespmem:$0x19100] =	vst v63  }
0x4b1: {  	v37 =	vadd.s32 v5, v37;
	s30 =	simm.s32 $0xE780  }
0x4b2: {  	[tilespmem:s30], [sflag:$0x1] =	stream.indirect_vreg.gather [hbm4b:s6+s3], $0x80, v61, vm0, $0xb8;
	[tilespmem:$0x19100] =	vst v63  }
0x4b3: {  	s24 =	simm.s32 $0xE800  }
0x4b4: {  	[tilespmem:s24], [sflag:$0x1] =	stream.indirect_vreg.gather [hbm4b:s6+s3], $0x80, v63, vm0, $0xb8;
	[tilespmem:$0x19100] =	vst v63  }
0x4b5: {  	s26 =	simm.s32 $0xE880  }
0x4b6: {  	[tilespmem:s26], [sflag:$0x1] =	stream.indirect_vreg.gather [hbm4b:s6+s3], $0x80, v37, vm0, $0xb8;
	[tilespmem:$0x19100] =	vst v63  }
0x4b7: {  	v37 =	vld [tilespmem:$0x90];
	_ =	sdelay $0x4  }
0x4b8: {  	v43 =	vshrl.u32 v37, $0x3  }
0x4b9: {  	v38 =	vmul.u32 $0x1870, v43  }
0x4ba: {  	v37 =	vand.u32 $0x7, v37  }
0x4bb: {  	v37 =	vor.u32 v37, v38  }
0x4bc: {  	v38 =	vperm.xlane v37, v2;
	_ =	sdelay $0x1  }
0x4bd: {  	v44 =	vperm.xlane v37, v6;
	v38 =	vadd.s32 v5, v38;
	_ =	sdelay $0x1  }
0x4be: {  	v45 =	vperm.xlane v37, v7;
	v39 =	vadd.s32 v5, v44;
	_ =	sdelay $0x1  }
0x4bf: {  	s28 =	simm.s32 $0xE900;
	v46 =	vperm.xlane v37, v8;
	v40 =	vadd.s32 v5, v45  }
0x4c0: {  	[tilespmem:s28], [sflag:$0x1] =	stream.indirect_vreg.gather [hbm4b:s6+s3], $0x80, v38, vm0, $0xb8;
	[tilespmem:$0x19100] =	vst v63  }
0x4c1: {  	s29 =	simm.s32 $0xE980;
	v48 =	vperm.xlane v37, v12;
	v47 =	vadd.s32 v5, v46  }
0x4c2: {  	[tilespmem:s29], [sflag:$0x1] =	stream.indirect_vreg.gather [hbm4b:s6+s3], $0x80, v39, vm0, $0xb8;
	[tilespmem:$0x19100] =	vst v63  }
0x4c3: {  	s30 =	simm.s32 $0xEA00;
	v50 =	vperm.xlane v37, v14;
	v49 =	vadd.s32 v5, v48  }
0x4c4: {  	[tilespmem:s30], [sflag:$0x1] =	stream.indirect_vreg.gather [hbm4b:s6+s3], $0x80, v40, vm0, $0xb8;
	[tilespmem:$0x19100] =	vst v63  }
0x4c5: {  	s24 =	simm.s32 $0xEA80;
	v52 =	vperm.xlane v37, v15;
	v51 =	vadd.s32 v5, v50  }
0x4c6: {  	[tilespmem:s24], [sflag:$0x1] =	stream.indirect_vreg.gather [hbm4b:s6+s3], $0x80, v47, vm0, $0xb8;
	[tilespmem:$0x19100] =	vst v63  }
0x4c7: {  	s26 =	simm.s32 $0xEB00;
	v54 =	vperm.xlane v37, v16;
	v53 =	vadd.s32 v5, v52  }
0x4c8: {  	[tilespmem:s26], [sflag:$0x1] =	stream.indirect_vreg.gather [hbm4b:s6+s3], $0x80, v49, vm0, $0xb8;
	[tilespmem:$0x19100] =	vst v63  }
0x4c9: {  	v56 =	vperm.xlane v37, v17;
	v55 =	vadd.s32 v5, v54;
	s28 =	simm.s32 $0xEB80  }
0x4ca: {  	[tilespmem:s28], [sflag:$0x1] =	stream.indirect_vreg.gather [hbm4b:s6+s3], $0x80, v51, vm0, $0xb8;
	[tilespmem:$0x19100] =	vst v63  }
0x4cb: {  	v58 =	vperm.xlane v37, v22;
	v57 =	vadd.s32 v5, v56;
	s29 =	simm.s32 $0xEC00  }
0x4cc: {  	[tilespmem:s29], [sflag:$0x1] =	stream.indirect_vreg.gather [hbm4b:s6+s3], $0x80, v53, vm0, $0xb8;
	[tilespmem:$0x19100] =	vst v63  }
0x4cd: {  	v60 =	vperm.xlane v37, v24;
	v59 =	vadd.s32 v5, v58;
	s30 =	simm.s32 $0xEC80  }
0x4ce: {  	[tilespmem:s30], [sflag:$0x1] =	stream.indirect_vreg.gather [hbm4b:s6+s3], $0x80, v55, vm0, $0xb8;
	[tilespmem:$0x19100] =	vst v63  }
0x4cf: {  	v62 =	vperm.xlane v37, v25;
	v61 =	vadd.s32 v5, v60;
	s24 =	simm.s32 $0xED00  }
0x4d0: {  	[tilespmem:s24], [sflag:$0x1] =	stream.indirect_vreg.gather [hbm4b:s6+s3], $0x80, v57, vm0, $0xb8;
	[tilespmem:$0x19100] =	vst v63  }
0x4d1: {  	v63 =	vadd.s32 v5, v62;
	v44 =	vperm.xlane v37, v26;
	s26 =	simm.s32 $0xED80  }
0x4d2: {  	[tilespmem:s26], [sflag:$0x1] =	stream.indirect_vreg.gather [hbm4b:s6+s3], $0x80, v59, vm0, $0xb8;
	[tilespmem:$0x19100] =	vst v63  }
0x4d3: {  	v46 =	vperm.xlane v37, v27;
	v45 =	vadd.s32 v5, v44;
	s28 =	simm.s32 $0xEE00  }
0x4d4: {  	[tilespmem:s28], [sflag:$0x1] =	stream.indirect_vreg.gather [hbm4b:s6+s3], $0x80, v61, vm0, $0xb8;
	[tilespmem:$0x19100] =	vst v63  }
0x4d5: {  	v48 =	vperm.xlane v37, v28;
	v47 =	vadd.s32 v5, v46;
	s29 =	simm.s32 $0xEE80  }
0x4d6: {  	[tilespmem:s29], [sflag:$0x1] =	stream.indirect_vreg.gather [hbm4b:s6+s3], $0x80, v63, vm0, $0xb8;
	[tilespmem:$0x19100] =	vst v63  }
0x4d7: {  	v37 =	vperm.xlane v37, v29;
	v49 =	vadd.s32 v5, v48;
	s30 =	simm.s32 $0xEF00  }
0x4d8: {  	[tilespmem:s30], [sflag:$0x1] =	stream.indirect_vreg.gather [hbm4b:s6+s3], $0x80, v45, vm0, $0xb8;
	[tilespmem:$0x19100] =	vst v63  }
0x4d9: {  	v37 =	vadd.s32 v5, v37;
	s24 =	simm.s32 $0xEF80  }
0x4da: {  	[tilespmem:s24], [sflag:$0x1] =	stream.indirect_vreg.gather [hbm4b:s6+s3], $0x80, v47, vm0, $0xb8;
	[tilespmem:$0x19100] =	vst v63  }
0x4db: {  	s26 =	simm.s32 $0xF000  }
0x4dc: {  	[tilespmem:s26], [sflag:$0x1] =	stream.indirect_vreg.gather [hbm4b:s6+s3], $0x80, v49, vm0, $0xb8;
	[tilespmem:$0x19100] =	vst v63  }
0x4dd: {  	s28 =	simm.s32 $0xF080  }
0x4de: {  	[tilespmem:s28], [sflag:$0x1] =	stream.indirect_vreg.gather [hbm4b:s6+s3], $0x80, v37, vm0, $0xb8;
	[tilespmem:$0x19100] =	vst v63  }
0x4df: {  	v37 =	vld [tilespmem:$0xA0];
	_ =	sdelay $0x4  }
0x4e0: {  	v50 =	vshrl.u32 v37, $0x3  }
0x4e1: {  	v38 =	vmul.u32 $0x1870, v50  }
0x4e2: {  	v37 =	vand.u32 $0x7, v37  }
0x4e3: {  	v37 =	vor.u32 v37, v38  }
0x4e4: {  	v38 =	vperm.xlane v37, v2;
	_ =	sdelay $0x1  }
0x4e5: {  	v51 =	vperm.xlane v37, v6;
	v38 =	vadd.s32 v5, v38;
	_ =	sdelay $0x1  }
0x4e6: {  	v52 =	vperm.xlane v37, v7;
	v39 =	vadd.s32 v5, v51;
	_ =	sdelay $0x1  }
0x4e7: {  	s29 =	simm.s32 $0xF100;
	v53 =	vperm.xlane v37, v8;
	v40 =	vadd.s32 v5, v52  }
0x4e8: {  	[tilespmem:s29], [sflag:$0x1] =	stream.indirect_vreg.gather [hbm4b:s6+s3], $0x80, v38, vm0, $0xb8;
	[tilespmem:$0x19100] =	vst v63  }
0x4e9: {  	s30 =	simm.s32 $0xF180;
	v55 =	vperm.xlane v37, v12;
	v54 =	vadd.s32 v5, v53  }
0x4ea: {  	[tilespmem:s30], [sflag:$0x1] =	stream.indirect_vreg.gather [hbm4b:s6+s3], $0x80, v39, vm0, $0xb8;
	[tilespmem:$0x19100] =	vst v63  }
0x4eb: {  	s24 =	simm.s32 $0xF200;
	v57 =	vperm.xlane v37, v14;
	v56 =	vadd.s32 v5, v55  }
0x4ec: {  	[tilespmem:s24], [sflag:$0x1] =	stream.indirect_vreg.gather [hbm4b:s6+s3], $0x80, v40, vm0, $0xb8;
	[tilespmem:$0x19100] =	vst v63  }
0x4ed: {  	s26 =	simm.s32 $0xF280;
	v59 =	vperm.xlane v37, v15;
	v58 =	vadd.s32 v5, v57  }
0x4ee: {  	[tilespmem:s26], [sflag:$0x1] =	stream.indirect_vreg.gather [hbm4b:s6+s3], $0x80, v54, vm0, $0xb8;
	[tilespmem:$0x19100] =	vst v63  }
0x4ef: {  	s28 =	simm.s32 $0xF300;
	v61 =	vperm.xlane v37, v16;
	v60 =	vadd.s32 v5, v59  }
0x4f0: {  	[tilespmem:s28], [sflag:$0x1] =	stream.indirect_vreg.gather [hbm4b:s6+s3], $0x80, v56, vm0, $0xb8;
	[tilespmem:$0x19100] =	vst v63  }
0x4f1: {  	v63 =	vperm.xlane v37, v17;
	v62 =	vadd.s32 v5, v61;
	s29 =	simm.s32 $0xF380  }
0x4f2: {  	[tilespmem:s29], [sflag:$0x1] =	stream.indirect_vreg.gather [hbm4b:s6+s3], $0x80, v58, vm0, $0xb8;
	[tilespmem:$0x19100] =	vst v63  }
0x4f3: {  	v45 =	vperm.xlane v37, v22;
	v44 =	vadd.s32 v5, v63  }
0x4f4: {  	[tilespmem:s31], [sflag:$0x1] =	stream.indirect_vreg.gather [hbm4b:s6+s3], $0x80, v60, vm0, $0xb8;
	[tilespmem:$0x19100] =	vst v63  }
0x4f5: {  	v47 =	vperm.xlane v37, v24;
	v46 =	vadd.s32 v5, v45  }
0x4f6: {  	[tilespmem:s8], [sflag:$0x1] =	stream.indirect_vreg.gather [hbm4b:s6+s3], $0x80, v62, vm0, $0xb8;
	[tilespmem:$0x19100] =	vst v63  }
0x4f7: {  	v49 =	vperm.xlane v37, v25;
	v48 =	vadd.s32 v5, v47  }
0x4f8: {  	[tilespmem:s10], [sflag:$0x1] =	stream.indirect_vreg.gather [hbm4b:s6+s3], $0x80, v44, vm0, $0xb8;
	[tilespmem:$0x19100] =	vst v63  }
0x4f9: {  	v50 =	vadd.s32 v5, v49;
	v51 =	vperm.xlane v37, v26  }
0x4fa: {  	[tilespmem:s12], [sflag:$0x1] =	stream.indirect_vreg.gather [hbm4b:s6+s3], $0x80, v46, vm0, $0xb8;
	[tilespmem:$0x19100] =	vst v63  }
0x4fb: {  	v53 =	vperm.xlane v37, v27;
	v52 =	vadd.s32 v5, v51  }
0x4fc: {  	[tilespmem:s13], [sflag:$0x1] =	stream.indirect_vreg.gather [hbm4b:s6+s3], $0x80, v48, vm0, $0xb8;
	[tilespmem:$0x19100] =	vst v63  }
0x4fd: {  	v55 =	vperm.xlane v37, v28;
	v54 =	vadd.s32 v5, v53  }
0x4fe: {  	[tilespmem:s16], [sflag:$0x1] =	stream.indirect_vreg.gather [hbm4b:s6+s3], $0x80, v50, vm0, $0xb8;
	[tilespmem:$0x19100] =	vst v63  }
0x4ff: {  	v37 =	vperm.xlane v37, v29;
	v56 =	vadd.s32 v5, v55  }
0x500: {  	[tilespmem:s17], [sflag:$0x1] =	stream.indirect_vreg.gather [hbm4b:s6+s3], $0x80, v52, vm0, $0xb8;
	[tilespmem:$0x19100] =	vst v63  }
0x501: {  	v37 =	vadd.s32 v5, v37  }
0x502: {  	[tilespmem:s18], [sflag:$0x1] =	stream.indirect_vreg.gather [hbm4b:s6+s3], $0x80, v54, vm0, $0xb8;
	[tilespmem:$0x19100] =	vst v63  }
0x503: {  	_ = 	snop  }
0x504: {  	[tilespmem:s19], [sflag:$0x1] =	stream.indirect_vreg.gather [hbm4b:s6+s3], $0x80, v56, vm0, $0xb8;
	[tilespmem:$0x19100] =	vst v63  }
0x505: {  	_ = 	snop  }
0x506: {  	[tilespmem:s15], [sflag:$0x1] =	stream.indirect_vreg.gather [hbm4b:s6+s3], $0x80, v37, vm0, $0xb8;
	[tilespmem:$0x19100] =	vst v63  }
0x507: {  	v37 =	vld [tilespmem:$0xB0];
	_ =	sdelay $0x4  }
0x508: {  	v57 =	vshrl.u32 v37, $0x3  }
0x509: {  	v38 =	vmul.u32 $0x1870, v57  }
0x50a: {  	v37 =	vand.u32 $0x7, v37  }
0x50b: {  	v37 =	vor.u32 v37, v38  }
0x50c: {  	v38 =	vperm.xlane v37, v2;
	_ =	sdelay $0x1  }
0x50d: {  	v58 =	vperm.xlane v37, v6;
	v38 =	vadd.s32 v5, v38;
	_ =	sdelay $0x1  }
0x50e: {  	v59 =	vperm.xlane v37, v7;
	v39 =	vadd.s32 v5, v58;
	_ =	sdelay $0x1  }
0x50f: {  	v60 =	vperm.xlane v37, v8;
	v40 =	vadd.s32 v5, v59  }
0x510: {  	[tilespmem:s14], [sflag:$0x1] =	stream.indirect_vreg.gather [hbm4b:s6+s3], $0x80, v38, vm0, $0xb8;
	[tilespmem:$0x19100] =	vst v63  }
0x511: {  	s30 =	simm.s32 $0xF980;
	v62 =	vperm.xlane v37, v12;
	v61 =	vadd.s32 v5, v60  }
0x512: {  	[tilespmem:s30], [sflag:$0x1] =	stream.indirect_vreg.gather [hbm4b:s6+s3], $0x80, v39, vm0, $0xb8;
	[tilespmem:$0x19100] =	vst v63  }
0x513: {  	s24 =	simm.s32 $0xFA00;
	v44 =	vperm.xlane v37, v14;
	v63 =	vadd.s32 v5, v62  }
0x514: {  	[tilespmem:s24], [sflag:$0x1] =	stream.indirect_vreg.gather [hbm4b:s6+s3], $0x80, v40, vm0, $0xb8;
	[tilespmem:$0x19100] =	vst v63  }
0x515: {  	v46 =	vperm.xlane v37, v15;
	v45 =	vadd.s32 v5, v44  }
0x516: {  	[tilespmem:s11], [sflag:$0x1] =	stream.indirect_vreg.gather [hbm4b:s6+s3], $0x80, v61, vm0, $0xb8;
	[tilespmem:$0x19100] =	vst v63  }
0x517: {  	s26 =	simm.s32 $0xFB00;
	v48 =	vperm.xlane v37, v16;
	v47 =	vadd.s32 v5, v46  }
0x518: {  	[tilespmem:s26], [sflag:$0x1] =	stream.indirect_vreg.gather [hbm4b:s6+s3], $0x80, v63, vm0, $0xb8;
	[tilespmem:$0x19100] =	vst v63  }
0x519: {  	v50 =	vperm.xlane v37, v17;
	v49 =	vadd.s32 v5, v48  }
0x51a: {  	[tilespmem:s9], [sflag:$0x1] =	stream.indirect_vreg.gather [hbm4b:s6+s3], $0x80, v45, vm0, $0xb8;
	[tilespmem:$0x19100] =	vst v63  }
0x51b: {  	v52 =	vperm.xlane v37, v22;
	v51 =	vadd.s32 v5, v50  }
0x51c: {  	[tilespmem:s1], [sflag:$0x1] =	stream.indirect_vreg.gather [hbm4b:s6+s3], $0x80, v47, vm0, $0xb8;
	[tilespmem:$0x19100] =	vst v63  }
0x51d: {  	v54 =	vperm.xlane v37, v24;
	v53 =	vadd.s32 v5, v52  }
0x51e: {  	[tilespmem:s0], [sflag:$0x1] =	stream.indirect_vreg.gather [hbm4b:s6+s3], $0x80, v49, vm0, $0xb8;
	[tilespmem:$0x19100] =	vst v63  }
0x51f: {  	s28 =	simm.s32 $0xFD00;
	v56 =	vperm.xlane v37, v25;
	v55 =	vadd.s32 v5, v54  }
0x520: {  	[tilespmem:s28], [sflag:$0x1] =	stream.indirect_vreg.gather [hbm4b:s6+s3], $0x80, v51, vm0, $0xb8;
	[tilespmem:$0x19100] =	vst v63  }
0x521: {  	s29 =	simm.s32 $0xFD80;
	v57 =	vadd.s32 v5, v56;
	v58 =	vperm.xlane v37, v26  }
0x522: {  	[tilespmem:s29], [sflag:$0x1] =	stream.indirect_vreg.gather [hbm4b:s6+s3], $0x80, v53, vm0, $0xb8;
	[tilespmem:$0x19100] =	vst v63  }
0x523: {  	v60 =	vperm.xlane v37, v27;
	v59 =	vadd.s32 v5, v58;
	s30 =	simm.s32 $0xFE00  }
0x524: {  	[tilespmem:s30], [sflag:$0x1] =	stream.indirect_vreg.gather [hbm4b:s6+s3], $0x80, v55, vm0, $0xb8;
	[tilespmem:$0x19100] =	vst v63  }
0x525: {  	v62 =	vperm.xlane v37, v28;
	s24 =	simm.s32 $0xFE80;
	v61 =	vadd.s32 v5, v60  }
0x526: {  	[tilespmem:s24], [sflag:$0x1] =	stream.indirect_vreg.gather [hbm4b:s6+s3], $0x80, v57, vm0, $0xb8;
	[tilespmem:$0x19100] =	vst v63  }
0x527: {  	v37 =	vperm.xlane v37, v29;
	v63 =	vadd.s32 v5, v62;
	s26 =	simm.s32 $0xFF00  }
0x528: {  	[tilespmem:s26], [sflag:$0x1] =	stream.indirect_vreg.gather [hbm4b:s6+s3], $0x80, v59, vm0, $0xb8;
	[tilespmem:$0x19100] =	vst v63  }
0x529: {  	v37 =	vadd.s32 v5, v37;
	s28 =	simm.s32 $0xFF80  }
0x52a: {  	[tilespmem:s28], [sflag:$0x1] =	stream.indirect_vreg.gather [hbm4b:s6+s3], $0x80, v61, vm0, $0xb8;
	[tilespmem:$0x19100] =	vst v63  }
.Ltmp2:
0x52b: {  	s29 =	simm.s32 $0x10000;
	(pc) =	sbr.rel .LBB2_2-.Ltmp2, $4  }
0x52c: {  	[tilespmem:s29], [sflag:$0x1] =	stream.indirect_vreg.gather [hbm4b:s6+s3], $0x80, v63, vm0, $0xb8;
	[tilespmem:$0x19100] =	vst v63  }
0x52d: {  	s23 =	simm.s32 $0x17F00;
	s30 =	simm.s32 $0x10080  }
0x52e: {  	[tilespmem:s30], [sflag:$0x1] =	stream.indirect_vreg.gather [hbm4b:s6+s3], $0x80, v37, vm0, $0xb8;
	[tilespmem:$0x19100] =	vst v63  }
0x52f: {  	s24 =	simm.s32 $0x0;
	s26 =	simm.s32 $0x0;
	s6 =	smov.u32 s25  }
.LBB2_4:
0x530: {  	(v2sf) =	vpush v37, $0x0;
	_ =	sdelay $0xb  }
0x531: {  	s28 =	smul.u32 $0xAB, s26;
	_ =	sdelay $0x1  }
0x532: {  	s28 =	sshrl.u32 s28, $0x9  }
0x533: {  	v38 =	vmul.u32 $0x80, v0;
	s28 =	sand.u32 $0x7F, s28;
	s29 =	spop (v2sf)  }
0x534: {  	s28 =	smul.u32 $0x3, s28;
	s29 =	sand.u32 $0x7F, s29  }
0x535: {  	v39 =	vor.u32 s29, v38  }
0x536: {  	s28 =	ssub.s32 s26, s28  }
0x537: {  	s28 =	sand.u32 $0xFF, s28  }
0x538: {  	s28 =	sshll.u32 s28, $0xF  }
0x539: {  	s30 =	sor.u32 $0x100, s28  }
0x53a: {  	v40 =	vor.u32 $0x800, v38;
	v39 =	vld.idx.msk [tilespmem:v39+s30+$0x0], $0xffff  }
0x53b: {  	v41 =	vor.u32 s29, v40  }
0x53c: {  	(v2sf) =	vpush v37, $0x1;
	_ =	sdelay $0x2  }
0x53d: {  	[tilespmem:s23+$0x200] =	vst v39  }
0x53e: {  	v50 =	vor.u32 $0x1000, v38;
	v39 =	vld.idx.msk [tilespmem:v41+s30+$0x0], $0xffff  }
0x53f: {  	v42 =	vor.u32 s29, v50;
	_ =	sdelay $0x3  }
0x540: {  	[tilespmem:s23+$0x210] =	vst v39  }
0x541: {  	v51 =	vor.u32 $0x1800, v38;
	v39 =	vld.idx.msk [tilespmem:v42+s30+$0x0], $0xffff  }
0x542: {  	v43 =	vor.u32 s29, v51;
	_ =	sdelay $0x3  }
0x543: {  	s29 =	spop (v2sf);
	[tilespmem:s23+$0x220] =	vst v39  }
0x544: {  	s29 =	sand.u32 $0x7F, s29;
	v39 =	vld.idx.msk [tilespmem:v43+s30+$0x0], $0xffff  }
0x545: {  	v52 =	vor.u32 s29, v38;
	_ =	sdelay $0x3  }
0x546: {  	s30 =	sor.u32 $0x2100, s28;
	[tilespmem:s23+$0x230] =	vst v39  }
0x547: {  	v39 =	vld.idx.msk [tilespmem:v52+s30+$0x0], $0xffff  }
0x548: {  	v53 =	vor.u32 s29, v40  }
0x549: {  	(v2sf) =	vpush v37, $0x2;
	_ =	sdelay $0x2  }
0x54a: {  	[tilespmem:s23+$0x280] =	vst v39  }
0x54b: {  	v39 =	vld.idx.msk [tilespmem:v53+s30+$0x0], $0xffff  }
0x54c: {  	v54 =	vor.u32 s29, v50;
	_ =	sdelay $0x3  }
0x54d: {  	[tilespmem:s23+$0x290] =	vst v39  }
0x54e: {  	v39 =	vld.idx.msk [tilespmem:v54+s30+$0x0], $0xffff  }
0x54f: {  	v55 =	vor.u32 s29, v51;
	_ =	sdelay $0x3  }
0x550: {  	s29 =	spop (v2sf);
	[tilespmem:s23+$0x2A0] =	vst v39  }
0x551: {  	s29 =	sand.u32 $0x7F, s29;
	v39 =	vld.idx.msk [tilespmem:v55+s30+$0x0], $0xffff  }
0x552: {  	v56 =	vor.u32 s29, v38;
	_ =	sdelay $0x3  }
0x553: {  	s30 =	sor.u32 $0x4100, s28;
	[tilespmem:s23+$0x2B0] =	vst v39  }
0x554: {  	v39 =	vld.idx.msk [tilespmem:v56+s30+$0x0], $0xffff  }
0x555: {  	v57 =	vor.u32 s29, v40  }
0x556: {  	(v2sf) =	vpush v37, $0x3;
	_ =	sdelay $0x2  }
0x557: {  	[tilespmem:s23+$0x300] =	vst v39  }
0x558: {  	v58 =	vld.idx.msk [tilespmem:v57+s30+$0x0], $0xffff  }
0x559: {  	v59 =	vor.u32 s29, v50;
	_ =	sdelay $0x3  }
0x55a: {  	[tilespmem:s23+$0x310] =	vst v58  }
0x55b: {  	v37 =	vld.idx.msk [tilespmem:v59+s30+$0x0], $0xffff  }
0x55c: {  	v60 =	vor.u32 s29, v51;
	_ =	sdelay $0x3  }
0x55d: {  	s29 =	spop (v2sf);
	[tilespmem:s23+$0x320] =	vst v37  }
0x55e: {  	s29 =	sand.u32 $0x7F, s29;
	v37 =	vld.idx.msk [tilespmem:v60+s30+$0x0], $0xffff  }
0x55f: {  	v38 =	vor.u32 s29, v38;
	_ =	sdelay $0x3  }
0x560: {  	s28 =	sor.u32 $0x6100, s28;
	[tilespmem:s23+$0x330] =	vst v37  }
0x561: {  	v37 =	vld.idx.msk [tilespmem:v38+s28+$0x0], $0xffff  }
0x562: {  	v61 =	vor.u32 s29, v40;
	_ =	sdelay $0x3  }
0x563: {  	[tilespmem:s23+$0x380] =	vst v37  }
0x564: {  	v37 =	vld.idx.msk [tilespmem:v61+s28+$0x0], $0xffff  }
0x565: {  	v62 =	vor.u32 s29, v50;
	_ =	sdelay $0x3  }
0x566: {  	[tilespmem:s23+$0x390] =	vst v37  }
0x567: {  	v37 =	vld.idx.msk [tilespmem:v62+s28+$0x0], $0xffff  }
0x568: {  	v63 =	vor.u32 s29, v51;
	_ =	sdelay $0x3  }
0x569: {  	[tilespmem:s23+$0x3A0] =	vst v37  }
0x56a: {  	v37 =	vld.idx.msk [tilespmem:v63+s28+$0x0], $0xffff;
	_ =	sdelay $0x2  }
0x56b: {  	s30 =	sand.u32 $0x1, s26  }
0x56c: {  	p0 =	seq.s32 s30, $0x0  }
0x56d: {  	s26 =	sadd.s32 $0x1, s26;
	s28 =	simm.s32 @!p0 $0x0;
	[tilespmem:s23+$0x3B0] =	vst v37  }
0x56e: {  	[hbm4b:s6+s28] =	stream.linear.scatter @!p0 [tilespmem:s23], [sflag:$0x2], $0x400, $0x38;
	[tilespmem:$0x19100] =	vst v63  }
0x56f: {  	p0 =	sne.s32 s26, $0x8  }
.Ltmp3:
0x570: {  	_ = 	snop;
	(pc) =	sbr.rel @!p0 .LBB2_5-.Ltmp3, $2  }
0x571: {  	_ =	sdelay $0x2  }
0x572: {  	s24 =	sadd.s32 $0x4, s24;
	s6 =	sadd.s32 $0x40, s6;
	s23 =	sadd.s32 $0x200, s23  }
.LBB2_2:
0x573: {  	v37 =	vld [tilespmem:s24+$0x0];
	_ =	swait.ge [sflag:s20], $0x2000  }
0x574: {  	[sflag:s20] =	ssyncset.done $0x0  }
0x575: {  	[sflag:s20] =	ssyncadd.s32 $0xFFFFE000  }
0x576: {  	_ =	swait.ge [sflag:s20], $0x2000  }
0x577: {  	[sflag:s20] =	ssyncset.done $0x0  }
0x578: {  	[sflag:s20] =	ssyncadd.s32 $0xFFFFE000  }
0x579: {  	p0 =	sgt.u32 s26, $0x5;
	_ =	swait.ge [sflag:s20], $0x2000  }
.Ltmp4:
0x57a: {  	[sflag:s20] =	ssyncset.done $0x0;
	(pc) =	sbr.rel @p0 .LBB2_4-.Ltmp4, $4  }
0x57b: {  	[sflag:s20] =	ssyncadd.s32 $0xFFFFE000  }
0x57c: {  	_ =	swait.ge [sflag:s20], $0x2000  }
0x57d: {  	[sflag:s20] =	ssyncset.done $0x0  }
0x57e: {  	[sflag:s20] =	ssyncadd.s32 $0xFFFFE000  }
0x57f: {  	(v2sf) =	vpush v37, $0x8;
	_ =	sdelay $0x1  }
0x580: {  	v38 =	vld [tilespmem:$0x80];
	_ =	sdelay $0x4  }
0x581: {  	s28 =	sadd.s32 $0x2, s26;
	v39 =	vshrl.u32 v38, $0x3  }
0x582: {  	s29 =	sand.u32 $0xFF, s28;
	v39 =	vmul.u32 $0x1870, v39  }
0x583: {  	s29 =	smul.u32 $0xAB, s29;
	v38 =	vand.u32 $0x7, v38  }
0x584: {  	v38 =	vor.u32 v38, v39  }
0x585: {  	s29 =	sshrl.u32 s29, $0x9;
	v39 =	vperm.xlane v38, v2  }
0x586: {  	s29 =	smul.u32 $0x3, s29  }
0x587: {  	v40 =	vperm.xlane v38, v6;
	v39 =	vadd.s32 v5, v39  }
0x588: {  	s28 =	ssub.s32 s28, s29  }
0x589: {  	s28 =	sand.u32 $0xFF, s28;
	v41 =	vperm.xlane v38, v7;
	v40 =	vadd.s32 v5, v40;
	s30 =	spop (v2sf)  }
0x58a: {  	s28 =	sshll.u32 s28, $0xF;
	s29 =	sand.u32 $0xFFFFF80, s30  }
0x58b: {  	v42 =	vperm.xlane v38, v8;
	v41 =	vadd.s32 v5, v41;
	s30 =	sor.u32 $0x100, s28;
	s29 =	sadd.s32 s2, s29  }
0x58c: {  	[tilespmem:s30], [sflag:$0x1] =	stream.indirect_vreg.gather [hbm4b:s29+s3], $0x80, v39, vm0, $0xb8;
	[tilespmem:$0x19100] =	vst v63  }
0x58d: {  	v61 =	vperm.xlane v38, v12;
	v60 =	vadd.s32 v5, v42;
	s30 =	sor.u32 $0x180, s28  }
0x58e: {  	[tilespmem:s30], [sflag:$0x1] =	stream.indirect_vreg.gather [hbm4b:s29+s3], $0x80, v40, vm0, $0xb8;
	[tilespmem:$0x19100] =	vst v63  }
0x58f: {  	v63 =	vperm.xlane v38, v14;
	v62 =	vadd.s32 v5, v61;
	s30 =	sor.u32 $0x200, s28  }
0x590: {  	[tilespmem:s30], [sflag:$0x1] =	stream.indirect_vreg.gather [hbm4b:s29+s3], $0x80, v41, vm0, $0xb8;
	[tilespmem:$0x19100] =	vst v63  }
0x591: {  	v46 =	vperm.xlane v38, v15;
	v45 =	vadd.s32 v5, v63;
	s30 =	sor.u32 $0x280, s28  }
0x592: {  	[tilespmem:s30], [sflag:$0x1] =	stream.indirect_vreg.gather [hbm4b:s29+s3], $0x80, v60, vm0, $0xb8;
	[tilespmem:$0x19100] =	vst v63  }
0x593: {  	v48 =	vperm.xlane v38, v16;
	v47 =	vadd.s32 v5, v46;
	s30 =	sor.u32 $0x300, s28  }
0x594: {  	[tilespmem:s30], [sflag:$0x1] =	stream.indirect_vreg.gather [hbm4b:s29+s3], $0x80, v62, vm0, $0xb8;
	[tilespmem:$0x19100] =	vst v63  }
0x595: {  	v50 =	vperm.xlane v38, v17;
	v49 =	vadd.s32 v5, v48;
	s30 =	sor.u32 $0x380, s28  }
0x596: {  	[tilespmem:s30], [sflag:$0x1] =	stream.indirect_vreg.gather [hbm4b:s29+s3], $0x80, v45, vm0, $0xb8;
	[tilespmem:$0x19100] =	vst v63  }
0x597: {  	v52 =	vperm.xlane v38, v22;
	v51 =	vadd.s32 v5, v50;
	s30 =	sor.u32 $0x400, s28  }
0x598: {  	[tilespmem:s30], [sflag:$0x1] =	stream.indirect_vreg.gather [hbm4b:s29+s3], $0x80, v47, vm0, $0xb8;
	[tilespmem:$0x19100] =	vst v63  }
0x599: {  	v54 =	vperm.xlane v38, v24;
	v53 =	vadd.s32 v5, v52;
	s30 =	sor.u32 $0x480, s28  }
0x59a: {  	[tilespmem:s30], [sflag:$0x1] =	stream.indirect_vreg.gather [hbm4b:s29+s3], $0x80, v49, vm0, $0xb8;
	[tilespmem:$0x19100] =	vst v63  }
0x59b: {  	v56 =	vperm.xlane v38, v25;
	v55 =	vadd.s32 v5, v54;
	s30 =	sor.u32 $0x500, s28  }
0x59c: {  	[tilespmem:s30], [sflag:$0x1] =	stream.indirect_vreg.gather [hbm4b:s29+s3], $0x80, v51, vm0, $0xb8;
	[tilespmem:$0x19100] =	vst v63  }
0x59d: {  	v58 =	vperm.xlane v38, v26;
	v57 =	vadd.s32 v5, v56;
	s30 =	sor.u32 $0x580, s28  }
0x59e: {  	[tilespmem:s30], [sflag:$0x1] =	stream.indirect_vreg.gather [hbm4b:s29+s3], $0x80, v53, vm0, $0xb8;
	[tilespmem:$0x19100] =	vst v63  }
0x59f: {  	v59 =	vadd.s32 v5, v58;
	v60 =	vperm.xlane v38, v27;
	s30 =	sor.u32 $0x600, s28  }
0x5a0: {  	[tilespmem:s30], [sflag:$0x1] =	stream.indirect_vreg.gather [hbm4b:s29+s3], $0x80, v55, vm0, $0xb8;
	[tilespmem:$0x19100] =	vst v63  }
0x5a1: {  	v61 =	vadd.s32 v5, v60;
	v62 =	vperm.xlane v38, v28;
	s30 =	sor.u32 $0x680, s28  }
0x5a2: {  	[tilespmem:s30], [sflag:$0x1] =	stream.indirect_vreg.gather [hbm4b:s29+s3], $0x80, v57, vm0, $0xb8;
	[tilespmem:$0x19100] =	vst v63  }
0x5a3: {  	v38 =	vperm.xlane v38, v29;
	v63 =	vadd.s32 v5, v62;
	s30 =	sor.u32 $0x700, s28  }
0x5a4: {  	[tilespmem:s30], [sflag:$0x1] =	stream.indirect_vreg.gather [hbm4b:s29+s3], $0x80, v59, vm0, $0xb8;
	[tilespmem:$0x19100] =	vst v63  }
0x5a5: {  	v38 =	vadd.s32 v5, v38;
	s30 =	sor.u32 $0x780, s28  }
0x5a6: {  	[tilespmem:s30], [sflag:$0x1] =	stream.indirect_vreg.gather [hbm4b:s29+s3], $0x80, v61, vm0, $0xb8;
	[tilespmem:$0x19100] =	vst v63  }
0x5a7: {  	s30 =	sor.u32 $0x800, s28  }
0x5a8: {  	[tilespmem:s30], [sflag:$0x1] =	stream.indirect_vreg.gather [hbm4b:s29+s3], $0x80, v63, vm0, $0xb8;
	[tilespmem:$0x19100] =	vst v63  }
0x5a9: {  	s30 =	sor.u32 $0x880, s28  }
0x5aa: {  	[tilespmem:s30], [sflag:$0x1] =	stream.indirect_vreg.gather [hbm4b:s29+s3], $0x80, v38, vm0, $0xb8;
	[tilespmem:$0x19100] =	vst v63  }
0x5ab: {  	v38 =	vld [tilespmem:$0x90];
	_ =	sdelay $0x4  }
0x5ac: {  	v43 =	vshrl.u32 v38, $0x3  }
0x5ad: {  	v39 =	vmul.u32 $0x1870, v43  }
0x5ae: {  	v38 =	vand.u32 $0x7, v38  }
0x5af: {  	v38 =	vor.u32 v38, v39  }
0x5b0: {  	v39 =	vperm.xlane v38, v2;
	_ =	sdelay $0x1  }
0x5b1: {  	v44 =	vperm.xlane v38, v6;
	v39 =	vadd.s32 v5, v39;
	_ =	sdelay $0x1  }
0x5b2: {  	v45 =	vperm.xlane v38, v7;
	v40 =	vadd.s32 v5, v44;
	_ =	sdelay $0x1  }
0x5b3: {  	s30 =	sor.u32 $0x900, s28;
	v46 =	vperm.xlane v38, v8;
	v41 =	vadd.s32 v5, v45  }
0x5b4: {  	[tilespmem:s30], [sflag:$0x1] =	stream.indirect_vreg.gather [hbm4b:s29+s3], $0x80, v39, vm0, $0xb8;
	[tilespmem:$0x19100] =	vst v63  }
0x5b5: {  	v48 =	vperm.xlane v38, v12;
	v47 =	vadd.s32 v5, v46;
	s30 =	sor.u32 $0x980, s28  }
0x5b6: {  	[tilespmem:s30], [sflag:$0x1] =	stream.indirect_vreg.gather [hbm4b:s29+s3], $0x80, v40, vm0, $0xb8;
	[tilespmem:$0x19100] =	vst v63  }
0x5b7: {  	v50 =	vperm.xlane v38, v14;
	v49 =	vadd.s32 v5, v48;
	s30 =	sor.u32 $0xA00, s28  }
0x5b8: {  	[tilespmem:s30], [sflag:$0x1] =	stream.indirect_vreg.gather [hbm4b:s29+s3], $0x80, v41, vm0, $0xb8;
	[tilespmem:$0x19100] =	vst v63  }
0x5b9: {  	v52 =	vperm.xlane v38, v15;
	v51 =	vadd.s32 v5, v50;
	s30 =	sor.u32 $0xA80, s28  }
0x5ba: {  	[tilespmem:s30], [sflag:$0x1] =	stream.indirect_vreg.gather [hbm4b:s29+s3], $0x80, v47, vm0, $0xb8;
	[tilespmem:$0x19100] =	vst v63  }
0x5bb: {  	v54 =	vperm.xlane v38, v16;
	v53 =	vadd.s32 v5, v52;
	s30 =	sor.u32 $0xB00, s28  }
0x5bc: {  	[tilespmem:s30], [sflag:$0x1] =	stream.indirect_vreg.gather [hbm4b:s29+s3], $0x80, v49, vm0, $0xb8;
	[tilespmem:$0x19100] =	vst v63  }
0x5bd: {  	v56 =	vperm.xlane v38, v17;
	v55 =	vadd.s32 v5, v54;
	s30 =	sor.u32 $0xB80, s28  }
0x5be: {  	[tilespmem:s30], [sflag:$0x1] =	stream.indirect_vreg.gather [hbm4b:s29+s3], $0x80, v51, vm0, $0xb8;
	[tilespmem:$0x19100] =	vst v63  }
0x5bf: {  	v58 =	vperm.xlane v38, v22;
	v57 =	vadd.s32 v5, v56;
	s30 =	sor.u32 $0xC00, s28  }
0x5c0: {  	[tilespmem:s30], [sflag:$0x1] =	stream.indirect_vreg.gather [hbm4b:s29+s3], $0x80, v53, vm0, $0xb8;
	[tilespmem:$0x19100] =	vst v63  }
0x5c1: {  	v60 =	vperm.xlane v38, v24;
	v59 =	vadd.s32 v5, v58;
	s30 =	sor.u32 $0xC80, s28  }
0x5c2: {  	[tilespmem:s30], [sflag:$0x1] =	stream.indirect_vreg.gather [hbm4b:s29+s3], $0x80, v55, vm0, $0xb8;
	[tilespmem:$0x19100] =	vst v63  }
0x5c3: {  	v62 =	vperm.xlane v38, v25;
	v61 =	vadd.s32 v5, v60;
	s30 =	sor.u32 $0xD00, s28  }
0x5c4: {  	[tilespmem:s30], [sflag:$0x1] =	stream.indirect_vreg.gather [hbm4b:s29+s3], $0x80, v57, vm0, $0xb8;
	[tilespmem:$0x19100] =	vst v63  }
0x5c5: {  	v63 =	vadd.s32 v5, v62;
	v45 =	vperm.xlane v38, v26;
	s30 =	sor.u32 $0xD80, s28  }
0x5c6: {  	[tilespmem:s30], [sflag:$0x1] =	stream.indirect_vreg.gather [hbm4b:s29+s3], $0x80, v59, vm0, $0xb8;
	[tilespmem:$0x19100] =	vst v63  }
0x5c7: {  	v46 =	vadd.s32 v5, v45;
	v47 =	vperm.xlane v38, v27;
	s30 =	sor.u32 $0xE00, s28  }
0x5c8: {  	[tilespmem:s30], [sflag:$0x1] =	stream.indirect_vreg.gather [hbm4b:s29+s3], $0x80, v61, vm0, $0xb8;
	[tilespmem:$0x19100] =	vst v63  }
0x5c9: {  	v48 =	vadd.s32 v5, v47;
	v49 =	vperm.xlane v38, v28;
	s30 =	sor.u32 $0xE80, s28  }
0x5ca: {  	[tilespmem:s30], [sflag:$0x1] =	stream.indirect_vreg.gather [hbm4b:s29+s3], $0x80, v63, vm0, $0xb8;
	[tilespmem:$0x19100] =	vst v63  }
0x5cb: {  	v38 =	vperm.xlane v38, v29;
	v50 =	vadd.s32 v5, v49;
	s30 =	sor.u32 $0xF00, s28  }
0x5cc: {  	[tilespmem:s30], [sflag:$0x1] =	stream.indirect_vreg.gather [hbm4b:s29+s3], $0x80, v46, vm0, $0xb8;
	[tilespmem:$0x19100] =	vst v63  }
0x5cd: {  	v38 =	vadd.s32 v5, v38;
	s30 =	sor.u32 $0xF80, s28  }
0x5ce: {  	[tilespmem:s30], [sflag:$0x1] =	stream.indirect_vreg.gather [hbm4b:s29+s3], $0x80, v48, vm0, $0xb8;
	[tilespmem:$0x19100] =	vst v63  }
0x5cf: {  	s30 =	sor.u32 $0x1000, s28  }
0x5d0: {  	[tilespmem:s30], [sflag:$0x1] =	stream.indirect_vreg.gather [hbm4b:s29+s3], $0x80, v50, vm0, $0xb8;
	[tilespmem:$0x19100] =	vst v63  }
0x5d1: {  	s30 =	sor.u32 $0x1080, s28  }
0x5d2: {  	[tilespmem:s30], [sflag:$0x1] =	stream.indirect_vreg.gather [hbm4b:s29+s3], $0x80, v38, vm0, $0xb8;
	[tilespmem:$0x19100] =	vst v63  }
0x5d3: {  	v38 =	vld [tilespmem:$0xA0];
	_ =	sdelay $0x4  }
0x5d4: {  	v51 =	vshrl.u32 v38, $0x3  }
0x5d5: {  	v39 =	vmul.u32 $0x1870, v51  }
0x5d6: {  	v38 =	vand.u32 $0x7, v38  }
0x5d7: {  	v38 =	vor.u32 v38, v39  }
0x5d8: {  	v39 =	vperm.xlane v38, v2;
	_ =	sdelay $0x1  }
0x5d9: {  	v52 =	vperm.xlane v38, v6;
	v39 =	vadd.s32 v5, v39;
	_ =	sdelay $0x1  }
0x5da: {  	v53 =	vperm.xlane v38, v7;
	v40 =	vadd.s32 v5, v52;
	_ =	sdelay $0x1  }
0x5db: {  	s30 =	sor.u32 $0x1100, s28;
	v54 =	vperm.xlane v38, v8;
	v41 =	vadd.s32 v5, v53  }
0x5dc: {  	[tilespmem:s30], [sflag:$0x1] =	stream.indirect_vreg.gather [hbm4b:s29+s3], $0x80, v39, vm0, $0xb8;
	[tilespmem:$0x19100] =	vst v63  }
0x5dd: {  	v56 =	vperm.xlane v38, v12;
	v55 =	vadd.s32 v5, v54;
	s30 =	sor.u32 $0x1180, s28  }
0x5de: {  	[tilespmem:s30], [sflag:$0x1] =	stream.indirect_vreg.gather [hbm4b:s29+s3], $0x80, v40, vm0, $0xb8;
	[tilespmem:$0x19100] =	vst v63  }
0x5df: {  	v58 =	vperm.xlane v38, v14;
	v57 =	vadd.s32 v5, v56;
	s30 =	sor.u32 $0x1200, s28  }
0x5e0: {  	[tilespmem:s30], [sflag:$0x1] =	stream.indirect_vreg.gather [hbm4b:s29+s3], $0x80, v41, vm0, $0xb8;
	[tilespmem:$0x19100] =	vst v63  }
0x5e1: {  	v60 =	vperm.xlane v38, v15;
	v59 =	vadd.s32 v5, v58;
	s30 =	sor.u32 $0x1280, s28  }
0x5e2: {  	[tilespmem:s30], [sflag:$0x1] =	stream.indirect_vreg.gather [hbm4b:s29+s3], $0x80, v55, vm0, $0xb8;
	[tilespmem:$0x19100] =	vst v63  }
0x5e3: {  	v62 =	vperm.xlane v38, v16;
	v61 =	vadd.s32 v5, v60;
	s30 =	sor.u32 $0x1300, s28  }
0x5e4: {  	[tilespmem:s30], [sflag:$0x1] =	stream.indirect_vreg.gather [hbm4b:s29+s3], $0x80, v57, vm0, $0xb8;
	[tilespmem:$0x19100] =	vst v63  }
0x5e5: {  	v45 =	vperm.xlane v38, v17;
	v63 =	vadd.s32 v5, v62;
	s30 =	sor.u32 $0x1380, s28  }
0x5e6: {  	[tilespmem:s30], [sflag:$0x1] =	stream.indirect_vreg.gather [hbm4b:s29+s3], $0x80, v59, vm0, $0xb8;
	[tilespmem:$0x19100] =	vst v63  }
0x5e7: {  	v47 =	vperm.xlane v38, v22;
	v46 =	vadd.s32 v5, v45;
	s30 =	sor.u32 $0x1400, s28  }
0x5e8: {  	[tilespmem:s30], [sflag:$0x1] =	stream.indirect_vreg.gather [hbm4b:s29+s3], $0x80, v61, vm0, $0xb8;
	[tilespmem:$0x19100] =	vst v63  }
0x5e9: {  	v49 =	vperm.xlane v38, v24;
	v48 =	vadd.s32 v5, v47;
	s30 =	sor.u32 $0x1480, s28  }
0x5ea: {  	[tilespmem:s30], [sflag:$0x1] =	stream.indirect_vreg.gather [hbm4b:s29+s3], $0x80, v63, vm0, $0xb8;
	[tilespmem:$0x19100] =	vst v63  }
0x5eb: {  	v51 =	vperm.xlane v38, v25;
	v50 =	vadd.s32 v5, v49;
	s30 =	sor.u32 $0x1500, s28  }
0x5ec: {  	[tilespmem:s30], [sflag:$0x1] =	stream.indirect_vreg.gather [hbm4b:s29+s3], $0x80, v46, vm0, $0xb8;
	[tilespmem:$0x19100] =	vst v63  }
0x5ed: {  	v52 =	vadd.s32 v5, v51;
	v53 =	vperm.xlane v38, v26;
	s30 =	sor.u32 $0x1580, s28  }
0x5ee: {  	[tilespmem:s30], [sflag:$0x1] =	stream.indirect_vreg.gather [hbm4b:s29+s3], $0x80, v48, vm0, $0xb8;
	[tilespmem:$0x19100] =	vst v63  }
0x5ef: {  	v54 =	vadd.s32 v5, v53;
	v55 =	vperm.xlane v38, v27;
	s30 =	sor.u32 $0x1600, s28  }
0x5f0: {  	[tilespmem:s30], [sflag:$0x1] =	stream.indirect_vreg.gather [hbm4b:s29+s3], $0x80, v50, vm0, $0xb8;
	[tilespmem:$0x19100] =	vst v63  }
0x5f1: {  	v56 =	vadd.s32 v5, v55;
	v57 =	vperm.xlane v38, v28;
	s30 =	sor.u32 $0x1680, s28  }
0x5f2: {  	[tilespmem:s30], [sflag:$0x1] =	stream.indirect_vreg.gather [hbm4b:s29+s3], $0x80, v52, vm0, $0xb8;
	[tilespmem:$0x19100] =	vst v63  }
0x5f3: {  	v38 =	vperm.xlane v38, v29;
	v58 =	vadd.s32 v5, v57;
	s30 =	sor.u32 $0x1700, s28  }
0x5f4: {  	[tilespmem:s30], [sflag:$0x1] =	stream.indirect_vreg.gather [hbm4b:s29+s3], $0x80, v54, vm0, $0xb8;
	[tilespmem:$0x19100] =	vst v63  }
0x5f5: {  	v38 =	vadd.s32 v5, v38;
	s30 =	sor.u32 $0x1780, s28  }
0x5f6: {  	[tilespmem:s30], [sflag:$0x1] =	stream.indirect_vreg.gather [hbm4b:s29+s3], $0x80, v56, vm0, $0xb8;
	[tilespmem:$0x19100] =	vst v63  }
0x5f7: {  	s30 =	sor.u32 $0x1800, s28  }
0x5f8: {  	[tilespmem:s30], [sflag:$0x1] =	stream.indirect_vreg.gather [hbm4b:s29+s3], $0x80, v58, vm0, $0xb8;
	[tilespmem:$0x19100] =	vst v63  }
0x5f9: {  	s30 =	sor.u32 $0x1880, s28  }
0x5fa: {  	[tilespmem:s30], [sflag:$0x1] =	stream.indirect_vreg.gather [hbm4b:s29+s3], $0x80, v38, vm0, $0xb8;
	[tilespmem:$0x19100] =	vst v63  }
0x5fb: {  	v38 =	vld [tilespmem:$0xB0];
	_ =	sdelay $0x4  }
0x5fc: {  	v59 =	vshrl.u32 v38, $0x3  }
0x5fd: {  	v39 =	vmul.u32 $0x1870, v59  }
0x5fe: {  	v38 =	vand.u32 $0x7, v38  }
0x5ff: {  	v38 =	vor.u32 v38, v39  }
0x600: {  	v39 =	vperm.xlane v38, v2;
	_ =	sdelay $0x1  }
0x601: {  	v60 =	vperm.xlane v38, v6;
	v39 =	vadd.s32 v5, v39;
	_ =	sdelay $0x1  }
0x602: {  	v61 =	vperm.xlane v38, v7;
	v40 =	vadd.s32 v5, v60;
	_ =	sdelay $0x1  }
0x603: {  	s30 =	sor.u32 $0x1900, s28;
	v62 =	vperm.xlane v38, v8;
	v41 =	vadd.s32 v5, v61  }
0x604: {  	[tilespmem:s30], [sflag:$0x1] =	stream.indirect_vreg.gather [hbm4b:s29+s3], $0x80, v39, vm0, $0xb8;
	[tilespmem:$0x19100] =	vst v63  }
0x605: {  	v45 =	vperm.xlane v38, v12;
	v63 =	vadd.s32 v5, v62;
	s30 =	sor.u32 $0x1980, s28  }
0x606: {  	[tilespmem:s30], [sflag:$0x1] =	stream.indirect_vreg.gather [hbm4b:s29+s3], $0x80, v40, vm0, $0xb8;
	[tilespmem:$0x19100] =	vst v63  }
0x607: {  	v47 =	vperm.xlane v38, v14;
	v46 =	vadd.s32 v5, v45;
	s30 =	sor.u32 $0x1A00, s28  }
0x608: {  	[tilespmem:s30], [sflag:$0x1] =	stream.indirect_vreg.gather [hbm4b:s29+s3], $0x80, v41, vm0, $0xb8;
	[tilespmem:$0x19100] =	vst v63  }
0x609: {  	v49 =	vperm.xlane v38, v15;
	v48 =	vadd.s32 v5, v47;
	s30 =	sor.u32 $0x1A80, s28  }
0x60a: {  	[tilespmem:s30], [sflag:$0x1] =	stream.indirect_vreg.gather [hbm4b:s29+s3], $0x80, v63, vm0, $0xb8;
	[tilespmem:$0x19100] =	vst v63  }
0x60b: {  	v51 =	vperm.xlane v38, v16;
	v50 =	vadd.s32 v5, v49;
	s30 =	sor.u32 $0x1B00, s28  }
0x60c: {  	[tilespmem:s30], [sflag:$0x1] =	stream.indirect_vreg.gather [hbm4b:s29+s3], $0x80, v46, vm0, $0xb8;
	[tilespmem:$0x19100] =	vst v63  }
0x60d: {  	v53 =	vperm.xlane v38, v17;
	v52 =	vadd.s32 v5, v51;
	s30 =	sor.u32 $0x1B80, s28  }
0x60e: {  	[tilespmem:s30], [sflag:$0x1] =	stream.indirect_vreg.gather [hbm4b:s29+s3], $0x80, v48, vm0, $0xb8;
	[tilespmem:$0x19100] =	vst v63  }
0x60f: {  	v55 =	vperm.xlane v38, v22;
	v54 =	vadd.s32 v5, v53;
	s30 =	sor.u32 $0x1C00, s28  }
0x610: {  	[tilespmem:s30], [sflag:$0x1] =	stream.indirect_vreg.gather [hbm4b:s29+s3], $0x80, v50, vm0, $0xb8;
	[tilespmem:$0x19100] =	vst v63  }
0x611: {  	v57 =	vperm.xlane v38, v24;
	v56 =	vadd.s32 v5, v55;
	s30 =	sor.u32 $0x1C80, s28  }
0x612: {  	[tilespmem:s30], [sflag:$0x1] =	stream.indirect_vreg.gather [hbm4b:s29+s3], $0x80, v52, vm0, $0xb8;
	[tilespmem:$0x19100] =	vst v63  }
0x613: {  	v59 =	vperm.xlane v38, v25;
	v58 =	vadd.s32 v5, v57;
	s30 =	sor.u32 $0x1D00, s28  }
0x614: {  	[tilespmem:s30], [sflag:$0x1] =	stream.indirect_vreg.gather [hbm4b:s29+s3], $0x80, v54, vm0, $0xb8;
	[tilespmem:$0x19100] =	vst v63  }
0x615: {  	v60 =	vadd.s32 v5, v59;
	v61 =	vperm.xlane v38, v26;
	s30 =	sor.u32 $0x1D80, s28  }
0x616: {  	[tilespmem:s30], [sflag:$0x1] =	stream.indirect_vreg.gather [hbm4b:s29+s3], $0x80, v56, vm0, $0xb8;
	[tilespmem:$0x19100] =	vst v63  }
0x617: {  	v62 =	vadd.s32 v5, v61;
	v63 =	vperm.xlane v38, v27;
	s30 =	sor.u32 $0x1E00, s28  }
0x618: {  	[tilespmem:s30], [sflag:$0x1] =	stream.indirect_vreg.gather [hbm4b:s29+s3], $0x80, v58, vm0, $0xb8;
	[tilespmem:$0x19100] =	vst v63  }
0x619: {  	v45 =	vadd.s32 v5, v63;
	v46 =	vperm.xlane v38, v28;
	s30 =	sor.u32 $0x1E80, s28  }
0x61a: {  	[tilespmem:s30], [sflag:$0x1] =	stream.indirect_vreg.gather [hbm4b:s29+s3], $0x80, v60, vm0, $0xb8;
	[tilespmem:$0x19100] =	vst v63  }
0x61b: {  	v38 =	vperm.xlane v38, v29;
	v47 =	vadd.s32 v5, v46;
	s30 =	sor.u32 $0x1F00, s28  }
0x61c: {  	[tilespmem:s30], [sflag:$0x1] =	stream.indirect_vreg.gather [hbm4b:s29+s3], $0x80, v62, vm0, $0xb8;
	[tilespmem:$0x19100] =	vst v63  }
0x61d: {  	v38 =	vadd.s32 v5, v38;
	s30 =	sor.u32 $0x1F80, s28  }
0x61e: {  	[tilespmem:s30], [sflag:$0x1] =	stream.indirect_vreg.gather [hbm4b:s29+s3], $0x80, v45, vm0, $0xb8;
	[tilespmem:$0x19100] =	vst v63  }
0x61f: {  	s30 =	sor.u32 $0x2000, s28  }
0x620: {  	[tilespmem:s30], [sflag:$0x1] =	stream.indirect_vreg.gather [hbm4b:s29+s3], $0x80, v47, vm0, $0xb8;
	[tilespmem:$0x19100] =	vst v63  }
0x621: {  	(v2sf) =	vpush v37, $0x9;
	s30 =	sor.u32 $0x2080, s28  }
0x622: {  	[tilespmem:s30], [sflag:$0x1] =	stream.indirect_vreg.gather [hbm4b:s29+s3], $0x80, v38, vm0, $0xb8;
	[tilespmem:$0x19100] =	vst v63  }
0x623: {  	v38 =	vld [tilespmem:$0x80];
	_ =	sdelay $0x4  }
0x624: {  	v48 =	vshrl.u32 v38, $0x3  }
0x625: {  	v39 =	vmul.u32 $0x1870, v48  }
0x626: {  	v38 =	vand.u32 $0x7, v38  }
0x627: {  	v38 =	vor.u32 v38, v39  }
0x628: {  	v39 =	vperm.xlane v38, v2;
	_ =	sdelay $0x1  }
0x629: {  	v49 =	vperm.xlane v38, v6;
	v39 =	vadd.s32 v5, v39;
	_ =	sdelay $0x1  }
0x62a: {  	s30 =	spop (v2sf);
	v50 =	vperm.xlane v38, v7;
	v40 =	vadd.s32 v5, v49  }
0x62b: {  	s29 =	sand.u32 $0xFFFFF80, s30  }
0x62c: {  	s30 =	sor.u32 $0x2100, s28;
	s29 =	sadd.s32 s2, s29;
	v51 =	vperm.xlane v38, v8;
	v41 =	vadd.s32 v5, v50  }
0x62d: {  	[tilespmem:s30], [sflag:$0x1] =	stream.indirect_vreg.gather [hbm4b:s29+s3], $0x80, v39, vm0, $0xb8;
	[tilespmem:$0x19100] =	vst v63  }
0x62e: {  	v53 =	vperm.xlane v38, v12;
	v52 =	vadd.s32 v5, v51;
	s30 =	sor.u32 $0x2180, s28  }
0x62f: {  	[tilespmem:s30], [sflag:$0x1] =	stream.indirect_vreg.gather [hbm4b:s29+s3], $0x80, v40, vm0, $0xb8;
	[tilespmem:$0x19100] =	vst v63  }
0x630: {  	v55 =	vperm.xlane v38, v14;
	v54 =	vadd.s32 v5, v53;
	s30 =	sor.u32 $0x2200, s28  }
0x631: {  	[tilespmem:s30], [sflag:$0x1] =	stream.indirect_vreg.gather [hbm4b:s29+s3], $0x80, v41, vm0, $0xb8;
	[tilespmem:$0x19100] =	vst v63  }
0x632: {  	v57 =	vperm.xlane v38, v15;
	v56 =	vadd.s32 v5, v55;
	s30 =	sor.u32 $0x2280, s28  }
0x633: {  	[tilespmem:s30], [sflag:$0x1] =	stream.indirect_vreg.gather [hbm4b:s29+s3], $0x80, v52, vm0, $0xb8;
	[tilespmem:$0x19100] =	vst v63  }
0x634: {  	v59 =	vperm.xlane v38, v16;
	v58 =	vadd.s32 v5, v57;
	s30 =	sor.u32 $0x2300, s28  }
0x635: {  	[tilespmem:s30], [sflag:$0x1] =	stream.indirect_vreg.gather [hbm4b:s29+s3], $0x80, v54, vm0, $0xb8;
	[tilespmem:$0x19100] =	vst v63  }
0x636: {  	v61 =	vperm.xlane v38, v17;
	v60 =	vadd.s32 v5, v59;
	s30 =	sor.u32 $0x2380, s28  }
0x637: {  	[tilespmem:s30], [sflag:$0x1] =	stream.indirect_vreg.gather [hbm4b:s29+s3], $0x80, v56, vm0, $0xb8;
	[tilespmem:$0x19100] =	vst v63  }
0x638: {  	v63 =	vperm.xlane v38, v22;
	v62 =	vadd.s32 v5, v61;
	s30 =	sor.u32 $0x2400, s28  }
0x639: {  	[tilespmem:s30], [sflag:$0x1] =	stream.indirect_vreg.gather [hbm4b:s29+s3], $0x80, v58, vm0, $0xb8;
	[tilespmem:$0x19100] =	vst v63  }
0x63a: {  	v46 =	vperm.xlane v38, v24;
	v45 =	vadd.s32 v5, v63;
	s30 =	sor.u32 $0x2480, s28  }
0x63b: {  	[tilespmem:s30], [sflag:$0x1] =	stream.indirect_vreg.gather [hbm4b:s29+s3], $0x80, v60, vm0, $0xb8;
	[tilespmem:$0x19100] =	vst v63  }
0x63c: {  	v48 =	vperm.xlane v38, v25;
	v47 =	vadd.s32 v5, v46;
	s30 =	sor.u32 $0x2500, s28  }
0x63d: {  	[tilespmem:s30], [sflag:$0x1] =	stream.indirect_vreg.gather [hbm4b:s29+s3], $0x80, v62, vm0, $0xb8;
	[tilespmem:$0x19100] =	vst v63  }
0x63e: {  	v49 =	vadd.s32 v5, v48;
	v50 =	vperm.xlane v38, v26;
	s30 =	sor.u32 $0x2580, s28  }
0x63f: {  	[tilespmem:s30], [sflag:$0x1] =	stream.indirect_vreg.gather [hbm4b:s29+s3], $0x80, v45, vm0, $0xb8;
	[tilespmem:$0x19100] =	vst v63  }
0x640: {  	v51 =	vadd.s32 v5, v50;
	v52 =	vperm.xlane v38, v27;
	s30 =	sor.u32 $0x2600, s28  }
0x641: {  	[tilespmem:s30], [sflag:$0x1] =	stream.indirect_vreg.gather [hbm4b:s29+s3], $0x80, v47, vm0, $0xb8;
	[tilespmem:$0x19100] =	vst v63  }
0x642: {  	v53 =	vadd.s32 v5, v52;
	v54 =	vperm.xlane v38, v28;
	s30 =	sor.u32 $0x2680, s28  }
0x643: {  	[tilespmem:s30], [sflag:$0x1] =	stream.indirect_vreg.gather [hbm4b:s29+s3], $0x80, v49, vm0, $0xb8;
	[tilespmem:$0x19100] =	vst v63  }
0x644: {  	v38 =	vperm.xlane v38, v29;
	v55 =	vadd.s32 v5, v54;
	s30 =	sor.u32 $0x2700, s28  }
0x645: {  	[tilespmem:s30], [sflag:$0x1] =	stream.indirect_vreg.gather [hbm4b:s29+s3], $0x80, v51, vm0, $0xb8;
	[tilespmem:$0x19100] =	vst v63  }
0x646: {  	v38 =	vadd.s32 v5, v38;
	s30 =	sor.u32 $0x2780, s28  }
0x647: {  	[tilespmem:s30], [sflag:$0x1] =	stream.indirect_vreg.gather [hbm4b:s29+s3], $0x80, v53, vm0, $0xb8;
	[tilespmem:$0x19100] =	vst v63  }
0x648: {  	s30 =	sor.u32 $0x2800, s28  }
0x649: {  	[tilespmem:s30], [sflag:$0x1] =	stream.indirect_vreg.gather [hbm4b:s29+s3], $0x80, v55, vm0, $0xb8;
	[tilespmem:$0x19100] =	vst v63  }
0x64a: {  	s30 =	sor.u32 $0x2880, s28  }
0x64b: {  	[tilespmem:s30], [sflag:$0x1] =	stream.indirect_vreg.gather [hbm4b:s29+s3], $0x80, v38, vm0, $0xb8;
	[tilespmem:$0x19100] =	vst v63  }
0x64c: {  	v38 =	vld [tilespmem:$0x90];
	_ =	sdelay $0x4  }
0x64d: {  	v56 =	vshrl.u32 v38, $0x3  }
0x64e: {  	v39 =	vmul.u32 $0x1870, v56  }
0x64f: {  	v38 =	vand.u32 $0x7, v38  }
0x650: {  	v38 =	vor.u32 v38, v39  }
0x651: {  	v39 =	vperm.xlane v38, v2;
	_ =	sdelay $0x1  }
0x652: {  	v57 =	vperm.xlane v38, v6;
	v39 =	vadd.s32 v5, v39;
	_ =	sdelay $0x1  }
0x653: {  	v58 =	vperm.xlane v38, v7;
	v40 =	vadd.s32 v5, v57;
	_ =	sdelay $0x1  }
0x654: {  	s30 =	sor.u32 $0x2900, s28;
	v59 =	vperm.xlane v38, v8;
	v41 =	vadd.s32 v5, v58  }
0x655: {  	[tilespmem:s30], [sflag:$0x1] =	stream.indirect_vreg.gather [hbm4b:s29+s3], $0x80, v39, vm0, $0xb8;
	[tilespmem:$0x19100] =	vst v63  }
0x656: {  	v61 =	vperm.xlane v38, v12;
	v60 =	vadd.s32 v5, v59;
	s30 =	sor.u32 $0x2980, s28  }
0x657: {  	[tilespmem:s30], [sflag:$0x1] =	stream.indirect_vreg.gather [hbm4b:s29+s3], $0x80, v40, vm0, $0xb8;
	[tilespmem:$0x19100] =	vst v63  }
0x658: {  	v63 =	vperm.xlane v38, v14;
	v62 =	vadd.s32 v5, v61;
	s30 =	sor.u32 $0x2A00, s28  }
0x659: {  	[tilespmem:s30], [sflag:$0x1] =	stream.indirect_vreg.gather [hbm4b:s29+s3], $0x80, v41, vm0, $0xb8;
	[tilespmem:$0x19100] =	vst v63  }
0x65a: {  	v46 =	vperm.xlane v38, v15;
	v45 =	vadd.s32 v5, v63;
	s30 =	sor.u32 $0x2A80, s28  }
0x65b: {  	[tilespmem:s30], [sflag:$0x1] =	stream.indirect_vreg.gather [hbm4b:s29+s3], $0x80, v60, vm0, $0xb8;
	[tilespmem:$0x19100] =	vst v63  }
0x65c: {  	v48 =	vperm.xlane v38, v16;
	v47 =	vadd.s32 v5, v46;
	s30 =	sor.u32 $0x2B00, s28  }
0x65d: {  	[tilespmem:s30], [sflag:$0x1] =	stream.indirect_vreg.gather [hbm4b:s29+s3], $0x80, v62, vm0, $0xb8;
	[tilespmem:$0x19100] =	vst v63  }
0x65e: {  	v50 =	vperm.xlane v38, v17;
	v49 =	vadd.s32 v5, v48;
	s30 =	sor.u32 $0x2B80, s28  }
0x65f: {  	[tilespmem:s30], [sflag:$0x1] =	stream.indirect_vreg.gather [hbm4b:s29+s3], $0x80, v45, vm0, $0xb8;
	[tilespmem:$0x19100] =	vst v63  }
0x660: {  	v52 =	vperm.xlane v38, v22;
	v51 =	vadd.s32 v5, v50;
	s30 =	sor.u32 $0x2C00, s28  }
0x661: {  	[tilespmem:s30], [sflag:$0x1] =	stream.indirect_vreg.gather [hbm4b:s29+s3], $0x80, v47, vm0, $0xb8;
	[tilespmem:$0x19100] =	vst v63  }
0x662: {  	v54 =	vperm.xlane v38, v24;
	v53 =	vadd.s32 v5, v52;
	s30 =	sor.u32 $0x2C80, s28  }
0x663: {  	[tilespmem:s30], [sflag:$0x1] =	stream.indirect_vreg.gather [hbm4b:s29+s3], $0x80, v49, vm0, $0xb8;
	[tilespmem:$0x19100] =	vst v63  }
0x664: {  	v56 =	vperm.xlane v38, v25;
	v55 =	vadd.s32 v5, v54;
	s30 =	sor.u32 $0x2D00, s28  }
0x665: {  	[tilespmem:s30], [sflag:$0x1] =	stream.indirect_vreg.gather [hbm4b:s29+s3], $0x80, v51, vm0, $0xb8;
	[tilespmem:$0x19100] =	vst v63  }
0x666: {  	v57 =	vadd.s32 v5, v56;
	v58 =	vperm.xlane v38, v26;
	s30 =	sor.u32 $0x2D80, s28  }
0x667: {  	[tilespmem:s30], [sflag:$0x1] =	stream.indirect_vreg.gather [hbm4b:s29+s3], $0x80, v53, vm0, $0xb8;
	[tilespmem:$0x19100] =	vst v63  }
0x668: {  	v59 =	vadd.s32 v5, v58;
	v60 =	vperm.xlane v38, v27;
	s30 =	sor.u32 $0x2E00, s28  }
0x669: {  	[tilespmem:s30], [sflag:$0x1] =	stream.indirect_vreg.gather [hbm4b:s29+s3], $0x80, v55, vm0, $0xb8;
	[tilespmem:$0x19100] =	vst v63  }
0x66a: {  	v61 =	vadd.s32 v5, v60;
	v62 =	vperm.xlane v38, v28;
	s30 =	sor.u32 $0x2E80, s28  }
0x66b: {  	[tilespmem:s30], [sflag:$0x1] =	stream.indirect_vreg.gather [hbm4b:s29+s3], $0x80, v57, vm0, $0xb8;
	[tilespmem:$0x19100] =	vst v63  }
0x66c: {  	v38 =	vperm.xlane v38, v29;
	v63 =	vadd.s32 v5, v62;
	s30 =	sor.u32 $0x2F00, s28  }
0x66d: {  	[tilespmem:s30], [sflag:$0x1] =	stream.indirect_vreg.gather [hbm4b:s29+s3], $0x80, v59, vm0, $0xb8;
	[tilespmem:$0x19100] =	vst v63  }
0x66e: {  	v38 =	vadd.s32 v5, v38;
	s30 =	sor.u32 $0x2F80, s28  }
0x66f: {  	[tilespmem:s30], [sflag:$0x1] =	stream.indirect_vreg.gather [hbm4b:s29+s3], $0x80, v61, vm0, $0xb8;
	[tilespmem:$0x19100] =	vst v63  }
0x670: {  	s30 =	sor.u32 $0x3000, s28  }
0x671: {  	[tilespmem:s30], [sflag:$0x1] =	stream.indirect_vreg.gather [hbm4b:s29+s3], $0x80, v63, vm0, $0xb8;
	[tilespmem:$0x19100] =	vst v63  }
0x672: {  	s30 =	sor.u32 $0x3080, s28  }
0x673: {  	[tilespmem:s30], [sflag:$0x1] =	stream.indirect_vreg.gather [hbm4b:s29+s3], $0x80, v38, vm0, $0xb8;
	[tilespmem:$0x19100] =	vst v63  }
0x674: {  	v38 =	vld [tilespmem:$0xA0];
	_ =	sdelay $0x4  }
0x675: {  	v43 =	vshrl.u32 v38, $0x3  }
0x676: {  	v39 =	vmul.u32 $0x1870, v43  }
0x677: {  	v38 =	vand.u32 $0x7, v38  }
0x678: {  	v38 =	vor.u32 v38, v39  }
0x679: {  	v39 =	vperm.xlane v38, v2;
	_ =	sdelay $0x1  }
0x67a: {  	v44 =	vperm.xlane v38, v6;
	v39 =	vadd.s32 v5, v39;
	_ =	sdelay $0x1  }
0x67b: {  	v45 =	vperm.xlane v38, v7;
	v40 =	vadd.s32 v5, v44;
	_ =	sdelay $0x1  }
0x67c: {  	s30 =	sor.u32 $0x3100, s28;
	v46 =	vperm.xlane v38, v8;
	v41 =	vadd.s32 v5, v45  }
0x67d: {  	[tilespmem:s30], [sflag:$0x1] =	stream.indirect_vreg.gather [hbm4b:s29+s3], $0x80, v39, vm0, $0xb8;
	[tilespmem:$0x19100] =	vst v63  }
0x67e: {  	v48 =	vperm.xlane v38, v12;
	v47 =	vadd.s32 v5, v46;
	s30 =	sor.u32 $0x3180, s28  }
0x67f: {  	[tilespmem:s30], [sflag:$0x1] =	stream.indirect_vreg.gather [hbm4b:s29+s3], $0x80, v40, vm0, $0xb8;
	[tilespmem:$0x19100] =	vst v63  }
0x680: {  	v50 =	vperm.xlane v38, v14;
	v49 =	vadd.s32 v5, v48;
	s30 =	sor.u32 $0x3200, s28  }
0x681: {  	[tilespmem:s30], [sflag:$0x1] =	stream.indirect_vreg.gather [hbm4b:s29+s3], $0x80, v41, vm0, $0xb8;
	[tilespmem:$0x19100] =	vst v63  }
0x682: {  	v52 =	vperm.xlane v38, v15;
	v51 =	vadd.s32 v5, v50;
	s30 =	sor.u32 $0x3280, s28  }
0x683: {  	[tilespmem:s30], [sflag:$0x1] =	stream.indirect_vreg.gather [hbm4b:s29+s3], $0x80, v47, vm0, $0xb8;
	[tilespmem:$0x19100] =	vst v63  }
0x684: {  	v54 =	vperm.xlane v38, v16;
	v53 =	vadd.s32 v5, v52;
	s30 =	sor.u32 $0x3300, s28  }
0x685: {  	[tilespmem:s30], [sflag:$0x1] =	stream.indirect_vreg.gather [hbm4b:s29+s3], $0x80, v49, vm0, $0xb8;
	[tilespmem:$0x19100] =	vst v63  }
0x686: {  	v56 =	vperm.xlane v38, v17;
	v55 =	vadd.s32 v5, v54;
	s30 =	sor.u32 $0x3380, s28  }
0x687: {  	[tilespmem:s30], [sflag:$0x1] =	stream.indirect_vreg.gather [hbm4b:s29+s3], $0x80, v51, vm0, $0xb8;
	[tilespmem:$0x19100] =	vst v63  }
0x688: {  	v58 =	vperm.xlane v38, v22;
	v57 =	vadd.s32 v5, v56;
	s30 =	sor.u32 $0x3400, s28  }
0x689: {  	[tilespmem:s30], [sflag:$0x1] =	stream.indirect_vreg.gather [hbm4b:s29+s3], $0x80, v53, vm0, $0xb8;
	[tilespmem:$0x19100] =	vst v63  }
0x68a: {  	v60 =	vperm.xlane v38, v24;
	v59 =	vadd.s32 v5, v58;
	s30 =	sor.u32 $0x3480, s28  }
0x68b: {  	[tilespmem:s30], [sflag:$0x1] =	stream.indirect_vreg.gather [hbm4b:s29+s3], $0x80, v55, vm0, $0xb8;
	[tilespmem:$0x19100] =	vst v63  }
0x68c: {  	v62 =	vperm.xlane v38, v25;
	v61 =	vadd.s32 v5, v60;
	s30 =	sor.u32 $0x3500, s28  }
0x68d: {  	[tilespmem:s30], [sflag:$0x1] =	stream.indirect_vreg.gather [hbm4b:s29+s3], $0x80, v57, vm0, $0xb8;
	[tilespmem:$0x19100] =	vst v63  }
0x68e: {  	v63 =	vadd.s32 v5, v62;
	v45 =	vperm.xlane v38, v26;
	s30 =	sor.u32 $0x3580, s28  }
0x68f: {  	[tilespmem:s30], [sflag:$0x1] =	stream.indirect_vreg.gather [hbm4b:s29+s3], $0x80, v59, vm0, $0xb8;
	[tilespmem:$0x19100] =	vst v63  }
0x690: {  	v46 =	vadd.s32 v5, v45;
	v47 =	vperm.xlane v38, v27;
	s30 =	sor.u32 $0x3600, s28  }
0x691: {  	[tilespmem:s30], [sflag:$0x1] =	stream.indirect_vreg.gather [hbm4b:s29+s3], $0x80, v61, vm0, $0xb8;
	[tilespmem:$0x19100] =	vst v63  }
0x692: {  	v48 =	vadd.s32 v5, v47;
	v49 =	vperm.xlane v38, v28;
	s30 =	sor.u32 $0x3680, s28  }
0x693: {  	[tilespmem:s30], [sflag:$0x1] =	stream.indirect_vreg.gather [hbm4b:s29+s3], $0x80, v63, vm0, $0xb8;
	[tilespmem:$0x19100] =	vst v63  }
0x694: {  	v38 =	vperm.xlane v38, v29;
	v50 =	vadd.s32 v5, v49;
	s30 =	sor.u32 $0x3700, s28  }
0x695: {  	[tilespmem:s30], [sflag:$0x1] =	stream.indirect_vreg.gather [hbm4b:s29+s3], $0x80, v46, vm0, $0xb8;
	[tilespmem:$0x19100] =	vst v63  }
0x696: {  	v38 =	vadd.s32 v5, v38;
	s30 =	sor.u32 $0x3780, s28  }
0x697: {  	[tilespmem:s30], [sflag:$0x1] =	stream.indirect_vreg.gather [hbm4b:s29+s3], $0x80, v48, vm0, $0xb8;
	[tilespmem:$0x19100] =	vst v63  }
0x698: {  	s30 =	sor.u32 $0x3800, s28  }
0x699: {  	[tilespmem:s30], [sflag:$0x1] =	stream.indirect_vreg.gather [hbm4b:s29+s3], $0x80, v50, vm0, $0xb8;
	[tilespmem:$0x19100] =	vst v63  }
0x69a: {  	s30 =	sor.u32 $0x3880, s28  }
0x69b: {  	[tilespmem:s30], [sflag:$0x1] =	stream.indirect_vreg.gather [hbm4b:s29+s3], $0x80, v38, vm0, $0xb8;
	[tilespmem:$0x19100] =	vst v63  }
0x69c: {  	v38 =	vld [tilespmem:$0xB0];
	_ =	sdelay $0x4  }
0x69d: {  	v51 =	vshrl.u32 v38, $0x3  }
0x69e: {  	v39 =	vmul.u32 $0x1870, v51  }
0x69f: {  	v38 =	vand.u32 $0x7, v38  }
0x6a0: {  	v38 =	vor.u32 v38, v39  }
0x6a1: {  	v39 =	vperm.xlane v38, v2;
	_ =	sdelay $0x1  }
0x6a2: {  	v52 =	vperm.xlane v38, v6;
	v39 =	vadd.s32 v5, v39;
	_ =	sdelay $0x1  }
0x6a3: {  	v53 =	vperm.xlane v38, v7;
	v40 =	vadd.s32 v5, v52;
	_ =	sdelay $0x1  }
0x6a4: {  	s30 =	sor.u32 $0x3900, s28;
	v54 =	vperm.xlane v38, v8;
	v41 =	vadd.s32 v5, v53  }
0x6a5: {  	[tilespmem:s30], [sflag:$0x1] =	stream.indirect_vreg.gather [hbm4b:s29+s3], $0x80, v39, vm0, $0xb8;
	[tilespmem:$0x19100] =	vst v63  }
0x6a6: {  	v56 =	vperm.xlane v38, v12;
	v55 =	vadd.s32 v5, v54;
	s30 =	sor.u32 $0x3980, s28  }
0x6a7: {  	[tilespmem:s30], [sflag:$0x1] =	stream.indirect_vreg.gather [hbm4b:s29+s3], $0x80, v40, vm0, $0xb8;
	[tilespmem:$0x19100] =	vst v63  }
0x6a8: {  	v58 =	vperm.xlane v38, v14;
	v57 =	vadd.s32 v5, v56;
	s30 =	sor.u32 $0x3A00, s28  }
0x6a9: {  	[tilespmem:s30], [sflag:$0x1] =	stream.indirect_vreg.gather [hbm4b:s29+s3], $0x80, v41, vm0, $0xb8;
	[tilespmem:$0x19100] =	vst v63  }
0x6aa: {  	v60 =	vperm.xlane v38, v15;
	v59 =	vadd.s32 v5, v58;
	s30 =	sor.u32 $0x3A80, s28  }
0x6ab: {  	[tilespmem:s30], [sflag:$0x1] =	stream.indirect_vreg.gather [hbm4b:s29+s3], $0x80, v55, vm0, $0xb8;
	[tilespmem:$0x19100] =	vst v63  }
0x6ac: {  	v62 =	vperm.xlane v38, v16;
	v61 =	vadd.s32 v5, v60;
	s30 =	sor.u32 $0x3B00, s28  }
0x6ad: {  	[tilespmem:s30], [sflag:$0x1] =	stream.indirect_vreg.gather [hbm4b:s29+s3], $0x80, v57, vm0, $0xb8;
	[tilespmem:$0x19100] =	vst v63  }
0x6ae: {  	v45 =	vperm.xlane v38, v17;
	v63 =	vadd.s32 v5, v62;
	s30 =	sor.u32 $0x3B80, s28  }
0x6af: {  	[tilespmem:s30], [sflag:$0x1] =	stream.indirect_vreg.gather [hbm4b:s29+s3], $0x80, v59, vm0, $0xb8;
	[tilespmem:$0x19100] =	vst v63  }
0x6b0: {  	v47 =	vperm.xlane v38, v22;
	v46 =	vadd.s32 v5, v45;
	s30 =	sor.u32 $0x3C00, s28  }
0x6b1: {  	[tilespmem:s30], [sflag:$0x1] =	stream.indirect_vreg.gather [hbm4b:s29+s3], $0x80, v61, vm0, $0xb8;
	[tilespmem:$0x19100] =	vst v63  }
0x6b2: {  	v49 =	vperm.xlane v38, v24;
	v48 =	vadd.s32 v5, v47;
	s30 =	sor.u32 $0x3C80, s28  }
0x6b3: {  	[tilespmem:s30], [sflag:$0x1] =	stream.indirect_vreg.gather [hbm4b:s29+s3], $0x80, v63, vm0, $0xb8;
	[tilespmem:$0x19100] =	vst v63  }
0x6b4: {  	v51 =	vperm.xlane v38, v25;
	v50 =	vadd.s32 v5, v49;
	s30 =	sor.u32 $0x3D00, s28  }
0x6b5: {  	[tilespmem:s30], [sflag:$0x1] =	stream.indirect_vreg.gather [hbm4b:s29+s3], $0x80, v46, vm0, $0xb8;
	[tilespmem:$0x19100] =	vst v63  }
0x6b6: {  	v52 =	vadd.s32 v5, v51;
	v53 =	vperm.xlane v38, v26;
	s30 =	sor.u32 $0x3D80, s28  }
0x6b7: {  	[tilespmem:s30], [sflag:$0x1] =	stream.indirect_vreg.gather [hbm4b:s29+s3], $0x80, v48, vm0, $0xb8;
	[tilespmem:$0x19100] =	vst v63  }
0x6b8: {  	v54 =	vadd.s32 v5, v53;
	v55 =	vperm.xlane v38, v27;
	s30 =	sor.u32 $0x3E00, s28  }
0x6b9: {  	[tilespmem:s30], [sflag:$0x1] =	stream.indirect_vreg.gather [hbm4b:s29+s3], $0x80, v50, vm0, $0xb8;
	[tilespmem:$0x19100] =	vst v63  }
0x6ba: {  	v56 =	vadd.s32 v5, v55;
	v57 =	vperm.xlane v38, v28;
	s30 =	sor.u32 $0x3E80, s28  }
0x6bb: {  	[tilespmem:s30], [sflag:$0x1] =	stream.indirect_vreg.gather [hbm4b:s29+s3], $0x80, v52, vm0, $0xb8;
	[tilespmem:$0x19100] =	vst v63  }
0x6bc: {  	v38 =	vperm.xlane v38, v29;
	v58 =	vadd.s32 v5, v57;
	s30 =	sor.u32 $0x3F00, s28  }
0x6bd: {  	[tilespmem:s30], [sflag:$0x1] =	stream.indirect_vreg.gather [hbm4b:s29+s3], $0x80, v54, vm0, $0xb8;
	[tilespmem:$0x19100] =	vst v63  }
0x6be: {  	v38 =	vadd.s32 v5, v38;
	s30 =	sor.u32 $0x3F80, s28  }
0x6bf: {  	[tilespmem:s30], [sflag:$0x1] =	stream.indirect_vreg.gather [hbm4b:s29+s3], $0x80, v56, vm0, $0xb8;
	[tilespmem:$0x19100] =	vst v63  }
0x6c0: {  	s30 =	sor.u32 $0x4000, s28  }
0x6c1: {  	[tilespmem:s30], [sflag:$0x1] =	stream.indirect_vreg.gather [hbm4b:s29+s3], $0x80, v58, vm0, $0xb8;
	[tilespmem:$0x19100] =	vst v63  }
0x6c2: {  	(v2sf) =	vpush v37, $0xA;
	s30 =	sor.u32 $0x4080, s28  }
0x6c3: {  	[tilespmem:s30], [sflag:$0x1] =	stream.indirect_vreg.gather [hbm4b:s29+s3], $0x80, v38, vm0, $0xb8;
	[tilespmem:$0x19100] =	vst v63  }
0x6c4: {  	v38 =	vld [tilespmem:$0x80];
	_ =	sdelay $0x4  }
0x6c5: {  	v59 =	vshrl.u32 v38, $0x3  }
0x6c6: {  	v39 =	vmul.u32 $0x1870, v59  }
0x6c7: {  	v38 =	vand.u32 $0x7, v38  }
0x6c8: {  	v38 =	vor.u32 v38, v39  }
0x6c9: {  	v39 =	vperm.xlane v38, v2;
	_ =	sdelay $0x1  }
0x6ca: {  	v60 =	vperm.xlane v38, v6;
	v39 =	vadd.s32 v5, v39;
	_ =	sdelay $0x1  }
0x6cb: {  	s30 =	spop (v2sf);
	v61 =	vperm.xlane v38, v7;
	v40 =	vadd.s32 v5, v60  }
0x6cc: {  	s29 =	sand.u32 $0xFFFFF80, s30  }
0x6cd: {  	s30 =	sor.u32 $0x4100, s28;
	s29 =	sadd.s32 s2, s29;
	v62 =	vperm.xlane v38, v8;
	v41 =	vadd.s32 v5, v61  }
0x6ce: {  	[tilespmem:s30], [sflag:$0x1] =	stream.indirect_vreg.gather [hbm4b:s29+s3], $0x80, v39, vm0, $0xb8;
	[tilespmem:$0x19100] =	vst v63  }
0x6cf: {  	v45 =	vperm.xlane v38, v12;
	v63 =	vadd.s32 v5, v62;
	s30 =	sor.u32 $0x4180, s28  }
0x6d0: {  	[tilespmem:s30], [sflag:$0x1] =	stream.indirect_vreg.gather [hbm4b:s29+s3], $0x80, v40, vm0, $0xb8;
	[tilespmem:$0x19100] =	vst v63  }
0x6d1: {  	v47 =	vperm.xlane v38, v14;
	v46 =	vadd.s32 v5, v45;
	s30 =	sor.u32 $0x4200, s28  }
0x6d2: {  	[tilespmem:s30], [sflag:$0x1] =	stream.indirect_vreg.gather [hbm4b:s29+s3], $0x80, v41, vm0, $0xb8;
	[tilespmem:$0x19100] =	vst v63  }
0x6d3: {  	v49 =	vperm.xlane v38, v15;
	v48 =	vadd.s32 v5, v47;
	s30 =	sor.u32 $0x4280, s28  }
0x6d4: {  	[tilespmem:s30], [sflag:$0x1] =	stream.indirect_vreg.gather [hbm4b:s29+s3], $0x80, v63, vm0, $0xb8;
	[tilespmem:$0x19100] =	vst v63  }
0x6d5: {  	v51 =	vperm.xlane v38, v16;
	v50 =	vadd.s32 v5, v49;
	s30 =	sor.u32 $0x4300, s28  }
0x6d6: {  	[tilespmem:s30], [sflag:$0x1] =	stream.indirect_vreg.gather [hbm4b:s29+s3], $0x80, v46, vm0, $0xb8;
	[tilespmem:$0x19100] =	vst v63  }
0x6d7: {  	v53 =	vperm.xlane v38, v17;
	v52 =	vadd.s32 v5, v51;
	s30 =	sor.u32 $0x4380, s28  }
0x6d8: {  	[tilespmem:s30], [sflag:$0x1] =	stream.indirect_vreg.gather [hbm4b:s29+s3], $0x80, v48, vm0, $0xb8;
	[tilespmem:$0x19100] =	vst v63  }
0x6d9: {  	v55 =	vperm.xlane v38, v22;
	v54 =	vadd.s32 v5, v53;
	s30 =	sor.u32 $0x4400, s28  }
0x6da: {  	[tilespmem:s30], [sflag:$0x1] =	stream.indirect_vreg.gather [hbm4b:s29+s3], $0x80, v50, vm0, $0xb8;
	[tilespmem:$0x19100] =	vst v63  }
0x6db: {  	v57 =	vperm.xlane v38, v24;
	v56 =	vadd.s32 v5, v55;
	s30 =	sor.u32 $0x4480, s28  }
0x6dc: {  	[tilespmem:s30], [sflag:$0x1] =	stream.indirect_vreg.gather [hbm4b:s29+s3], $0x80, v52, vm0, $0xb8;
	[tilespmem:$0x19100] =	vst v63  }
0x6dd: {  	v59 =	vperm.xlane v38, v25;
	v58 =	vadd.s32 v5, v57;
	s30 =	sor.u32 $0x4500, s28  }
0x6de: {  	[tilespmem:s30], [sflag:$0x1] =	stream.indirect_vreg.gather [hbm4b:s29+s3], $0x80, v54, vm0, $0xb8;
	[tilespmem:$0x19100] =	vst v63  }
0x6df: {  	v60 =	vadd.s32 v5, v59;
	v61 =	vperm.xlane v38, v26;
	s30 =	sor.u32 $0x4580, s28  }
0x6e0: {  	[tilespmem:s30], [sflag:$0x1] =	stream.indirect_vreg.gather [hbm4b:s29+s3], $0x80, v56, vm0, $0xb8;
	[tilespmem:$0x19100] =	vst v63  }
0x6e1: {  	v62 =	vadd.s32 v5, v61;
	v63 =	vperm.xlane v38, v27;
	s30 =	sor.u32 $0x4600, s28  }
0x6e2: {  	[tilespmem:s30], [sflag:$0x1] =	stream.indirect_vreg.gather [hbm4b:s29+s3], $0x80, v58, vm0, $0xb8;
	[tilespmem:$0x19100] =	vst v63  }
0x6e3: {  	v45 =	vadd.s32 v5, v63;
	v46 =	vperm.xlane v38, v28;
	s30 =	sor.u32 $0x4680, s28  }
0x6e4: {  	[tilespmem:s30], [sflag:$0x1] =	stream.indirect_vreg.gather [hbm4b:s29+s3], $0x80, v60, vm0, $0xb8;
	[tilespmem:$0x19100] =	vst v63  }
0x6e5: {  	v38 =	vperm.xlane v38, v29;
	v47 =	vadd.s32 v5, v46;
	s30 =	sor.u32 $0x4700, s28  }
0x6e6: {  	[tilespmem:s30], [sflag:$0x1] =	stream.indirect_vreg.gather [hbm4b:s29+s3], $0x80, v62, vm0, $0xb8;
	[tilespmem:$0x19100] =	vst v63  }
0x6e7: {  	v38 =	vadd.s32 v5, v38;
	s30 =	sor.u32 $0x4780, s28  }
0x6e8: {  	[tilespmem:s30], [sflag:$0x1] =	stream.indirect_vreg.gather [hbm4b:s29+s3], $0x80, v45, vm0, $0xb8;
	[tilespmem:$0x19100] =	vst v63  }
0x6e9: {  	s30 =	sor.u32 $0x4800, s28  }
0x6ea: {  	[tilespmem:s30], [sflag:$0x1] =	stream.indirect_vreg.gather [hbm4b:s29+s3], $0x80, v47, vm0, $0xb8;
	[tilespmem:$0x19100] =	vst v63  }
0x6eb: {  	s30 =	sor.u32 $0x4880, s28  }
0x6ec: {  	[tilespmem:s30], [sflag:$0x1] =	stream.indirect_vreg.gather [hbm4b:s29+s3], $0x80, v38, vm0, $0xb8;
	[tilespmem:$0x19100] =	vst v63  }
0x6ed: {  	v38 =	vld [tilespmem:$0x90];
	_ =	sdelay $0x4  }
0x6ee: {  	v48 =	vshrl.u32 v38, $0x3  }
0x6ef: {  	v39 =	vmul.u32 $0x1870, v48  }
0x6f0: {  	v38 =	vand.u32 $0x7, v38  }
0x6f1: {  	v38 =	vor.u32 v38, v39  }
0x6f2: {  	v39 =	vperm.xlane v38, v2;
	_ =	sdelay $0x1  }
0x6f3: {  	v49 =	vperm.xlane v38, v6;
	v39 =	vadd.s32 v5, v39;
	_ =	sdelay $0x1  }
0x6f4: {  	v50 =	vperm.xlane v38, v7;
	v40 =	vadd.s32 v5, v49;
	_ =	sdelay $0x1  }
0x6f5: {  	s30 =	sor.u32 $0x4900, s28;
	v51 =	vperm.xlane v38, v8;
	v41 =	vadd.s32 v5, v50  }
0x6f6: {  	[tilespmem:s30], [sflag:$0x1] =	stream.indirect_vreg.gather [hbm4b:s29+s3], $0x80, v39, vm0, $0xb8;
	[tilespmem:$0x19100] =	vst v63  }
0x6f7: {  	v53 =	vperm.xlane v38, v12;
	v52 =	vadd.s32 v5, v51;
	s30 =	sor.u32 $0x4980, s28  }
0x6f8: {  	[tilespmem:s30], [sflag:$0x1] =	stream.indirect_vreg.gather [hbm4b:s29+s3], $0x80, v40, vm0, $0xb8;
	[tilespmem:$0x19100] =	vst v63  }
0x6f9: {  	v55 =	vperm.xlane v38, v14;
	v54 =	vadd.s32 v5, v53;
	s30 =	sor.u32 $0x4A00, s28  }
0x6fa: {  	[tilespmem:s30], [sflag:$0x1] =	stream.indirect_vreg.gather [hbm4b:s29+s3], $0x80, v41, vm0, $0xb8;
	[tilespmem:$0x19100] =	vst v63  }
0x6fb: {  	v57 =	vperm.xlane v38, v15;
	v56 =	vadd.s32 v5, v55;
	s30 =	sor.u32 $0x4A80, s28  }
0x6fc: {  	[tilespmem:s30], [sflag:$0x1] =	stream.indirect_vreg.gather [hbm4b:s29+s3], $0x80, v52, vm0, $0xb8;
	[tilespmem:$0x19100] =	vst v63  }
0x6fd: {  	v59 =	vperm.xlane v38, v16;
	v58 =	vadd.s32 v5, v57;
	s30 =	sor.u32 $0x4B00, s28  }
0x6fe: {  	[tilespmem:s30], [sflag:$0x1] =	stream.indirect_vreg.gather [hbm4b:s29+s3], $0x80, v54, vm0, $0xb8;
	[tilespmem:$0x19100] =	vst v63  }
0x6ff: {  	v61 =	vperm.xlane v38, v17;
	v60 =	vadd.s32 v5, v59;
	s30 =	sor.u32 $0x4B80, s28  }
0x700: {  	[tilespmem:s30], [sflag:$0x1] =	stream.indirect_vreg.gather [hbm4b:s29+s3], $0x80, v56, vm0, $0xb8;
	[tilespmem:$0x19100] =	vst v63  }
0x701: {  	v63 =	vperm.xlane v38, v22;
	v62 =	vadd.s32 v5, v61;
	s30 =	sor.u32 $0x4C00, s28  }
0x702: {  	[tilespmem:s30], [sflag:$0x1] =	stream.indirect_vreg.gather [hbm4b:s29+s3], $0x80, v58, vm0, $0xb8;
	[tilespmem:$0x19100] =	vst v63  }
0x703: {  	v46 =	vperm.xlane v38, v24;
	v45 =	vadd.s32 v5, v63;
	s30 =	sor.u32 $0x4C80, s28  }
0x704: {  	[tilespmem:s30], [sflag:$0x1] =	stream.indirect_vreg.gather [hbm4b:s29+s3], $0x80, v60, vm0, $0xb8;
	[tilespmem:$0x19100] =	vst v63  }
0x705: {  	v48 =	vperm.xlane v38, v25;
	v47 =	vadd.s32 v5, v46;
	s30 =	sor.u32 $0x4D00, s28  }
0x706: {  	[tilespmem:s30], [sflag:$0x1] =	stream.indirect_vreg.gather [hbm4b:s29+s3], $0x80, v62, vm0, $0xb8;
	[tilespmem:$0x19100] =	vst v63  }
0x707: {  	v49 =	vadd.s32 v5, v48;
	v50 =	vperm.xlane v38, v26;
	s30 =	sor.u32 $0x4D80, s28  }
0x708: {  	[tilespmem:s30], [sflag:$0x1] =	stream.indirect_vreg.gather [hbm4b:s29+s3], $0x80, v45, vm0, $0xb8;
	[tilespmem:$0x19100] =	vst v63  }
0x709: {  	v51 =	vadd.s32 v5, v50;
	v52 =	vperm.xlane v38, v27;
	s30 =	sor.u32 $0x4E00, s28  }
0x70a: {  	[tilespmem:s30], [sflag:$0x1] =	stream.indirect_vreg.gather [hbm4b:s29+s3], $0x80, v47, vm0, $0xb8;
	[tilespmem:$0x19100] =	vst v63  }
0x70b: {  	v53 =	vadd.s32 v5, v52;
	v54 =	vperm.xlane v38, v28;
	s30 =	sor.u32 $0x4E80, s28  }
0x70c: {  	[tilespmem:s30], [sflag:$0x1] =	stream.indirect_vreg.gather [hbm4b:s29+s3], $0x80, v49, vm0, $0xb8;
	[tilespmem:$0x19100] =	vst v63  }
0x70d: {  	v38 =	vperm.xlane v38, v29;
	v55 =	vadd.s32 v5, v54;
	s30 =	sor.u32 $0x4F00, s28  }
0x70e: {  	[tilespmem:s30], [sflag:$0x1] =	stream.indirect_vreg.gather [hbm4b:s29+s3], $0x80, v51, vm0, $0xb8;
	[tilespmem:$0x19100] =	vst v63  }
0x70f: {  	v38 =	vadd.s32 v5, v38;
	s30 =	sor.u32 $0x4F80, s28  }
0x710: {  	[tilespmem:s30], [sflag:$0x1] =	stream.indirect_vreg.gather [hbm4b:s29+s3], $0x80, v53, vm0, $0xb8;
	[tilespmem:$0x19100] =	vst v63  }
0x711: {  	s30 =	sor.u32 $0x5000, s28  }
0x712: {  	[tilespmem:s30], [sflag:$0x1] =	stream.indirect_vreg.gather [hbm4b:s29+s3], $0x80, v55, vm0, $0xb8;
	[tilespmem:$0x19100] =	vst v63  }
0x713: {  	s30 =	sor.u32 $0x5080, s28  }
0x714: {  	[tilespmem:s30], [sflag:$0x1] =	stream.indirect_vreg.gather [hbm4b:s29+s3], $0x80, v38, vm0, $0xb8;
	[tilespmem:$0x19100] =	vst v63  }
0x715: {  	v38 =	vld [tilespmem:$0xA0];
	_ =	sdelay $0x4  }
0x716: {  	v56 =	vshrl.u32 v38, $0x3  }
0x717: {  	v39 =	vmul.u32 $0x1870, v56  }
0x718: {  	v38 =	vand.u32 $0x7, v38  }
0x719: {  	v38 =	vor.u32 v38, v39  }
0x71a: {  	v39 =	vperm.xlane v38, v2;
	_ =	sdelay $0x1  }
0x71b: {  	v57 =	vperm.xlane v38, v6;
	v39 =	vadd.s32 v5, v39;
	_ =	sdelay $0x1  }
0x71c: {  	v58 =	vperm.xlane v38, v7;
	v40 =	vadd.s32 v5, v57;
	_ =	sdelay $0x1  }
0x71d: {  	s30 =	sor.u32 $0x5100, s28;
	v59 =	vperm.xlane v38, v8;
	v41 =	vadd.s32 v5, v58  }
0x71e: {  	[tilespmem:s30], [sflag:$0x1] =	stream.indirect_vreg.gather [hbm4b:s29+s3], $0x80, v39, vm0, $0xb8;
	[tilespmem:$0x19100] =	vst v63  }
0x71f: {  	v61 =	vperm.xlane v38, v12;
	v60 =	vadd.s32 v5, v59;
	s30 =	sor.u32 $0x5180, s28  }
0x720: {  	[tilespmem:s30], [sflag:$0x1] =	stream.indirect_vreg.gather [hbm4b:s29+s3], $0x80, v40, vm0, $0xb8;
	[tilespmem:$0x19100] =	vst v63  }
0x721: {  	v63 =	vperm.xlane v38, v14;
	v62 =	vadd.s32 v5, v61;
	s30 =	sor.u32 $0x5200, s28  }
0x722: {  	[tilespmem:s30], [sflag:$0x1] =	stream.indirect_vreg.gather [hbm4b:s29+s3], $0x80, v41, vm0, $0xb8;
	[tilespmem:$0x19100] =	vst v63  }
0x723: {  	v46 =	vperm.xlane v38, v15;
	v45 =	vadd.s32 v5, v63;
	s30 =	sor.u32 $0x5280, s28  }
0x724: {  	[tilespmem:s30], [sflag:$0x1] =	stream.indirect_vreg.gather [hbm4b:s29+s3], $0x80, v60, vm0, $0xb8;
	[tilespmem:$0x19100] =	vst v63  }
0x725: {  	v48 =	vperm.xlane v38, v16;
	v47 =	vadd.s32 v5, v46;
	s30 =	sor.u32 $0x5300, s28  }
0x726: {  	[tilespmem:s30], [sflag:$0x1] =	stream.indirect_vreg.gather [hbm4b:s29+s3], $0x80, v62, vm0, $0xb8;
	[tilespmem:$0x19100] =	vst v63  }
0x727: {  	v50 =	vperm.xlane v38, v17;
	v49 =	vadd.s32 v5, v48;
	s30 =	sor.u32 $0x5380, s28  }
0x728: {  	[tilespmem:s30], [sflag:$0x1] =	stream.indirect_vreg.gather [hbm4b:s29+s3], $0x80, v45, vm0, $0xb8;
	[tilespmem:$0x19100] =	vst v63  }
0x729: {  	v52 =	vperm.xlane v38, v22;
	v51 =	vadd.s32 v5, v50;
	s30 =	sor.u32 $0x5400, s28  }
0x72a: {  	[tilespmem:s30], [sflag:$0x1] =	stream.indirect_vreg.gather [hbm4b:s29+s3], $0x80, v47, vm0, $0xb8;
	[tilespmem:$0x19100] =	vst v63  }
0x72b: {  	v54 =	vperm.xlane v38, v24;
	v53 =	vadd.s32 v5, v52;
	s30 =	sor.u32 $0x5480, s28  }
0x72c: {  	[tilespmem:s30], [sflag:$0x1] =	stream.indirect_vreg.gather [hbm4b:s29+s3], $0x80, v49, vm0, $0xb8;
	[tilespmem:$0x19100] =	vst v63  }
0x72d: {  	v56 =	vperm.xlane v38, v25;
	v55 =	vadd.s32 v5, v54;
	s30 =	sor.u32 $0x5500, s28  }
0x72e: {  	[tilespmem:s30], [sflag:$0x1] =	stream.indirect_vreg.gather [hbm4b:s29+s3], $0x80, v51, vm0, $0xb8;
	[tilespmem:$0x19100] =	vst v63  }
0x72f: {  	v57 =	vadd.s32 v5, v56;
	v58 =	vperm.xlane v38, v26;
	s30 =	sor.u32 $0x5580, s28  }
0x730: {  	[tilespmem:s30], [sflag:$0x1] =	stream.indirect_vreg.gather [hbm4b:s29+s3], $0x80, v53, vm0, $0xb8;
	[tilespmem:$0x19100] =	vst v63  }
0x731: {  	v59 =	vadd.s32 v5, v58;
	v60 =	vperm.xlane v38, v27;
	s30 =	sor.u32 $0x5600, s28  }
0x732: {  	[tilespmem:s30], [sflag:$0x1] =	stream.indirect_vreg.gather [hbm4b:s29+s3], $0x80, v55, vm0, $0xb8;
	[tilespmem:$0x19100] =	vst v63  }
0x733: {  	v61 =	vadd.s32 v5, v60;
	v62 =	vperm.xlane v38, v28;
	s30 =	sor.u32 $0x5680, s28  }
0x734: {  	[tilespmem:s30], [sflag:$0x1] =	stream.indirect_vreg.gather [hbm4b:s29+s3], $0x80, v57, vm0, $0xb8;
	[tilespmem:$0x19100] =	vst v63  }
0x735: {  	v38 =	vperm.xlane v38, v29;
	v63 =	vadd.s32 v5, v62;
	s30 =	sor.u32 $0x5700, s28  }
0x736: {  	[tilespmem:s30], [sflag:$0x1] =	stream.indirect_vreg.gather [hbm4b:s29+s3], $0x80, v59, vm0, $0xb8;
	[tilespmem:$0x19100] =	vst v63  }
0x737: {  	v38 =	vadd.s32 v5, v38;
	s30 =	sor.u32 $0x5780, s28  }
0x738: {  	[tilespmem:s30], [sflag:$0x1] =	stream.indirect_vreg.gather [hbm4b:s29+s3], $0x80, v61, vm0, $0xb8;
	[tilespmem:$0x19100] =	vst v63  }
0x739: {  	s30 =	sor.u32 $0x5800, s28  }
0x73a: {  	[tilespmem:s30], [sflag:$0x1] =	stream.indirect_vreg.gather [hbm4b:s29+s3], $0x80, v63, vm0, $0xb8;
	[tilespmem:$0x19100] =	vst v63  }
0x73b: {  	s30 =	sor.u32 $0x5880, s28  }
0x73c: {  	[tilespmem:s30], [sflag:$0x1] =	stream.indirect_vreg.gather [hbm4b:s29+s3], $0x80, v38, vm0, $0xb8;
	[tilespmem:$0x19100] =	vst v63  }
0x73d: {  	v38 =	vld [tilespmem:$0xB0];
	_ =	sdelay $0x4  }
0x73e: {  	v43 =	vshrl.u32 v38, $0x3  }
0x73f: {  	v39 =	vmul.u32 $0x1870, v43  }
0x740: {  	v38 =	vand.u32 $0x7, v38  }
0x741: {  	v38 =	vor.u32 v38, v39  }
0x742: {  	v39 =	vperm.xlane v38, v2;
	_ =	sdelay $0x1  }
0x743: {  	v44 =	vperm.xlane v38, v6;
	v39 =	vadd.s32 v5, v39;
	_ =	sdelay $0x1  }
0x744: {  	v45 =	vperm.xlane v38, v7;
	v40 =	vadd.s32 v5, v44;
	_ =	sdelay $0x1  }
0x745: {  	s30 =	sor.u32 $0x5900, s28;
	v46 =	vperm.xlane v38, v8;
	v41 =	vadd.s32 v5, v45  }
0x746: {  	[tilespmem:s30], [sflag:$0x1] =	stream.indirect_vreg.gather [hbm4b:s29+s3], $0x80, v39, vm0, $0xb8;
	[tilespmem:$0x19100] =	vst v63  }
0x747: {  	v48 =	vperm.xlane v38, v12;
	v47 =	vadd.s32 v5, v46;
	s30 =	sor.u32 $0x5980, s28  }
0x748: {  	[tilespmem:s30], [sflag:$0x1] =	stream.indirect_vreg.gather [hbm4b:s29+s3], $0x80, v40, vm0, $0xb8;
	[tilespmem:$0x19100] =	vst v63  }
0x749: {  	v50 =	vperm.xlane v38, v14;
	v49 =	vadd.s32 v5, v48;
	s30 =	sor.u32 $0x5A00, s28  }
0x74a: {  	[tilespmem:s30], [sflag:$0x1] =	stream.indirect_vreg.gather [hbm4b:s29+s3], $0x80, v41, vm0, $0xb8;
	[tilespmem:$0x19100] =	vst v63  }
0x74b: {  	v52 =	vperm.xlane v38, v15;
	v51 =	vadd.s32 v5, v50;
	s30 =	sor.u32 $0x5A80, s28  }
0x74c: {  	[tilespmem:s30], [sflag:$0x1] =	stream.indirect_vreg.gather [hbm4b:s29+s3], $0x80, v47, vm0, $0xb8;
	[tilespmem:$0x19100] =	vst v63  }
0x74d: {  	v54 =	vperm.xlane v38, v16;
	v53 =	vadd.s32 v5, v52;
	s30 =	sor.u32 $0x5B00, s28  }
0x74e: {  	[tilespmem:s30], [sflag:$0x1] =	stream.indirect_vreg.gather [hbm4b:s29+s3], $0x80, v49, vm0, $0xb8;
	[tilespmem:$0x19100] =	vst v63  }
0x74f: {  	v56 =	vperm.xlane v38, v17;
	v55 =	vadd.s32 v5, v54;
	s30 =	sor.u32 $0x5B80, s28  }
0x750: {  	[tilespmem:s30], [sflag:$0x1] =	stream.indirect_vreg.gather [hbm4b:s29+s3], $0x80, v51, vm0, $0xb8;
	[tilespmem:$0x19100] =	vst v63  }
0x751: {  	v58 =	vperm.xlane v38, v22;
	v57 =	vadd.s32 v5, v56;
	s30 =	sor.u32 $0x5C00, s28  }
0x752: {  	[tilespmem:s30], [sflag:$0x1] =	stream.indirect_vreg.gather [hbm4b:s29+s3], $0x80, v53, vm0, $0xb8;
	[tilespmem:$0x19100] =	vst v63  }
0x753: {  	v60 =	vperm.xlane v38, v24;
	v59 =	vadd.s32 v5, v58;
	s30 =	sor.u32 $0x5C80, s28  }
0x754: {  	[tilespmem:s30], [sflag:$0x1] =	stream.indirect_vreg.gather [hbm4b:s29+s3], $0x80, v55, vm0, $0xb8;
	[tilespmem:$0x19100] =	vst v63  }
0x755: {  	v62 =	vperm.xlane v38, v25;
	v61 =	vadd.s32 v5, v60;
	s30 =	sor.u32 $0x5D00, s28  }
0x756: {  	[tilespmem:s30], [sflag:$0x1] =	stream.indirect_vreg.gather [hbm4b:s29+s3], $0x80, v57, vm0, $0xb8;
	[tilespmem:$0x19100] =	vst v63  }
0x757: {  	v63 =	vadd.s32 v5, v62;
	v45 =	vperm.xlane v38, v26;
	s30 =	sor.u32 $0x5D80, s28  }
0x758: {  	[tilespmem:s30], [sflag:$0x1] =	stream.indirect_vreg.gather [hbm4b:s29+s3], $0x80, v59, vm0, $0xb8;
	[tilespmem:$0x19100] =	vst v63  }
0x759: {  	v46 =	vadd.s32 v5, v45;
	v47 =	vperm.xlane v38, v27;
	s30 =	sor.u32 $0x5E00, s28  }
0x75a: {  	[tilespmem:s30], [sflag:$0x1] =	stream.indirect_vreg.gather [hbm4b:s29+s3], $0x80, v61, vm0, $0xb8;
	[tilespmem:$0x19100] =	vst v63  }
0x75b: {  	v48 =	vadd.s32 v5, v47;
	v49 =	vperm.xlane v38, v28;
	s30 =	sor.u32 $0x5E80, s28  }
0x75c: {  	[tilespmem:s30], [sflag:$0x1] =	stream.indirect_vreg.gather [hbm4b:s29+s3], $0x80, v63, vm0, $0xb8;
	[tilespmem:$0x19100] =	vst v63  }
0x75d: {  	v38 =	vperm.xlane v38, v29;
	v50 =	vadd.s32 v5, v49;
	s30 =	sor.u32 $0x5F00, s28  }
0x75e: {  	[tilespmem:s30], [sflag:$0x1] =	stream.indirect_vreg.gather [hbm4b:s29+s3], $0x80, v46, vm0, $0xb8;
	[tilespmem:$0x19100] =	vst v63  }
0x75f: {  	v38 =	vadd.s32 v5, v38;
	s30 =	sor.u32 $0x5F80, s28  }
0x760: {  	[tilespmem:s30], [sflag:$0x1] =	stream.indirect_vreg.gather [hbm4b:s29+s3], $0x80, v48, vm0, $0xb8;
	[tilespmem:$0x19100] =	vst v63  }
0x761: {  	s30 =	sor.u32 $0x6000, s28  }
0x762: {  	[tilespmem:s30], [sflag:$0x1] =	stream.indirect_vreg.gather [hbm4b:s29+s3], $0x80, v50, vm0, $0xb8;
	[tilespmem:$0x19100] =	vst v63  }
0x763: {  	(v2sf) =	vpush v37, $0xB;
	s30 =	sor.u32 $0x6080, s28  }
0x764: {  	[tilespmem:s30], [sflag:$0x1] =	stream.indirect_vreg.gather [hbm4b:s29+s3], $0x80, v38, vm0, $0xb8;
	[tilespmem:$0x19100] =	vst v63  }
0x765: {  	v38 =	vld [tilespmem:$0x80];
	_ =	sdelay $0x4  }
0x766: {  	v51 =	vshrl.u32 v38, $0x3  }
0x767: {  	v39 =	vmul.u32 $0x1870, v51  }
0x768: {  	v38 =	vand.u32 $0x7, v38  }
0x769: {  	v38 =	vor.u32 v38, v39  }
0x76a: {  	v39 =	vperm.xlane v38, v2;
	_ =	sdelay $0x1  }
0x76b: {  	v52 =	vperm.xlane v38, v6;
	v39 =	vadd.s32 v5, v39;
	_ =	sdelay $0x1  }
0x76c: {  	s30 =	spop (v2sf);
	v53 =	vperm.xlane v38, v7;
	v40 =	vadd.s32 v5, v52  }
0x76d: {  	s29 =	sand.u32 $0xFFFFF80, s30  }
0x76e: {  	s30 =	sor.u32 $0x6100, s28;
	s29 =	sadd.s32 s2, s29;
	v54 =	vperm.xlane v38, v8;
	v41 =	vadd.s32 v5, v53  }
0x76f: {  	[tilespmem:s30], [sflag:$0x1] =	stream.indirect_vreg.gather [hbm4b:s29+s3], $0x80, v39, vm0, $0xb8;
	[tilespmem:$0x19100] =	vst v63  }
0x770: {  	v56 =	vperm.xlane v38, v12;
	v55 =	vadd.s32 v5, v54;
	s30 =	sor.u32 $0x6180, s28  }
0x771: {  	[tilespmem:s30], [sflag:$0x1] =	stream.indirect_vreg.gather [hbm4b:s29+s3], $0x80, v40, vm0, $0xb8;
	[tilespmem:$0x19100] =	vst v63  }
0x772: {  	v58 =	vperm.xlane v38, v14;
	v57 =	vadd.s32 v5, v56;
	s30 =	sor.u32 $0x6200, s28  }
0x773: {  	[tilespmem:s30], [sflag:$0x1] =	stream.indirect_vreg.gather [hbm4b:s29+s3], $0x80, v41, vm0, $0xb8;
	[tilespmem:$0x19100] =	vst v63  }
0x774: {  	v60 =	vperm.xlane v38, v15;
	v59 =	vadd.s32 v5, v58;
	s30 =	sor.u32 $0x6280, s28  }
0x775: {  	[tilespmem:s30], [sflag:$0x1] =	stream.indirect_vreg.gather [hbm4b:s29+s3], $0x80, v55, vm0, $0xb8;
	[tilespmem:$0x19100] =	vst v63  }
0x776: {  	v62 =	vperm.xlane v38, v16;
	v61 =	vadd.s32 v5, v60;
	s30 =	sor.u32 $0x6300, s28  }
0x777: {  	[tilespmem:s30], [sflag:$0x1] =	stream.indirect_vreg.gather [hbm4b:s29+s3], $0x80, v57, vm0, $0xb8;
	[tilespmem:$0x19100] =	vst v63  }
0x778: {  	v45 =	vperm.xlane v38, v17;
	v63 =	vadd.s32 v5, v62;
	s30 =	sor.u32 $0x6380, s28  }
0x779: {  	[tilespmem:s30], [sflag:$0x1] =	stream.indirect_vreg.gather [hbm4b:s29+s3], $0x80, v59, vm0, $0xb8;
	[tilespmem:$0x19100] =	vst v63  }
0x77a: {  	v47 =	vperm.xlane v38, v22;
	v46 =	vadd.s32 v5, v45;
	s30 =	sor.u32 $0x6400, s28  }
0x77b: {  	[tilespmem:s30], [sflag:$0x1] =	stream.indirect_vreg.gather [hbm4b:s29+s3], $0x80, v61, vm0, $0xb8;
	[tilespmem:$0x19100] =	vst v63  }
0x77c: {  	v49 =	vperm.xlane v38, v24;
	v48 =	vadd.s32 v5, v47;
	s30 =	sor.u32 $0x6480, s28  }
0x77d: {  	[tilespmem:s30], [sflag:$0x1] =	stream.indirect_vreg.gather [hbm4b:s29+s3], $0x80, v63, vm0, $0xb8;
	[tilespmem:$0x19100] =	vst v63  }
0x77e: {  	v51 =	vperm.xlane v38, v25;
	v50 =	vadd.s32 v5, v49;
	s30 =	sor.u32 $0x6500, s28  }
0x77f: {  	[tilespmem:s30], [sflag:$0x1] =	stream.indirect_vreg.gather [hbm4b:s29+s3], $0x80, v46, vm0, $0xb8;
	[tilespmem:$0x19100] =	vst v63  }
0x780: {  	v52 =	vadd.s32 v5, v51;
	v53 =	vperm.xlane v38, v26;
	s30 =	sor.u32 $0x6580, s28  }
0x781: {  	[tilespmem:s30], [sflag:$0x1] =	stream.indirect_vreg.gather [hbm4b:s29+s3], $0x80, v48, vm0, $0xb8;
	[tilespmem:$0x19100] =	vst v63  }
0x782: {  	v54 =	vadd.s32 v5, v53;
	v55 =	vperm.xlane v38, v27;
	s30 =	sor.u32 $0x6600, s28  }
0x783: {  	[tilespmem:s30], [sflag:$0x1] =	stream.indirect_vreg.gather [hbm4b:s29+s3], $0x80, v50, vm0, $0xb8;
	[tilespmem:$0x19100] =	vst v63  }
0x784: {  	v56 =	vadd.s32 v5, v55;
	v57 =	vperm.xlane v38, v28;
	s30 =	sor.u32 $0x6680, s28  }
0x785: {  	[tilespmem:s30], [sflag:$0x1] =	stream.indirect_vreg.gather [hbm4b:s29+s3], $0x80, v52, vm0, $0xb8;
	[tilespmem:$0x19100] =	vst v63  }
0x786: {  	v38 =	vperm.xlane v38, v29;
	v58 =	vadd.s32 v5, v57;
	s30 =	sor.u32 $0x6700, s28  }
0x787: {  	[tilespmem:s30], [sflag:$0x1] =	stream.indirect_vreg.gather [hbm4b:s29+s3], $0x80, v54, vm0, $0xb8;
	[tilespmem:$0x19100] =	vst v63  }
0x788: {  	v38 =	vadd.s32 v5, v38;
	s30 =	sor.u32 $0x6780, s28  }
0x789: {  	[tilespmem:s30], [sflag:$0x1] =	stream.indirect_vreg.gather [hbm4b:s29+s3], $0x80, v56, vm0, $0xb8;
	[tilespmem:$0x19100] =	vst v63  }
0x78a: {  	s30 =	sor.u32 $0x6800, s28  }
0x78b: {  	[tilespmem:s30], [sflag:$0x1] =	stream.indirect_vreg.gather [hbm4b:s29+s3], $0x80, v58, vm0, $0xb8;
	[tilespmem:$0x19100] =	vst v63  }
0x78c: {  	s30 =	sor.u32 $0x6880, s28  }
0x78d: {  	[tilespmem:s30], [sflag:$0x1] =	stream.indirect_vreg.gather [hbm4b:s29+s3], $0x80, v38, vm0, $0xb8;
	[tilespmem:$0x19100] =	vst v63  }
0x78e: {  	v38 =	vld [tilespmem:$0x90];
	_ =	sdelay $0x4  }
0x78f: {  	v59 =	vshrl.u32 v38, $0x3  }
0x790: {  	v39 =	vmul.u32 $0x1870, v59  }
0x791: {  	v38 =	vand.u32 $0x7, v38  }
0x792: {  	v38 =	vor.u32 v38, v39  }
0x793: {  	v39 =	vperm.xlane v38, v2;
	_ =	sdelay $0x1  }
0x794: {  	v60 =	vperm.xlane v38, v6;
	v39 =	vadd.s32 v5, v39;
	_ =	sdelay $0x1  }
0x795: {  	v61 =	vperm.xlane v38, v7;
	v40 =	vadd.s32 v5, v60;
	_ =	sdelay $0x1  }
0x796: {  	s30 =	sor.u32 $0x6900, s28;
	v62 =	vperm.xlane v38, v8;
	v41 =	vadd.s32 v5, v61  }
0x797: {  	[tilespmem:s30], [sflag:$0x1] =	stream.indirect_vreg.gather [hbm4b:s29+s3], $0x80, v39, vm0, $0xb8;
	[tilespmem:$0x19100] =	vst v63  }
0x798: {  	v45 =	vperm.xlane v38, v12;
	v63 =	vadd.s32 v5, v62;
	s30 =	sor.u32 $0x6980, s28  }
0x799: {  	[tilespmem:s30], [sflag:$0x1] =	stream.indirect_vreg.gather [hbm4b:s29+s3], $0x80, v40, vm0, $0xb8;
	[tilespmem:$0x19100] =	vst v63  }
0x79a: {  	v47 =	vperm.xlane v38, v14;
	v46 =	vadd.s32 v5, v45;
	s30 =	sor.u32 $0x6A00, s28  }
0x79b: {  	[tilespmem:s30], [sflag:$0x1] =	stream.indirect_vreg.gather [hbm4b:s29+s3], $0x80, v41, vm0, $0xb8;
	[tilespmem:$0x19100] =	vst v63  }
0x79c: {  	v49 =	vperm.xlane v38, v15;
	v48 =	vadd.s32 v5, v47;
	s30 =	sor.u32 $0x6A80, s28  }
0x79d: {  	[tilespmem:s30], [sflag:$0x1] =	stream.indirect_vreg.gather [hbm4b:s29+s3], $0x80, v63, vm0, $0xb8;
	[tilespmem:$0x19100] =	vst v63  }
0x79e: {  	v51 =	vperm.xlane v38, v16;
	v50 =	vadd.s32 v5, v49;
	s30 =	sor.u32 $0x6B00, s28  }
0x79f: {  	[tilespmem:s30], [sflag:$0x1] =	stream.indirect_vreg.gather [hbm4b:s29+s3], $0x80, v46, vm0, $0xb8;
	[tilespmem:$0x19100] =	vst v63  }
0x7a0: {  	v53 =	vperm.xlane v38, v17;
	v52 =	vadd.s32 v5, v51;
	s30 =	sor.u32 $0x6B80, s28  }
0x7a1: {  	[tilespmem:s30], [sflag:$0x1] =	stream.indirect_vreg.gather [hbm4b:s29+s3], $0x80, v48, vm0, $0xb8;
	[tilespmem:$0x19100] =	vst v63  }
0x7a2: {  	v55 =	vperm.xlane v38, v22;
	v54 =	vadd.s32 v5, v53;
	s30 =	sor.u32 $0x6C00, s28  }
0x7a3: {  	[tilespmem:s30], [sflag:$0x1] =	stream.indirect_vreg.gather [hbm4b:s29+s3], $0x80, v50, vm0, $0xb8;
	[tilespmem:$0x19100] =	vst v63  }
0x7a4: {  	v57 =	vperm.xlane v38, v24;
	v56 =	vadd.s32 v5, v55;
	s30 =	sor.u32 $0x6C80, s28  }
0x7a5: {  	[tilespmem:s30], [sflag:$0x1] =	stream.indirect_vreg.gather [hbm4b:s29+s3], $0x80, v52, vm0, $0xb8;
	[tilespmem:$0x19100] =	vst v63  }
0x7a6: {  	v59 =	vperm.xlane v38, v25;
	v58 =	vadd.s32 v5, v57;
	s30 =	sor.u32 $0x6D00, s28  }
0x7a7: {  	[tilespmem:s30], [sflag:$0x1] =	stream.indirect_vreg.gather [hbm4b:s29+s3], $0x80, v54, vm0, $0xb8;
	[tilespmem:$0x19100] =	vst v63  }
0x7a8: {  	v60 =	vadd.s32 v5, v59;
	v61 =	vperm.xlane v38, v26;
	s30 =	sor.u32 $0x6D80, s28  }
0x7a9: {  	[tilespmem:s30], [sflag:$0x1] =	stream.indirect_vreg.gather [hbm4b:s29+s3], $0x80, v56, vm0, $0xb8;
	[tilespmem:$0x19100] =	vst v63  }
0x7aa: {  	v62 =	vadd.s32 v5, v61;
	v63 =	vperm.xlane v38, v27;
	s30 =	sor.u32 $0x6E00, s28  }
0x7ab: {  	[tilespmem:s30], [sflag:$0x1] =	stream.indirect_vreg.gather [hbm4b:s29+s3], $0x80, v58, vm0, $0xb8;
	[tilespmem:$0x19100] =	vst v63  }
0x7ac: {  	v45 =	vadd.s32 v5, v63;
	v46 =	vperm.xlane v38, v28;
	s30 =	sor.u32 $0x6E80, s28  }
0x7ad: {  	[tilespmem:s30], [sflag:$0x1] =	stream.indirect_vreg.gather [hbm4b:s29+s3], $0x80, v60, vm0, $0xb8;
	[tilespmem:$0x19100] =	vst v63  }
0x7ae: {  	v38 =	vperm.xlane v38, v29;
	v47 =	vadd.s32 v5, v46;
	s30 =	sor.u32 $0x6F00, s28  }
0x7af: {  	[tilespmem:s30], [sflag:$0x1] =	stream.indirect_vreg.gather [hbm4b:s29+s3], $0x80, v62, vm0, $0xb8;
	[tilespmem:$0x19100] =	vst v63  }
0x7b0: {  	v38 =	vadd.s32 v5, v38;
	s30 =	sor.u32 $0x6F80, s28  }
0x7b1: {  	[tilespmem:s30], [sflag:$0x1] =	stream.indirect_vreg.gather [hbm4b:s29+s3], $0x80, v45, vm0, $0xb8;
	[tilespmem:$0x19100] =	vst v63  }
0x7b2: {  	s30 =	sor.u32 $0x7000, s28  }
0x7b3: {  	[tilespmem:s30], [sflag:$0x1] =	stream.indirect_vreg.gather [hbm4b:s29+s3], $0x80, v47, vm0, $0xb8;
	[tilespmem:$0x19100] =	vst v63  }
0x7b4: {  	s30 =	sor.u32 $0x7080, s28  }
0x7b5: {  	[tilespmem:s30], [sflag:$0x1] =	stream.indirect_vreg.gather [hbm4b:s29+s3], $0x80, v38, vm0, $0xb8;
	[tilespmem:$0x19100] =	vst v63  }
0x7b6: {  	v38 =	vld [tilespmem:$0xA0];
	_ =	sdelay $0x4  }
0x7b7: {  	v48 =	vshrl.u32 v38, $0x3  }
0x7b8: {  	v39 =	vmul.u32 $0x1870, v48  }
0x7b9: {  	v38 =	vand.u32 $0x7, v38  }
0x7ba: {  	v38 =	vor.u32 v38, v39  }
0x7bb: {  	v39 =	vperm.xlane v38, v2;
	_ =	sdelay $0x1  }
0x7bc: {  	v49 =	vperm.xlane v38, v6;
	v39 =	vadd.s32 v5, v39;
	_ =	sdelay $0x1  }
0x7bd: {  	v50 =	vperm.xlane v38, v7;
	v40 =	vadd.s32 v5, v49;
	_ =	sdelay $0x1  }
0x7be: {  	s30 =	sor.u32 $0x7100, s28;
	v51 =	vperm.xlane v38, v8;
	v41 =	vadd.s32 v5, v50  }
0x7bf: {  	[tilespmem:s30], [sflag:$0x1] =	stream.indirect_vreg.gather [hbm4b:s29+s3], $0x80, v39, vm0, $0xb8;
	[tilespmem:$0x19100] =	vst v63  }
0x7c0: {  	v53 =	vperm.xlane v38, v12;
	v52 =	vadd.s32 v5, v51;
	s30 =	sor.u32 $0x7180, s28  }
0x7c1: {  	[tilespmem:s30], [sflag:$0x1] =	stream.indirect_vreg.gather [hbm4b:s29+s3], $0x80, v40, vm0, $0xb8;
	[tilespmem:$0x19100] =	vst v63  }
0x7c2: {  	v55 =	vperm.xlane v38, v14;
	v54 =	vadd.s32 v5, v53;
	s30 =	sor.u32 $0x7200, s28  }
0x7c3: {  	[tilespmem:s30], [sflag:$0x1] =	stream.indirect_vreg.gather [hbm4b:s29+s3], $0x80, v41, vm0, $0xb8;
	[tilespmem:$0x19100] =	vst v63  }
0x7c4: {  	v57 =	vperm.xlane v38, v15;
	v56 =	vadd.s32 v5, v55;
	s30 =	sor.u32 $0x7280, s28  }
0x7c5: {  	[tilespmem:s30], [sflag:$0x1] =	stream.indirect_vreg.gather [hbm4b:s29+s3], $0x80, v52, vm0, $0xb8;
	[tilespmem:$0x19100] =	vst v63  }
0x7c6: {  	v59 =	vperm.xlane v38, v16;
	v58 =	vadd.s32 v5, v57;
	s30 =	sor.u32 $0x7300, s28  }
0x7c7: {  	[tilespmem:s30], [sflag:$0x1] =	stream.indirect_vreg.gather [hbm4b:s29+s3], $0x80, v54, vm0, $0xb8;
	[tilespmem:$0x19100] =	vst v63  }
0x7c8: {  	v61 =	vperm.xlane v38, v17;
	v60 =	vadd.s32 v5, v59;
	s30 =	sor.u32 $0x7380, s28  }
0x7c9: {  	[tilespmem:s30], [sflag:$0x1] =	stream.indirect_vreg.gather [hbm4b:s29+s3], $0x80, v56, vm0, $0xb8;
	[tilespmem:$0x19100] =	vst v63  }
0x7ca: {  	v63 =	vperm.xlane v38, v22;
	v62 =	vadd.s32 v5, v61;
	s30 =	sor.u32 $0x7400, s28  }
0x7cb: {  	[tilespmem:s30], [sflag:$0x1] =	stream.indirect_vreg.gather [hbm4b:s29+s3], $0x80, v58, vm0, $0xb8;
	[tilespmem:$0x19100] =	vst v63  }
0x7cc: {  	v46 =	vperm.xlane v38, v24;
	v45 =	vadd.s32 v5, v63;
	s30 =	sor.u32 $0x7480, s28  }
0x7cd: {  	[tilespmem:s30], [sflag:$0x1] =	stream.indirect_vreg.gather [hbm4b:s29+s3], $0x80, v60, vm0, $0xb8;
	[tilespmem:$0x19100] =	vst v63  }
0x7ce: {  	v48 =	vperm.xlane v38, v25;
	v47 =	vadd.s32 v5, v46;
	s30 =	sor.u32 $0x7500, s28  }
0x7cf: {  	[tilespmem:s30], [sflag:$0x1] =	stream.indirect_vreg.gather [hbm4b:s29+s3], $0x80, v62, vm0, $0xb8;
	[tilespmem:$0x19100] =	vst v63  }
0x7d0: {  	v49 =	vadd.s32 v5, v48;
	v50 =	vperm.xlane v38, v26;
	s30 =	sor.u32 $0x7580, s28  }
0x7d1: {  	[tilespmem:s30], [sflag:$0x1] =	stream.indirect_vreg.gather [hbm4b:s29+s3], $0x80, v45, vm0, $0xb8;
	[tilespmem:$0x19100] =	vst v63  }
0x7d2: {  	v51 =	vadd.s32 v5, v50;
	v52 =	vperm.xlane v38, v27;
	s30 =	sor.u32 $0x7600, s28  }
0x7d3: {  	[tilespmem:s30], [sflag:$0x1] =	stream.indirect_vreg.gather [hbm4b:s29+s3], $0x80, v47, vm0, $0xb8;
	[tilespmem:$0x19100] =	vst v63  }
0x7d4: {  	v53 =	vadd.s32 v5, v52;
	v54 =	vperm.xlane v38, v28;
	s30 =	sor.u32 $0x7680, s28  }
0x7d5: {  	[tilespmem:s30], [sflag:$0x1] =	stream.indirect_vreg.gather [hbm4b:s29+s3], $0x80, v49, vm0, $0xb8;
	[tilespmem:$0x19100] =	vst v63  }
0x7d6: {  	v38 =	vperm.xlane v38, v29;
	v55 =	vadd.s32 v5, v54;
	s30 =	sor.u32 $0x7700, s28  }
0x7d7: {  	[tilespmem:s30], [sflag:$0x1] =	stream.indirect_vreg.gather [hbm4b:s29+s3], $0x80, v51, vm0, $0xb8;
	[tilespmem:$0x19100] =	vst v63  }
0x7d8: {  	v38 =	vadd.s32 v5, v38;
	s30 =	sor.u32 $0x7780, s28  }
0x7d9: {  	[tilespmem:s30], [sflag:$0x1] =	stream.indirect_vreg.gather [hbm4b:s29+s3], $0x80, v53, vm0, $0xb8;
	[tilespmem:$0x19100] =	vst v63  }
0x7da: {  	s30 =	sor.u32 $0x7800, s28  }
0x7db: {  	[tilespmem:s30], [sflag:$0x1] =	stream.indirect_vreg.gather [hbm4b:s29+s3], $0x80, v55, vm0, $0xb8;
	[tilespmem:$0x19100] =	vst v63  }
0x7dc: {  	s30 =	sor.u32 $0x7880, s28  }
0x7dd: {  	[tilespmem:s30], [sflag:$0x1] =	stream.indirect_vreg.gather [hbm4b:s29+s3], $0x80, v38, vm0, $0xb8;
	[tilespmem:$0x19100] =	vst v63  }
0x7de: {  	v38 =	vld [tilespmem:$0xB0];
	_ =	sdelay $0x4  }
0x7df: {  	v56 =	vshrl.u32 v38, $0x3  }
0x7e0: {  	v39 =	vmul.u32 $0x1870, v56  }
0x7e1: {  	v38 =	vand.u32 $0x7, v38  }
0x7e2: {  	v38 =	vor.u32 v38, v39  }
0x7e3: {  	v39 =	vperm.xlane v38, v2;
	_ =	sdelay $0x1  }
0x7e4: {  	v57 =	vperm.xlane v38, v6;
	v39 =	vadd.s32 v5, v39;
	_ =	sdelay $0x1  }
0x7e5: {  	v58 =	vperm.xlane v38, v7;
	v40 =	vadd.s32 v5, v57;
	_ =	sdelay $0x1  }
0x7e6: {  	s30 =	sor.u32 $0x7900, s28;
	v59 =	vperm.xlane v38, v8;
	v41 =	vadd.s32 v5, v58  }
0x7e7: {  	[tilespmem:s30], [sflag:$0x1] =	stream.indirect_vreg.gather [hbm4b:s29+s3], $0x80, v39, vm0, $0xb8;
	[tilespmem:$0x19100] =	vst v63  }
0x7e8: {  	v61 =	vperm.xlane v38, v12;
	v60 =	vadd.s32 v5, v59;
	s30 =	sor.u32 $0x7980, s28  }
0x7e9: {  	[tilespmem:s30], [sflag:$0x1] =	stream.indirect_vreg.gather [hbm4b:s29+s3], $0x80, v40, vm0, $0xb8;
	[tilespmem:$0x19100] =	vst v63  }
0x7ea: {  	v63 =	vperm.xlane v38, v14;
	v62 =	vadd.s32 v5, v61;
	s30 =	sor.u32 $0x7A00, s28  }
0x7eb: {  	[tilespmem:s30], [sflag:$0x1] =	stream.indirect_vreg.gather [hbm4b:s29+s3], $0x80, v41, vm0, $0xb8;
	[tilespmem:$0x19100] =	vst v63  }
0x7ec: {  	v46 =	vperm.xlane v38, v15;
	v45 =	vadd.s32 v5, v63;
	s30 =	sor.u32 $0x7A80, s28  }
0x7ed: {  	[tilespmem:s30], [sflag:$0x1] =	stream.indirect_vreg.gather [hbm4b:s29+s3], $0x80, v60, vm0, $0xb8;
	[tilespmem:$0x19100] =	vst v63  }
0x7ee: {  	v48 =	vperm.xlane v38, v16;
	v47 =	vadd.s32 v5, v46;
	s30 =	sor.u32 $0x7B00, s28  }
0x7ef: {  	[tilespmem:s30], [sflag:$0x1] =	stream.indirect_vreg.gather [hbm4b:s29+s3], $0x80, v62, vm0, $0xb8;
	[tilespmem:$0x19100] =	vst v63  }
0x7f0: {  	v50 =	vperm.xlane v38, v17;
	v49 =	vadd.s32 v5, v48;
	s30 =	sor.u32 $0x7B80, s28  }
0x7f1: {  	[tilespmem:s30], [sflag:$0x1] =	stream.indirect_vreg.gather [hbm4b:s29+s3], $0x80, v45, vm0, $0xb8;
	[tilespmem:$0x19100] =	vst v63  }
0x7f2: {  	v52 =	vperm.xlane v38, v22;
	v51 =	vadd.s32 v5, v50;
	s30 =	sor.u32 $0x7C00, s28  }
0x7f3: {  	[tilespmem:s30], [sflag:$0x1] =	stream.indirect_vreg.gather [hbm4b:s29+s3], $0x80, v47, vm0, $0xb8;
	[tilespmem:$0x19100] =	vst v63  }
0x7f4: {  	v54 =	vperm.xlane v38, v24;
	v53 =	vadd.s32 v5, v52;
	s30 =	sor.u32 $0x7C80, s28  }
0x7f5: {  	[tilespmem:s30], [sflag:$0x1] =	stream.indirect_vreg.gather [hbm4b:s29+s3], $0x80, v49, vm0, $0xb8;
	[tilespmem:$0x19100] =	vst v63  }
0x7f6: {  	v56 =	vperm.xlane v38, v25;
	v55 =	vadd.s32 v5, v54;
	s30 =	sor.u32 $0x7D00, s28  }
0x7f7: {  	[tilespmem:s30], [sflag:$0x1] =	stream.indirect_vreg.gather [hbm4b:s29+s3], $0x80, v51, vm0, $0xb8;
	[tilespmem:$0x19100] =	vst v63  }
0x7f8: {  	v57 =	vadd.s32 v5, v56;
	v58 =	vperm.xlane v38, v26;
	s30 =	sor.u32 $0x7D80, s28  }
0x7f9: {  	[tilespmem:s30], [sflag:$0x1] =	stream.indirect_vreg.gather [hbm4b:s29+s3], $0x80, v53, vm0, $0xb8;
	[tilespmem:$0x19100] =	vst v63  }
0x7fa: {  	v59 =	vadd.s32 v5, v58;
	v60 =	vperm.xlane v38, v27;
	s30 =	sor.u32 $0x7E00, s28  }
0x7fb: {  	[tilespmem:s30], [sflag:$0x1] =	stream.indirect_vreg.gather [hbm4b:s29+s3], $0x80, v55, vm0, $0xb8;
	[tilespmem:$0x19100] =	vst v63  }
0x7fc: {  	v61 =	vadd.s32 v5, v60;
	s30 =	sor.u32 $0x7E80, s28  }
0x7fd: {  	v62 =	vperm.xlane v38, v28;
	[tilespmem:s30], [sflag:$0x1] =	stream.indirect_vreg.gather [hbm4b:s29+s3], $0x80, v57, vm0, $0xb8;
	[tilespmem:$0x19100] =	vst v63  }
0x7fe: {  	s30 =	sor.u32 $0x7F00, s28  }
0x7ff: {  	v38 =	vperm.xlane v38, v29;
	v63 =	vadd.s32 v5, v62;
	[tilespmem:s30], [sflag:$0x1] =	stream.indirect_vreg.gather [hbm4b:s29+s3], $0x80, v59, vm0, $0xb8;
	[tilespmem:$0x19100] =	vst v63  }
0x800: {  	s30 =	sor.u32 $0x7F80, s28  }
0x801: {  	v38 =	vadd.s32 v5, v38;
	[tilespmem:s30], [sflag:$0x1] =	stream.indirect_vreg.gather [hbm4b:s29+s3], $0x80, v61, vm0, $0xb8;
	[tilespmem:$0x19100] =	vst v63  }
.Ltmp5:
0x802: {  	_ = 	snop;
	(pc) =	sbr.rel .LBB2_4-.Ltmp5, $4  }
0x803: {  	s30 =	sadd.s32 $0x8000, s28  }
0x804: {  	[tilespmem:s30], [sflag:$0x1] =	stream.indirect_vreg.gather [hbm4b:s29+s3], $0x80, v63, vm0, $0xb8;
	[tilespmem:$0x19100] =	vst v63  }
0x805: {  	s28 =	sadd.s32 $0x8080, s28  }
0x806: {  	[tilespmem:s28], [sflag:$0x1] =	stream.indirect_vreg.gather [hbm4b:s29+s3], $0x80, v38, vm0, $0xb8;
	[tilespmem:$0x19100] =	vst v63  }
.LBB2_6:
0x807: {  	_ =	sfence.sel $0x180000  }
0x808: {  	[bflag:$0x0] =	sbarrier.arrive $0xFFFF  }
0x809: {  	_ =	strace $0x90000047  }
0x80a: {  	s0 =	stileid.u32;
	[bflag:$0x2] =	sbarrier.arrive $0xFFFF  }
0x80b: {  	p0 =	sne.s32 s0, $0x0;
	s0 =	rddreg [dreg:$0x3]  }
0x80c: {  	s0 =	sadd.s32 @!p0 $0x100000, s0  }
0x80d: {  	[sflag:s0] =	ssyncadd.tile.s32 @!p0 $0x1;
	_ =	shalt  }
.Lfunc_end2:
_tile_overlayer_lowered:
.L_overlay_start_2:
0x80e: {  	(tag) =	ssettag $0x2  }
0x80f: {  	s0 =	rddreg [dreg:$0x0];
	s2 =	stileid.u32  }
0x810: {  	s1 =	rddreg [dreg:$0x1];
	p0 =	sne.s32 s2, $0x0  }
0x811: {  	s3 =	rddreg [dreg:$0x2];
	[bflag:$0x3] =	sbarrier.arrive $0xFFFF;
	s2 =	simm.s32 @!p0 $0x1C03  }
0x812: {  	[timem:s3], [sflag:s2] =	dma.local @!p0 [hbm:s0], s1  }
0x813: {  	s0 =	simm.s32 @!p0 $0x3  }
0x814: {  	_ =	swait.ge @!p0 [sflag:s0], s1  }
0x815: {  	s1 =	ssub.s32 @!p0 $0x0, s1;
	[sflag:s0] =	ssyncset.done @!p0 $0x0  }
0x816: {  	[sflag:s0] =	ssyncadd.s32 @!p0 s1  }
0x817: {  	[bflag:$0x3] =	sbarrier.arrive $0xFFFF  }
0x818: {  	_ =	shalt  }

</sc_bundles>
